<compile_context>
chip_gen: v7x
topology: tpu7x:2x2x1
jax: 0.10.2.dev20260603
libtpu: 0.0.44.dev20260713+nightly
codegen_flags: <defaults>
</compile_context>

<pallas_src>
import functools

import numpy as np
import jax
import jax.numpy as jnp
from jax import lax
from jax.experimental import pallas as pl
from jax.experimental.pallas import tpu as pltpu
from jax.experimental.pallas import tpu_sc as plsc

_TD = 16
_NB = 22
_MAXD = 40.0
_N = 2048
_NC, _NS, _L = 2, 16, 16
_NW = _NC * _NS
_ROWS_PER = _N // _NW
_CHUNKS = _N // _L
_BW = np.float32(_MAXD / (_NB - 1))
_INV_BW = float(1.0 / np.float64(_BW))

_MESH = plsc.VectorSubcoreMesh(
    core_axis_name="c", subcore_axis_name="s", num_cores=_NC, num_subcores=_NS
)


@functools.partial(
    pl.kernel,
    out_type=jax.ShapeDtypeStruct((_NB * _TD,), jnp.float32),
    mesh=_MESH,
    compiler_params=pltpu.CompilerParams(needs_layout_passes=False, use_tc_tiling_on_sc=False),
    scratch_types=[
        pltpu.VMEM((_TD * _NB,), jnp.float32),
        pltpu.VMEM((_TD,), jnp.float32),
        pltpu.VMEM((_NB * _TD,), jnp.float32),
    ],
)
def _build_table(w_hbm, b_hbm, t_hbm, w_v, b_v, t_v):
    wid = lax.axis_index("s") * _NC + lax.axis_index("c")

    @pl.when(wid == 0)
    def _():
        pltpu.sync_copy(w_hbm, w_v)
        pltpu.sync_copy(b_hbm, b_v)
        bvec = b_v[...]
        rows = lax.iota(jnp.int32, _L) * _NB
        for t in range(_NB):
            col = plsc.load_gather(w_v, [rows + t])
            t_v[pl.ds(t * _TD, _TD)] = col + bvec
        pltpu.sync_copy(t_v, t_hbm)


@functools.partial(
    pl.kernel,
    out_type=jax.ShapeDtypeStruct((_N, _N, _TD), jnp.float32),
    mesh=_MESH,
    compiler_params=pltpu.CompilerParams(needs_layout_passes=False, use_tc_tiling_on_sc=False),
    scratch_types=[
        pltpu.VMEM((3 * _N,), jnp.float32),
        pltpu.VMEM((_NB * _TD,), jnp.float32),
        pltpu.VMEM((_N, _TD), jnp.float32),
        pltpu.VMEM((_N, _TD), jnp.float32),
        pltpu.SemaphoreType.DMA,
        pltpu.SemaphoreType.DMA,
    ],
)
def _encode(ct_hbm, t_hbm, out_hbm, cxyz_v, tf_v, rows0_v, rows1_v, sem0, sem1):
    wid = lax.axis_index("s") * _NC + lax.axis_index("c")
    pltpu.sync_copy(ct_hbm, cxyz_v)
    pltpu.sync_copy(t_hbm, tf_v)
    base = wid * _ROWS_PER
    iota16 = lax.iota(jnp.int32, _L)

    def do_row(i, rows_v):
        icol = jnp.full((_L,), i, jnp.int32)
        xi = plsc.load_gather(cxyz_v, [icol])
        yi = plsc.load_gather(cxyz_v, [icol + _N])
        zi = plsc.load_gather(cxyz_v, [icol + 2 * _N])

        def chunk_body(c2):
            cbase = c2 * _L
            xj = cxyz_v[pl.ds(cbase, _L)]
            yj = cxyz_v[pl.ds(_N + cbase, _L)]
            zj = cxyz_v[pl.ds(2 * _N + cbase, _L)]
            dx = xj - xi
            dy = yj - yi
            dz = zj - zi
            u = dx * dx + dy * dy + dz * dz + 1e-8
            r = plsc.bitcast(0x5F3759DF - (plsc.bitcast(u, jnp.int32) >> 1),
                             jnp.float32)
            r = r * (1.5 - 0.5 * u * r * r)
            r = r * (1.5 - 0.5 * u * r * r)
            r = r * (1.5 - 0.5 * u * r * r)
            q = u * r * _INV_BW
            ti = q.astype(jnp.int32)
            idx = ti + jnp.where(ti.astype(jnp.float32) < q, 1, 0).astype(jnp.int32)
            gbase = jnp.minimum(idx, _NB - 1) * _TD
            qvec = cbase + iota16
            for k in range(_TD):
                vals = plsc.load_gather(tf_v, [gbase + k])
                plsc.store_scatter(rows_v, [qvec, jnp.full((_L,), k, jnp.int32)], vals)

        plsc.parallel_loop(0, _CHUNKS, 1, unroll=8)(chunk_body)

    def pair_body(r2, carry):
        i0 = base + r2 * 2

        @pl.when(r2 >= 1)
        def _():
            pltpu.make_async_copy(out_hbm.at[0], rows0_v, sem0).wait()
            pltpu.make_async_copy(out_hbm.at[0], rows1_v, sem1).wait()

        do_row(i0, rows0_v)
        pltpu.async_copy(rows0_v, out_hbm.at[i0], sem0)
        do_row(i0 + 1, rows1_v)
        pltpu.async_copy(rows1_v, out_hbm.at[i0 + 1], sem1)
        return carry

    lax.fori_loop(0, _ROWS_PER // 2, pair_body, 0)
    pltpu.make_async_copy(out_hbm.at[0], rows0_v, sem0).wait()
    pltpu.make_async_copy(out_hbm.at[0], rows1_v, sem1).wait()


def kernel(coords, W, b):
    ct = coords.T.reshape(-1)
    table = _build_table(W.reshape(-1), b)
    return _encode(ct, table)

# --- scband reference (transcript-rebuilt; emitter-appended) ---
"""Pipeline reference for scband-template-encoder-36747740184775 (READ-ONLY COPY).

The authoritative reference and input builder live on the scoring server;
editing this copy changes nothing except your own understanding.
"""

import jax, jax.numpy as jnp
import numpy as np

TEMPLATE_DIM = 16
NUM_BINS = 22
MAX_DIST = 40.0
N = 2048


def setup_inputs(seed: int = 0) -> dict:
    key = jax.random.key(seed)
    k1, k2 = jax.random.split(key)
    coords = jax.random.normal(k1, (N, 3), dtype=jnp.float32)
    # projection params: Linear(num_bins -> template_dim), weight init N(0, 0.01), bias zeros
    W = jax.random.normal(k2, (TEMPLATE_DIM, NUM_BINS), dtype=jnp.float32) * 0.01
    b = jnp.zeros((TEMPLATE_DIM,), dtype=jnp.float32)
    return {"coords": coords, "W": W, "b": b}


def reference(coords, W, b):
    # bin edges buffer (same construction as torch module)
    bin_width = MAX_DIST / (NUM_BINS - 1)
    edges = jnp.arange(0.0, MAX_DIST + bin_width, bin_width, dtype=jnp.float32)[:NUM_BINS]
    n = coords.shape[0]
    # diff[i, j] = coords[j] - coords[i]  (matches coords.unsqueeze(0) - coords.unsqueeze(1))
    diff = coords[None, :, :] - coords[:, None, :]
    dist = jnp.sqrt((diff ** 2).sum(-1) + 1e-08)
    # torch.bucketize(dist, edges) with right=False == searchsorted side='left'
    bin_idx = jnp.clip(jnp.searchsorted(edges, dist, side='left'), 0, NUM_BINS - 1)
    # one-hot scatter: bins.scatter_(2, bin_idx.unsqueeze(-1), 1.0)
    bins = jax.nn.one_hot(bin_idx, NUM_BINS, dtype=jnp.float32)
    # Linear projection, scaled by confidence (default 1.0)
    features = bins @ W.T + b
    confidence = 1.0
    return features * confidence

if __name__ == "__main__":
    import jax
    _d = setup_inputs()
    print(jax.jit(kernel)(*tuple(_d.values())))

</pallas_src>

<mosaic_0001>
#map = affine_map<(d0, d1) -> (0)>
module attributes {stable_mosaic.version = 14 : i64} {
  func.func @_build_table(%arg0: i32, %arg1: i32, %arg2: memref<352xf32, #tpu.memory_space<hbm>>, %arg3: memref<16xf32, #tpu.memory_space<hbm>>, %arg4: memref<352xf32, #tpu.memory_space<hbm>>, %arg5: memref<352xf32, #tpu.memory_space<vmem>>, %arg6: memref<16xf32, #tpu.memory_space<vmem>>, %arg7: memref<352xf32, #tpu.memory_space<vmem>>) attributes {dimension_semantics = [#tpu.dimension_semantics<core_parallel>, #tpu.dimension_semantics<subcore_parallel>], iteration_bounds = array<i64: 2, 16>, scalar_prefetch = 0 : i64, scratch_operands = 3 : i64, tpu.core_type = #tpu.core_type<sc_vector_subcore>, window_params = [{transform_indices = #map}, {transform_indices = #map}, {transform_indices = #map}]} {
    %mul3A = arith.constant 2 : i32
    %mul3A_0 = arith.muli %arg1, %mul3A : i32
    %add3A = arith.addi %mul3A_0, %arg0 : i32
    %eq3A = arith.constant 0 : i32
    %eq3A_1 = arith.cmpi eq, %add3A, %eq3A : i32
    %convert_element_type3A = arith.extui %eq3A_1 : i1 to i32
    %cond3A = arith.constant 0 : i32
    %cond3A_2 = arith.cmpi ne, %convert_element_type3A, %cond3A : i32
    scf.if %cond3A_2 {
      "tpu.region"() ({
        %run_scoped3A = tpu.sem_alloc : memref<!tpu.dma_semaphore, #tpu.memory_space<semaphore_mem>>
        tpu.enqueue_dma source(%arg2 : memref<352xf32, #tpu.memory_space<hbm>>) target(%arg5 : memref<352xf32, #tpu.memory_space<vmem>>) target_semaphore(%run_scoped3A : memref<!tpu.dma_semaphore, #tpu.memory_space<semaphore_mem>>)
        tpu.wait_dma2 semaphore(%run_scoped3A : memref<!tpu.dma_semaphore, #tpu.memory_space<semaphore_mem>>) src(%arg2 : memref<352xf32, #tpu.memory_space<hbm>>) dst(%arg5 : memref<352xf32, #tpu.memory_space<vmem>>)
        tpu.yield
      }) : () -> ()
      "tpu.region"() ({
        %run_scoped3A = tpu.sem_alloc : memref<!tpu.dma_semaphore, #tpu.memory_space<semaphore_mem>>
        tpu.enqueue_dma source(%arg3 : memref<16xf32, #tpu.memory_space<hbm>>) target(%arg6 : memref<16xf32, #tpu.memory_space<vmem>>) target_semaphore(%run_scoped3A : memref<!tpu.dma_semaphore, #tpu.memory_space<semaphore_mem>>)
        tpu.wait_dma2 semaphore(%run_scoped3A : memref<!tpu.dma_semaphore, #tpu.memory_space<semaphore_mem>>) src(%arg3 : memref<16xf32, #tpu.memory_space<hbm>>) dst(%arg6 : memref<16xf32, #tpu.memory_space<vmem>>)
        tpu.yield
      }) : () -> ()
      %get3A = arith.constant 0 : index
      %get3A_3 = tpu.vector_load %arg6[%get3A] {strides = array<i32>} : memref<16xf32, #tpu.memory_space<vmem>>, vector<16xf32>,
      %iota3A = tpu.iota {dimensions = array<i32: 0>} : vector<16xi32>
      %mul3A_4 = arith.constant 22 : i32
      %mul3A_5 = vector.broadcast %mul3A_4 : i32 to vector<16xi32>
      %mul3A_6 = arith.muli %iota3A, %mul3A_5 : vector<16xi32>
      %add3A_7 = arith.constant 0 : i32
      %add3A_8 = vector.broadcast %add3A_7 : i32 to vector<16xi32>
      %add3A_9 = arith.addi %mul3A_6, %add3A_8 : vector<16xi32>
      %gather3A = tpu.vector_load_idx %arg5[%add3A_9] : memref<352xf32, #tpu.memory_space<vmem>>[vector<16xi32>], vector<16xf32>,
      %add3A_10 = arith.addf %gather3A, %get3A_3 : vector<16xf32>
      %swap3A = arith.constant 0 : index
      %swap3A_11 = tpu.vector_load %arg7[%swap3A] {strides = array<i32>} : memref<352xf32, #tpu.memory_space<vmem>>, vector<16xf32>,
      tpu.vector_store %arg7[%swap3A], %add3A_10 {strides = array<i32>} : memref<352xf32, #tpu.memory_space<vmem>>, vector<16xf32>,
      %add3A_12 = arith.constant 1 : i32
      %add3A_13 = vector.broadcast %add3A_12 : i32 to vector<16xi32>
      %add3A_14 = arith.addi %mul3A_6, %add3A_13 : vector<16xi32>
      %gather3A_15 = tpu.vector_load_idx %arg5[%add3A_14] : memref<352xf32, #tpu.memory_space<vmem>>[vector<16xi32>], vector<16xf32>,
      %add3A_16 = arith.addf %gather3A_15, %get3A_3 : vector<16xf32>
      %swap3A_17 = arith.constant 16 : index
      %swap3A_18 = tpu.vector_load %arg7[%swap3A_17] {strides = array<i32>} : memref<352xf32, #tpu.memory_space<vmem>>, vector<16xf32>,
      tpu.vector_store %arg7[%swap3A_17], %add3A_16 {strides = array<i32>} : memref<352xf32, #tpu.memory_space<vmem>>, vector<16xf32>,
      %add3A_19 = arith.constant 2 : i32
      %add3A_20 = vector.broadcast %add3A_19 : i32 to vector<16xi32>
      %add3A_21 = arith.addi %mul3A_6, %add3A_20 : vector<16xi32>
      %gather3A_22 = tpu.vector_load_idx %arg5[%add3A_21] : memref<352xf32, #tpu.memory_space<vmem>>[vector<16xi32>], vector<16xf32>,
      %add3A_23 = arith.addf %gather3A_22, %get3A_3 : vector<16xf32>
      %swap3A_24 = arith.constant 32 : index
      %swap3A_25 = tpu.vector_load %arg7[%swap3A_24] {strides = array<i32>} : memref<352xf32, #tpu.memory_space<vmem>>, vector<16xf32>,
      tpu.vector_store %arg7[%swap3A_24], %add3A_23 {strides = array<i32>} : memref<352xf32, #tpu.memory_space<vmem>>, vector<16xf32>,
      %add3A_26 = arith.constant 3 : i32
      %add3A_27 = vector.broadcast %add3A_26 : i32 to vector<16xi32>
      %add3A_28 = arith.addi %mul3A_6, %add3A_27 : vector<16xi32>
      %gather3A_29 = tpu.vector_load_idx %arg5[%add3A_28] : memref<352xf32, #tpu.memory_space<vmem>>[vector<16xi32>], vector<16xf32>,
      %add3A_30 = arith.addf %gather3A_29, %get3A_3 : vector<16xf32>
      %swap3A_31 = arith.constant 48 : index
      %swap3A_32 = tpu.vector_load %arg7[%swap3A_31] {strides = array<i32>} : memref<352xf32, #tpu.memory_space<vmem>>, vector<16xf32>,
      tpu.vector_store %arg7[%swap3A_31], %add3A_30 {strides = array<i32>} : memref<352xf32, #tpu.memory_space<vmem>>, vector<16xf32>,
      %add3A_33 = arith.constant 4 : i32
      %add3A_34 = vector.broadcast %add3A_33 : i32 to vector<16xi32>
      %add3A_35 = arith.addi %mul3A_6, %add3A_34 : vector<16xi32>
      %gather3A_36 = tpu.vector_load_idx %arg5[%add3A_35] : memref<352xf32, #tpu.memory_space<vmem>>[vector<16xi32>], vector<16xf32>,
      %add3A_37 = arith.addf %gather3A_36, %get3A_3 : vector<16xf32>
      %swap3A_38 = arith.constant 64 : index
      %swap3A_39 = tpu.vector_load %arg7[%swap3A_38] {strides = array<i32>} : memref<352xf32, #tpu.memory_space<vmem>>, vector<16xf32>,
      tpu.vector_store %arg7[%swap3A_38], %add3A_37 {strides = array<i32>} : memref<352xf32, #tpu.memory_space<vmem>>, vector<16xf32>,
      %add3A_40 = arith.constant 5 : i32
      %add3A_41 = vector.broadcast %add3A_40 : i32 to vector<16xi32>
      %add3A_42 = arith.addi %mul3A_6, %add3A_41 : vector<16xi32>
      %gather3A_43 = tpu.vector_load_idx %arg5[%add3A_42] : memref<352xf32, #tpu.memory_space<vmem>>[vector<16xi32>], vector<16xf32>,
      %add3A_44 = arith.addf %gather3A_43, %get3A_3 : vector<16xf32>
      %swap3A_45 = arith.constant 80 : index
      %swap3A_46 = tpu.vector_load %arg7[%swap3A_45] {strides = array<i32>} : memref<352xf32, #tpu.memory_space<vmem>>, vector<16xf32>,
      tpu.vector_store %arg7[%swap3A_45], %add3A_44 {strides = array<i32>} : memref<352xf32, #tpu.memory_space<vmem>>, vector<16xf32>,
      %add3A_47 = arith.constant 6 : i32
      %add3A_48 = vector.broadcast %add3A_47 : i32 to vector<16xi32>
      %add3A_49 = arith.addi %mul3A_6, %add3A_48 : vector<16xi32>
      %gather3A_50 = tpu.vector_load_idx %arg5[%add3A_49] : memref<352xf32, #tpu.memory_space<vmem>>[vector<16xi32>], vector<16xf32>,
      %add3A_51 = arith.addf %gather3A_50, %get3A_3 : vector<16xf32>
      %swap3A_52 = arith.constant 96 : index
      %swap3A_53 = tpu.vector_load %arg7[%swap3A_52] {strides = array<i32>} : memref<352xf32, #tpu.memory_space<vmem>>, vector<16xf32>,
      tpu.vector_store %arg7[%swap3A_52], %add3A_51 {strides = array<i32>} : memref<352xf32, #tpu.memory_space<vmem>>, vector<16xf32>,
      %add3A_54 = arith.constant 7 : i32
      %add3A_55 = vector.broadcast %add3A_54 : i32 to vector<16xi32>
      %add3A_56 = arith.addi %mul3A_6, %add3A_55 : vector<16xi32>
      %gather3A_57 = tpu.vector_load_idx %arg5[%add3A_56] : memref<352xf32, #tpu.memory_space<vmem>>[vector<16xi32>], vector<16xf32>,
      %add3A_58 = arith.addf %gather3A_57, %get3A_3 : vector<16xf32>
      %swap3A_59 = arith.constant 112 : index
      %swap3A_60 = tpu.vector_load %arg7[%swap3A_59] {strides = array<i32>} : memref<352xf32, #tpu.memory_space<vmem>>, vector<16xf32>,
      tpu.vector_store %arg7[%swap3A_59], %add3A_58 {strides = array<i32>} : memref<352xf32, #tpu.memory_space<vmem>>, vector<16xf32>,
      %add3A_61 = arith.constant 8 : i32
      %add3A_62 = vector.broadcast %add3A_61 : i32 to vector<16xi32>
      %add3A_63 = arith.addi %mul3A_6, %add3A_62 : vector<16xi32>
      %gather3A_64 = tpu.vector_load_idx %arg5[%add3A_63] : memref<352xf32, #tpu.memory_space<vmem>>[vector<16xi32>], vector<16xf32>,
      %add3A_65 = arith.addf %gather3A_64, %get3A_3 : vector<16xf32>
      %swap3A_66 = arith.constant 128 : index
      %swap3A_67 = tpu.vector_load %arg7[%swap3A_66] {strides = array<i32>} : memref<352xf32, #tpu.memory_space<vmem>>, vector<16xf32>,
      tpu.vector_store %arg7[%swap3A_66], %add3A_65 {strides = array<i32>} : memref<352xf32, #tpu.memory_space<vmem>>, vector<16xf32>,
      %add3A_68 = arith.constant 9 : i32
      %add3A_69 = vector.broadcast %add3A_68 : i32 to vector<16xi32>
      %add3A_70 = arith.addi %mul3A_6, %add3A_69 : vector<16xi32>
      %gather3A_71 = tpu.vector_load_idx %arg5[%add3A_70] : memref<352xf32, #tpu.memory_space<vmem>>[vector<16xi32>], vector<16xf32>,
      %add3A_72 = arith.addf %gather3A_71, %get3A_3 : vector<16xf32>
      %swap3A_73 = arith.constant 144 : index
      %swap3A_74 = tpu.vector_load %arg7[%swap3A_73] {strides = array<i32>} : memref<352xf32, #tpu.memory_space<vmem>>, vector<16xf32>,
      tpu.vector_store %arg7[%swap3A_73], %add3A_72 {strides = array<i32>} : memref<352xf32, #tpu.memory_space<vmem>>, vector<16xf32>,
      %add3A_75 = arith.constant 10 : i32
      %add3A_76 = vector.broadcast %add3A_75 : i32 to vector<16xi32>
      %add3A_77 = arith.addi %mul3A_6, %add3A_76 : vector<16xi32>
      %gather3A_78 = tpu.vector_load_idx %arg5[%add3A_77] : memref<352xf32, #tpu.memory_space<vmem>>[vector<16xi32>], vector<16xf32>,
      %add3A_79 = arith.addf %gather3A_78, %get3A_3 : vector<16xf32>
      %swap3A_80 = arith.constant 160 : index
      %swap3A_81 = tpu.vector_load %arg7[%swap3A_80] {strides = array<i32>} : memref<352xf32, #tpu.memory_space<vmem>>, vector<16xf32>,
      tpu.vector_store %arg7[%swap3A_80], %add3A_79 {strides = array<i32>} : memref<352xf32, #tpu.memory_space<vmem>>, vector<16xf32>,
      %add3A_82 = arith.constant 11 : i32
      %add3A_83 = vector.broadcast %add3A_82 : i32 to vector<16xi32>
      %add3A_84 = arith.addi %mul3A_6, %add3A_83 : vector<16xi32>
      %gather3A_85 = tpu.vector_load_idx %arg5[%add3A_84] : memref<352xf32, #tpu.memory_space<vmem>>[vector<16xi32>], vector<16xf32>,
      %add3A_86 = arith.addf %gather3A_85, %get3A_3 : vector<16xf32>
      %swap3A_87 = arith.constant 176 : index
      %swap3A_88 = tpu.vector_load %arg7[%swap3A_87] {strides = array<i32>} : memref<352xf32, #tpu.memory_space<vmem>>, vector<16xf32>,
      tpu.vector_store %arg7[%swap3A_87], %add3A_86 {strides = array<i32>} : memref<352xf32, #tpu.memory_space<vmem>>, vector<16xf32>,
      %add3A_89 = arith.constant 12 : i32
      %add3A_90 = vector.broadcast %add3A_89 : i32 to vector<16xi32>
      %add3A_91 = arith.addi %mul3A_6, %add3A_90 : vector<16xi32>
      %gather3A_92 = tpu.vector_load_idx %arg5[%add3A_91] : memref<352xf32, #tpu.memory_space<vmem>>[vector<16xi32>], vector<16xf32>,
      %add3A_93 = arith.addf %gather3A_92, %get3A_3 : vector<16xf32>
      %swap3A_94 = arith.constant 192 : index
      %swap3A_95 = tpu.vector_load %arg7[%swap3A_94] {strides = array<i32>} : memref<352xf32, #tpu.memory_space<vmem>>, vector<16xf32>,
      tpu.vector_store %arg7[%swap3A_94], %add3A_93 {strides = array<i32>} : memref<352xf32, #tpu.memory_space<vmem>>, vector<16xf32>,
      %add3A_96 = arith.constant 13 : i32
      %add3A_97 = vector.broadcast %add3A_96 : i32 to vector<16xi32>
      %add3A_98 = arith.addi %mul3A_6, %add3A_97 : vector<16xi32>
      %gather3A_99 = tpu.vector_load_idx %arg5[%add3A_98] : memref<352xf32, #tpu.memory_space<vmem>>[vector<16xi32>], vector<16xf32>,
      %add3A_100 = arith.addf %gather3A_99, %get3A_3 : vector<16xf32>
      %swap3A_101 = arith.constant 208 : index
      %swap3A_102 = tpu.vector_load %arg7[%swap3A_101] {strides = array<i32>} : memref<352xf32, #tpu.memory_space<vmem>>, vector<16xf32>,
      tpu.vector_store %arg7[%swap3A_101], %add3A_100 {strides = array<i32>} : memref<352xf32, #tpu.memory_space<vmem>>, vector<16xf32>,
      %add3A_103 = arith.constant 14 : i32
      %add3A_104 = vector.broadcast %add3A_103 : i32 to vector<16xi32>
      %add3A_105 = arith.addi %mul3A_6, %add3A_104 : vector<16xi32>
      %gather3A_106 = tpu.vector_load_idx %arg5[%add3A_105] : memref<352xf32, #tpu.memory_space<vmem>>[vector<16xi32>], vector<16xf32>,
      %add3A_107 = arith.addf %gather3A_106, %get3A_3 : vector<16xf32>
      %swap3A_108 = arith.constant 224 : index
      %swap3A_109 = tpu.vector_load %arg7[%swap3A_108] {strides = array<i32>} : memref<352xf32, #tpu.memory_space<vmem>>, vector<16xf32>,
      tpu.vector_store %arg7[%swap3A_108], %add3A_107 {strides = array<i32>} : memref<352xf32, #tpu.memory_space<vmem>>, vector<16xf32>,
      %add3A_110 = arith.constant 15 : i32
      %add3A_111 = vector.broadcast %add3A_110 : i32 to vector<16xi32>
      %add3A_112 = arith.addi %mul3A_6, %add3A_111 : vector<16xi32>
      %gather3A_113 = tpu.vector_load_idx %arg5[%add3A_112] : memref<352xf32, #tpu.memory_space<vmem>>[vector<16xi32>], vector<16xf32>,
      %add3A_114 = arith.addf %gather3A_113, %get3A_3 : vector<16xf32>
      %swap3A_115 = arith.constant 240 : index
      %swap3A_116 = tpu.vector_load %arg7[%swap3A_115] {strides = array<i32>} : memref<352xf32, #tpu.memory_space<vmem>>, vector<16xf32>,
      tpu.vector_store %arg7[%swap3A_115], %add3A_114 {strides = array<i32>} : memref<352xf32, #tpu.memory_space<vmem>>, vector<16xf32>,
      %add3A_117 = arith.constant 16 : i32
      %add3A_118 = vector.broadcast %add3A_117 : i32 to vector<16xi32>
      %add3A_119 = arith.addi %mul3A_6, %add3A_118 : vector<16xi32>
      %gather3A_120 = tpu.vector_load_idx %arg5[%add3A_119] : memref<352xf32, #tpu.memory_space<vmem>>[vector<16xi32>], vector<16xf32>,
      %add3A_121 = arith.addf %gather3A_120, %get3A_3 : vector<16xf32>
      %swap3A_122 = arith.constant 256 : index
      %swap3A_123 = tpu.vector_load %arg7[%swap3A_122] {strides = array<i32>} : memref<352xf32, #tpu.memory_space<vmem>>, vector<16xf32>,
      tpu.vector_store %arg7[%swap3A_122], %add3A_121 {strides = array<i32>} : memref<352xf32, #tpu.memory_space<vmem>>, vector<16xf32>,
      %add3A_124 = arith.constant 17 : i32
      %add3A_125 = vector.broadcast %add3A_124 : i32 to vector<16xi32>
      %add3A_126 = arith.addi %mul3A_6, %add3A_125 : vector<16xi32>
      %gather3A_127 = tpu.vector_load_idx %arg5[%add3A_126] : memref<352xf32, #tpu.memory_space<vmem>>[vector<16xi32>], vector<16xf32>,
      %add3A_128 = arith.addf %gather3A_127, %get3A_3 : vector<16xf32>
      %swap3A_129 = arith.constant 272 : index
      %swap3A_130 = tpu.vector_load %arg7[%swap3A_129] {strides = array<i32>} : memref<352xf32, #tpu.memory_space<vmem>>, vector<16xf32>,
      tpu.vector_store %arg7[%swap3A_129], %add3A_128 {strides = array<i32>} : memref<352xf32, #tpu.memory_space<vmem>>, vector<16xf32>,
      %add3A_131 = arith.constant 18 : i32
      %add3A_132 = vector.broadcast %add3A_131 : i32 to vector<16xi32>
      %add3A_133 = arith.addi %mul3A_6, %add3A_132 : vector<16xi32>
      %gather3A_134 = tpu.vector_load_idx %arg5[%add3A_133] : memref<352xf32, #tpu.memory_space<vmem>>[vector<16xi32>], vector<16xf32>,
      %add3A_135 = arith.addf %gather3A_134, %get3A_3 : vector<16xf32>
      %swap3A_136 = arith.constant 288 : index
      %swap3A_137 = tpu.vector_load %arg7[%swap3A_136] {strides = array<i32>} : memref<352xf32, #tpu.memory_space<vmem>>, vector<16xf32>,
      tpu.vector_store %arg7[%swap3A_136], %add3A_135 {strides = array<i32>} : memref<352xf32, #tpu.memory_space<vmem>>, vector<16xf32>,
      %add3A_138 = arith.constant 19 : i32
      %add3A_139 = vector.broadcast %add3A_138 : i32 to vector<16xi32>
      %add3A_140 = arith.addi %mul3A_6, %add3A_139 : vector<16xi32>
      %gather3A_141 = tpu.vector_load_idx %arg5[%add3A_140] : memref<352xf32, #tpu.memory_space<vmem>>[vector<16xi32>], vector<16xf32>,
      %add3A_142 = arith.addf %gather3A_141, %get3A_3 : vector<16xf32>
      %swap3A_143 = arith.constant 304 : index
      %swap3A_144 = tpu.vector_load %arg7[%swap3A_143] {strides = array<i32>} : memref<352xf32, #tpu.memory_space<vmem>>, vector<16xf32>,
      tpu.vector_store %arg7[%swap3A_143], %add3A_142 {strides = array<i32>} : memref<352xf32, #tpu.memory_space<vmem>>, vector<16xf32>,
      %add3A_145 = arith.constant 20 : i32
      %add3A_146 = vector.broadcast %add3A_145 : i32 to vector<16xi32>
      %add3A_147 = arith.addi %mul3A_6, %add3A_146 : vector<16xi32>
      %gather3A_148 = tpu.vector_load_idx %arg5[%add3A_147] : memref<352xf32, #tpu.memory_space<vmem>>[vector<16xi32>], vector<16xf32>,
      %add3A_149 = arith.addf %gather3A_148, %get3A_3 : vector<16xf32>
      %swap3A_150 = arith.constant 320 : index
      %swap3A_151 = tpu.vector_load %arg7[%swap3A_150] {strides = array<i32>} : memref<352xf32, #tpu.memory_space<vmem>>, vector<16xf32>,
      tpu.vector_store %arg7[%swap3A_150], %add3A_149 {strides = array<i32>} : memref<352xf32, #tpu.memory_space<vmem>>, vector<16xf32>,
      %add3A_152 = arith.constant 21 : i32
      %add3A_153 = vector.broadcast %add3A_152 : i32 to vector<16xi32>
      %add3A_154 = arith.addi %mul3A_6, %add3A_153 : vector<16xi32>
      %gather3A_155 = tpu.vector_load_idx %arg5[%add3A_154] : memref<352xf32, #tpu.memory_space<vmem>>[vector<16xi32>], vector<16xf32>,
      %add3A_156 = arith.addf %gather3A_155, %get3A_3 : vector<16xf32>
      %swap3A_157 = arith.constant 336 : index
      %swap3A_158 = tpu.vector_load %arg7[%swap3A_157] {strides = array<i32>} : memref<352xf32, #tpu.memory_space<vmem>>, vector<16xf32>,
      tpu.vector_store %arg7[%swap3A_157], %add3A_156 {strides = array<i32>} : memref<352xf32, #tpu.memory_space<vmem>>, vector<16xf32>,
      "tpu.region"() ({
        %run_scoped3A = tpu.sem_alloc : memref<!tpu.dma_semaphore, #tpu.memory_space<semaphore_mem>>
        tpu.enqueue_dma source(%arg7 : memref<352xf32, #tpu.memory_space<vmem>>) target(%arg4 : memref<352xf32, #tpu.memory_space<hbm>>) target_semaphore(%run_scoped3A : memref<!tpu.dma_semaphore, #tpu.memory_space<semaphore_mem>>)
        tpu.wait_dma2 semaphore(%run_scoped3A : memref<!tpu.dma_semaphore, #tpu.memory_space<semaphore_mem>>) src(%arg7 : memref<352xf32, #tpu.memory_space<vmem>>) dst(%arg4 : memref<352xf32, #tpu.memory_space<hbm>>)
        tpu.yield
      }) : () -> ()
    } else {
    }
    return
  }
}

#map = affine_map<(d0, d1) -> (0)>
#map1 = affine_map<(d0, d1) -> (0, 0, 0)>
module attributes {stable_mosaic.version = 14 : i64} {
  func.func @_encode(%arg0: i32, %arg1: i32, %arg2: memref<6144xf32, #tpu.memory_space<hbm>>, %arg3: memref<352xf32, #tpu.memory_space<hbm>>, %arg4: memref<2048x2048x16xf32, #tpu.memory_space<hbm>>, %arg5: memref<6144xf32, #tpu.memory_space<vmem>>, %arg6: memref<352xf32, #tpu.memory_space<vmem>>, %arg7: memref<2048x16xf32, #tpu.memory_space<vmem>>, %arg8: memref<2048x16xf32, #tpu.memory_space<vmem>>, %arg9: memref<!tpu.dma_semaphore, #tpu.memory_space<semaphore_mem>>, %arg10: memref<!tpu.dma_semaphore, #tpu.memory_space<semaphore_mem>>) attributes {dimension_semantics = [#tpu.dimension_semantics<core_parallel>, #tpu.dimension_semantics<subcore_parallel>], iteration_bounds = array<i64: 2, 16>, scalar_prefetch = 0 : i64, scratch_operands = 6 : i64, tpu.core_type = #tpu.core_type<sc_vector_subcore>, window_params = [{transform_indices = #map}, {transform_indices = #map}, {transform_indices = #map1}]} {
    %mul3A = arith.constant 2 : i32
    %mul3A_0 = arith.muli %arg1, %mul3A : i32
    %add3A = arith.addi %mul3A_0, %arg0 : i32
    "tpu.region"() ({
      %run_scoped3A = tpu.sem_alloc : memref<!tpu.dma_semaphore, #tpu.memory_space<semaphore_mem>>
      tpu.enqueue_dma source(%arg2 : memref<6144xf32, #tpu.memory_space<hbm>>) target(%arg5 : memref<6144xf32, #tpu.memory_space<vmem>>) target_semaphore(%run_scoped3A : memref<!tpu.dma_semaphore, #tpu.memory_space<semaphore_mem>>)
      tpu.wait_dma2 semaphore(%run_scoped3A : memref<!tpu.dma_semaphore, #tpu.memory_space<semaphore_mem>>) src(%arg2 : memref<6144xf32, #tpu.memory_space<hbm>>) dst(%arg5 : memref<6144xf32, #tpu.memory_space<vmem>>)
      tpu.yield
    }) : () -> ()
    "tpu.region"() ({
      %run_scoped3A = tpu.sem_alloc : memref<!tpu.dma_semaphore, #tpu.memory_space<semaphore_mem>>
      tpu.enqueue_dma source(%arg3 : memref<352xf32, #tpu.memory_space<hbm>>) target(%arg6 : memref<352xf32, #tpu.memory_space<vmem>>) target_semaphore(%run_scoped3A : memref<!tpu.dma_semaphore, #tpu.memory_space<semaphore_mem>>)
      tpu.wait_dma2 semaphore(%run_scoped3A : memref<!tpu.dma_semaphore, #tpu.memory_space<semaphore_mem>>) src(%arg3 : memref<352xf32, #tpu.memory_space<hbm>>) dst(%arg6 : memref<352xf32, #tpu.memory_space<vmem>>)
      tpu.yield
    }) : () -> ()
    %mul3A_1 = arith.constant 64 : i32
    %mul3A_2 = arith.muli %add3A, %mul3A_1 : i32
    %iota3A = tpu.iota {dimensions = array<i32: 0>} : vector<16xi32>
    %scan3A = arith.constant 0 : i32
    %scan3A_3 = arith.constant 0 : i32
    %scan3A_4 = arith.constant 32 : i32
    %scan3A_5 = arith.addi %scan3A_3, %scan3A_4 : i32
    %scan3A_6 = arith.constant 1 : i32
    scf.for %scan3A_25 = %scan3A_3 to %scan3A_5 step %scan3A_6  : i32 {
      %mul3A_26 = arith.constant 2 : i32
      %mul3A_27 = arith.muli %scan3A_25, %mul3A_26 : i32
      %add3A_28 = arith.addi %mul3A_2, %mul3A_27 : i32
      %ge3A = arith.constant 1 : i32
      %ge3A_29 = arith.cmpi sge, %scan3A_25, %ge3A : i32
      %convert_element_type3A = arith.extui %ge3A_29 : i1 to i32
      %cond3A = arith.constant 0 : i32
      %cond3A_30 = arith.cmpi ne, %convert_element_type3A, %cond3A : i32
      scf.if %cond3A_30 {
        %dma_wait3A_73 = arith.constant 0 : i32
        %dma_wait3A_74 = arith.constant 0 : i32
        %dma_wait3A_75 = arith.constant 0 : i32
        %dma_wait3A_76 = tpu.memref_slice %arg4[%dma_wait3A_73, %dma_wait3A_74, %dma_wait3A_75] : memref<2048x2048x16xf32, #tpu.memory_space<hbm>> -> memref<1x2048x16xf32, #tpu.memory_space<hbm>>
        %dma_wait3A_77 = tpu.memref_squeeze %dma_wait3A_76 : memref<1x2048x16xf32, #tpu.memory_space<hbm>> -> memref<2048x16xf32, #tpu.memory_space<hbm>>
        %dma_wait3A_78 = arith.constant 0 : i32
        %dma_wait3A_79 = arith.constant 0 : i32
        %dma_wait3A_80 = tpu.memref_slice %arg4[%dma_wait3A_73, %dma_wait3A_78, %dma_wait3A_79] : memref<2048x2048x16xf32, #tpu.memory_space<hbm>> -> memref<1x2048x16xf32, #tpu.memory_space<hbm>>
        %dma_wait3A_81 = tpu.memref_squeeze %dma_wait3A_80 : memref<1x2048x16xf32, #tpu.memory_space<hbm>> -> memref<2048x16xf32, #tpu.memory_space<hbm>>
        tpu.wait_dma2 semaphore(%arg9 : memref<!tpu.dma_semaphore, #tpu.memory_space<semaphore_mem>>) src(%dma_wait3A_81 : memref<2048x16xf32, #tpu.memory_space<hbm>>) dst(%arg7 : memref<2048x16xf32, #tpu.memory_space<vmem>>)
        %dma_wait3A_82 = arith.constant 0 : i32
        %dma_wait3A_83 = arith.constant 0 : i32
        %dma_wait3A_84 = arith.constant 0 : i32
        %dma_wait3A_85 = tpu.memref_slice %arg4[%dma_wait3A_82, %dma_wait3A_83, %dma_wait3A_84] : memref<2048x2048x16xf32, #tpu.memory_space<hbm>> -> memref<1x2048x16xf32, #tpu.memory_space<hbm>>
        %dma_wait3A_86 = tpu.memref_squeeze %dma_wait3A_85 : memref<1x2048x16xf32, #tpu.memory_space<hbm>> -> memref<2048x16xf32, #tpu.memory_space<hbm>>
        %dma_wait3A_87 = arith.constant 0 : i32
        %dma_wait3A_88 = arith.constant 0 : i32
        %dma_wait3A_89 = tpu.memref_slice %arg4[%dma_wait3A_82, %dma_wait3A_87, %dma_wait3A_88] : memref<2048x2048x16xf32, #tpu.memory_space<hbm>> -> memref<1x2048x16xf32, #tpu.memory_space<hbm>>
        %dma_wait3A_90 = tpu.memref_squeeze %dma_wait3A_89 : memref<1x2048x16xf32, #tpu.memory_space<hbm>> -> memref<2048x16xf32, #tpu.memory_space<hbm>>
        tpu.wait_dma2 semaphore(%arg10 : memref<!tpu.dma_semaphore, #tpu.memory_space<semaphore_mem>>) src(%dma_wait3A_90 : memref<2048x16xf32, #tpu.memory_space<hbm>>) dst(%arg8 : memref<2048x16xf32, #tpu.memory_space<vmem>>)
      } else {
      }
      %broadcast_in_dim3A = vector.broadcast %add3A_28 : i32 to vector<16xi32>
      %gather3A = tpu.vector_load_idx %arg5[%broadcast_in_dim3A] : memref<6144xf32, #tpu.memory_space<vmem>>[vector<16xi32>], vector<16xf32>,
      %add3A_31 = arith.constant 2048 : i32
      %add3A_32 = vector.broadcast %add3A_31 : i32 to vector<16xi32>
      %add3A_33 = arith.addi %broadcast_in_dim3A, %add3A_32 : vector<16xi32>
      %gather3A_34 = tpu.vector_load_idx %arg5[%add3A_33] : memref<6144xf32, #tpu.memory_space<vmem>>[vector<16xi32>], vector<16xf32>,
      %add3A_35 = arith.constant 4096 : i32
      %add3A_36 = vector.broadcast %add3A_35 : i32 to vector<16xi32>
      %add3A_37 = arith.addi %broadcast_in_dim3A, %add3A_36 : vector<16xi32>
      %gather3A_38 = tpu.vector_load_idx %arg5[%add3A_37] : memref<6144xf32, #tpu.memory_space<vmem>>[vector<16xi32>], vector<16xf32>,
      %parallel_loop3A = arith.constant 0 : i32
      %parallel_loop3A_39 = arith.constant 128 : i32
      %parallel_loop3A_40 = arith.constant 1 : i32
      scf.for %parallel_loop3A_73 = %parallel_loop3A to %parallel_loop3A_39 step %parallel_loop3A_40  : i32 {
        %parallel_loop3A_74 = arith.constant 16 : i32
        %parallel_loop3A_75 = arith.muli %parallel_loop3A_73, %parallel_loop3A_74 : i32
        %parallel_loop3A_76 = arith.index_cast %parallel_loop3A_75 : i32 to index
        %parallel_loop3A_77 = tpu.vector_load %arg5[%parallel_loop3A_76] {strides = array<i32>} : memref<6144xf32, #tpu.memory_space<vmem>>, vector<16xf32>,
        %parallel_loop3A_78 = arith.constant 2048 : i32
        %parallel_loop3A_79 = arith.addi %parallel_loop3A_78, %parallel_loop3A_75 : i32
        %parallel_loop3A_80 = arith.index_cast %parallel_loop3A_79 : i32 to index
        %parallel_loop3A_81 = tpu.vector_load %arg5[%parallel_loop3A_80] {strides = array<i32>} : memref<6144xf32, #tpu.memory_space<vmem>>, vector<16xf32>,
        %parallel_loop3A_82 = arith.constant 4096 : i32
        %parallel_loop3A_83 = arith.addi %parallel_loop3A_82, %parallel_loop3A_75 : i32
        %parallel_loop3A_84 = arith.index_cast %parallel_loop3A_83 : i32 to index
        %parallel_loop3A_85 = tpu.vector_load %arg5[%parallel_loop3A_84] {strides = array<i32>} : memref<6144xf32, #tpu.memory_space<vmem>>, vector<16xf32>,
        %parallel_loop3A_86 = arith.subf %parallel_loop3A_77, %gather3A : vector<16xf32>
        %parallel_loop3A_87 = arith.subf %parallel_loop3A_81, %gather3A_34 : vector<16xf32>
        %parallel_loop3A_88 = arith.subf %parallel_loop3A_85, %gather3A_38 : vector<16xf32>
        %parallel_loop3A_89 = arith.mulf %parallel_loop3A_86, %parallel_loop3A_86 : vector<16xf32>
        %parallel_loop3A_90 = arith.mulf %parallel_loop3A_87, %parallel_loop3A_87 : vector<16xf32>
        %parallel_loop3A_91 = arith.addf %parallel_loop3A_89, %parallel_loop3A_90 : vector<16xf32>
        %parallel_loop3A_92 = arith.mulf %parallel_loop3A_88, %parallel_loop3A_88 : vector<16xf32>
        %parallel_loop3A_93 = arith.addf %parallel_loop3A_91, %parallel_loop3A_92 : vector<16xf32>
        %parallel_loop3A_94 = arith.constant 9.99999993E-9 : f32
        %parallel_loop3A_95 = vector.broadcast %parallel_loop3A_94 : f32 to vector<16xf32>
        %parallel_loop3A_96 = arith.addf %parallel_loop3A_93, %parallel_loop3A_95 : vector<16xf32>
        %parallel_loop3A_97 = vector.bitcast %parallel_loop3A_96 : vector<16xf32> to vector<16xi32>
        %parallel_loop3A_98 = arith.constant 1 : i32
        %parallel_loop3A_99 = vector.broadcast %parallel_loop3A_98 : i32 to vector<16xi32>
        %parallel_loop3A_100 = arith.shrsi %parallel_loop3A_97, %parallel_loop3A_99 : vector<16xi32>
        %parallel_loop3A_101 = arith.constant 1597463007 : i32
        %parallel_loop3A_102 = vector.broadcast %parallel_loop3A_101 : i32 to vector<16xi32>
        %parallel_loop3A_103 = arith.subi %parallel_loop3A_102, %parallel_loop3A_100 : vector<16xi32>
        %parallel_loop3A_104 = vector.bitcast %parallel_loop3A_103 : vector<16xi32> to vector<16xf32>
        %parallel_loop3A_105 = arith.constant 5.000000e-01 : f32
        %parallel_loop3A_106 = vector.broadcast %parallel_loop3A_105 : f32 to vector<16xf32>
        %parallel_loop3A_107 = arith.mulf %parallel_loop3A_106, %parallel_loop3A_96 : vector<16xf32>
        %parallel_loop3A_108 = arith.mulf %parallel_loop3A_107, %parallel_loop3A_104 : vector<16xf32>
        %parallel_loop3A_109 = arith.mulf %parallel_loop3A_108, %parallel_loop3A_104 : vector<16xf32>
        %parallel_loop3A_110 = arith.constant 1.500000e+00 : f32
        %parallel_loop3A_111 = vector.broadcast %parallel_loop3A_110 : f32 to vector<16xf32>
        %parallel_loop3A_112 = arith.subf %parallel_loop3A_111, %parallel_loop3A_109 : vector<16xf32>
        %parallel_loop3A_113 = arith.mulf %parallel_loop3A_104, %parallel_loop3A_112 : vector<16xf32>
        %parallel_loop3A_114 = arith.constant 5.000000e-01 : f32
        %parallel_loop3A_115 = vector.broadcast %parallel_loop3A_114 : f32 to vector<16xf32>
        %parallel_loop3A_116 = arith.mulf %parallel_loop3A_115, %parallel_loop3A_96 : vector<16xf32>
        %parallel_loop3A_117 = arith.mulf %parallel_loop3A_116, %parallel_loop3A_113 : vector<16xf32>
        %parallel_loop3A_118 = arith.mulf %parallel_loop3A_117, %parallel_loop3A_113 : vector<16xf32>
        %parallel_loop3A_119 = arith.constant 1.500000e+00 : f32
        %parallel_loop3A_120 = vector.broadcast %parallel_loop3A_119 : f32 to vector<16xf32>
        %parallel_loop3A_121 = arith.subf %parallel_loop3A_120, %parallel_loop3A_118 : vector<16xf32>
        %parallel_loop3A_122 = arith.mulf %parallel_loop3A_113, %parallel_loop3A_121 : vector<16xf32>
        %parallel_loop3A_123 = arith.constant 5.000000e-01 : f32
        %parallel_loop3A_124 = vector.broadcast %parallel_loop3A_123 : f32 to vector<16xf32>
        %parallel_loop3A_125 = arith.mulf %parallel_loop3A_124, %parallel_loop3A_96 : vector<16xf32>
        %parallel_loop3A_126 = arith.mulf %parallel_loop3A_125, %parallel_loop3A_122 : vector<16xf32>
        %parallel_loop3A_127 = arith.mulf %parallel_loop3A_126, %parallel_loop3A_122 : vector<16xf32>
        %parallel_loop3A_128 = arith.constant 1.500000e+00 : f32
        %parallel_loop3A_129 = vector.broadcast %parallel_loop3A_128 : f32 to vector<16xf32>
        %parallel_loop3A_130 = arith.subf %parallel_loop3A_129, %parallel_loop3A_127 : vector<16xf32>
        %parallel_loop3A_131 = arith.mulf %parallel_loop3A_122, %parallel_loop3A_130 : vector<16xf32>
        %parallel_loop3A_132 = arith.mulf %parallel_loop3A_96, %parallel_loop3A_131 : vector<16xf32>
        %parallel_loop3A_133 = arith.constant 5.250000e-01 : f32
        %parallel_loop3A_134 = vector.broadcast %parallel_loop3A_133 : f32 to vector<16xf32>
        %parallel_loop3A_135 = arith.mulf %parallel_loop3A_132, %parallel_loop3A_134 : vector<16xf32>
        %parallel_loop3A_136 = arith.fptosi %parallel_loop3A_135 : vector<16xf32> to vector<16xi32>
        %parallel_loop3A_137 = arith.sitofp %parallel_loop3A_136 : vector<16xi32> to vector<16xf32>
        %parallel_loop3A_138 = arith.cmpf olt, %parallel_loop3A_137, %parallel_loop3A_135 : vector<16xf32>
        %parallel_loop3A_139 = arith.constant 1 : i32
        %parallel_loop3A_140 = arith.constant 0 : i32
        %parallel_loop3A_141 = vector.broadcast %parallel_loop3A_139 : i32 to vector<16xi32>
        %parallel_loop3A_142 = vector.broadcast %parallel_loop3A_140 : i32 to vector<16xi32>
        %parallel_loop3A_143 = arith.select %parallel_loop3A_138, %parallel_loop3A_141, %parallel_loop3A_142 : vector<16xi1>, vector<16xi32>
        %parallel_loop3A_144 = arith.addi %parallel_loop3A_136, %parallel_loop3A_143 : vector<16xi32>
        %parallel_loop3A_145 = arith.constant 21 : i32
        %parallel_loop3A_146 = vector.broadcast %parallel_loop3A_145 : i32 to vector<16xi32>
        %parallel_loop3A_147 = arith.minsi %parallel_loop3A_144, %parallel_loop3A_146 : vector<16xi32>
        %parallel_loop3A_148 = arith.constant 16 : i32
        %parallel_loop3A_149 = vector.broadcast %parallel_loop3A_148 : i32 to vector<16xi32>
        %parallel_loop3A_150 = arith.muli %parallel_loop3A_147, %parallel_loop3A_149 : vector<16xi32>
        %parallel_loop3A_151 = vector.broadcast %parallel_loop3A_75 : i32 to vector<16xi32>
        %parallel_loop3A_152 = arith.addi %parallel_loop3A_151, %iota3A : vector<16xi32>
        %parallel_loop3A_153 = arith.constant 0 : i32
        %parallel_loop3A_154 = vector.broadcast %parallel_loop3A_153 : i32 to vector<16xi32>
        %parallel_loop3A_155 = arith.addi %parallel_loop3A_150, %parallel_loop3A_154 : vector<16xi32>
        %parallel_loop3A_156 = tpu.vector_load_idx %arg6[%parallel_loop3A_155] : memref<352xf32, #tpu.memory_space<vmem>>[vector<16xi32>], vector<16xf32>,
        %parallel_loop3A_157 = arith.constant 0 : i32
        %parallel_loop3A_158 = vector.broadcast %parallel_loop3A_157 : i32 to vector<16xi32>
        tpu.vector_store_idx %arg7[%parallel_loop3A_152, %parallel_loop3A_158], %parallel_loop3A_156 : memref<2048x16xf32, #tpu.memory_space<vmem>>[vector<16xi32>, vector<16xi32>], vector<16xf32>,
        %parallel_loop3A_159 = arith.constant 1 : i32
        %parallel_loop3A_160 = vector.broadcast %parallel_loop3A_159 : i32 to vector<16xi32>
        %parallel_loop3A_161 = arith.addi %parallel_loop3A_150, %parallel_loop3A_160 : vector<16xi32>
        %parallel_loop3A_162 = tpu.vector_load_idx %arg6[%parallel_loop3A_161] : memref<352xf32, #tpu.memory_space<vmem>>[vector<16xi32>], vector<16xf32>,
        %parallel_loop3A_163 = arith.constant 1 : i32
        %parallel_loop3A_164 = vector.broadcast %parallel_loop3A_163 : i32 to vector<16xi32>
        tpu.vector_store_idx %arg7[%parallel_loop3A_152, %parallel_loop3A_164], %parallel_loop3A_162 : memref<2048x16xf32, #tpu.memory_space<vmem>>[vector<16xi32>, vector<16xi32>], vector<16xf32>,
        %parallel_loop3A_165 = arith.constant 2 : i32
        %parallel_loop3A_166 = vector.broadcast %parallel_loop3A_165 : i32 to vector<16xi32>
        %parallel_loop3A_167 = arith.addi %parallel_loop3A_150, %parallel_loop3A_166 : vector<16xi32>
        %parallel_loop3A_168 = tpu.vector_load_idx %arg6[%parallel_loop3A_167] : memref<352xf32, #tpu.memory_space<vmem>>[vector<16xi32>], vector<16xf32>,
        %parallel_loop3A_169 = arith.constant 2 : i32
        %parallel_loop3A_170 = vector.broadcast %parallel_loop3A_169 : i32 to vector<16xi32>
        tpu.vector_store_idx %arg7[%parallel_loop3A_152, %parallel_loop3A_170], %parallel_loop3A_168 : memref<2048x16xf32, #tpu.memory_space<vmem>>[vector<16xi32>, vector<16xi32>], vector<16xf32>,
        %parallel_loop3A_171 = arith.constant 3 : i32
        %parallel_loop3A_172 = vector.broadcast %parallel_loop3A_171 : i32 to vector<16xi32>
        %parallel_loop3A_173 = arith.addi %parallel_loop3A_150, %parallel_loop3A_172 : vector<16xi32>
        %parallel_loop3A_174 = tpu.vector_load_idx %arg6[%parallel_loop3A_173] : memref<352xf32, #tpu.memory_space<vmem>>[vector<16xi32>], vector<16xf32>,
        %parallel_loop3A_175 = arith.constant 3 : i32
        %parallel_loop3A_176 = vector.broadcast %parallel_loop3A_175 : i32 to vector<16xi32>
        tpu.vector_store_idx %arg7[%parallel_loop3A_152, %parallel_loop3A_176], %parallel_loop3A_174 : memref<2048x16xf32, #tpu.memory_space<vmem>>[vector<16xi32>, vector<16xi32>], vector<16xf32>,
        %parallel_loop3A_177 = arith.constant 4 : i32
        %parallel_loop3A_178 = vector.broadcast %parallel_loop3A_177 : i32 to vector<16xi32>
        %parallel_loop3A_179 = arith.addi %parallel_loop3A_150, %parallel_loop3A_178 : vector<16xi32>
        %parallel_loop3A_180 = tpu.vector_load_idx %arg6[%parallel_loop3A_179] : memref<352xf32, #tpu.memory_space<vmem>>[vector<16xi32>], vector<16xf32>,
        %parallel_loop3A_181 = arith.constant 4 : i32
        %parallel_loop3A_182 = vector.broadcast %parallel_loop3A_181 : i32 to vector<16xi32>
        tpu.vector_store_idx %arg7[%parallel_loop3A_152, %parallel_loop3A_182], %parallel_loop3A_180 : memref<2048x16xf32, #tpu.memory_space<vmem>>[vector<16xi32>, vector<16xi32>], vector<16xf32>,
        %parallel_loop3A_183 = arith.constant 5 : i32
        %parallel_loop3A_184 = vector.broadcast %parallel_loop3A_183 : i32 to vector<16xi32>
        %parallel_loop3A_185 = arith.addi %parallel_loop3A_150, %parallel_loop3A_184 : vector<16xi32>
        %parallel_loop3A_186 = tpu.vector_load_idx %arg6[%parallel_loop3A_185] : memref<352xf32, #tpu.memory_space<vmem>>[vector<16xi32>], vector<16xf32>,
        %parallel_loop3A_187 = arith.constant 5 : i32
        %parallel_loop3A_188 = vector.broadcast %parallel_loop3A_187 : i32 to vector<16xi32>
        tpu.vector_store_idx %arg7[%parallel_loop3A_152, %parallel_loop3A_188], %parallel_loop3A_186 : memref<2048x16xf32, #tpu.memory_space<vmem>>[vector<16xi32>, vector<16xi32>], vector<16xf32>,
        %parallel_loop3A_189 = arith.constant 6 : i32
        %parallel_loop3A_190 = vector.broadcast %parallel_loop3A_189 : i32 to vector<16xi32>
        %parallel_loop3A_191 = arith.addi %parallel_loop3A_150, %parallel_loop3A_190 : vector<16xi32>
        %parallel_loop3A_192 = tpu.vector_load_idx %arg6[%parallel_loop3A_191] : memref<352xf32, #tpu.memory_space<vmem>>[vector<16xi32>], vector<16xf32>,
        %parallel_loop3A_193 = arith.constant 6 : i32
        %parallel_loop3A_194 = vector.broadcast %parallel_loop3A_193 : i32 to vector<16xi32>
        tpu.vector_store_idx %arg7[%parallel_loop3A_152, %parallel_loop3A_194], %parallel_loop3A_192 : memref<2048x16xf32, #tpu.memory_space<vmem>>[vector<16xi32>, vector<16xi32>], vector<16xf32>,
        %parallel_loop3A_195 = arith.constant 7 : i32
        %parallel_loop3A_196 = vector.broadcast %parallel_loop3A_195 : i32 to vector<16xi32>
        %parallel_loop3A_197 = arith.addi %parallel_loop3A_150, %parallel_loop3A_196 : vector<16xi32>
        %parallel_loop3A_198 = tpu.vector_load_idx %arg6[%parallel_loop3A_197] : memref<352xf32, #tpu.memory_space<vmem>>[vector<16xi32>], vector<16xf32>,
        %parallel_loop3A_199 = arith.constant 7 : i32
        %parallel_loop3A_200 = vector.broadcast %parallel_loop3A_199 : i32 to vector<16xi32>
        tpu.vector_store_idx %arg7[%parallel_loop3A_152, %parallel_loop3A_200], %parallel_loop3A_198 : memref<2048x16xf32, #tpu.memory_space<vmem>>[vector<16xi32>, vector<16xi32>], vector<16xf32>,
        %parallel_loop3A_201 = arith.constant 8 : i32
        %parallel_loop3A_202 = vector.broadcast %parallel_loop3A_201 : i32 to vector<16xi32>
        %parallel_loop3A_203 = arith.addi %parallel_loop3A_150, %parallel_loop3A_202 : vector<16xi32>
        %parallel_loop3A_204 = tpu.vector_load_idx %arg6[%parallel_loop3A_203] : memref<352xf32, #tpu.memory_space<vmem>>[vector<16xi32>], vector<16xf32>,
        %parallel_loop3A_205 = arith.constant 8 : i32
        %parallel_loop3A_206 = vector.broadcast %parallel_loop3A_205 : i32 to vector<16xi32>
        tpu.vector_store_idx %arg7[%parallel_loop3A_152, %parallel_loop3A_206], %parallel_loop3A_204 : memref<2048x16xf32, #tpu.memory_space<vmem>>[vector<16xi32>, vector<16xi32>], vector<16xf32>,
        %parallel_loop3A_207 = arith.constant 9 : i32
        %parallel_loop3A_208 = vector.broadcast %parallel_loop3A_207 : i32 to vector<16xi32>
        %parallel_loop3A_209 = arith.addi %parallel_loop3A_150, %parallel_loop3A_208 : vector<16xi32>
        %parallel_loop3A_210 = tpu.vector_load_idx %arg6[%parallel_loop3A_209] : memref<352xf32, #tpu.memory_space<vmem>>[vector<16xi32>], vector<16xf32>,
        %parallel_loop3A_211 = arith.constant 9 : i32
        %parallel_loop3A_212 = vector.broadcast %parallel_loop3A_211 : i32 to vector<16xi32>
        tpu.vector_store_idx %arg7[%parallel_loop3A_152, %parallel_loop3A_212], %parallel_loop3A_210 : memref<2048x16xf32, #tpu.memory_space<vmem>>[vector<16xi32>, vector<16xi32>], vector<16xf32>,
        %parallel_loop3A_213 = arith.constant 10 : i32
        %parallel_loop3A_214 = vector.broadcast %parallel_loop3A_213 : i32 to vector<16xi32>
        %parallel_loop3A_215 = arith.addi %parallel_loop3A_150, %parallel_loop3A_214 : vector<16xi32>
        %parallel_loop3A_216 = tpu.vector_load_idx %arg6[%parallel_loop3A_215] : memref<352xf32, #tpu.memory_space<vmem>>[vector<16xi32>], vector<16xf32>,
        %parallel_loop3A_217 = arith.constant 10 : i32
        %parallel_loop3A_218 = vector.broadcast %parallel_loop3A_217 : i32 to vector<16xi32>
        tpu.vector_store_idx %arg7[%parallel_loop3A_152, %parallel_loop3A_218], %parallel_loop3A_216 : memref<2048x16xf32, #tpu.memory_space<vmem>>[vector<16xi32>, vector<16xi32>], vector<16xf32>,
        %parallel_loop3A_219 = arith.constant 11 : i32
        %parallel_loop3A_220 = vector.broadcast %parallel_loop3A_219 : i32 to vector<16xi32>
        %parallel_loop3A_221 = arith.addi %parallel_loop3A_150, %parallel_loop3A_220 : vector<16xi32>
        %parallel_loop3A_222 = tpu.vector_load_idx %arg6[%parallel_loop3A_221] : memref<352xf32, #tpu.memory_space<vmem>>[vector<16xi32>], vector<16xf32>,
        %parallel_loop3A_223 = arith.constant 11 : i32
        %parallel_loop3A_224 = vector.broadcast %parallel_loop3A_223 : i32 to vector<16xi32>
        tpu.vector_store_idx %arg7[%parallel_loop3A_152, %parallel_loop3A_224], %parallel_loop3A_222 : memref<2048x16xf32, #tpu.memory_space<vmem>>[vector<16xi32>, vector<16xi32>], vector<16xf32>,
        %parallel_loop3A_225 = arith.constant 12 : i32
        %parallel_loop3A_226 = vector.broadcast %parallel_loop3A_225 : i32 to vector<16xi32>
        %parallel_loop3A_227 = arith.addi %parallel_loop3A_150, %parallel_loop3A_226 : vector<16xi32>
        %parallel_loop3A_228 = tpu.vector_load_idx %arg6[%parallel_loop3A_227] : memref<352xf32, #tpu.memory_space<vmem>>[vector<16xi32>], vector<16xf32>,
        %parallel_loop3A_229 = arith.constant 12 : i32
        %parallel_loop3A_230 = vector.broadcast %parallel_loop3A_229 : i32 to vector<16xi32>
        tpu.vector_store_idx %arg7[%parallel_loop3A_152, %parallel_loop3A_230], %parallel_loop3A_228 : memref<2048x16xf32, #tpu.memory_space<vmem>>[vector<16xi32>, vector<16xi32>], vector<16xf32>,
        %parallel_loop3A_231 = arith.constant 13 : i32
        %parallel_loop3A_232 = vector.broadcast %parallel_loop3A_231 : i32 to vector<16xi32>
        %parallel_loop3A_233 = arith.addi %parallel_loop3A_150, %parallel_loop3A_232 : vector<16xi32>
        %parallel_loop3A_234 = tpu.vector_load_idx %arg6[%parallel_loop3A_233] : memref<352xf32, #tpu.memory_space<vmem>>[vector<16xi32>], vector<16xf32>,
        %parallel_loop3A_235 = arith.constant 13 : i32
        %parallel_loop3A_236 = vector.broadcast %parallel_loop3A_235 : i32 to vector<16xi32>
        tpu.vector_store_idx %arg7[%parallel_loop3A_152, %parallel_loop3A_236], %parallel_loop3A_234 : memref<2048x16xf32, #tpu.memory_space<vmem>>[vector<16xi32>, vector<16xi32>], vector<16xf32>,
        %parallel_loop3A_237 = arith.constant 14 : i32
        %parallel_loop3A_238 = vector.broadcast %parallel_loop3A_237 : i32 to vector<16xi32>
        %parallel_loop3A_239 = arith.addi %parallel_loop3A_150, %parallel_loop3A_238 : vector<16xi32>
        %parallel_loop3A_240 = tpu.vector_load_idx %arg6[%parallel_loop3A_239] : memref<352xf32, #tpu.memory_space<vmem>>[vector<16xi32>], vector<16xf32>,
        %parallel_loop3A_241 = arith.constant 14 : i32
        %parallel_loop3A_242 = vector.broadcast %parallel_loop3A_241 : i32 to vector<16xi32>
        tpu.vector_store_idx %arg7[%parallel_loop3A_152, %parallel_loop3A_242], %parallel_loop3A_240 : memref<2048x16xf32, #tpu.memory_space<vmem>>[vector<16xi32>, vector<16xi32>], vector<16xf32>,
        %parallel_loop3A_243 = arith.constant 15 : i32
        %parallel_loop3A_244 = vector.broadcast %parallel_loop3A_243 : i32 to vector<16xi32>
        %parallel_loop3A_245 = arith.addi %parallel_loop3A_150, %parallel_loop3A_244 : vector<16xi32>
        %parallel_loop3A_246 = tpu.vector_load_idx %arg6[%parallel_loop3A_245] : memref<352xf32, #tpu.memory_space<vmem>>[vector<16xi32>], vector<16xf32>,
        %parallel_loop3A_247 = arith.constant 15 : i32
        %parallel_loop3A_248 = vector.broadcast %parallel_loop3A_247 : i32 to vector<16xi32>
        tpu.vector_store_idx %arg7[%parallel_loop3A_152, %parallel_loop3A_248], %parallel_loop3A_246 : memref<2048x16xf32, #tpu.memory_space<vmem>>[vector<16xi32>, vector<16xi32>], vector<16xf32>,
      } {sc.loop_unroll_factor = 8 : i64, sc.parallel_access}
      %dma_start3A = arith.constant 0 : i32
      %dma_start3A_41 = arith.constant 0 : i32
      %dma_start3A_42 = tpu.memref_slice %arg4[%add3A_28, %dma_start3A, %dma_start3A_41] : memref<2048x2048x16xf32, #tpu.memory_space<hbm>> -> memref<1x2048x16xf32, #tpu.memory_space<hbm>>
      %dma_start3A_43 = tpu.memref_squeeze %dma_start3A_42 : memref<1x2048x16xf32, #tpu.memory_space<hbm>> -> memref<2048x16xf32, #tpu.memory_space<hbm>>
      %dma_start3A_44 = arith.constant 0 : i32
      %dma_start3A_45 = arith.constant 0 : i32
      %dma_start3A_46 = tpu.memref_slice %arg4[%add3A_28, %dma_start3A_44, %dma_start3A_45] : memref<2048x2048x16xf32, #tpu.memory_space<hbm>> -> memref<1x2048x16xf32, #tpu.memory_space<hbm>>
      %dma_start3A_47 = tpu.memref_squeeze %dma_start3A_46 : memref<1x2048x16xf32, #tpu.memory_space<hbm>> -> memref<2048x16xf32, #tpu.memory_space<hbm>>
      tpu.enqueue_dma source(%arg7 : memref<2048x16xf32, #tpu.memory_space<vmem>>) target(%dma_start3A_47 : memref<2048x16xf32, #tpu.memory_space<hbm>>) target_semaphore(%arg9 : memref<!tpu.dma_semaphore, #tpu.memory_space<semaphore_mem>>)
      %add3A_48 = arith.constant 1 : i32
      %add3A_49 = arith.addi %add3A_28, %add3A_48 : i32
      %broadcast_in_dim3A_50 = vector.broadcast %add3A_49 : i32 to vector<16xi32>
      %gather3A_51 = tpu.vector_load_idx %arg5[%broadcast_in_dim3A_50] : memref<6144xf32, #tpu.memory_space<vmem>>[vector<16xi32>], vector<16xf32>,
      %add3A_52 = arith.constant 2048 : i32
      %add3A_53 = vector.broadcast %add3A_52 : i32 to vector<16xi32>
      %add3A_54 = arith.addi %broadcast_in_dim3A_50, %add3A_53 : vector<16xi32>
      %gather3A_55 = tpu.vector_load_idx %arg5[%add3A_54] : memref<6144xf32, #tpu.memory_space<vmem>>[vector<16xi32>], vector<16xf32>,
      %add3A_56 = arith.constant 4096 : i32
      %add3A_57 = vector.broadcast %add3A_56 : i32 to vector<16xi32>
      %add3A_58 = arith.addi %broadcast_in_dim3A_50, %add3A_57 : vector<16xi32>
      %gather3A_59 = tpu.vector_load_idx %arg5[%add3A_58] : memref<6144xf32, #tpu.memory_space<vmem>>[vector<16xi32>], vector<16xf32>,
      %parallel_loop3A_60 = arith.constant 0 : i32
      %parallel_loop3A_61 = arith.constant 128 : i32
      %parallel_loop3A_62 = arith.constant 1 : i32
      scf.for %parallel_loop3A_73 = %parallel_loop3A_60 to %parallel_loop3A_61 step %parallel_loop3A_62  : i32 {
        %parallel_loop3A_74 = arith.constant 16 : i32
        %parallel_loop3A_75 = arith.muli %parallel_loop3A_73, %parallel_loop3A_74 : i32
        %parallel_loop3A_76 = arith.index_cast %parallel_loop3A_75 : i32 to index
        %parallel_loop3A_77 = tpu.vector_load %arg5[%parallel_loop3A_76] {strides = array<i32>} : memref<6144xf32, #tpu.memory_space<vmem>>, vector<16xf32>,
        %parallel_loop3A_78 = arith.constant 2048 : i32
        %parallel_loop3A_79 = arith.addi %parallel_loop3A_78, %parallel_loop3A_75 : i32
        %parallel_loop3A_80 = arith.index_cast %parallel_loop3A_79 : i32 to index
        %parallel_loop3A_81 = tpu.vector_load %arg5[%parallel_loop3A_80] {strides = array<i32>} : memref<6144xf32, #tpu.memory_space<vmem>>, vector<16xf32>,
        %parallel_loop3A_82 = arith.constant 4096 : i32
        %parallel_loop3A_83 = arith.addi %parallel_loop3A_82, %parallel_loop3A_75 : i32
        %parallel_loop3A_84 = arith.index_cast %parallel_loop3A_83 : i32 to index
        %parallel_loop3A_85 = tpu.vector_load %arg5[%parallel_loop3A_84] {strides = array<i32>} : memref<6144xf32, #tpu.memory_space<vmem>>, vector<16xf32>,
        %parallel_loop3A_86 = arith.subf %parallel_loop3A_77, %gather3A_51 : vector<16xf32>
        %parallel_loop3A_87 = arith.subf %parallel_loop3A_81, %gather3A_55 : vector<16xf32>
        %parallel_loop3A_88 = arith.subf %parallel_loop3A_85, %gather3A_59 : vector<16xf32>
        %parallel_loop3A_89 = arith.mulf %parallel_loop3A_86, %parallel_loop3A_86 : vector<16xf32>
        %parallel_loop3A_90 = arith.mulf %parallel_loop3A_87, %parallel_loop3A_87 : vector<16xf32>
        %parallel_loop3A_91 = arith.addf %parallel_loop3A_89, %parallel_loop3A_90 : vector<16xf32>
        %parallel_loop3A_92 = arith.mulf %parallel_loop3A_88, %parallel_loop3A_88 : vector<16xf32>
        %parallel_loop3A_93 = arith.addf %parallel_loop3A_91, %parallel_loop3A_92 : vector<16xf32>
        %parallel_loop3A_94 = arith.constant 9.99999993E-9 : f32
        %parallel_loop3A_95 = vector.broadcast %parallel_loop3A_94 : f32 to vector<16xf32>
        %parallel_loop3A_96 = arith.addf %parallel_loop3A_93, %parallel_loop3A_95 : vector<16xf32>
        %parallel_loop3A_97 = vector.bitcast %parallel_loop3A_96 : vector<16xf32> to vector<16xi32>
        %parallel_loop3A_98 = arith.constant 1 : i32
        %parallel_loop3A_99 = vector.broadcast %parallel_loop3A_98 : i32 to vector<16xi32>
        %parallel_loop3A_100 = arith.shrsi %parallel_loop3A_97, %parallel_loop3A_99 : vector<16xi32>
        %parallel_loop3A_101 = arith.constant 1597463007 : i32
        %parallel_loop3A_102 = vector.broadcast %parallel_loop3A_101 : i32 to vector<16xi32>
        %parallel_loop3A_103 = arith.subi %parallel_loop3A_102, %parallel_loop3A_100 : vector<16xi32>
        %parallel_loop3A_104 = vector.bitcast %parallel_loop3A_103 : vector<16xi32> to vector<16xf32>
        %parallel_loop3A_105 = arith.constant 5.000000e-01 : f32
        %parallel_loop3A_106 = vector.broadcast %parallel_loop3A_105 : f32 to vector<16xf32>
        %parallel_loop3A_107 = arith.mulf %parallel_loop3A_106, %parallel_loop3A_96 : vector<16xf32>
        %parallel_loop3A_108 = arith.mulf %parallel_loop3A_107, %parallel_loop3A_104 : vector<16xf32>
        %parallel_loop3A_109 = arith.mulf %parallel_loop3A_108, %parallel_loop3A_104 : vector<16xf32>
        %parallel_loop3A_110 = arith.constant 1.500000e+00 : f32
        %parallel_loop3A_111 = vector.broadcast %parallel_loop3A_110 : f32 to vector<16xf32>
        %parallel_loop3A_112 = arith.subf %parallel_loop3A_111, %parallel_loop3A_109 : vector<16xf32>
        %parallel_loop3A_113 = arith.mulf %parallel_loop3A_104, %parallel_loop3A_112 : vector<16xf32>
        %parallel_loop3A_114 = arith.constant 5.000000e-01 : f32
        %parallel_loop3A_115 = vector.broadcast %parallel_loop3A_114 : f32 to vector<16xf32>
        %parallel_loop3A_116 = arith.mulf %parallel_loop3A_115, %parallel_loop3A_96 : vector<16xf32>
        %parallel_loop3A_117 = arith.mulf %parallel_loop3A_116, %parallel_loop3A_113 : vector<16xf32>
        %parallel_loop3A_118 = arith.mulf %parallel_loop3A_117, %parallel_loop3A_113 : vector<16xf32>
        %parallel_loop3A_119 = arith.constant 1.500000e+00 : f32
        %parallel_loop3A_120 = vector.broadcast %parallel_loop3A_119 : f32 to vector<16xf32>
        %parallel_loop3A_121 = arith.subf %parallel_loop3A_120, %parallel_loop3A_118 : vector<16xf32>
        %parallel_loop3A_122 = arith.mulf %parallel_loop3A_113, %parallel_loop3A_121 : vector<16xf32>
        %parallel_loop3A_123 = arith.constant 5.000000e-01 : f32
        %parallel_loop3A_124 = vector.broadcast %parallel_loop3A_123 : f32 to vector<16xf32>
        %parallel_loop3A_125 = arith.mulf %parallel_loop3A_124, %parallel_loop3A_96 : vector<16xf32>
        %parallel_loop3A_126 = arith.mulf %parallel_loop3A_125, %parallel_loop3A_122 : vector<16xf32>
        %parallel_loop3A_127 = arith.mulf %parallel_loop3A_126, %parallel_loop3A_122 : vector<16xf32>
        %parallel_loop3A_128 = arith.constant 1.500000e+00 : f32
        %parallel_loop3A_129 = vector.broadcast %parallel_loop3A_128 : f32 to vector<16xf32>
        %parallel_loop3A_130 = arith.subf %parallel_loop3A_129, %parallel_loop3A_127 : vector<16xf32>
        %parallel_loop3A_131 = arith.mulf %parallel_loop3A_122, %parallel_loop3A_130 : vector<16xf32>
        %parallel_loop3A_132 = arith.mulf %parallel_loop3A_96, %parallel_loop3A_131 : vector<16xf32>
        %parallel_loop3A_133 = arith.constant 5.250000e-01 : f32
        %parallel_loop3A_134 = vector.broadcast %parallel_loop3A_133 : f32 to vector<16xf32>
        %parallel_loop3A_135 = arith.mulf %parallel_loop3A_132, %parallel_loop3A_134 : vector<16xf32>
        %parallel_loop3A_136 = arith.fptosi %parallel_loop3A_135 : vector<16xf32> to vector<16xi32>
        %parallel_loop3A_137 = arith.sitofp %parallel_loop3A_136 : vector<16xi32> to vector<16xf32>
        %parallel_loop3A_138 = arith.cmpf olt, %parallel_loop3A_137, %parallel_loop3A_135 : vector<16xf32>
        %parallel_loop3A_139 = arith.constant 1 : i32
        %parallel_loop3A_140 = arith.constant 0 : i32
        %parallel_loop3A_141 = vector.broadcast %parallel_loop3A_139 : i32 to vector<16xi32>
        %parallel_loop3A_142 = vector.broadcast %parallel_loop3A_140 : i32 to vector<16xi32>
        %parallel_loop3A_143 = arith.select %parallel_loop3A_138, %parallel_loop3A_141, %parallel_loop3A_142 : vector<16xi1>, vector<16xi32>
        %parallel_loop3A_144 = arith.addi %parallel_loop3A_136, %parallel_loop3A_143 : vector<16xi32>
        %parallel_loop3A_145 = arith.constant 21 : i32
        %parallel_loop3A_146 = vector.broadcast %parallel_loop3A_145 : i32 to vector<16xi32>
        %parallel_loop3A_147 = arith.minsi %parallel_loop3A_144, %parallel_loop3A_146 : vector<16xi32>
        %parallel_loop3A_148 = arith.constant 16 : i32
        %parallel_loop3A_149 = vector.broadcast %parallel_loop3A_148 : i32 to vector<16xi32>
        %parallel_loop3A_150 = arith.muli %parallel_loop3A_147, %parallel_loop3A_149 : vector<16xi32>
        %parallel_loop3A_151 = vector.broadcast %parallel_loop3A_75 : i32 to vector<16xi32>
        %parallel_loop3A_152 = arith.addi %parallel_loop3A_151, %iota3A : vector<16xi32>
        %parallel_loop3A_153 = arith.constant 0 : i32
        %parallel_loop3A_154 = vector.broadcast %parallel_loop3A_153 : i32 to vector<16xi32>
        %parallel_loop3A_155 = arith.addi %parallel_loop3A_150, %parallel_loop3A_154 : vector<16xi32>
        %parallel_loop3A_156 = tpu.vector_load_idx %arg6[%parallel_loop3A_155] : memref<352xf32, #tpu.memory_space<vmem>>[vector<16xi32>], vector<16xf32>,
        %parallel_loop3A_157 = arith.constant 0 : i32
        %parallel_loop3A_158 = vector.broadcast %parallel_loop3A_157 : i32 to vector<16xi32>
        tpu.vector_store_idx %arg8[%parallel_loop3A_152, %parallel_loop3A_158], %parallel_loop3A_156 : memref<2048x16xf32, #tpu.memory_space<vmem>>[vector<16xi32>, vector<16xi32>], vector<16xf32>,
        %parallel_loop3A_159 = arith.constant 1 : i32
        %parallel_loop3A_160 = vector.broadcast %parallel_loop3A_159 : i32 to vector<16xi32>
        %parallel_loop3A_161 = arith.addi %parallel_loop3A_150, %parallel_loop3A_160 : vector<16xi32>
        %parallel_loop3A_162 = tpu.vector_load_idx %arg6[%parallel_loop3A_161] : memref<352xf32, #tpu.memory_space<vmem>>[vector<16xi32>], vector<16xf32>,
        %parallel_loop3A_163 = arith.constant 1 : i32
        %parallel_loop3A_164 = vector.broadcast %parallel_loop3A_163 : i32 to vector<16xi32>
        tpu.vector_store_idx %arg8[%parallel_loop3A_152, %parallel_loop3A_164], %parallel_loop3A_162 : memref<2048x16xf32, #tpu.memory_space<vmem>>[vector<16xi32>, vector<16xi32>], vector<16xf32>,
        %parallel_loop3A_165 = arith.constant 2 : i32
        %parallel_loop3A_166 = vector.broadcast %parallel_loop3A_165 : i32 to vector<16xi32>
        %parallel_loop3A_167 = arith.addi %parallel_loop3A_150, %parallel_loop3A_166 : vector<16xi32>
        %parallel_loop3A_168 = tpu.vector_load_idx %arg6[%parallel_loop3A_167] : memref<352xf32, #tpu.memory_space<vmem>>[vector<16xi32>], vector<16xf32>,
        %parallel_loop3A_169 = arith.constant 2 : i32
        %parallel_loop3A_170 = vector.broadcast %parallel_loop3A_169 : i32 to vector<16xi32>
        tpu.vector_store_idx %arg8[%parallel_loop3A_152, %parallel_loop3A_170], %parallel_loop3A_168 : memref<2048x16xf32, #tpu.memory_space<vmem>>[vector<16xi32>, vector<16xi32>], vector<16xf32>,
        %parallel_loop3A_171 = arith.constant 3 : i32
        %parallel_loop3A_172 = vector.broadcast %parallel_loop3A_171 : i32 to vector<16xi32>
        %parallel_loop3A_173 = arith.addi %parallel_loop3A_150, %parallel_loop3A_172 : vector<16xi32>
        %parallel_loop3A_174 = tpu.vector_load_idx %arg6[%parallel_loop3A_173] : memref<352xf32, #tpu.memory_space<vmem>>[vector<16xi32>], vector<16xf32>,
        %parallel_loop3A_175 = arith.constant 3 : i32
        %parallel_loop3A_176 = vector.broadcast %parallel_loop3A_175 : i32 to vector<16xi32>
        tpu.vector_store_idx %arg8[%parallel_loop3A_152, %parallel_loop3A_176], %parallel_loop3A_174 : memref<2048x16xf32, #tpu.memory_space<vmem>>[vector<16xi32>, vector<16xi32>], vector<16xf32>,
        %parallel_loop3A_177 = arith.constant 4 : i32
        %parallel_loop3A_178 = vector.broadcast %parallel_loop3A_177 : i32 to vector<16xi32>
        %parallel_loop3A_179 = arith.addi %parallel_loop3A_150, %parallel_loop3A_178 : vector<16xi32>
        %parallel_loop3A_180 = tpu.vector_load_idx %arg6[%parallel_loop3A_179] : memref<352xf32, #tpu.memory_space<vmem>>[vector<16xi32>], vector<16xf32>,
        %parallel_loop3A_181 = arith.constant 4 : i32
        %parallel_loop3A_182 = vector.broadcast %parallel_loop3A_181 : i32 to vector<16xi32>
        tpu.vector_store_idx %arg8[%parallel_loop3A_152, %parallel_loop3A_182], %parallel_loop3A_180 : memref<2048x16xf32, #tpu.memory_space<vmem>>[vector<16xi32>, vector<16xi32>], vector<16xf32>,
        %parallel_loop3A_183 = arith.constant 5 : i32
        %parallel_loop3A_184 = vector.broadcast %parallel_loop3A_183 : i32 to vector<16xi32>
        %parallel_loop3A_185 = arith.addi %parallel_loop3A_150, %parallel_loop3A_184 : vector<16xi32>
        %parallel_loop3A_186 = tpu.vector_load_idx %arg6[%parallel_loop3A_185] : memref<352xf32, #tpu.memory_space<vmem>>[vector<16xi32>], vector<16xf32>,
        %parallel_loop3A_187 = arith.constant 5 : i32
        %parallel_loop3A_188 = vector.broadcast %parallel_loop3A_187 : i32 to vector<16xi32>
        tpu.vector_store_idx %arg8[%parallel_loop3A_152, %parallel_loop3A_188], %parallel_loop3A_186 : memref<2048x16xf32, #tpu.memory_space<vmem>>[vector<16xi32>, vector<16xi32>], vector<16xf32>,
        %parallel_loop3A_189 = arith.constant 6 : i32
        %parallel_loop3A_190 = vector.broadcast %parallel_loop3A_189 : i32 to vector<16xi32>
        %parallel_loop3A_191 = arith.addi %parallel_loop3A_150, %parallel_loop3A_190 : vector<16xi32>
        %parallel_loop3A_192 = tpu.vector_load_idx %arg6[%parallel_loop3A_191] : memref<352xf32, #tpu.memory_space<vmem>>[vector<16xi32>], vector<16xf32>,
        %parallel_loop3A_193 = arith.constant 6 : i32
        %parallel_loop3A_194 = vector.broadcast %parallel_loop3A_193 : i32 to vector<16xi32>
        tpu.vector_store_idx %arg8[%parallel_loop3A_152, %parallel_loop3A_194], %parallel_loop3A_192 : memref<2048x16xf32, #tpu.memory_space<vmem>>[vector<16xi32>, vector<16xi32>], vector<16xf32>,
        %parallel_loop3A_195 = arith.constant 7 : i32
        %parallel_loop3A_196 = vector.broadcast %parallel_loop3A_195 : i32 to vector<16xi32>
        %parallel_loop3A_197 = arith.addi %parallel_loop3A_150, %parallel_loop3A_196 : vector<16xi32>
        %parallel_loop3A_198 = tpu.vector_load_idx %arg6[%parallel_loop3A_197] : memref<352xf32, #tpu.memory_space<vmem>>[vector<16xi32>], vector<16xf32>,
        %parallel_loop3A_199 = arith.constant 7 : i32
        %parallel_loop3A_200 = vector.broadcast %parallel_loop3A_199 : i32 to vector<16xi32>
        tpu.vector_store_idx %arg8[%parallel_loop3A_152, %parallel_loop3A_200], %parallel_loop3A_198 : memref<2048x16xf32, #tpu.memory_space<vmem>>[vector<16xi32>, vector<16xi32>], vector<16xf32>,
        %parallel_loop3A_201 = arith.constant 8 : i32
        %parallel_loop3A_202 = vector.broadcast %parallel_loop3A_201 : i32 to vector<16xi32>
        %parallel_loop3A_203 = arith.addi %parallel_loop3A_150, %parallel_loop3A_202 : vector<16xi32>
        %parallel_loop3A_204 = tpu.vector_load_idx %arg6[%parallel_loop3A_203] : memref<352xf32, #tpu.memory_space<vmem>>[vector<16xi32>], vector<16xf32>,
        %parallel_loop3A_205 = arith.constant 8 : i32
        %parallel_loop3A_206 = vector.broadcast %parallel_loop3A_205 : i32 to vector<16xi32>
        tpu.vector_store_idx %arg8[%parallel_loop3A_152, %parallel_loop3A_206], %parallel_loop3A_204 : memref<2048x16xf32, #tpu.memory_space<vmem>>[vector<16xi32>, vector<16xi32>], vector<16xf32>,
        %parallel_loop3A_207 = arith.constant 9 : i32
        %parallel_loop3A_208 = vector.broadcast %parallel_loop3A_207 : i32 to vector<16xi32>
        %parallel_loop3A_209 = arith.addi %parallel_loop3A_150, %parallel_loop3A_208 : vector<16xi32>
        %parallel_loop3A_210 = tpu.vector_load_idx %arg6[%parallel_loop3A_209] : memref<352xf32, #tpu.memory_space<vmem>>[vector<16xi32>], vector<16xf32>,
        %parallel_loop3A_211 = arith.constant 9 : i32
        %parallel_loop3A_212 = vector.broadcast %parallel_loop3A_211 : i32 to vector<16xi32>
        tpu.vector_store_idx %arg8[%parallel_loop3A_152, %parallel_loop3A_212], %parallel_loop3A_210 : memref<2048x16xf32, #tpu.memory_space<vmem>>[vector<16xi32>, vector<16xi32>], vector<16xf32>,
        %parallel_loop3A_213 = arith.constant 10 : i32
        %parallel_loop3A_214 = vector.broadcast %parallel_loop3A_213 : i32 to vector<16xi32>
        %parallel_loop3A_215 = arith.addi %parallel_loop3A_150, %parallel_loop3A_214 : vector<16xi32>
        %parallel_loop3A_216 = tpu.vector_load_idx %arg6[%parallel_loop3A_215] : memref<352xf32, #tpu.memory_space<vmem>>[vector<16xi32>], vector<16xf32>,
        %parallel_loop3A_217 = arith.constant 10 : i32
        %parallel_loop3A_218 = vector.broadcast %parallel_loop3A_217 : i32 to vector<16xi32>
        tpu.vector_store_idx %arg8[%parallel_loop3A_152, %parallel_loop3A_218], %parallel_loop3A_216 : memref<2048x16xf32, #tpu.memory_space<vmem>>[vector<16xi32>, vector<16xi32>], vector<16xf32>,
        %parallel_loop3A_219 = arith.constant 11 : i32
        %parallel_loop3A_220 = vector.broadcast %parallel_loop3A_219 : i32 to vector<16xi32>
        %parallel_loop3A_221 = arith.addi %parallel_loop3A_150, %parallel_loop3A_220 : vector<16xi32>
        %parallel_loop3A_222 = tpu.vector_load_idx %arg6[%parallel_loop3A_221] : memref<352xf32, #tpu.memory_space<vmem>>[vector<16xi32>], vector<16xf32>,
        %parallel_loop3A_223 = arith.constant 11 : i32
        %parallel_loop3A_224 = vector.broadcast %parallel_loop3A_223 : i32 to vector<16xi32>
        tpu.vector_store_idx %arg8[%parallel_loop3A_152, %parallel_loop3A_224], %parallel_loop3A_222 : memref<2048x16xf32, #tpu.memory_space<vmem>>[vector<16xi32>, vector<16xi32>], vector<16xf32>,
        %parallel_loop3A_225 = arith.constant 12 : i32
        %parallel_loop3A_226 = vector.broadcast %parallel_loop3A_225 : i32 to vector<16xi32>
        %parallel_loop3A_227 = arith.addi %parallel_loop3A_150, %parallel_loop3A_226 : vector<16xi32>
        %parallel_loop3A_228 = tpu.vector_load_idx %arg6[%parallel_loop3A_227] : memref<352xf32, #tpu.memory_space<vmem>>[vector<16xi32>], vector<16xf32>,
        %parallel_loop3A_229 = arith.constant 12 : i32
        %parallel_loop3A_230 = vector.broadcast %parallel_loop3A_229 : i32 to vector<16xi32>
        tpu.vector_store_idx %arg8[%parallel_loop3A_152, %parallel_loop3A_230], %parallel_loop3A_228 : memref<2048x16xf32, #tpu.memory_space<vmem>>[vector<16xi32>, vector<16xi32>], vector<16xf32>,
        %parallel_loop3A_231 = arith.constant 13 : i32
        %parallel_loop3A_232 = vector.broadcast %parallel_loop3A_231 : i32 to vector<16xi32>
        %parallel_loop3A_233 = arith.addi %parallel_loop3A_150, %parallel_loop3A_232 : vector<16xi32>
        %parallel_loop3A_234 = tpu.vector_load_idx %arg6[%parallel_loop3A_233] : memref<352xf32, #tpu.memory_space<vmem>>[vector<16xi32>], vector<16xf32>,
        %parallel_loop3A_235 = arith.constant 13 : i32
        %parallel_loop3A_236 = vector.broadcast %parallel_loop3A_235 : i32 to vector<16xi32>
        tpu.vector_store_idx %arg8[%parallel_loop3A_152, %parallel_loop3A_236], %parallel_loop3A_234 : memref<2048x16xf32, #tpu.memory_space<vmem>>[vector<16xi32>, vector<16xi32>], vector<16xf32>,
        %parallel_loop3A_237 = arith.constant 14 : i32
        %parallel_loop3A_238 = vector.broadcast %parallel_loop3A_237 : i32 to vector<16xi32>
        %parallel_loop3A_239 = arith.addi %parallel_loop3A_150, %parallel_loop3A_238 : vector<16xi32>
        %parallel_loop3A_240 = tpu.vector_load_idx %arg6[%parallel_loop3A_239] : memref<352xf32, #tpu.memory_space<vmem>>[vector<16xi32>], vector<16xf32>,
        %parallel_loop3A_241 = arith.constant 14 : i32
        %parallel_loop3A_242 = vector.broadcast %parallel_loop3A_241 : i32 to vector<16xi32>
        tpu.vector_store_idx %arg8[%parallel_loop3A_152, %parallel_loop3A_242], %parallel_loop3A_240 : memref<2048x16xf32, #tpu.memory_space<vmem>>[vector<16xi32>, vector<16xi32>], vector<16xf32>,
        %parallel_loop3A_243 = arith.constant 15 : i32
        %parallel_loop3A_244 = vector.broadcast %parallel_loop3A_243 : i32 to vector<16xi32>
        %parallel_loop3A_245 = arith.addi %parallel_loop3A_150, %parallel_loop3A_244 : vector<16xi32>
        %parallel_loop3A_246 = tpu.vector_load_idx %arg6[%parallel_loop3A_245] : memref<352xf32, #tpu.memory_space<vmem>>[vector<16xi32>], vector<16xf32>,
        %parallel_loop3A_247 = arith.constant 15 : i32
        %parallel_loop3A_248 = vector.broadcast %parallel_loop3A_247 : i32 to vector<16xi32>
        tpu.vector_store_idx %arg8[%parallel_loop3A_152, %parallel_loop3A_248], %parallel_loop3A_246 : memref<2048x16xf32, #tpu.memory_space<vmem>>[vector<16xi32>, vector<16xi32>], vector<16xf32>,
      } {sc.loop_unroll_factor = 8 : i64, sc.parallel_access}
      %add3A_63 = arith.constant 1 : i32
      %add3A_64 = arith.addi %add3A_28, %add3A_63 : i32
      %dma_start3A_65 = arith.constant 0 : i32
      %dma_start3A_66 = arith.constant 0 : i32
      %dma_start3A_67 = tpu.memref_slice %arg4[%add3A_64, %dma_start3A_65, %dma_start3A_66] : memref<2048x2048x16xf32, #tpu.memory_space<hbm>> -> memref<1x2048x16xf32, #tpu.memory_space<hbm>>
      %dma_start3A_68 = tpu.memref_squeeze %dma_start3A_67 : memref<1x2048x16xf32, #tpu.memory_space<hbm>> -> memref<2048x16xf32, #tpu.memory_space<hbm>>
      %dma_start3A_69 = arith.constant 0 : i32
      %dma_start3A_70 = arith.constant 0 : i32
      %dma_start3A_71 = tpu.memref_slice %arg4[%add3A_64, %dma_start3A_69, %dma_start3A_70] : memref<2048x2048x16xf32, #tpu.memory_space<hbm>> -> memref<1x2048x16xf32, #tpu.memory_space<hbm>>
      %dma_start3A_72 = tpu.memref_squeeze %dma_start3A_71 : memref<1x2048x16xf32, #tpu.memory_space<hbm>> -> memref<2048x16xf32, #tpu.memory_space<hbm>>
      tpu.enqueue_dma source(%arg8 : memref<2048x16xf32, #tpu.memory_space<vmem>>) target(%dma_start3A_72 : memref<2048x16xf32, #tpu.memory_space<hbm>>) target_semaphore(%arg10 : memref<!tpu.dma_semaphore, #tpu.memory_space<semaphore_mem>>)
    }
    %scan3A_7 = arith.constant 32 : i32
    %dma_wait3A = arith.constant 0 : i32
    %dma_wait3A_8 = arith.constant 0 : i32
    %dma_wait3A_9 = arith.constant 0 : i32
    %dma_wait3A_10 = tpu.memref_slice %arg4[%dma_wait3A, %dma_wait3A_8, %dma_wait3A_9] : memref<2048x2048x16xf32, #tpu.memory_space<hbm>> -> memref<1x2048x16xf32, #tpu.memory_space<hbm>>
    %dma_wait3A_11 = tpu.memref_squeeze %dma_wait3A_10 : memref<1x2048x16xf32, #tpu.memory_space<hbm>> -> memref<2048x16xf32, #tpu.memory_space<hbm>>
    %dma_wait3A_12 = arith.constant 0 : i32
    %dma_wait3A_13 = arith.constant 0 : i32
    %dma_wait3A_14 = tpu.memref_slice %arg4[%dma_wait3A, %dma_wait3A_12, %dma_wait3A_13] : memref<2048x2048x16xf32, #tpu.memory_space<hbm>> -> memref<1x2048x16xf32, #tpu.memory_space<hbm>>
    %dma_wait3A_15 = tpu.memref_squeeze %dma_wait3A_14 : memref<1x2048x16xf32, #tpu.memory_space<hbm>> -> memref<2048x16xf32, #tpu.memory_space<hbm>>
    tpu.wait_dma2 semaphore(%arg9 : memref<!tpu.dma_semaphore, #tpu.memory_space<semaphore_mem>>) src(%dma_wait3A_15 : memref<2048x16xf32, #tpu.memory_space<hbm>>) dst(%arg7 : memref<2048x16xf32, #tpu.memory_space<vmem>>)
    %dma_wait3A_16 = arith.constant 0 : i32
    %dma_wait3A_17 = arith.constant 0 : i32
    %dma_wait3A_18 = arith.constant 0 : i32
    %dma_wait3A_19 = tpu.memref_slice %arg4[%dma_wait3A_16, %dma_wait3A_17, %dma_wait3A_18] : memref<2048x2048x16xf32, #tpu.memory_space<hbm>> -> memref<1x2048x16xf32, #tpu.memory_space<hbm>>
    %dma_wait3A_20 = tpu.memref_squeeze %dma_wait3A_19 : memref<1x2048x16xf32, #tpu.memory_space<hbm>> -> memref<2048x16xf32, #tpu.memory_space<hbm>>
    %dma_wait3A_21 = arith.constant 0 : i32
    %dma_wait3A_22 = arith.constant 0 : i32
    %dma_wait3A_23 = tpu.memref_slice %arg4[%dma_wait3A_16, %dma_wait3A_21, %dma_wait3A_22] : memref<2048x2048x16xf32, #tpu.memory_space<hbm>> -> memref<1x2048x16xf32, #tpu.memory_space<hbm>>
    %dma_wait3A_24 = tpu.memref_squeeze %dma_wait3A_23 : memref<1x2048x16xf32, #tpu.memory_space<hbm>> -> memref<2048x16xf32, #tpu.memory_space<hbm>>
    tpu.wait_dma2 semaphore(%arg10 : memref<!tpu.dma_semaphore, #tpu.memory_space<semaphore_mem>>) src(%dma_wait3A_24 : memref<2048x16xf32, #tpu.memory_space<hbm>>) dst(%arg8 : memref<2048x16xf32, #tpu.memory_space<vmem>>)
    return
  }
}

</mosaic_0001>

<sc_bundles>
// kernel: kernel.4.cloned.1.call-start
scs
__scs_entry_jumppad:
0x0: {  	(pc) =	sbr.rel $0x88, $3  }
0x1: {  	(tag) =	ssettag $0x0;
	lr =	simm.s32 $0x1  }
0x2: {  	[smem:$0x3F9E] =	sst lr;
	_ =	strace $0xD0000000  }
0x3: {  	_ = 	snop  }
0x4: {  	_ = 	snop  }
0x5: {  	_ = 	snop  }
0x6: {  	_ = 	snop  }
0x7: {  	_ = 	snop  }
__scs_overlays_trampoline_lowered:
0x8: {  	[smem:$0x3FAD] =	sst s0  }
0x9: {  	[smem:$0x3FAE] =	sst s1  }
0xa: {  	[smem:$0x3FAF] =	sst s2  }
0xb: {  	[smem:$0x3FB0] =	sst s3  }
0xc: {  	[smem:$0x3FB1] =	sst s4  }
0xd: {  	[smem:$0x3FB2] =	sst s5  }
0xe: {  	[smem:$0x3FB3] =	sst s6  }
0xf: {  	[smem:$0x3FB4] =	sst s7  }
0x10: {  	[smem:$0x3FB5] =	sst s8  }
0x11: {  	[smem:$0x3FB6] =	sst s9;
	s0 =	simm.s32 @!p0 $0x0  }
0x12: {  	s1 =	sld [smem:$0x3F9C];
	s0 =	simm.s32 @p0 $0x1  }
0x13: {  	[smem:$0x3FB7] =	sst s0;
	s0 =	simm.s32 @!p1 $0x0  }
0x14: {  	s2 =	sld [smem:$0x3F9B];
	s0 =	simm.s32 @p1 $0x1  }
0x15: {  	[smem:$0x3FB8] =	sst s0;
	s0 =	simm.s32 @!p2 $0x0  }
0x16: {  	s3 =	sld [smem:$0x3FDB];
	s0 =	simm.s32 @p2 $0x1  }
0x17: {  	s4 =	simm.s32 $0x1BF5;
	[smem:$0x3FBA] =	sst s0  }
0x18: {  	s0 =	sld [smem:$0x3F9D];
	_ =	swait.ge [sflag:s4], $0x0  }
0x19: {  	s7 =	sld [smem:$0x3F9E]  }
0x1a: {  	s8 =	sadd.s32 $0xFFFFE003, lr  }
0x1b: {  	s9 =	sadd.s32 $0xFFFFFEF7, lr;
	s5 =	simm.s32 $0xFFFFFFFF;
	p2 =	slt.u32 s8, $0xFFFFF086  }
0x1c: {  	p1 =	slt.u32 s9, $0xF7A;
	s5 =	simm.s32 @!p2 $0x0  }
0x1d: {  	s5 =	simm.s32 @p1 $0x1;
	p0 =	seq.s32 s7, s2  }
0x1e: {  	s7 =	smul.u32 @!p0 $0xF7A, s2;
	p2 =	seq.s32 @!p0 s5, $0x0  }
0x1f: {  	s9 =	smul.u32 $0xF7A, s1;
	s8 =	simm.s32 @!p0 $0x1BF5;
	p2 =	por !p2, p0  }
0x20: {  	[sflag:s8] =	ssyncset.s32 @!p0 $0xFFFFF086;
	s6 =	sadd.s32 @!p0 s3, s7;
	s7 =	simm.s32 @!p0 $0x108  }
0x21: {  	s3 =	sadd.s32 s3, s9;
	s6 =	sadd.s32 @!p0 $0x88, s6;
	s7 =	simm.s32 @p2 $0x1082  }
0x22: {  	[simem:s7], [sflag:s8] =	dma.local @!p0 [hbm:s6], $0xF7A  }
0x23: {  	s9 =	sor.u32 $0xD0000000, s2;
	s6 =	simm.s32 $0x108;
	_ =	swait.ge @!p0 [sflag:s8], $0x0  }
0x24: {  	s3 =	sadd.s32 $0x88, s3;
	s6 =	simm.s32 @!p1 $0x1082;
	[sflag:s4] =	ssyncset.s32 $0xFFFFF086  }
0x25: {  	[simem:s6], [sflag:s4] =	dma.local [hbm:s3], $0xF7A  }
0x26: {  	[smem:$0x3F9E] =	sst s1;
	(tag) =	ssettag s2;
	_ =	strace s9  }
0x27: {  	s1 =	sld [smem:$0x3FAE]  }
0x28: {  	s2 =	sld [smem:$0x3FAF]  }
0x29: {  	s4 =	sld [smem:$0x3FB1]  }
0x2a: {  	p0 =	seq.s32 s5, $0x0;
	s5 =	sld [smem:$0x3FB2]  }
0x2b: {  	s6 =	sld [smem:$0x3FB3]  }
0x2c: {  	s7 =	sld [smem:$0x3FB4]  }
0x2d: {  	s3 =	simm.s32 $0x108;
	s8 =	sld [smem:$0x3FB5]  }
0x2e: {  	s3 =	simm.s32 @!p0 $0x1082;
	s9 =	sld [smem:$0x3FB6]  }
0x2f: {  	lr =	sadd.s32 s0, s3;
	s0 =	sld [smem:$0x3FAD]  }
0x30: {  	s3 =	sld [smem:$0x3FB0]  }
0x31: {  	[smem:$0x3FB9] =	sst s10  }
0x32: {  	s10 =	sld [smem:$0x3FB7];
	_ =	sdelay $0x3  }
0x33: {  	p0 =	seq.s32 s10, $0x1;
	s10 =	sld [smem:$0x3FB9];
	_ =	sdelay $0x3  }
0x34: {  	[smem:$0x3FB9] =	sst s10  }
0x35: {  	s10 =	sld [smem:$0x3FB8];
	_ =	sdelay $0x3  }
0x36: {  	p1 =	seq.s32 s10, $0x1;
	s10 =	sld [smem:$0x3FB9];
	_ =	sdelay $0x3  }
0x37: {  	[smem:$0x3FB9] =	sst s10  }
0x38: {  	s10 =	sld [smem:$0x3FBA]  }
0x39: {  	_ = 	snop;
	(pc) =	sbr.ind lr, $3  }
0x3a: {  	_ = 	snop  }
0x3b: {  	_ = 	snop  }
0x3c: {  	p2 =	seq.s32 s10, $0x1;
	s10 =	sld [smem:$0x3FB9]  }
0x3d: {  	_ =	shalt  }
0x3e: {  	_ =	shalt  }
0x3f: {  	_ =	shalt  }
0x40: {  	_ =	shalt  }
0x41: {  	_ =	shalt  }
0x42: {  	_ =	shalt  }
0x43: {  	_ =	shalt  }
0x44: {  	_ =	shalt  }
0x45: {  	_ =	shalt  }
0x46: {  	_ =	shalt  }
0x47: {  	_ =	shalt  }
0x48: {  	_ =	shalt  }
0x49: {  	_ =	shalt  }
0x4a: {  	_ =	shalt  }
0x4b: {  	_ =	shalt  }
0x4c: {  	_ =	shalt  }
0x4d: {  	_ =	shalt  }
0x4e: {  	_ =	shalt  }
0x4f: {  	_ =	shalt  }
0x50: {  	_ =	shalt  }
0x51: {  	_ =	shalt  }
0x52: {  	_ =	shalt  }
0x53: {  	_ =	shalt  }
0x54: {  	_ =	shalt  }
0x55: {  	_ =	shalt  }
0x56: {  	_ =	shalt  }
0x57: {  	_ =	shalt  }
0x58: {  	_ =	shalt  }
0x59: {  	_ =	shalt  }
0x5a: {  	_ =	shalt  }
0x5b: {  	_ =	shalt  }
0x5c: {  	_ =	shalt  }
0x5d: {  	_ =	shalt  }
0x5e: {  	_ =	shalt  }
0x5f: {  	_ =	shalt  }
0x60: {  	_ =	shalt  }
0x61: {  	_ =	shalt  }
0x62: {  	_ =	shalt  }
0x63: {  	_ =	shalt  }
0x64: {  	_ =	shalt  }
0x65: {  	_ =	shalt  }
0x66: {  	_ =	shalt  }
0x67: {  	_ =	shalt  }
0x68: {  	_ =	shalt  }
0x69: {  	_ =	shalt  }
0x6a: {  	_ =	shalt  }
0x6b: {  	_ =	shalt  }
0x6c: {  	_ =	shalt  }
0x6d: {  	_ =	shalt  }
0x6e: {  	_ =	shalt  }
0x6f: {  	_ =	shalt  }
0x70: {  	_ =	shalt  }
0x71: {  	_ =	shalt  }
0x72: {  	_ =	shalt  }
0x73: {  	_ =	shalt  }
0x74: {  	_ =	shalt  }
0x75: {  	_ =	shalt  }
0x76: {  	_ =	shalt  }
0x77: {  	_ =	shalt  }
0x78: {  	_ =	shalt  }
0x79: {  	_ =	shalt  }
0x7a: {  	_ =	shalt  }
0x7b: {  	_ =	shalt  }
0x7c: {  	_ =	shalt  }
0x7d: {  	_ =	shalt  }
0x7e: {  	_ =	shalt  }
0x7f: {  	_ =	shalt  }
0x80: {  	_ =	shalt  }
0x81: {  	_ =	shalt  }
0x82: {  	_ =	shalt  }
0x83: {  	_ =	shalt  }
0x84: {  	_ =	shalt  }
0x85: {  	_ =	shalt  }
0x86: {  	_ =	shalt  }
0x87: {  	_ =	shalt  }
.Lfunc_end0:
.L_simem_size_0:
called_computation.1_lowered:
.L_overlay_start_0:
0x88: {  	s2 =	sld [smem:$0x3FD9]  }
0x89: {  	s3 =	sld [smem:$0x3FFE];
	_ =	sdelay $0x1  }
0x8a: {  	s1 =	srdreg.scid  }
0x8b: {  	s0 =	sand.u32 $0x1, s1  }
0x8c: {  	s17 =	sshll.u32 s0, $0xA;
	s2 =	sadd.s32 s3, s2  }
0x8d: {  	s2 =	sadd.s32 s2, s17  }
0x8e: {  	[smem:$0x3FC5] =	sst s2  }
0x8f: {  	_ = 	snop  }
0x90: {  	s2 =	sld [smem:$0x3FC7]  }
0x91: {  	s18 =	sld [smem:$0x3FD0];
	(tm) =	ssettm $0x1  }
0x92: {  	s4 =	sld [smem:$0x3FFB];
	_ =	sdelay $0x3  }
0x93: {  	_ =	strace s4  }
0x94: {  	s4 =	sld [smem:$0x3FFC];
	_ =	sdelay $0x3  }
0x95: {  	_ =	strace s4  }
0x96: {  	s4 =	sld [smem:$0x3FFD];
	_ =	sdelay $0x3  }
0x97: {  	_ =	strace s4  }
0x98: {  	_ =	strace $0x8FFFFFFF  }
0x99: {  	s19 =	sld [smem:$0x3FDB];
	_ =	sdelay $0x1  }
0x9a: {  	s5 =	simm.s32 $_scs_section_size  }
0x9b: {  	s6 =	simm.s32 $_size__tile_overlayer_lowered;
	s7 =	simm.s32 $_tile_overlayer_lowered  }
0x9c: {  	s22 =	simm.s32 $0x1BFF;
	s21 =	sshll.u32 s7, $0x1;
	s4 =	sadd.s32 s5, s19  }
0x9d: {  	s8 =	simm.s32 $0x0;
	s20 =	sshll.u32 s6, $0x1;
	s6 =	sadd.s32 s21, s4  }
0x9e: {  	[timem:s8], [sflag:s22] =	dma.local [hbm:s6], s20  }
0x9f: {  	_ =	swait.ge [sflag:s22], s20  }
0xa0: {  	s5 =	ssub.s32 $0x0, s20;
	[sflag:s22] =	ssyncset.done $0x0  }
0xa1: {  	[sflag:s22] =	ssyncadd.s32 s5;
	_ =	sdelay $0x1  }
0xa2: {  	s23 =	simm.s32 $0x1B8B  }
0xa3: {  	_ =	swait.ge [sflag:s23], $0x1  }
0xa4: {  	[sflag:s23] =	ssyncset.done $0x0  }
0xa5: {  	s25 =	simm.s32 $0x1B8E;
	s24 =	sld [smem:$0x3FFE];
	[sflag:s23] =	ssyncadd.s32 $0xFFFFFFFF  }
0xa6: {  	s26 =	simm.s32 $execute0_lowered;
	[smem:$0x3FD2] =	sst s25  }
0xa7: {  	s6 =	sshll.u32 s26, $0x1;
	_ =	strace $0x80000046;
	[dreg:$0x1] =	wrdreg $0xFFFFFFFF  }
0xa8: {  	s28 =	simm.s32 $_size_execute0_lowered;
	s4 =	sadd.s32 s4, s6;
	[dreg:$0x0] =	wrdreg $0x0  }
0xa9: {  	s6 =	sshll.u32 s28, $0x1;
	[dreg:$0x2] =	wrdreg s4  }
0xaa: {  	[dreg:$0x3] =	wrdreg s6  }
0xab: {  	[dreg:$0x4] =	wrdreg $0xC0  }
0xac: {  	_ =	task [dreg:s8], $0x5FFFF  }
0xad: {  	[dreg:$0x1] =	wrdreg $0xFFFFFFFF  }
0xae: {  	[dreg:$0x0] =	wrdreg $0x60  }
0xaf: {  	[dreg:$0x2] =	wrdreg s18  }
0xb0: {  	[dreg:$0x3] =	wrdreg s2  }
0xb1: {  	[dreg:$0x4] =	wrdreg s24  }
0xb2: {  	[dreg:$0x5] =	wrdreg $0x9  }
0xb3: {  	_ =	task.clear_ibuf [dreg:s8], $0x6FFFF;
	_ =	strace $0x90000046  }
0xb4: {  	s29 =	simm.s32 $0x9;
	_ =	strace $0x80000048  }
0xb5: {  	_ =	swait.ge [sflag:s29], $0x1  }
0xb6: {  	[sflag:s29] =	ssyncadd.s32 $0xFFFFFFFF  }
0xb7: {  	_ =	strace $0x90000048  }
0xb8: {  	_ =	sfence  }
0xb9: {  	s30 =	sld [smem:$0x0];
	_ =	sdelay $0x2  }
0xba: {  	s31 =	sshll.u32 s1, $0xD;
	s1 =	sshrl.u32 s1, $0x2  }
0xbb: {  	s3 =	sand.u32 $0x4000, s31;
	s1 =	sadd.s32 s1, s30  }
0xbc: {  	s0 =	sor.u32 s3, s0;
	s1 =	sshll.u32 s1, $0x11  }
0xbd: {  	s0 =	sor.u32 s1, s0  }
0xbe: {  	s0 =	sadd.s32 $0x8F2B, s0  }
0xbf: {  	[sflag:s0] =	ssyncadd.remote.s32 $0x1  }
0xc0: {  	_ =	sfence.sel $0xFFFF  }
0xc1: {  	[dreg:$0x0] =	wrdreg $0xFFFFFFFF;
	(pc) =	sbr.abs _section_cstart, $3  }
0xc2: {  	[dreg:$0x1] =	wrdreg $0xFFFFFFFF  }
0xc3: {  	_ =	task.clear_ibuf [dreg:s8], $0x2FFFF;
	_ =	strace $0x9FFFFFFF  }
0xc4: {  	(tm) =	ssettm $0x7FFFFFFF  }
0xc5: {  	_ =	shalt  }
tec
execute0_lowered:
.L_overlay_start_1:
0x0: {  	(tag) =	ssettag $0x1  }
0x1: {  	s0 =	srdreg.scid  }
0x2: {  	s8 =	sand.u32 $0x1, s0;
	s0 =	stileid.u32  }
0x3: {  	s4 =	sshll.u32 s0, $0x1;
	s5 =	ssub.s32 $0x0, s8  }
0x4: {  	p0 =	sne.s32 s4, s5  }
.Ltmp0:
0x5: {  	_ = 	snop;
	(pc) =	sbr.rel @p0 .LBB2_4-.Ltmp0, $4  }
0x6: {  	s2 =	rddreg [dreg:$0x0]  }
0x7: {  	s3 =	rddreg [dreg:$0x1]  }
0x8: {  	s7 =	rddreg [dreg:$0x2]  }
0x9: {  	s1 =	rddreg [dreg:$0x3];
	_ =	strace $0x80000047  }
0xa: {  	s5 =	simm.s32 $0x0;
	s4 =	simm.s32 $0x1  }
0xb: {  	[tilespmem:s5], [sflag:$0x1] =	stream.linear.gather [hbm4b:s2+s5], $0x160, $0x38;
	[tilespmem:$0x2D0] =	vst v63  }
0xc: {  	v0 =	vlaneseq.u32;
	_ =	swait.ge [sflag:s4], $0x160  }
0xd: {  	v0 =	vmul.u32 $0x16, v0;
	[sflag:s4] =	ssyncset.done $0x0  }
0xe: {  	s6 =	simm.s32 $0x160;
	[sflag:s4] =	ssyncadd.s32 $0xFFFFFEA0  }
0xf: {  	[tilespmem:s6], [sflag:$0x1] =	stream.linear.gather [hbm4b:s3+s5], $0x10, $0x38;
	[tilespmem:$0x2D0] =	vst v63  }
0x10: {  	_ =	swait.ge [sflag:s4], $0x10  }
0x11: {  	[sflag:s4] =	ssyncset.done $0x0  }
0x12: {  	[sflag:s4] =	ssyncadd.s32 $0xFFFFFFF0  }
0x13: {  	v2 =	vld.idx.msk [tilespmem:v0+s5+$0x0], $0xffff  }
0x14: {  	v22 =	vld [tilespmem:$0x160];
	_ =	sdelay $0x2  }
0x15: {  	v1 =	vor.u32 $0x1, v0;
	_ =	sdelay $0x1  }
0x16: {  	v2 =	vadd.f32 v2, v22;
	_ =	sdelay $0x1  }
0x17: {  	[tilespmem:$0x170] =	vst v2  }
0x18: {  	v3 =	vld.idx.msk [tilespmem:v1+s5+$0x0], $0xffff;
	_ =	sdelay $0x2  }
0x19: {  	v2 =	vadd.s32 $0x2, v0;
	_ =	sdelay $0x1  }
0x1a: {  	v3 =	vadd.f32 v3, v22;
	_ =	sdelay $0x1  }
0x1b: {  	[tilespmem:$0x180] =	vst v3  }
0x1c: {  	v4 =	vld.idx.msk [tilespmem:v2+s5+$0x0], $0xffff;
	_ =	sdelay $0x2  }
0x1d: {  	v3 =	vadd.s32 $0x3, v0;
	_ =	sdelay $0x1  }
0x1e: {  	v4 =	vadd.f32 v4, v22;
	_ =	sdelay $0x1  }
0x1f: {  	[tilespmem:$0x190] =	vst v4  }
0x20: {  	v5 =	vld.idx.msk [tilespmem:v3+s5+$0x0], $0xffff;
	_ =	sdelay $0x2  }
0x21: {  	v4 =	vadd.s32 $0x4, v0;
	_ =	sdelay $0x1  }
0x22: {  	v5 =	vadd.f32 v5, v22;
	_ =	sdelay $0x1  }
0x23: {  	[tilespmem:$0x1A0] =	vst v5  }
0x24: {  	v6 =	vld.idx.msk [tilespmem:v4+s5+$0x0], $0xffff;
	_ =	sdelay $0x2  }
0x25: {  	v5 =	vadd.s32 $0x5, v0;
	_ =	sdelay $0x1  }
0x26: {  	v6 =	vadd.f32 v6, v22;
	_ =	sdelay $0x1  }
0x27: {  	[tilespmem:$0x1B0] =	vst v6  }
0x28: {  	v7 =	vld.idx.msk [tilespmem:v5+s5+$0x0], $0xffff;
	_ =	sdelay $0x2  }
0x29: {  	v6 =	vadd.s32 $0x6, v0;
	_ =	sdelay $0x1  }
0x2a: {  	v7 =	vadd.f32 v7, v22;
	_ =	sdelay $0x1  }
0x2b: {  	[tilespmem:$0x1C0] =	vst v7  }
0x2c: {  	v8 =	vld.idx.msk [tilespmem:v6+s5+$0x0], $0xffff;
	_ =	sdelay $0x2  }
0x2d: {  	v7 =	vadd.s32 $0x7, v0;
	_ =	sdelay $0x1  }
0x2e: {  	v8 =	vadd.f32 v8, v22;
	_ =	sdelay $0x1  }
0x2f: {  	[tilespmem:$0x1D0] =	vst v8  }
0x30: {  	v9 =	vld.idx.msk [tilespmem:v7+s5+$0x0], $0xffff;
	_ =	sdelay $0x2  }
0x31: {  	v8 =	vadd.s32 $0x8, v0;
	_ =	sdelay $0x1  }
0x32: {  	v9 =	vadd.f32 v9, v22;
	_ =	sdelay $0x1  }
0x33: {  	[tilespmem:$0x1E0] =	vst v9  }
0x34: {  	v10 =	vld.idx.msk [tilespmem:v8+s5+$0x0], $0xffff;
	_ =	sdelay $0x2  }
0x35: {  	v9 =	vadd.s32 $0x9, v0;
	_ =	sdelay $0x1  }
0x36: {  	v10 =	vadd.f32 v10, v22;
	_ =	sdelay $0x1  }
0x37: {  	[tilespmem:$0x1F0] =	vst v10  }
0x38: {  	v11 =	vld.idx.msk [tilespmem:v9+s5+$0x0], $0xffff;
	_ =	sdelay $0x2  }
0x39: {  	v10 =	vadd.s32 $0xA, v0;
	_ =	sdelay $0x1  }
0x3a: {  	v11 =	vadd.f32 v11, v22;
	_ =	sdelay $0x1  }
0x3b: {  	[tilespmem:$0x200] =	vst v11  }
0x3c: {  	v12 =	vld.idx.msk [tilespmem:v10+s5+$0x0], $0xffff;
	_ =	sdelay $0x2  }
0x3d: {  	v11 =	vadd.s32 $0xB, v0;
	_ =	sdelay $0x1  }
0x3e: {  	v12 =	vadd.f32 v12, v22;
	_ =	sdelay $0x1  }
0x3f: {  	[tilespmem:$0x210] =	vst v12  }
0x40: {  	v13 =	vld.idx.msk [tilespmem:v11+s5+$0x0], $0xffff;
	_ =	sdelay $0x2  }
0x41: {  	v12 =	vadd.s32 $0xC, v0;
	_ =	sdelay $0x1  }
0x42: {  	v13 =	vadd.f32 v13, v22;
	_ =	sdelay $0x1  }
0x43: {  	[tilespmem:$0x220] =	vst v13  }
0x44: {  	v14 =	vld.idx.msk [tilespmem:v12+s5+$0x0], $0xffff;
	_ =	sdelay $0x2  }
0x45: {  	v13 =	vadd.s32 $0xD, v0;
	_ =	sdelay $0x1  }
0x46: {  	v14 =	vadd.f32 v14, v22;
	_ =	sdelay $0x1  }
0x47: {  	[tilespmem:$0x230] =	vst v14  }
0x48: {  	v15 =	vld.idx.msk [tilespmem:v13+s5+$0x0], $0xffff;
	_ =	sdelay $0x2  }
0x49: {  	v14 =	vadd.s32 $0xE, v0;
	_ =	sdelay $0x1  }
0x4a: {  	v15 =	vadd.f32 v15, v22;
	_ =	sdelay $0x1  }
0x4b: {  	[tilespmem:$0x240] =	vst v15  }
0x4c: {  	v16 =	vld.idx.msk [tilespmem:v14+s5+$0x0], $0xffff;
	_ =	sdelay $0x2  }
0x4d: {  	v15 =	vadd.s32 $0xF, v0;
	_ =	sdelay $0x1  }
0x4e: {  	v16 =	vadd.f32 v16, v22;
	_ =	sdelay $0x1  }
0x4f: {  	[tilespmem:$0x250] =	vst v16  }
0x50: {  	v17 =	vld.idx.msk [tilespmem:v15+s5+$0x0], $0xffff;
	_ =	sdelay $0x2  }
0x51: {  	v16 =	vadd.s32 $0x10, v0;
	_ =	sdelay $0x1  }
0x52: {  	v17 =	vadd.f32 v17, v22;
	_ =	sdelay $0x1  }
0x53: {  	[tilespmem:$0x260] =	vst v17  }
0x54: {  	v18 =	vld.idx.msk [tilespmem:v16+s5+$0x0], $0xffff;
	_ =	sdelay $0x2  }
0x55: {  	v17 =	vadd.s32 $0x11, v0;
	_ =	sdelay $0x1  }
0x56: {  	v18 =	vadd.f32 v18, v22;
	_ =	sdelay $0x1  }
0x57: {  	[tilespmem:$0x270] =	vst v18  }
0x58: {  	v19 =	vld.idx.msk [tilespmem:v17+s5+$0x0], $0xffff;
	_ =	sdelay $0x2  }
0x59: {  	v18 =	vadd.s32 $0x12, v0;
	_ =	sdelay $0x1  }
0x5a: {  	v19 =	vadd.f32 v19, v22;
	_ =	sdelay $0x1  }
0x5b: {  	[tilespmem:$0x280] =	vst v19  }
0x5c: {  	v20 =	vld.idx.msk [tilespmem:v18+s5+$0x0], $0xffff;
	_ =	sdelay $0x2  }
0x5d: {  	v19 =	vadd.s32 $0x13, v0;
	_ =	sdelay $0x1  }
0x5e: {  	v20 =	vadd.f32 v20, v22;
	_ =	sdelay $0x1  }
0x5f: {  	[tilespmem:$0x290] =	vst v20  }
0x60: {  	v21 =	vld.idx.msk [tilespmem:v19+s5+$0x0], $0xffff;
	_ =	sdelay $0x2  }
0x61: {  	v20 =	vadd.s32 $0x14, v0;
	_ =	sdelay $0x1  }
0x62: {  	v21 =	vadd.f32 v21, v22;
	_ =	sdelay $0x1  }
0x63: {  	[tilespmem:$0x2A0] =	vst v21  }
0x64: {  	v23 =	vld.idx.msk [tilespmem:v20+s5+$0x0], $0xffff;
	_ =	sdelay $0x2  }
0x65: {  	v21 =	vadd.s32 $0x15, v0;
	_ =	sdelay $0x1  }
0x66: {  	v23 =	vadd.f32 v23, v22;
	_ =	sdelay $0x1  }
0x67: {  	[tilespmem:$0x2B0] =	vst v23  }
0x68: {  	v23 =	vld.idx.msk [tilespmem:v21+s5+$0x0], $0xffff  }
0x69: {  	s8 =	ssub.s32 $0x2, s8  }
0x6a: {  	s9 =	sshrl.u32 s8, $0x1  }
0x6b: {  	s8 =	ssub.s32 s8, s9  }
0x6c: {  	s9 =	smax.u32 s8, $0x1  }
0x6d: {  	p0 =	sne.s32 s9, $0x1;
	v22 =	vadd.f32 v23, v22  }
.Ltmp1:
0x6e: {  	_ = 	snop;
	(pc) =	sbr.rel @!p0 .LBB2_3-.Ltmp1, $4  }
0x6f: {  	s7 =	sadd.s32 $0xC00, s7;
	s8 =	simm.s32 $0x170;
	[tilespmem:$0x2C0] =	vst v22  }
0x70: {  	[hbm4b:s7+s5] =	stream.linear.scatter [tilespmem:s8], [sflag:$0x1], $0x160, $0x38;
	[tilespmem:$0x2D0] =	vst v63  }
0x71: {  	_ =	swait.ge [sflag:s4], $0x160  }
0x72: {  	s9 =	sadd.s32 $0xFFFFFFFF, s9;
	[sflag:s4] =	ssyncset.done $0x0  }
.LBB2_2:
0x73: {  	p0 =	sne.s32 s9, $0x1;
	s9 =	sadd.s32 $0xFFFFFFFF, s9;
	[sflag:s4] =	ssyncadd.s32 $0xFFFFFEA0  }
0x74: {  	[tilespmem:s5], [sflag:$0x1] =	stream.linear.gather [hbm4b:s2+s5], $0x160, $0x38;
	[tilespmem:$0x2D0] =	vst v63  }
0x75: {  	_ =	swait.ge [sflag:s4], $0x160  }
0x76: {  	[sflag:s4] =	ssyncset.done $0x0  }
0x77: {  	[sflag:s4] =	ssyncadd.s32 $0xFFFFFEA0  }
0x78: {  	[tilespmem:s6], [sflag:$0x1] =	stream.linear.gather [hbm4b:s3+s5], $0x10, $0x38;
	[tilespmem:$0x2D0] =	vst v63  }
0x79: {  	_ =	swait.ge [sflag:s4], $0x10  }
0x7a: {  	[sflag:s4] =	ssyncset.done $0x0  }
0x7b: {  	[sflag:s4] =	ssyncadd.s32 $0xFFFFFFF0  }
0x7c: {  	v23 =	vld.idx.msk [tilespmem:v0+s5+$0x0], $0xffff  }
0x7d: {  	v22 =	vld [tilespmem:$0x160];
	_ =	sdelay $0x4  }
0x7e: {  	v23 =	vadd.f32 v23, v22;
	_ =	sdelay $0x1  }
0x7f: {  	[tilespmem:$0x170] =	vst v23  }
0x80: {  	v23 =	vld.idx.msk [tilespmem:v1+s5+$0x0], $0xffff;
	_ =	sdelay $0x5  }
0x81: {  	v23 =	vadd.f32 v23, v22;
	_ =	sdelay $0x1  }
0x82: {  	[tilespmem:$0x180] =	vst v23  }
0x83: {  	v23 =	vld.idx.msk [tilespmem:v2+s5+$0x0], $0xffff;
	_ =	sdelay $0x5  }
0x84: {  	v23 =	vadd.f32 v23, v22;
	_ =	sdelay $0x1  }
0x85: {  	[tilespmem:$0x190] =	vst v23  }
0x86: {  	v23 =	vld.idx.msk [tilespmem:v3+s5+$0x0], $0xffff;
	_ =	sdelay $0x5  }
0x87: {  	v23 =	vadd.f32 v23, v22;
	_ =	sdelay $0x1  }
0x88: {  	[tilespmem:$0x1A0] =	vst v23  }
0x89: {  	v23 =	vld.idx.msk [tilespmem:v4+s5+$0x0], $0xffff;
	_ =	sdelay $0x5  }
0x8a: {  	v23 =	vadd.f32 v23, v22;
	_ =	sdelay $0x1  }
0x8b: {  	[tilespmem:$0x1B0] =	vst v23  }
0x8c: {  	v23 =	vld.idx.msk [tilespmem:v5+s5+$0x0], $0xffff;
	_ =	sdelay $0x5  }
0x8d: {  	v23 =	vadd.f32 v23, v22;
	_ =	sdelay $0x1  }
0x8e: {  	[tilespmem:$0x1C0] =	vst v23  }
0x8f: {  	v23 =	vld.idx.msk [tilespmem:v6+s5+$0x0], $0xffff;
	_ =	sdelay $0x5  }
0x90: {  	v23 =	vadd.f32 v23, v22;
	_ =	sdelay $0x1  }
0x91: {  	[tilespmem:$0x1D0] =	vst v23  }
0x92: {  	v23 =	vld.idx.msk [tilespmem:v7+s5+$0x0], $0xffff;
	_ =	sdelay $0x5  }
0x93: {  	v23 =	vadd.f32 v23, v22;
	_ =	sdelay $0x1  }
0x94: {  	[tilespmem:$0x1E0] =	vst v23  }
0x95: {  	v23 =	vld.idx.msk [tilespmem:v8+s5+$0x0], $0xffff;
	_ =	sdelay $0x5  }
0x96: {  	v23 =	vadd.f32 v23, v22;
	_ =	sdelay $0x1  }
0x97: {  	[tilespmem:$0x1F0] =	vst v23  }
0x98: {  	v23 =	vld.idx.msk [tilespmem:v9+s5+$0x0], $0xffff;
	_ =	sdelay $0x5  }
0x99: {  	v23 =	vadd.f32 v23, v22;
	_ =	sdelay $0x1  }
0x9a: {  	[tilespmem:$0x200] =	vst v23  }
0x9b: {  	v23 =	vld.idx.msk [tilespmem:v10+s5+$0x0], $0xffff;
	_ =	sdelay $0x5  }
0x9c: {  	v23 =	vadd.f32 v23, v22;
	_ =	sdelay $0x1  }
0x9d: {  	[tilespmem:$0x210] =	vst v23  }
0x9e: {  	v23 =	vld.idx.msk [tilespmem:v11+s5+$0x0], $0xffff;
	_ =	sdelay $0x5  }
0x9f: {  	v23 =	vadd.f32 v23, v22;
	_ =	sdelay $0x1  }
0xa0: {  	[tilespmem:$0x220] =	vst v23  }
0xa1: {  	v23 =	vld.idx.msk [tilespmem:v12+s5+$0x0], $0xffff;
	_ =	sdelay $0x5  }
0xa2: {  	v23 =	vadd.f32 v23, v22;
	_ =	sdelay $0x1  }
0xa3: {  	[tilespmem:$0x230] =	vst v23  }
0xa4: {  	v23 =	vld.idx.msk [tilespmem:v13+s5+$0x0], $0xffff;
	_ =	sdelay $0x5  }
0xa5: {  	v23 =	vadd.f32 v23, v22;
	_ =	sdelay $0x1  }
0xa6: {  	[tilespmem:$0x240] =	vst v23  }
0xa7: {  	v23 =	vld.idx.msk [tilespmem:v14+s5+$0x0], $0xffff;
	_ =	sdelay $0x5  }
0xa8: {  	v23 =	vadd.f32 v23, v22;
	_ =	sdelay $0x1  }
0xa9: {  	[tilespmem:$0x250] =	vst v23  }
0xaa: {  	v23 =	vld.idx.msk [tilespmem:v15+s5+$0x0], $0xffff;
	_ =	sdelay $0x5  }
0xab: {  	v23 =	vadd.f32 v23, v22;
	_ =	sdelay $0x1  }
0xac: {  	[tilespmem:$0x260] =	vst v23  }
0xad: {  	v23 =	vld.idx.msk [tilespmem:v16+s5+$0x0], $0xffff;
	_ =	sdelay $0x5  }
0xae: {  	v23 =	vadd.f32 v23, v22;
	_ =	sdelay $0x1  }
0xaf: {  	[tilespmem:$0x270] =	vst v23  }
0xb0: {  	v23 =	vld.idx.msk [tilespmem:v17+s5+$0x0], $0xffff;
	_ =	sdelay $0x5  }
0xb1: {  	v23 =	vadd.f32 v23, v22;
	_ =	sdelay $0x1  }
0xb2: {  	[tilespmem:$0x280] =	vst v23  }
0xb3: {  	v23 =	vld.idx.msk [tilespmem:v18+s5+$0x0], $0xffff;
	_ =	sdelay $0x5  }
0xb4: {  	v23 =	vadd.f32 v23, v22;
	_ =	sdelay $0x1  }
0xb5: {  	[tilespmem:$0x290] =	vst v23  }
0xb6: {  	v23 =	vld.idx.msk [tilespmem:v19+s5+$0x0], $0xffff;
	_ =	sdelay $0x5  }
0xb7: {  	v23 =	vadd.f32 v23, v22;
	_ =	sdelay $0x1  }
0xb8: {  	[tilespmem:$0x2A0] =	vst v23  }
0xb9: {  	v23 =	vld.idx.msk [tilespmem:v20+s5+$0x0], $0xffff;
	_ =	sdelay $0x5  }
0xba: {  	v23 =	vadd.f32 v23, v22;
	_ =	sdelay $0x1  }
0xbb: {  	[tilespmem:$0x2B0] =	vst v23  }
0xbc: {  	v23 =	vld.idx.msk [tilespmem:v21+s5+$0x0], $0xffff;
	_ =	sdelay $0x5  }
0xbd: {  	v22 =	vadd.f32 v23, v22  }
.Ltmp2:
0xbe: {  	(pc) =	sbr.rel @p0 .LBB2_2-.Ltmp2, $4  }
0xbf: {  	[tilespmem:$0x2C0] =	vst v22  }
0xc0: {  	[hbm4b:s7+s5] =	stream.linear.scatter [tilespmem:s8], [sflag:$0x1], $0x160, $0x38;
	[tilespmem:$0x2D0] =	vst v63  }
0xc1: {  	_ =	swait.ge [sflag:s4], $0x160  }
0xc2: {  	[sflag:s4] =	ssyncset.done $0x0  }
.LBB2_3:
0xc3: {  	[sflag:s4] =	ssyncadd.s32 $0xFFFFFEA0  }
.LBB2_4:
0xc4: {  	_ =	sfence.sel $0x180000  }
0xc5: {  	[bflag:$0x0] =	sbarrier.arrive $0xFFFF  }
0xc6: {  	p0 =	sne.s32 s0, $0x0;
	_ =	strace $0x90000047  }
0xc7: {  	s0 =	sadd.s32 @!p0 $0x100000, s1;
	[bflag:$0x2] =	sbarrier.arrive $0xFFFF  }
0xc8: {  	[sflag:s0] =	ssyncadd.tile.s32 @!p0 $0x1;
	_ =	shalt  }
.Lfunc_end2:
_tile_overlayer_lowered:
.L_overlay_start_2:
0xc9: {  	(tag) =	ssettag $0x2  }
0xca: {  	s0 =	rddreg [dreg:$0x0];
	s2 =	stileid.u32  }
0xcb: {  	s1 =	rddreg [dreg:$0x1];
	p0 =	sne.s32 s2, $0x0  }
0xcc: {  	s3 =	rddreg [dreg:$0x2];
	[bflag:$0x3] =	sbarrier.arrive $0xFFFF;
	s2 =	simm.s32 @!p0 $0x1C01  }
0xcd: {  	[timem:s3], [sflag:s2] =	dma.local @!p0 [hbm:s0], s1  }
0xce: {  	s0 =	simm.s32 @!p0 $0x1  }
0xcf: {  	_ =	swait.ge @!p0 [sflag:s0], s1  }
0xd0: {  	s1 =	ssub.s32 @!p0 $0x0, s1;
	[sflag:s0] =	ssyncset.done @!p0 $0x0  }
0xd1: {  	[sflag:s0] =	ssyncadd.s32 @!p0 s1  }
0xd2: {  	[bflag:$0x3] =	sbarrier.arrive $0xFFFF  }
0xd3: {  	_ =	shalt  }

// kernel: kernel.7.cloned.1.call-start
scs
__scs_entry_jumppad:
0x0: {  	(pc) =	sbr.rel $0x88, $3  }
0x1: {  	(tag) =	ssettag $0x0;
	lr =	simm.s32 $0x1  }
0x2: {  	[smem:$0x3F9E] =	sst lr;
	_ =	strace $0xD0000000  }
0x3: {  	_ = 	snop  }
0x4: {  	_ = 	snop  }
0x5: {  	_ = 	snop  }
0x6: {  	_ = 	snop  }
0x7: {  	_ = 	snop  }
__scs_overlays_trampoline_lowered:
0x8: {  	[smem:$0x3FAD] =	sst s0  }
0x9: {  	[smem:$0x3FAE] =	sst s1  }
0xa: {  	[smem:$0x3FAF] =	sst s2  }
0xb: {  	[smem:$0x3FB0] =	sst s3  }
0xc: {  	[smem:$0x3FB1] =	sst s4  }
0xd: {  	[smem:$0x3FB2] =	sst s5  }
0xe: {  	[smem:$0x3FB3] =	sst s6  }
0xf: {  	[smem:$0x3FB4] =	sst s7  }
0x10: {  	[smem:$0x3FB5] =	sst s8  }
0x11: {  	[smem:$0x3FB6] =	sst s9;
	s0 =	simm.s32 @!p0 $0x0  }
0x12: {  	s1 =	sld [smem:$0x3F9C];
	s0 =	simm.s32 @p0 $0x1  }
0x13: {  	[smem:$0x3FB7] =	sst s0;
	s0 =	simm.s32 @!p1 $0x0  }
0x14: {  	s2 =	sld [smem:$0x3F9B];
	s0 =	simm.s32 @p1 $0x1  }
0x15: {  	[smem:$0x3FB8] =	sst s0;
	s0 =	simm.s32 @!p2 $0x0  }
0x16: {  	s3 =	sld [smem:$0x3FDB];
	s0 =	simm.s32 @p2 $0x1  }
0x17: {  	s4 =	simm.s32 $0x1BF5;
	[smem:$0x3FBA] =	sst s0  }
0x18: {  	s0 =	sld [smem:$0x3F9D];
	_ =	swait.ge [sflag:s4], $0x0  }
0x19: {  	s7 =	sld [smem:$0x3F9E]  }
0x1a: {  	s8 =	sadd.s32 $0xFFFFE003, lr  }
0x1b: {  	s9 =	sadd.s32 $0xFFFFFEF7, lr;
	s5 =	simm.s32 $0xFFFFFFFF;
	p2 =	slt.u32 s8, $0xFFFFF086  }
0x1c: {  	p1 =	slt.u32 s9, $0xF7A;
	s5 =	simm.s32 @!p2 $0x0  }
0x1d: {  	s5 =	simm.s32 @p1 $0x1;
	p0 =	seq.s32 s7, s2  }
0x1e: {  	s7 =	smul.u32 @!p0 $0xF7A, s2;
	p2 =	seq.s32 @!p0 s5, $0x0  }
0x1f: {  	s9 =	smul.u32 $0xF7A, s1;
	s8 =	simm.s32 @!p0 $0x1BF5;
	p2 =	por !p2, p0  }
0x20: {  	[sflag:s8] =	ssyncset.s32 @!p0 $0xFFFFF086;
	s6 =	sadd.s32 @!p0 s3, s7;
	s7 =	simm.s32 @!p0 $0x108  }
0x21: {  	s3 =	sadd.s32 s3, s9;
	s6 =	sadd.s32 @!p0 $0x88, s6;
	s7 =	simm.s32 @p2 $0x1082  }
0x22: {  	[simem:s7], [sflag:s8] =	dma.local @!p0 [hbm:s6], $0xF7A  }
0x23: {  	s9 =	sor.u32 $0xD0000000, s2;
	s6 =	simm.s32 $0x108;
	_ =	swait.ge @!p0 [sflag:s8], $0x0  }
0x24: {  	s3 =	sadd.s32 $0x88, s3;
	s6 =	simm.s32 @!p1 $0x1082;
	[sflag:s4] =	ssyncset.s32 $0xFFFFF086  }
0x25: {  	[simem:s6], [sflag:s4] =	dma.local [hbm:s3], $0xF7A  }
0x26: {  	[smem:$0x3F9E] =	sst s1;
	(tag) =	ssettag s2;
	_ =	strace s9  }
0x27: {  	s1 =	sld [smem:$0x3FAE]  }
0x28: {  	s2 =	sld [smem:$0x3FAF]  }
0x29: {  	s4 =	sld [smem:$0x3FB1]  }
0x2a: {  	p0 =	seq.s32 s5, $0x0;
	s5 =	sld [smem:$0x3FB2]  }
0x2b: {  	s6 =	sld [smem:$0x3FB3]  }
0x2c: {  	s7 =	sld [smem:$0x3FB4]  }
0x2d: {  	s3 =	simm.s32 $0x108;
	s8 =	sld [smem:$0x3FB5]  }
0x2e: {  	s3 =	simm.s32 @!p0 $0x1082;
	s9 =	sld [smem:$0x3FB6]  }
0x2f: {  	lr =	sadd.s32 s0, s3;
	s0 =	sld [smem:$0x3FAD]  }
0x30: {  	s3 =	sld [smem:$0x3FB0]  }
0x31: {  	[smem:$0x3FB9] =	sst s10  }
0x32: {  	s10 =	sld [smem:$0x3FB7];
	_ =	sdelay $0x3  }
0x33: {  	p0 =	seq.s32 s10, $0x1;
	s10 =	sld [smem:$0x3FB9];
	_ =	sdelay $0x3  }
0x34: {  	[smem:$0x3FB9] =	sst s10  }
0x35: {  	s10 =	sld [smem:$0x3FB8];
	_ =	sdelay $0x3  }
0x36: {  	p1 =	seq.s32 s10, $0x1;
	s10 =	sld [smem:$0x3FB9];
	_ =	sdelay $0x3  }
0x37: {  	[smem:$0x3FB9] =	sst s10  }
0x38: {  	s10 =	sld [smem:$0x3FBA]  }
0x39: {  	_ = 	snop;
	(pc) =	sbr.ind lr, $3  }
0x3a: {  	_ = 	snop  }
0x3b: {  	_ = 	snop  }
0x3c: {  	p2 =	seq.s32 s10, $0x1;
	s10 =	sld [smem:$0x3FB9]  }
0x3d: {  	_ =	shalt  }
0x3e: {  	_ =	shalt  }
0x3f: {  	_ =	shalt  }
0x40: {  	_ =	shalt  }
0x41: {  	_ =	shalt  }
0x42: {  	_ =	shalt  }
0x43: {  	_ =	shalt  }
0x44: {  	_ =	shalt  }
0x45: {  	_ =	shalt  }
0x46: {  	_ =	shalt  }
0x47: {  	_ =	shalt  }
0x48: {  	_ =	shalt  }
0x49: {  	_ =	shalt  }
0x4a: {  	_ =	shalt  }
0x4b: {  	_ =	shalt  }
0x4c: {  	_ =	shalt  }
0x4d: {  	_ =	shalt  }
0x4e: {  	_ =	shalt  }
0x4f: {  	_ =	shalt  }
0x50: {  	_ =	shalt  }
0x51: {  	_ =	shalt  }
0x52: {  	_ =	shalt  }
0x53: {  	_ =	shalt  }
0x54: {  	_ =	shalt  }
0x55: {  	_ =	shalt  }
0x56: {  	_ =	shalt  }
0x57: {  	_ =	shalt  }
0x58: {  	_ =	shalt  }
0x59: {  	_ =	shalt  }
0x5a: {  	_ =	shalt  }
0x5b: {  	_ =	shalt  }
0x5c: {  	_ =	shalt  }
0x5d: {  	_ =	shalt  }
0x5e: {  	_ =	shalt  }
0x5f: {  	_ =	shalt  }
0x60: {  	_ =	shalt  }
0x61: {  	_ =	shalt  }
0x62: {  	_ =	shalt  }
0x63: {  	_ =	shalt  }
0x64: {  	_ =	shalt  }
0x65: {  	_ =	shalt  }
0x66: {  	_ =	shalt  }
0x67: {  	_ =	shalt  }
0x68: {  	_ =	shalt  }
0x69: {  	_ =	shalt  }
0x6a: {  	_ =	shalt  }
0x6b: {  	_ =	shalt  }
0x6c: {  	_ =	shalt  }
0x6d: {  	_ =	shalt  }
0x6e: {  	_ =	shalt  }
0x6f: {  	_ =	shalt  }
0x70: {  	_ =	shalt  }
0x71: {  	_ =	shalt  }
0x72: {  	_ =	shalt  }
0x73: {  	_ =	shalt  }
0x74: {  	_ =	shalt  }
0x75: {  	_ =	shalt  }
0x76: {  	_ =	shalt  }
0x77: {  	_ =	shalt  }
0x78: {  	_ =	shalt  }
0x79: {  	_ =	shalt  }
0x7a: {  	_ =	shalt  }
0x7b: {  	_ =	shalt  }
0x7c: {  	_ =	shalt  }
0x7d: {  	_ =	shalt  }
0x7e: {  	_ =	shalt  }
0x7f: {  	_ =	shalt  }
0x80: {  	_ =	shalt  }
0x81: {  	_ =	shalt  }
0x82: {  	_ =	shalt  }
0x83: {  	_ =	shalt  }
0x84: {  	_ =	shalt  }
0x85: {  	_ =	shalt  }
0x86: {  	_ =	shalt  }
0x87: {  	_ =	shalt  }
.Lfunc_end0:
.L_simem_size_0:
called_computation.2_lowered:
.L_overlay_start_0:
0x88: {  	s2 =	sld [smem:$0x3FD9]  }
0x89: {  	s3 =	sld [smem:$0x3FFE];
	_ =	sdelay $0x1  }
0x8a: {  	s1 =	srdreg.scid  }
0x8b: {  	s0 =	sand.u32 $0x1, s1  }
0x8c: {  	s17 =	sshll.u32 s0, $0xA;
	s2 =	sadd.s32 s3, s2  }
0x8d: {  	s2 =	sadd.s32 s2, s17  }
0x8e: {  	[smem:$0x3FC5] =	sst s2  }
0x8f: {  	_ = 	snop  }
0x90: {  	s2 =	sld [smem:$0x3FD0];
	(tm) =	ssettm $0x1  }
0x91: {  	s18 =	sld [smem:$0x3FFB];
	_ =	sdelay $0x3  }
0x92: {  	_ =	strace s18  }
0x93: {  	s3 =	sld [smem:$0x3FFC];
	_ =	sdelay $0x3  }
0x94: {  	_ =	strace s3  }
0x95: {  	s3 =	sld [smem:$0x3FFD];
	_ =	sdelay $0x3  }
0x96: {  	_ =	strace s3  }
0x97: {  	_ =	strace $0x8FFFFFFF  }
0x98: {  	s19 =	sld [smem:$0x3FDB];
	_ =	sdelay $0x1  }
0x99: {  	s4 =	simm.s32 $_scs_section_size  }
0x9a: {  	s5 =	simm.s32 $_size__tile_overlayer_lowered;
	s6 =	simm.s32 $_tile_overlayer_lowered  }
0x9b: {  	s22 =	simm.s32 $0x1BFF;
	s21 =	sshll.u32 s6, $0x1;
	s3 =	sadd.s32 s4, s19  }
0x9c: {  	s7 =	simm.s32 $0x0;
	s20 =	sshll.u32 s5, $0x1;
	s5 =	sadd.s32 s21, s3  }
0x9d: {  	[timem:s7], [sflag:s22] =	dma.local [hbm:s5], s20  }
0x9e: {  	_ =	swait.ge [sflag:s22], s20  }
0x9f: {  	s4 =	ssub.s32 $0x0, s20;
	[sflag:s22] =	ssyncset.done $0x0  }
0xa0: {  	[sflag:s22] =	ssyncadd.s32 s4;
	_ =	sdelay $0x1  }
0xa1: {  	s23 =	simm.s32 $0x1B8B  }
0xa2: {  	_ =	swait.ge [sflag:s23], $0x1  }
0xa3: {  	[sflag:s23] =	ssyncset.done $0x0  }
0xa4: {  	s25 =	simm.s32 $0x1B8E;
	s24 =	sld [smem:$0x3FFE];
	[sflag:s23] =	ssyncadd.s32 $0xFFFFFFFF  }
0xa5: {  	s26 =	simm.s32 $execute0_lowered;
	[smem:$0x3FD2] =	sst s25  }
0xa6: {  	s5 =	sshll.u32 s26, $0x1;
	_ =	strace $0x80000049;
	[dreg:$0x1] =	wrdreg $0xFFFFFFFF  }
0xa7: {  	s28 =	simm.s32 $_size_execute0_lowered;
	s3 =	sadd.s32 s3, s5;
	[dreg:$0x0] =	wrdreg $0x0  }
0xa8: {  	s5 =	sshll.u32 s28, $0x1;
	[dreg:$0x2] =	wrdreg s3  }
0xa9: {  	[dreg:$0x3] =	wrdreg s5  }
0xaa: {  	[dreg:$0x4] =	wrdreg $0xC0  }
0xab: {  	_ =	task [dreg:s7], $0x5FFFF  }
0xac: {  	[dreg:$0x1] =	wrdreg $0xFFFFFFFF  }
0xad: {  	[dreg:$0x0] =	wrdreg $0x60  }
0xae: {  	[dreg:$0x2] =	wrdreg s24  }
0xaf: {  	[dreg:$0x3] =	wrdreg s2  }
0xb0: {  	[dreg:$0x4] =	wrdreg $0x9  }
0xb1: {  	_ =	task.clear_ibuf [dreg:s7], $0x5FFFF;
	_ =	strace $0x90000049  }
0xb2: {  	s29 =	simm.s32 $0x9;
	_ =	strace $0x8000004B  }
0xb3: {  	_ =	swait.ge [sflag:s29], $0x1  }
0xb4: {  	[sflag:s29] =	ssyncadd.s32 $0xFFFFFFFF  }
0xb5: {  	_ =	strace $0x9000004B  }
0xb6: {  	_ =	sfence  }
0xb7: {  	s30 =	sld [smem:$0x0];
	_ =	sdelay $0x2  }
0xb8: {  	s31 =	sshll.u32 s1, $0xD;
	s1 =	sshrl.u32 s1, $0x2  }
0xb9: {  	s3 =	sand.u32 $0x4000, s31;
	s1 =	sadd.s32 s1, s30  }
0xba: {  	s0 =	sor.u32 s3, s0;
	s1 =	sshll.u32 s1, $0x11  }
0xbb: {  	s0 =	sor.u32 s1, s0  }
0xbc: {  	s0 =	sadd.s32 $0x8F2B, s0  }
0xbd: {  	[sflag:s0] =	ssyncadd.remote.s32 $0x1  }
0xbe: {  	_ =	sfence.sel $0xFFFF  }
0xbf: {  	[dreg:$0x0] =	wrdreg $0xFFFFFFFF;
	(pc) =	sbr.abs _section_cstart, $3  }
0xc0: {  	[dreg:$0x1] =	wrdreg $0xFFFFFFFF  }
0xc1: {  	_ =	task.clear_ibuf [dreg:s7], $0x2FFFF;
	_ =	strace $0x9FFFFFFF  }
0xc2: {  	(tm) =	ssettm $0x7FFFFFFF  }
0xc3: {  	_ =	shalt  }
tec
execute0_lowered:
.L_overlay_start_1:
0x0: {  	(tag) =	ssettag $0x1  }
0x1: {  	s3 =	rddreg [dreg:$0x0]  }
0x2: {  	s1 =	rddreg [dreg:$0x1]  }
0x3: {  	s0 =	rddreg [dreg:$0x2];
	s2 =	simm.s32 $0x0  }
0x4: {  	s4 =	srdreg.scid;
	s9 =	simm.s32 $0x1800;
	s10 =	simm.s32 $0x1960  }
0x5: {  	s11 =	simm.s32 $0x9960;
	s12 =	simm.s32 $0x1;
	s13 =	simm.s32 $0x2  }
0x6: {  	s14 =	simm.s32 $0x0;
	[smem:$0x7FF] =	sst s2;
	s6 =	sand.u32 $0x1, s4  }
0x7: {  	v0 =	vlaneseq.u32;
	s4 =	sadd.s32 $0xE00, s3;
	s5 =	sadd.s32 $0xC00, s3;
	s7 =	ssub.s32 $0x2, s6  }
0x8: {  	s3 =	stileid.u32;
	v41 =	vmul.u32 $0x10, v0;
	_ =	strace $0x8000004A;
	s8 =	sshrl.u32 s7, $0x1  }
0x9: {  	s31 =	sshll.u32 s3, $0x7;
	s6 =	sshll.u32 s6, $0x6;
	s7 =	ssub.s32 s7, s8  }
0xa: {  	v40 =	vimm.s32 $0x0;
	s6 =	sor.u32 s6, s31;
	[tilespmem:$0x1FFF0] =	vst v41;
	s8 =	simm.s32 $0x3;
	s7 =	smax.u32 s7, $0x1  }
.LBB2_1:
0xb: {  	[tilespmem:s2], [sflag:$0x3] =	stream.linear.gather [hbm4b:s4+s2], $0x1800, $0x38;
	[tilespmem:$0x11960] =	vst v63  }
0xc: {  	_ =	swait.ge [sflag:s8], $0x1800  }
0xd: {  	[sflag:s8] =	ssyncset.done $0x0  }
0xe: {  	[sflag:s8] =	ssyncadd.s32 $0xFFFFE800  }
0xf: {  	[tilespmem:s9], [sflag:$0x3] =	stream.linear.gather [hbm4b:s5+s2], $0x160, $0x38;
	[tilespmem:$0x11960] =	vst v63  }
0x10: {  	_ =	swait.ge [sflag:s8], $0x160  }
0x11: {  	[sflag:s8] =	ssyncset.done $0x0  }
0x12: {  	s15 =	simm.s32 $0x0;
	[sflag:s8] =	ssyncadd.s32 $0xFFFFFEA0  }
.LBB2_2:
0x13: {  	p0 =	seq.s32 s15, $0x0  }
0x14: {  	s16 =	sshll.u32 s15, $0x1;
	s17 =	simm.s32 @!p0 $0x1  }
0x15: {  	s16 =	sadd.s32 s6, s16;
	_ =	swait.ge @!p0 [sflag:s17], $0x8000  }
0x16: {  	v0 =	vmov s16;
	[sflag:s17] =	ssyncset.done @!p0 $0x0  }
0x17: {  	v1 =	vor.u32 $0x800, v0;
	[sflag:s17] =	ssyncadd.s32 @!p0 $0xFFFF8000;
	s17 =	simm.s32 @!p0 $0x2  }
0x18: {  	v2 =	vor.u32 $0x1000, v0;
	_ =	swait.ge @!p0 [sflag:s17], $0x8000  }
0x19: {  	[sflag:s17] =	ssyncset.done @!p0 $0x0  }
0x1a: {  	[sflag:s17] =	ssyncadd.s32 @!p0 $0xFFFF8000;
	s17 =	simm.s32 $0x0  }
0x1b: {  	v21 =	vld.idx.msk [tilespmem:v0+s17+$0x0], $0xffff  }
0x1c: {  	v22 =	vld.idx.msk [tilespmem:v1+s17+$0x0], $0xffff  }
0x1d: {  	s18 =	simm.s32 $0x840;
	v23 =	vld.idx.msk [tilespmem:v2+s17+$0x0], $0xffff  }
0x1e: {  	v0 =	vld [tilespmem:s18+$0xFFFFF830]  }
0x1f: {  	v1 =	vld [tilespmem:s18+$0x30]  }
0x20: {  	v2 =	vld [tilespmem:s18+$0xFFFFFFC0]  }
0x21: {  	v3 =	vld [tilespmem:s18+$0x830]  }
0x22: {  	v4 =	vld [tilespmem:s18+$0xFFFFF7D0]  }
0x23: {  	v6 =	vld [tilespmem:s18+$0xFFFFF7E0]  }
0x24: {  	v8 =	vld [tilespmem:s18+$0xFFFFF7F0]  }
0x25: {  	v9 =	vld [tilespmem:s18+$0xFFFFFFF0]  }
0x26: {  	v10 =	vld [tilespmem:s18+$0xFFFFF800]  }
0x27: {  	v11 =	vld [tilespmem:s18+$0xFFFFF810]  }
0x28: {  	v12 =	vld [tilespmem:s18+$0xFFFFF820];
	v0 =	vsub.f32 v0, v21  }
0x29: {  	v13 =	vld [tilespmem:s18+$0x20];
	v1 =	vsub.f32 v1, v22;
	v3 =	vsub.f32 v3, v23  }
0x2a: {  	v16 =	vld [tilespmem:s18+$0x7C0];
	v2 =	vsub.f32 v2, v22;
	v6 =	vsub.f32 v6, v21  }
0x2b: {  	v5 =	vld [tilespmem:s18+$0xFFFFFFD0];
	v8 =	vsub.f32 v8, v21;
	v9 =	vsub.f32 v9, v22  }
0x2c: {  	v18 =	vld [tilespmem:s18+$0x7D0];
	v10 =	vsub.f32 v10, v21;
	v0 =	vmul.f32 v0, v0;
	v1 =	vmul.f32 v1, v1  }
0x2d: {  	v11 =	vsub.f32 v11, v21;
	v12 =	vsub.f32 v12, v21  }
0x2e: {  	v7 =	vld [tilespmem:s18+$0xFFFFFFE0];
	v13 =	vsub.f32 v13, v22;
	v0 =	vadd.f32 v1, v0;
	v1 =	vmul.f32 v3, v3  }
0x2f: {  	s28 =	simm.s32 $0x30;
	v16 =	vsub.f32 v16, v23;
	v3 =	vsub.f32 v4, v21  }
0x30: {  	v31 =	vmov s28;
	v19 =	vld [tilespmem:s18+$0x7E0];
	v4 =	vsub.f32 v5, v22;
	v0 =	vadd.f32 v1, v0  }
0x31: {  	v20 =	vld [tilespmem:s18+$0x7F0];
	v18 =	vsub.f32 v18, v23;
	v6 =	vmul.f32 v6, v6;
	v1 =	vmul.f32 v2, v2  }
0x32: {  	v5 =	vld [tilespmem:s18+$0x0];
	v2 =	vmul.f32 v3, v3;
	v4 =	vmul.f32 v4, v4;
	v0 =	vadd.f32 $9.999999930e-09, v0  }
0x33: {  	v8 =	vmul.f32 v8, v8;
	v9 =	vmul.f32 v9, v9;
	v3 =	vsub.f32 v7, v22;
	v7 =	vld [tilespmem:s18+$0x10]  }
0x34: {  	v2 =	vadd.f32 v4, v2;
	v4 =	vld [tilespmem:s18+$0xFFFFF7C0];
	[tilespmem:$0x1FB30] =	vst v22;
	v14 =	vshra.s32 v0, $0x1;
	v15 =	vmul.f32 $5.000000000e-01, v0  }
0x35: {  	v10 =	vmul.f32 v10, v10;
	v11 =	vmul.f32 v11, v11;
	[tilespmem:$0x1FB40] =	vst v21;
	v14 =	vsub.s32 $0x5F3759DF, v14  }
0x36: {  	v8 =	vadd.f32 v9, v8;
	v3 =	vmul.f32 v3, v3;
	v9 =	vld [tilespmem:s18+$0x820];
	v17 =	vmul.f32 v14, v15  }
0x37: {  	v12 =	vmul.f32 v12, v12;
	v13 =	vmul.f32 v13, v13;
	v5 =	vsub.f32 v5, v22  }
0x38: {  	v3 =	vadd.f32 v3, v6;
	v6 =	vld [tilespmem:s18+$0x800];
	v7 =	vsub.f32 v7, v22;
	v17 =	vmul.f32 v14, v17  }
0x39: {  	v16 =	vmul.f32 v16, v16;
	v5 =	vmul.f32 v5, v5;
	v4 =	vsub.f32 v4, v21  }
0x3a: {  	v12 =	vadd.f32 v13, v12;
	v7 =	vmul.f32 v7, v7;
	v21 =	vld [tilespmem:s18+$0x810];
	v17 =	vsub.f32 $1.500000000e+00, v17  }
0x3b: {  	v5 =	vadd.f32 v5, v10;
	v9 =	vsub.f32 v9, v23;
	v4 =	vmul.f32 v4, v4  }
0x3c: {  	v7 =	vadd.f32 v7, v11;
	v11 =	vmul.f32 v18, v18;
	v14 =	vmul.f32 v14, v17  }
0x3d: {  	v6 =	vsub.f32 v6, v23;
	v9 =	vmul.f32 v9, v9;
	v1 =	vadd.f32 v1, v4  }
0x3e: {  	v4 =	vsub.f32 v20, v23;
	v2 =	vadd.f32 v11, v2;
	v10 =	vmul.f32 v14, v15  }
0x3f: {  	v6 =	vmul.f32 v6, v6;
	v17 =	vsub.f32 v19, v23;
	v18 =	vsub.f32 v21, v23  }
0x40: {  	s29 =	simm.s32 $0x40;
	v9 =	vadd.f32 v9, v12;
	v4 =	vmul.f32 v4, v4;
	v10 =	vmul.f32 v10, v14  }
0x41: {  	v34 =	vmov s29;
	v1 =	vadd.f32 v16, v1;
	v6 =	vadd.f32 v6, v5  }
0x42: {  	v13 =	vmul.f32 v17, v17;
	v4 =	vadd.f32 v4, v8;
	v10 =	vsub.f32 $1.500000000e+00, v10  }
0x43: {  	v16 =	vmul.f32 v18, v18;
	v5 =	vadd.f32 $9.999999930e-09, v1;
	v8 =	vadd.f32 $9.999999930e-09, v2  }
0x44: {  	s30 =	simm.s32 $0x50;
	v6 =	vadd.f32 $9.999999930e-09, v6;
	v2 =	vadd.f32 $9.999999930e-09, v9;
	v10 =	vmul.f32 v10, v14  }
0x45: {  	v35 =	vmov s30;
	v3 =	vadd.f32 v13, v3;
	v7 =	vadd.f32 v16, v7  }
0x46: {  	v4 =	vadd.f32 $9.999999930e-09, v4;
	v12 =	vmul.f32 $5.000000000e-01, v5;
	v11 =	vmul.f32 v10, v15  }
0x47: {  	v9 =	vshra.s32 v8, $0x1;
	v13 =	vmul.f32 $5.000000000e-01, v8;
	v18 =	vmul.f32 $5.000000000e-01, v6  }
0x48: {  	v17 =	vshra.s32 v6, $0x1;
	v21 =	vmul.f32 $5.000000000e-01, v2;
	v1 =	vmul.f32 v11, v10  }
0x49: {  	v3 =	vadd.f32 $9.999999930e-09, v3;
	v7 =	vadd.f32 $9.999999930e-09, v7;
	v9 =	vsub.s32 $0x5F3759DF, v9  }
0x4a: {  	v17 =	vsub.s32 $0x5F3759DF, v17;
	v16 =	vshra.s32 v4, $0x1;
	v1 =	vsub.f32 $1.500000000e+00, v1  }
0x4b: {  	[tilespmem:$0x1FB50] =	vst v23;
	v23 =	vmul.f32 v9, v13;
	v14 =	vshra.s32 v3, $0x1;
	v19 =	vshra.s32 v7, $0x1  }
0x4c: {  	v20 =	vmul.f32 $5.000000000e-01, v7;
	v11 =	vshra.s32 v5, $0x1;
	v1 =	vmul.f32 v1, v10  }
0x4d: {  	v16 =	vsub.s32 $0x5F3759DF, v16;
	v23 =	vmul.f32 v9, v23;
	v11 =	vsub.s32 $0x5F3759DF, v11  }
0x4e: {  	v19 =	vsub.s32 $0x5F3759DF, v19;
	v22 =	vmul.f32 v11, v12;
	v0 =	vmul.f32 v1, v0  }
0x4f: {  	v15 =	vmul.f32 $5.000000000e-01, v3;
	v28 =	vmul.f32 v19, v20;
	v23 =	vsub.f32 $1.500000000e+00, v23  }
0x50: {  	v14 =	vsub.s32 $0x5F3759DF, v14;
	v22 =	vmul.f32 v11, v22;
	v0 =	vmul.f32 $5.249999760e-01, v0  }
0x51: {  	v9 =	vmul.f32 v9, v23;
	v10 =	vmul.f32 $5.000000000e-01, v4;
	v1 =	vshra.s32 v2, $0x1  }
0x52: {  	v22 =	vsub.f32 $1.500000000e+00, v22;
	v25 =	vsub.s32 $0x5F3759DF, v1;
	v24 =	vtrunc.f32 v0  }
0x53: {  	v1 =	vmul.f32 v14, v15;
	v26 =	vcvt.f32.s32 v24;
	vm0 =	vgt.f32 v0, v24  }
0x54: {  	v29 =	vmul.f32 v25, v21;
	v0 =	vmul.f32 v16, v10;
	v27 =	vsel vm0, $0x1, v40  }
0x55: {  	v1 =	vmul.f32 v14, v1;
	v24 =	vmul.f32 v17, v18;
	v26 =	vadd.s32 v26, v27  }
0x56: {  	v11 =	vmul.f32 v11, v22;
	v27 =	vmul.f32 v16, v0;
	vm14 =	vlt.s32 v26, $0x15  }
0x57: {  	v1 =	vsub.f32 $1.500000000e+00, v1;
	v24 =	vmul.f32 v17, v24;
	v0 =	vnsel vm14, $0x15, v26  }
0x58: {  	v26 =	vmul.f32 v19, v28;
	v28 =	vmul.f32 v25, v29;
	v27 =	vsub.f32 $1.500000000e+00, v27  }
0x59: {  	v14 =	vmul.f32 v14, v1;
	v22 =	vsub.f32 $1.500000000e+00, v24;
	v0 =	vshll.u32 v0, $0x4  }
0x5a: {  	s25 =	simm.s32 $0x70;
	v24 =	vsub.f32 $1.500000000e+00, v26;
	v23 =	vsub.f32 $1.500000000e+00, v28;
	v16 =	vmul.f32 v16, v27  }
0x5b: {  	s19 =	simm.s32 $0x20;
	v26 =	vmov s25;
	v17 =	vmul.f32 v17, v22;
	v22 =	vmul.f32 v11, v12  }
0x5c: {  	v27 =	vmul.f32 v14, v15;
	v28 =	vmov s19;
	v38 =	vor.u32 $0x2, v0  }
0x5d: {  	v1 =	vshll.u32 v26, $0x4;
	v19 =	vmul.f32 v19, v24;
	v23 =	vmul.f32 v25, v23  }
0x5e: {  	v1 =	vor.u32 v41, v1;
	v25 =	vmul.f32 v9, v13;
	v29 =	vmul.f32 v16, v10;
	v37 =	vld.idx.msk [tilespmem:v0+s9+$0x0], $0xffff  }
0x5f: {  	s26 =	simm.s32 $0x10;
	v24 =	vor.u32 $0x1, v0;
	v30 =	vmul.f32 v17, v18;
	v22 =	vmul.f32 v22, v11  }
0x60: {  	v26 =	vmov s26;
	v27 =	vmul.f32 v27, v14;
	v32 =	vmul.f32 v19, v20  }
0x61: {  	v36 =	vor.u32 $0x1, v1;
	v33 =	vmul.f32 v23, v21;
	v25 =	vmul.f32 v25, v9  }
0x62: {  	v29 =	vmul.f32 v29, v16;
	v30 =	vmul.f32 v30, v17;
	v22 =	vsub.f32 $1.500000000e+00, v22  }
0x63: {  	v27 =	vsub.f32 $1.500000000e+00, v27;
	v32 =	vmul.f32 v32, v19;
	v33 =	vmul.f32 v33, v23;
	[tilespmem:v1+s10+$0x0] =	vst.idx.msk $0xffff, v37  }
0x64: {  	v25 =	vsub.f32 $1.500000000e+00, v25;
	v11 =	vmul.f32 v22, v11;
	v22 =	vsub.f32 $1.500000000e+00, v29;
	v24 =	vld.idx.msk [tilespmem:v24+s9+$0x0], $0xffff  }
0x65: {  	v29 =	vsub.f32 $1.500000000e+00, v30;
	v14 =	vmul.f32 v27, v14;
	v27 =	vshll.u32 v28, $0x4  }
0x66: {  	v9 =	vmul.f32 v25, v9;
	v25 =	vsub.f32 $1.500000000e+00, v32;
	v16 =	vmul.f32 v22, v16  }
0x67: {  	v30 =	vsub.f32 $1.500000000e+00, v33;
	v17 =	vmul.f32 v29, v17;
	v12 =	vmul.f32 v11, v12  }
0x68: {  	v28 =	vshll.u32 v31, $0x4;
	v15 =	vmul.f32 v14, v15;
	v19 =	vmul.f32 v25, v19  }
0x69: {  	v22 =	vshll.u32 v26, $0x4;
	v23 =	vmul.f32 v30, v23;
	v13 =	vmul.f32 v9, v13;
	[tilespmem:v36+s10+$0x0] =	vst.idx.msk $0xffff, v24  }
0x6a: {  	v25 =	vor.u32 $0x2, v1;
	v10 =	vmul.f32 v16, v10;
	v18 =	vmul.f32 v17, v18;
	v30 =	vld.idx.msk [tilespmem:v38+s9+$0x0], $0xffff  }
0x6b: {  	v26 =	vor.u32 $0x3, v0;
	v12 =	vmul.f32 v12, v11;
	v15 =	vmul.f32 v15, v14  }
0x6c: {  	v31 =	vor.u32 $0x3, v1;
	v20 =	vmul.f32 v19, v20;
	v10 =	vmul.f32 v10, v16  }
0x6d: {  	v21 =	vmul.f32 v23, v21;
	v13 =	vmul.f32 v13, v9;
	v12 =	vsub.f32 $1.500000000e+00, v12  }
0x6e: {  	v18 =	vmul.f32 v18, v17;
	v15 =	vsub.f32 $1.500000000e+00, v15;
	v10 =	vsub.f32 $1.500000000e+00, v10  }
0x6f: {  	v20 =	vmul.f32 v20, v19;
	v13 =	vsub.f32 $1.500000000e+00, v13;
	v21 =	vmul.f32 v21, v23;
	[tilespmem:v25+s10+$0x0] =	vst.idx.msk $0xffff, v30  }
0x70: {  	v11 =	vmul.f32 v12, v11;
	v12 =	vsub.f32 $1.500000000e+00, v18;
	v10 =	vmul.f32 v10, v16;
	v16 =	vld.idx.msk [tilespmem:v26+s9+$0x0], $0xffff  }
0x71: {  	v60 =	vor.u32 $0x4, v0;
	v18 =	vsub.f32 $1.500000000e+00, v20;
	v9 =	vmul.f32 v13, v9  }
0x72: {  	s31 =	simm.s32 $0x60;
	v13 =	vmul.f32 v15, v14;
	v14 =	vsub.f32 $1.500000000e+00, v21;
	v12 =	vmul.f32 v12, v17  }
0x73: {  	v39 =	vmov s31;
	v11 =	vmul.f32 v11, v5;
	v17 =	vmul.f32 v18, v19  }
0x74: {  	v49 =	vor.u32 v41, v22;
	v14 =	vmul.f32 v14, v23;
	v9 =	vmul.f32 v9, v8  }
0x75: {  	v24 =	vshll.u32 v35, $0x4;
	v3 =	vmul.f32 v13, v3;
	v4 =	vmul.f32 v10, v4;
	[tilespmem:v31+s10+$0x0] =	vst.idx.msk $0xffff, v16  }
0x76: {  	v13 =	vor.u32 $0x4, v1;
	v6 =	vmul.f32 v12, v6;
	v11 =	vmul.f32 $5.249999760e-01, v11;
	v16 =	vld.idx.msk [tilespmem:v60+s9+$0x0], $0xffff  }
0x77: {  	v12 =	vor.u32 $0x5, v0;
	v7 =	vmul.f32 v17, v7;
	v2 =	vmul.f32 v14, v2  }
0x78: {  	v15 =	vshll.u32 v39, $0x4;
	v14 =	vmul.f32 $5.249999760e-01, v9;
	v3 =	vmul.f32 $5.249999760e-01, v3  }
0x79: {  	v23 =	vor.u32 $0x5, v1;
	v4 =	vmul.f32 $5.249999760e-01, v4;
	v17 =	vmul.f32 $5.249999760e-01, v6  }
0x7a: {  	v19 =	vtrunc.f32 v11;
	v6 =	vor.u32 v41, v15;
	v18 =	vmul.f32 $5.249999760e-01, v7  }
0x7b: {  	vm15 =	vgt.f32 v11, v19;
	v2 =	vmul.f32 $5.249999760e-01, v2;
	v21 =	vtrunc.f32 v14;
	[tilespmem:v13+s10+$0x0] =	vst.idx.msk $0xffff, v16  }
0x7c: {  	v7 =	vor.u32 v41, v24;
	v15 =	vtrunc.f32 v3;
	v22 =	vtrunc.f32 v4;
	v12 =	vld.idx.msk [tilespmem:v12+s9+$0x0], $0xffff  }
0x7d: {  	v24 =	vtrunc.f32 v17;
	v26 =	vor.u32 $0x6, v0;
	vm1 =	vgt.f32 v14, v21  }
0x7e: {  	v14 =	vcvt.f32.s32 v15;
	vm2 =	vgt.f32 v3, v15;
	v3 =	vcvt.f32.s32 v22  }
0x7f: {  	vm3 =	vgt.f32 v4, v22;
	v4 =	vcvt.f32.s32 v24;
	v25 =	vtrunc.f32 v18  }
0x80: {  	vm4 =	vgt.f32 v17, v24;
	v11 =	vtrunc.f32 v2;
	v15 =	vcvt.f32.s32 v25  }
0x81: {  	vm5 =	vgt.f32 v18, v25;
	v17 =	vcvt.f32.s32 v11;
	vm6 =	vgt.f32 v2, v11;
	[tilespmem:v23+s10+$0x0] =	vst.idx.msk $0xffff, v12  }
0x82: {  	v2 =	vsel vm15, $0x1, v40;
	v11 =	vsel vm1, $0x1, v40;
	v18 =	vor.u32 $0x6, v1;
	v22 =	vld.idx.msk [tilespmem:v26+s9+$0x0], $0xffff  }
0x83: {  	v13 =	vcvt.f32.s32 v19;
	v16 =	vcvt.f32.s32 v21;
	v21 =	vor.u32 $0x7, v0  }
0x84: {  	v24 =	vsel vm5, $0x1, v40;
	v25 =	vsel vm6, $0x1, v40;
	v19 =	vsel vm3, $0x1, v40  }
0x85: {  	v3 =	vadd.s32 v3, v19;
	v19 =	vor.u32 $0x7, v1;
	v2 =	vadd.s32 v13, v2  }
0x86: {  	v11 =	vadd.s32 v16, v11;
	v13 =	vadd.s32 v15, v24;
	vm12 =	vlt.s32 v3, $0x15  }
0x87: {  	vm9 =	vlt.s32 v2, $0x15;
	vm10 =	vlt.s32 v11, $0x15;
	v3 =	vnsel vm12, $0x15, v3;
	[tilespmem:v18+s10+$0x0] =	vst.idx.msk $0xffff, v22  }
0x88: {  	v11 =	vnsel vm10, $0x15, v11;
	v15 =	vshll.u32 v3, $0x4;
	v12 =	vsel vm2, $0x1, v40;
	v21 =	vld.idx.msk [tilespmem:v21+s9+$0x0], $0xffff  }
0x89: {  	v23 =	vsel vm4, $0x1, v40;
	v12 =	vadd.s32 v14, v12;
	v22 =	vor.u32 $0x8, v0  }
0x8a: {  	v4 =	vadd.s32 v4, v23;
	v14 =	vadd.s32 v17, v25;
	vm11 =	vlt.s32 v12, $0x15  }
0x8b: {  	v17 =	vshll.u32 v11, $0x4;
	vm13 =	vlt.s32 v4, $0x15;
	v12 =	vnsel vm11, $0x15, v12  }
0x8c: {  	vm15 =	vlt.s32 v14, $0x15;
	v4 =	vnsel vm13, $0x15, v4;
	v16 =	vshll.u32 v12, $0x4  }
0x8d: {  	v2 =	vnsel vm9, $0x15, v2;
	v23 =	vnsel vm15, $0x15, v14;
	v14 =	vshll.u32 v4, $0x4;
	[tilespmem:v19+s10+$0x0] =	vst.idx.msk $0xffff, v21  }
0x8e: {  	v59 =	vmov s17;
	v18 =	vshll.u32 v2, $0x4;
	v21 =	vor.u32 $0x8, v1;
	v4 =	vld.idx.msk [tilespmem:v22+s9+$0x0], $0xffff  }
0x8f: {  	v10 =	vor.u32 v41, v28;
	vm14 =	vlt.s32 v13, $0x15;
	v25 =	vor.u32 $0x9, v0;
	v61 =	vld.idx.msk [tilespmem:v15+s9+$0x0], $0xffff  }
0x90: {  	v29 =	vshll.u32 v34, $0x4;
	v12 =	vshll.u32 v23, $0x4;
	v2 =	vnsel vm14, $0x15, v13;
	v26 =	vld.idx.msk [tilespmem:v17+s9+$0x0], $0xffff  }
0x91: {  	v20 =	vshll.u32 v59, $0x4;
	v8 =	vor.u32 v41, v27;
	v13 =	vshll.u32 v2, $0x4;
	v30 =	vld.idx.msk [tilespmem:v16+s9+$0x0], $0xffff  }
0x92: {  	v9 =	vor.u32 v41, v29;
	v11 =	vor.u32 v41, v20;
	v20 =	vor.u32 $0x1, v15;
	v62 =	vld.idx.msk [tilespmem:v14+s9+$0x0], $0xffff  }
0x93: {  	v3 =	vor.u32 $0x1, v17;
	v22 =	vld.idx.msk [tilespmem:v18+s9+$0x0], $0xffff;
	[tilespmem:v21+s10+$0x0] =	vst.idx.msk $0xffff, v4  }
0x94: {  	v45 =	vor.u32 $0x9, v1;
	[tilespmem:v10+s10+$0x0] =	vst.idx.msk $0xffff, v61;
	v19 =	vor.u32 $0x1, v16;
	v25 =	vld.idx.msk [tilespmem:v25+s9+$0x0], $0xffff  }
0x95: {  	v2 =	vor.u32 $0x1, v18;
	v47 =	vld.idx.msk [tilespmem:v12+s9+$0x0], $0xffff;
	[tilespmem:v49+s10+$0x0] =	vst.idx.msk $0xffff, v26  }
0x96: {  	v44 =	vld.idx.msk [tilespmem:v13+s9+$0x0], $0xffff;
	[tilespmem:v8+s10+$0x0] =	vst.idx.msk $0xffff, v30  }
0x97: {  	v20 =	vld.idx.msk [tilespmem:v20+s9+$0x0], $0xffff;
	[tilespmem:v9+s10+$0x0] =	vst.idx.msk $0xffff, v62  }
0x98: {  	v48 =	vor.u32 $0xA, v0;
	v3 =	vld.idx.msk [tilespmem:v3+s9+$0x0], $0xffff;
	[tilespmem:v11+s10+$0x0] =	vst.idx.msk $0xffff, v22  }
0x99: {  	v5 =	vor.u32 $0x3, v9;
	v23 =	vor.u32 $0x1, v14;
	v19 =	vld.idx.msk [tilespmem:v19+s9+$0x0], $0xffff;
	[tilespmem:v45+s10+$0x0] =	vst.idx.msk $0xffff, v25  }
0x9a: {  	v34 =	vor.u32 $0x1, v11;
	v2 =	vld.idx.msk [tilespmem:v2+s9+$0x0], $0xffff;
	[tilespmem:$0x1FB60] =	vst v5  }
0x9b: {  	v27 =	vor.u32 $0x1, v49;
	v24 =	vor.u32 $0x1, v13;
	v5 =	vor.u32 $0x3, v7;
	[tilespmem:v7+s10+$0x0] =	vst.idx.msk $0xffff, v44  }
0x9c: {  	v28 =	vor.u32 $0x1, v8;
	v29 =	vor.u32 $0x1, v12;
	[tilespmem:$0x1FB70] =	vst v5  }
0x9d: {  	v35 =	vor.u32 $0x2, v18;
	v5 =	vor.u32 $0x3, v6;
	v25 =	vld.idx.msk [tilespmem:v48+s9+$0x0], $0xffff;
	[tilespmem:v6+s10+$0x0] =	vst.idx.msk $0xffff, v47  }
0x9e: {  	v31 =	vor.u32 $0x1, v10;
	v23 =	vld.idx.msk [tilespmem:v23+s9+$0x0], $0xffff;
	[tilespmem:$0x1FB90] =	vst v5  }
0x9f: {  	v38 =	vor.u32 $0x2, v17;
	[tilespmem:v34+s10+$0x0] =	vst.idx.msk $0xffff, v2  }
0xa0: {  	v24 =	vld.idx.msk [tilespmem:v24+s9+$0x0], $0xffff;
	[tilespmem:v27+s10+$0x0] =	vst.idx.msk $0xffff, v3  }
0xa1: {  	v5 =	vor.u32 $0xA, v1;
	v3 =	vld.idx.msk [tilespmem:v29+s9+$0x0], $0xffff;
	[tilespmem:v28+s10+$0x0] =	vst.idx.msk $0xffff, v19;
	v19 =	vor.u32 $0xE, v0  }
0xa2: {  	v63 =	vor.u32 $0xB, v0;
	v58 =	vor.u32 $0xC, v0;
	v39 =	vor.u32 $0x2, v16;
	v28 =	vld.idx.msk [tilespmem:v35+s9+$0x0], $0xffff;
	[tilespmem:$0x1FC10] =	vst v19  }
0xa3: {  	v32 =	vor.u32 $0x1, v9;
	v2 =	vor.u32 $0xD, v0;
	v0 =	vor.u32 $0xF, v0;
	[tilespmem:v31+s10+$0x0] =	vst.idx.msk $0xffff, v20  }
0xa4: {  	v33 =	vor.u32 $0x1, v7;
	v29 =	vld.idx.msk [tilespmem:v38+s9+$0x0], $0xffff;
	[tilespmem:$0x1FD00] =	vst v0;
	v0 =	vor.u32 $0xE, v1  }
0xa5: {  	v37 =	vor.u32 $0x1, v6;
	v40 =	vor.u32 $0x2, v15;
	[tilespmem:$0x1FCF0] =	vst v0  }
0xa6: {  	v55 =	vor.u32 $0x2, v11;
	v4 =	vor.u32 $0x2, v14;
	v0 =	vor.u32 $0xF, v1;
	[tilespmem:v5+s10+$0x0] =	vst.idx.msk $0xffff, v25  }
0xa7: {  	v21 =	vor.u32 $0x2, v13;
	v22 =	vor.u32 $0x2, v49;
	v25 =	vld.idx.msk [tilespmem:v39+s9+$0x0], $0xffff;
	[tilespmem:$0x1FE20] =	vst v0  }
0xa8: {  	v43 =	vor.u32 $0x2, v8;
	v42 =	vor.u32 $0x2, v12;
	[tilespmem:v32+s10+$0x0] =	vst.idx.msk $0xffff, v23  }
0xa9: {  	v51 =	vor.u32 $0x3, v18;
	v23 =	vld.idx.msk [tilespmem:v63+s9+$0x0], $0xffff;
	[tilespmem:v33+s10+$0x0] =	vst.idx.msk $0xffff, v24  }
0xaa: {  	v24 =	vld.idx.msk [tilespmem:v40+s9+$0x0], $0xffff;
	[tilespmem:v37+s10+$0x0] =	vst.idx.msk $0xffff, v3  }
0xab: {  	v27 =	vor.u32 $0xB, v1;
	[tilespmem:v55+s10+$0x0] =	vst.idx.msk $0xffff, v28;
	v3 =	vld.idx.msk [tilespmem:v4+s9+$0x0], $0xffff  }
0xac: {  	v52 =	vor.u32 $0x3, v17;
	[tilespmem:v22+s10+$0x0] =	vst.idx.msk $0xffff, v29;
	v4 =	vld.idx.msk [tilespmem:v21+s9+$0x0], $0xffff  }
0xad: {  	v22 =	vor.u32 $0x5, v12;
	v21 =	vld.idx.msk [tilespmem:v42+s9+$0x0], $0xffff;
	[tilespmem:v43+s10+$0x0] =	vst.idx.msk $0xffff, v25  }
0xae: {  	v26 =	vor.u32 $0x2, v10;
	v25 =	vld.idx.msk [tilespmem:v51+s9+$0x0], $0xffff;
	[tilespmem:$0x1FD40] =	vst v22;
	v22 =	vor.u32 $0x5, v8  }
0xaf: {  	[tilespmem:$0x1FD80] =	vst v22  }
0xb0: {  	v46 =	vor.u32 $0x2, v9;
	v22 =	vor.u32 $0x5, v9;
	[tilespmem:v27+s10+$0x0] =	vst.idx.msk $0xffff, v23  }
0xb1: {  	v53 =	vor.u32 $0x3, v16;
	v30 =	vor.u32 $0x2, v7;
	v55 =	vld.idx.msk [tilespmem:v52+s9+$0x0], $0xffff;
	[tilespmem:$0x1FDB0] =	vst v22;
	v22 =	vor.u32 $0x5, v7  }
0xb2: {  	v36 =	vor.u32 $0x3, v15;
	[tilespmem:$0x1FDE0] =	vst v22  }
0xb3: {  	v50 =	vor.u32 $0x2, v6;
	v22 =	vor.u32 $0x5, v6;
	[tilespmem:v26+s10+$0x0] =	vst.idx.msk $0xffff, v24  }
0xb4: {  	v41 =	vor.u32 $0x3, v14;
	v26 =	vld.idx.msk [tilespmem:v58+s9+$0x0], $0xffff;
	[tilespmem:$0x1FE50] =	vst v22  }
0xb5: {  	[tilespmem:v46+s10+$0x0] =	vst.idx.msk $0xffff, v3  }
0xb6: {  	v48 =	vor.u32 $0x3, v11;
	v46 =	vld.idx.msk [tilespmem:v53+s9+$0x0], $0xffff;
	[tilespmem:v30+s10+$0x0] =	vst.idx.msk $0xffff, v4;
	v3 =	vor.u32 $0x6, v49  }
0xb7: {  	v54 =	vor.u32 $0x3, v13;
	v4 =	vld.idx.msk [tilespmem:v36+s9+$0x0], $0xffff;
	[tilespmem:$0x1FE80] =	vst v3  }
0xb8: {  	v3 =	vor.u32 $0x6, v8;
	[tilespmem:v50+s10+$0x0] =	vst.idx.msk $0xffff, v21  }
0xb9: {  	v62 =	vor.u32 $0x3, v49;
	v41 =	vld.idx.msk [tilespmem:v41+s9+$0x0], $0xffff;
	[tilespmem:$0x1FEC0] =	vst v3;
	v3 =	vor.u32 $0x6, v10  }
0xba: {  	v57 =	vor.u32 $0x3, v12;
	[tilespmem:$0x1FF00] =	vst v3  }
0xbb: {  	v35 =	vor.u32 $0xC, v1;
	v3 =	vor.u32 $0x6, v9;
	[tilespmem:v48+s10+$0x0] =	vst.idx.msk $0xffff, v25  }
0xbc: {  	v34 =	vor.u32 $0x4, v18;
	v43 =	vld.idx.msk [tilespmem:v54+s9+$0x0], $0xffff;
	[tilespmem:$0x1FF10] =	vst v3;
	v3 =	vor.u32 $0x6, v7  }
0xbd: {  	[tilespmem:$0x1FF50] =	vst v3  }
0xbe: {  	v56 =	vor.u32 $0x3, v8;
	v3 =	vor.u32 $0x6, v6;
	[tilespmem:v62+s10+$0x0] =	vst.idx.msk $0xffff, v55  }
0xbf: {  	v57 =	vld.idx.msk [tilespmem:v57+s9+$0x0], $0xffff;
	[tilespmem:$0x1FFA0] =	vst v3  }
0xc0: {  	v3 =	vor.u32 $0x7, v15;
	[tilespmem:v35+s10+$0x0] =	vst.idx.msk $0xffff, v26  }
0xc1: {  	v60 =	vor.u32 $0x4, v17;
	v45 =	vor.u32 $0x3, v10;
	v26 =	vld.idx.msk [tilespmem:v34+s9+$0x0], $0xffff;
	[tilespmem:$0x1FF20] =	vst v3;
	v3 =	vor.u32 $0x7, v14  }
0xc2: {  	[tilespmem:$0x1FF60] =	vst v3  }
0xc3: {  	v3 =	vor.u32 $0x7, v12;
	[tilespmem:v56+s10+$0x0] =	vst.idx.msk $0xffff, v46  }
0xc4: {  	v35 =	vld.idx.msk [tilespmem:v2+s9+$0x0], $0xffff;
	[tilespmem:$0x1FFC0] =	vst v3;
	v3 =	vor.u32 $0x7, v49  }
0xc5: {  	[tilespmem:$0x1FFD0] =	vst v3  }
0xc6: {  	v3 =	vor.u32 $0x7, v8;
	[tilespmem:v45+s10+$0x0] =	vst.idx.msk $0xffff, v4;
	v46 =	vld.idx.msk [tilespmem:v60+s9+$0x0], $0xffff  }
0xc7: {  	[tilespmem:$0x1FFE0] =	vst v3;
	v3 =	vld [tilespmem:$0x1FB60];
	_ =	sdelay $0x7  }
0xc8: {  	[tilespmem:v3+s10+$0x0] =	vst.idx.msk $0xffff, v41  }
0xc9: {  	v4 =	vld [tilespmem:$0x1FB70];
	_ =	sdelay $0x1  }
0xca: {  	v44 =	vor.u32 $0xD, v1;
	v1 =	vor.u32 $0x4, v15  }
0xcb: {  	v59 =	vor.u32 $0x4, v16;
	_ =	sdelay $0x3  }
0xcc: {  	v50 =	vld.idx.msk [tilespmem:v1+s9+$0x0], $0xffff  }
0xcd: {  	v41 =	vld.idx.msk [tilespmem:v59+s9+$0x0], $0xffff;
	[tilespmem:v4+s10+$0x0] =	vst.idx.msk $0xffff, v43;
	v4 =	vor.u32 $0x8, v16  }
0xce: {  	[tilespmem:$0x1FB80] =	vst v4;
	v4 =	vld [tilespmem:$0x1FB90];
	_ =	sdelay $0x3  }
0xcf: {  	v38 =	vor.u32 $0x4, v14;
	_ =	sdelay $0x2  }
0xd0: {  	v0 =	vor.u32 $0x4, v11  }
0xd1: {  	v32 =	vor.u32 $0x4, v13;
	[tilespmem:v4+s10+$0x0] =	vst.idx.msk $0xffff, v57;
	v4 =	vor.u32 $0x8, v15  }
0xd2: {  	v38 =	vld.idx.msk [tilespmem:v38+s9+$0x0], $0xffff;
	[tilespmem:$0x1FBA0] =	vst v4;
	v4 =	vor.u32 $0x8, v14  }
0xd3: {  	[tilespmem:$0x1FBB0] =	vst v4;
	v4 =	vor.u32 $0x8, v13  }
0xd4: {  	v39 =	vor.u32 $0x4, v12;
	[tilespmem:$0x1FBC0] =	vst v4  }
0xd5: {  	v4 =	vor.u32 $0x8, v8;
	[tilespmem:v0+s10+$0x0] =	vst.idx.msk $0xffff, v26  }
0xd6: {  	v31 =	vor.u32 $0x4, v49;
	v0 =	vld.idx.msk [tilespmem:v32+s9+$0x0], $0xffff;
	[tilespmem:$0x1FBD0] =	vst v4;
	v4 =	vor.u32 $0x8, v12  }
0xd7: {  	[tilespmem:$0x1FBE0] =	vst v4  }
0xd8: {  	v4 =	vor.u32 $0x8, v10;
	[tilespmem:v44+s10+$0x0] =	vst.idx.msk $0xffff, v35  }
0xd9: {  	v26 =	vld.idx.msk [tilespmem:v39+s9+$0x0], $0xffff;
	[tilespmem:$0x1FBF0] =	vst v4;
	v4 =	vor.u32 $0x8, v9  }
0xda: {  	[tilespmem:$0x1FC00] =	vst v4  }
0xdb: {  	[tilespmem:v31+s10+$0x0] =	vst.idx.msk $0xffff, v46  }
0xdc: {  	v4 =	vld [tilespmem:$0x1FC10];
	_ =	sdelay $0x4  }
0xdd: {  	v33 =	vor.u32 $0x4, v8  }
0xde: {  	v28 =	vor.u32 $0x5, v18;
	_ =	sdelay $0x1  }
0xdf: {  	v31 =	vld.idx.msk [tilespmem:v4+s9+$0x0], $0xffff;
	v4 =	vor.u32 $0x8, v6  }
0xe0: {  	v5 =	vor.u32 $0x4, v10;
	[tilespmem:$0x1FC20] =	vst v4  }
0xe1: {  	v19 =	vor.u32 $0x5, v17;
	v4 =	vor.u32 $0x9, v17;
	[tilespmem:v33+s10+$0x0] =	vst.idx.msk $0xffff, v41  }
0xe2: {  	v28 =	vld.idx.msk [tilespmem:v28+s9+$0x0], $0xffff;
	[tilespmem:$0x1FC30] =	vst v4;
	v4 =	vor.u32 $0x9, v16  }
0xe3: {  	[tilespmem:$0x1FC40] =	vst v4;
	v4 =	vor.u32 $0x9, v15  }
0xe4: {  	v47 =	vor.u32 $0x4, v9;
	[tilespmem:$0x1FC50] =	vst v4  }
0xe5: {  	v20 =	vor.u32 $0x5, v16;
	v4 =	vor.u32 $0x9, v14;
	[tilespmem:v5+s10+$0x0] =	vst.idx.msk $0xffff, v50  }
0xe6: {  	v19 =	vld.idx.msk [tilespmem:v19+s9+$0x0], $0xffff;
	[tilespmem:$0x1FC60] =	vst v4;
	v4 =	vor.u32 $0x9, v13  }
0xe7: {  	[tilespmem:$0x1FC70] =	vst v4;
	v4 =	vor.u32 $0x9, v49  }
0xe8: {  	v61 =	vor.u32 $0x4, v7;
	[tilespmem:$0x1FC80] =	vst v4  }
0xe9: {  	v29 =	vor.u32 $0x5, v15;
	v4 =	vor.u32 $0x9, v12;
	[tilespmem:v47+s10+$0x0] =	vst.idx.msk $0xffff, v38  }
0xea: {  	v20 =	vld.idx.msk [tilespmem:v20+s9+$0x0], $0xffff;
	[tilespmem:$0x1FC90] =	vst v4;
	v4 =	vor.u32 $0x9, v8  }
0xeb: {  	v63 =	vor.u32 $0x4, v6;
	v37 =	vor.u32 $0x5, v14;
	[tilespmem:$0x1FCA0] =	vst v4;
	v4 =	vor.u32 $0x9, v10  }
0xec: {  	[tilespmem:$0x1FCB0] =	vst v4  }
0xed: {  	v4 =	vor.u32 $0x9, v9;
	[tilespmem:v61+s10+$0x0] =	vst.idx.msk $0xffff, v0  }
0xee: {  	v0 =	vld.idx.msk [tilespmem:v29+s9+$0x0], $0xffff;
	[tilespmem:$0x1FCC0] =	vst v4;
	v4 =	vor.u32 $0x9, v7  }
0xef: {  	[tilespmem:$0x1FCD0] =	vst v4  }
0xf0: {  	v4 =	vor.u32 $0x9, v6;
	[tilespmem:v63+s10+$0x0] =	vst.idx.msk $0xffff, v26;
	v26 =	vld.idx.msk [tilespmem:v37+s9+$0x0], $0xffff  }
0xf1: {  	[tilespmem:$0x1FCE0] =	vst v4;
	v4 =	vld [tilespmem:$0x1FCF0];
	_ =	sdelay $0x1  }
0xf2: {  	v22 =	vor.u32 $0x5, v11;
	_ =	sdelay $0x4  }
0xf3: {  	[tilespmem:v22+s10+$0x0] =	vst.idx.msk $0xffff, v28  }
0xf4: {  	[tilespmem:v4+s10+$0x0] =	vst.idx.msk $0xffff, v31  }
0xf5: {  	v4 =	vld [tilespmem:$0x1FD00];
	_ =	sdelay $0x3  }
0xf6: {  	v42 =	vor.u32 $0x5, v13;
	_ =	sdelay $0x2  }
0xf7: {  	v51 =	vor.u32 $0x5, v49  }
0xf8: {  	v22 =	vld.idx.msk [tilespmem:v4+s9+$0x0], $0xffff;
	v4 =	vor.u32 $0xA, v13  }
0xf9: {  	v29 =	vld.idx.msk [tilespmem:v42+s9+$0x0], $0xffff;
	[tilespmem:$0x1FD10] =	vst v4;
	v4 =	vor.u32 $0xA, v49  }
0xfa: {  	[tilespmem:$0x1FD20] =	vst v4;
	v4 =	vor.u32 $0xA, v8  }
0xfb: {  	[tilespmem:$0x1FD30] =	vst v4  }
0xfc: {  	[tilespmem:v51+s10+$0x0] =	vst.idx.msk $0xffff, v19  }
0xfd: {  	v4 =	vld [tilespmem:$0x1FD40];
	_ =	sdelay $0x7  }
0xfe: {  	v28 =	vld.idx.msk [tilespmem:v4+s9+$0x0], $0xffff;
	v4 =	vor.u32 $0xA, v12  }
0xff: {  	[tilespmem:$0x1FD50] =	vst v4;
	v4 =	vor.u32 $0xA, v10  }
0x100: {  	[tilespmem:$0x1FD60] =	vst v4;
	v4 =	vor.u32 $0xA, v9  }
0x101: {  	[tilespmem:$0x1FD70] =	vst v4;
	v4 =	vld [tilespmem:$0x1FD80];
	_ =	sdelay $0x3  }
0x102: {  	v23 =	vor.u32 $0x6, v18;
	_ =	sdelay $0x1  }
0x103: {  	v52 =	vor.u32 $0x5, v10;
	_ =	sdelay $0x1  }
0x104: {  	[tilespmem:v4+s10+$0x0] =	vst.idx.msk $0xffff, v20;
	v4 =	vor.u32 $0xA, v7  }
0x105: {  	v23 =	vld.idx.msk [tilespmem:v23+s9+$0x0], $0xffff;
	[tilespmem:$0x1FD90] =	vst v4;
	v4 =	vor.u32 $0xA, v6  }
0x106: {  	[tilespmem:$0x1FDA0] =	vst v4  }
0x107: {  	[tilespmem:v52+s10+$0x0] =	vst.idx.msk $0xffff, v0  }
0x108: {  	v4 =	vld [tilespmem:$0x1FDB0];
	_ =	sdelay $0x2  }
0x109: {  	v24 =	vor.u32 $0x6, v17  }
0x10a: {  	v27 =	vor.u32 $0x6, v16;
	_ =	sdelay $0x3  }
0x10b: {  	v5 =	vor.u32 $0xB, v14;
	v0 =	vld.idx.msk [tilespmem:v24+s9+$0x0], $0xffff;
	[tilespmem:v4+s10+$0x0] =	vst.idx.msk $0xffff, v26  }
0x10c: {  	v4 =	vld.idx.msk [tilespmem:v27+s9+$0x0], $0xffff;
	[tilespmem:$0x1FDC0] =	vst v5;
	v5 =	vor.u32 $0xB, v13  }
0x10d: {  	[tilespmem:$0x1FDD0] =	vst v5;
	v5 =	vld [tilespmem:$0x1FDE0];
	_ =	sdelay $0x3  }
0x10e: {  	v40 =	vor.u32 $0x6, v15;
	_ =	sdelay $0x3  }
0x10f: {  	[tilespmem:v5+s10+$0x0] =	vst.idx.msk $0xffff, v29;
	v5 =	vor.u32 $0xB, v49  }
0x110: {  	v24 =	vld.idx.msk [tilespmem:v40+s9+$0x0], $0xffff;
	[tilespmem:$0x1FDF0] =	vst v5;
	v5 =	vor.u32 $0xB, v8  }
0x111: {  	[tilespmem:$0x1FE00] =	vst v5;
	v5 =	vor.u32 $0xB, v12  }
0x112: {  	[tilespmem:$0x1FE10] =	vst v5;
	v5 =	vld [tilespmem:$0x1FE20];
	_ =	sdelay $0x7  }
0x113: {  	[tilespmem:v5+s10+$0x0] =	vst.idx.msk $0xffff, v22  }
0x114: {  	v27 =	vld [tilespmem:$0x1FE50]  }
0x115: {  	v30 =	vor.u32 $0x6, v14;
	_ =	sdelay $0x2  }
0x116: {  	v36 =	vor.u32 $0x6, v13  }
0x117: {  	v53 =	vor.u32 $0x6, v12;
	v21 =	vor.u32 $0x6, v11;
	v5 =	vor.u32 $0xB, v10  }
0x118: {  	v22 =	vld.idx.msk [tilespmem:v30+s9+$0x0], $0xffff;
	[tilespmem:$0x1FE30] =	vst v5;
	v5 =	vor.u32 $0xB, v9  }
0x119: {  	[tilespmem:$0x1FE40] =	vst v5  }
0x11a: {  	[tilespmem:v27+s10+$0x0] =	vst.idx.msk $0xffff, v28;
	v27 =	vor.u32 $0xB, v6  }
0x11b: {  	v28 =	vld.idx.msk [tilespmem:v36+s9+$0x0], $0xffff;
	[tilespmem:$0x1FE60] =	vst v27  }
0x11c: {  	[tilespmem:v21+s10+$0x0] =	vst.idx.msk $0xffff, v23;
	v21 =	vld.idx.msk [tilespmem:v53+s9+$0x0], $0xffff;
	v23 =	vor.u32 $0xC, v15  }
0x11d: {  	[tilespmem:$0x1FE70] =	vst v23;
	v23 =	vld [tilespmem:$0x1FE80];
	_ =	sdelay $0x3  }
0x11e: {  	v25 =	vor.u32 $0x7, v18;
	_ =	sdelay $0x3  }
0x11f: {  	[tilespmem:v23+s10+$0x0] =	vst.idx.msk $0xffff, v0;
	v0 =	vor.u32 $0xC, v14  }
0x120: {  	v23 =	vld.idx.msk [tilespmem:v25+s9+$0x0], $0xffff;
	[tilespmem:$0x1FE90] =	vst v0;
	v0 =	vor.u32 $0xC, v13  }
0x121: {  	[tilespmem:$0x1FEA0] =	vst v0;
	v0 =	vor.u32 $0xC, v12  }
0x122: {  	[tilespmem:$0x1FEB0] =	vst v0;
	v0 =	vld [tilespmem:$0x1FEC0];
	_ =	sdelay $0x3  }
0x123: {  	v48 =	vor.u32 $0x7, v17;
	_ =	sdelay $0x3  }
0x124: {  	[tilespmem:v0+s10+$0x0] =	vst.idx.msk $0xffff, v4;
	v0 =	vor.u32 $0xC, v49  }
0x125: {  	v25 =	vld.idx.msk [tilespmem:v48+s9+$0x0], $0xffff;
	[tilespmem:$0x1FED0] =	vst v0;
	v0 =	vor.u32 $0xC, v8  }
0x126: {  	[tilespmem:$0x1FEE0] =	vst v0;
	v0 =	vor.u32 $0xC, v10  }
0x127: {  	[tilespmem:$0x1FEF0] =	vst v0;
	v0 =	vld [tilespmem:$0x1FF00];
	_ =	sdelay $0x7  }
0x128: {  	[tilespmem:v0+s10+$0x0] =	vst.idx.msk $0xffff, v24  }
0x129: {  	v0 =	vld [tilespmem:$0x1FF10];
	_ =	sdelay $0x7  }
0x12a: {  	[tilespmem:v0+s10+$0x0] =	vst.idx.msk $0xffff, v22  }
0x12b: {  	v0 =	vld [tilespmem:$0x1FF20];
	_ =	sdelay $0x1  }
0x12c: {  	v62 =	vor.u32 $0x7, v16;
	_ =	sdelay $0x4  }
0x12d: {  	v4 =	vor.u32 $0xD, v18;
	v24 =	vld.idx.msk [tilespmem:v62+s9+$0x0], $0xffff  }
0x12e: {  	v0 =	vld.idx.msk [tilespmem:v0+s9+$0x0], $0xffff;
	[tilespmem:$0x1FF30] =	vst v4;
	v4 =	vor.u32 $0xD, v17  }
0x12f: {  	[tilespmem:$0x1FF40] =	vst v4;
	v4 =	vld [tilespmem:$0x1FF50];
	_ =	sdelay $0x7  }
0x130: {  	[tilespmem:v4+s10+$0x0] =	vst.idx.msk $0xffff, v28  }
0x131: {  	v4 =	vld [tilespmem:$0x1FF60];
	_ =	sdelay $0x7  }
0x132: {  	v30 =	vld.idx.msk [tilespmem:v4+s9+$0x0], $0xffff;
	v4 =	vor.u32 $0xD, v16  }
0x133: {  	[tilespmem:$0x1FF70] =	vst v4;
	v4 =	vor.u32 $0xD, v15  }
0x134: {  	[tilespmem:$0x1FF80] =	vst v4;
	v4 =	vor.u32 $0xD, v14  }
0x135: {  	[tilespmem:$0x1FF90] =	vst v4;
	v4 =	vld [tilespmem:$0x1FFA0];
	_ =	sdelay $0x3  }
0x136: {  	v2 =	vor.u32 $0x7, v13  }
0x137: {  	v45 =	vor.u32 $0x7, v11;
	_ =	sdelay $0x2  }
0x138: {  	[tilespmem:v4+s10+$0x0] =	vst.idx.msk $0xffff, v21;
	v4 =	vor.u32 $0xD, v13  }
0x139: {  	v2 =	vld.idx.msk [tilespmem:v2+s9+$0x0], $0xffff;
	[tilespmem:$0x1FFB0] =	vst v4  }
0x13a: {  	[tilespmem:v45+s10+$0x0] =	vst.idx.msk $0xffff, v23  }
0x13b: {  	v4 =	vld [tilespmem:$0x1FFC0];
	_ =	sdelay $0x7  }
0x13c: {  	v22 =	vld.idx.msk [tilespmem:v4+s9+$0x0], $0xffff  }
0x13d: {  	v4 =	vld [tilespmem:$0x1FFD0];
	_ =	sdelay $0x3  }
0x13e: {  	v58 =	vor.u32 $0x8, v49;
	v54 =	vor.u32 $0x7, v10  }
0x13f: {  	v55 =	vor.u32 $0xA, v15;
	v34 =	vor.u32 $0x7, v7;
	v56 =	vor.u32 $0xA, v18  }
0x140: {  	v60 =	vor.u32 $0x7, v9;
	v1 =	vor.u32 $0x8, v17;
	v3 =	vor.u32 $0x7, v6  }
0x141: {  	v59 =	vor.u32 $0x8, v18;
	v43 =	vor.u32 $0x9, v18;
	v57 =	vor.u32 $0x9, v11  }
0x142: {  	v32 =	vor.u32 $0xD, v8;
	v44 =	vor.u32 $0x8, v7;
	v35 =	vor.u32 $0xB, v11;
	[tilespmem:v4+s10+$0x0] =	vst.idx.msk $0xffff, v25  }
0x143: {  	v39 =	vor.u32 $0xC, v7;
	v46 =	vor.u32 $0x8, v11;
	v33 =	vor.u32 $0xA, v14;
	v4 =	vld [tilespmem:$0x1FFE0]  }
0x144: {  	v41 =	vor.u32 $0xB, v16;
	v50 =	vor.u32 $0xA, v16;
	v47 =	vor.u32 $0xA, v17  }
0x145: {  	v38 =	vor.u32 $0xE, v18;
	v61 =	vor.u32 $0xD, v9;
	v37 =	vor.u32 $0xC, v16  }
0x146: {  	v63 =	vor.u32 $0xE, v16;
	v42 =	vor.u32 $0xD, v12;
	v31 =	vor.u32 $0xD, v49  }
0x147: {  	v19 =	vor.u32 $0xA, v11;
	v51 =	vor.u32 $0xC, v11;
	v20 =	vor.u32 $0xB, v17  }
0x148: {  	v52 =	vor.u32 $0xB, v18;
	v26 =	vor.u32 $0xB, v15;
	v40 =	vor.u32 $0xC, v9  }
0x149: {  	v29 =	vor.u32 $0xC, v18;
	v5 =	vor.u32 $0xB, v7;
	v36 =	vor.u32 $0xC, v6  }
0x14a: {  	v27 =	vor.u32 $0xC, v17;
	v62 =	vor.u32 $0xD, v7;
	v28 =	vor.u32 $0xD, v10;
	v23 =	vld.idx.msk [tilespmem:v59+s9+$0x0], $0xffff  }
0x14b: {  	s18 =	simm.s32 $0x0;
	s19 =	simm.s32 $0x8C0;
	v48 =	vmovc v5;
	v21 =	vor.u32 $0xD, v11;
	v59 =	vor.u32 $0xD, v6;
	v1 =	vld.idx.msk [tilespmem:v1+s9+$0x0], $0xffff;
	[tilespmem:v4+s10+$0x0] =	vst.idx.msk $0xffff, v24;
	v24 =	vor.u32 $0xE, v17  }
.LBB2_3:
0x14c: {  	[tilespmem:$0x1F830] =	vst v21  }
0x14d: {  	[tilespmem:v60+s10+$0x0] =	vst.idx.msk $0xffff, v30  }
0x14e: {  	[tilespmem:v34+s10+$0x0] =	vst.idx.msk $0xffff, v2  }
0x14f: {  	v4 =	vor.u32 $0xE, v49;
	[tilespmem:v3+s10+$0x0] =	vst.idx.msk $0xffff, v22  }
0x150: {  	v2 =	vor.u32 $0xE, v7;
	[tilespmem:$0x1F890] =	vst v4  }
0x151: {  	v3 =	vor.u32 $0xE, v6;
	[tilespmem:$0x1F900] =	vst v2  }
0x152: {  	v4 =	vor.u32 $0xE, v8;
	[tilespmem:$0x1F920] =	vst v3  }
0x153: {  	v3 =	vor.u32 $0xF, v16;
	[tilespmem:$0x1F8A0] =	vst v4  }
0x154: {  	v4 =	vor.u32 $0xE, v12;
	[tilespmem:$0x1F8B0] =	vst v3  }
0x155: {  	v3 =	vor.u32 $0xF, v15;
	[tilespmem:$0x1F870] =	vst v4  }
0x156: {  	[tilespmem:$0x1F8D0] =	vst v3  }
0x157: {  	v21 =	vld [tilespmem:s19+$0xFFFFF830];
	v4 =	vor.u32 $0xE, v10;
	[tilespmem:v54+s10+$0x0] =	vst.idx.msk $0xffff, v0  }
0x158: {  	v60 =	vmov v24;
	v24 =	vld [tilespmem:s19+$0xFFFFFFC0];
	[tilespmem:$0x1F8C0] =	vst v4  }
0x159: {  	v22 =	vld [tilespmem:s19+$0xFFFFFFD0];
	v0 =	vor.u32 $0xE, v15;
	[tilespmem:v46+s10+$0x0] =	vst.idx.msk $0xffff, v23  }
0x15a: {  	v2 =	vld [tilespmem:s19+$0x830];
	v4 =	vor.u32 $0xE, v9;
	[tilespmem:$0x1F840] =	vst v0  }
0x15b: {  	v3 =	vld [tilespmem:$0x1FB40];
	v0 =	vor.u32 $0xE, v14;
	[tilespmem:$0x1F8E0] =	vst v4  }
0x15c: {  	v46 =	vld [tilespmem:$0x1FB30];
	[tilespmem:$0x1F850] =	vst v0;
	v0 =	vor.u32 $0xE, v13  }
0x15d: {  	v4 =	vor.u32 $0xE, v11;
	[tilespmem:$0x1F860] =	vst v0;
	v0 =	vld [tilespmem:s19+$0x30]  }
0x15e: {  	v15 =	vmov v39;
	v39 =	vld [tilespmem:$0x1FB50];
	[tilespmem:$0x1F880] =	vst v4  }
0x15f: {  	v4 =	vld [tilespmem:s19+$0xFFFFF7D0];
	[tilespmem:v58+s10+$0x0] =	vst.idx.msk $0xffff, v1;
	v1 =	vor.u32 $0xF, v14  }
0x160: {  	[tilespmem:$0x1F8F0] =	vst v1;
	v1 =	vor.u32 $0xF, v13  }
0x161: {  	[tilespmem:$0x1F910] =	vst v1;
	v1 =	vor.u32 $0xF, v12  }
0x162: {  	v8 =	vor.u32 $0xF, v8;
	v21 =	vsub.f32 v21, v3;
	[tilespmem:$0x1F930] =	vst v1;
	v1 =	vld [tilespmem:s19+$0xFFFFF7E0];
	v0 =	vsub.f32 v0, v46  }
0x163: {  	[tilespmem:$0x1F950] =	vst v8;
	v8 =	vor.u32 $0xF, v10;
	v23 =	vld [tilespmem:s19+$0xFFFFFFE0]  }
0x164: {  	v2 =	vsub.f32 v2, v39;
	v10 =	vmul.f32 v21, v21;
	v0 =	vmul.f32 v0, v0  }
0x165: {  	v7 =	vor.u32 $0xF, v7;
	v9 =	vor.u32 $0xF, v9;
	v21 =	vld [tilespmem:s19+$0xFFFFFFF0]  }
0x166: {  	[tilespmem:$0x1F970] =	vst v9;
	v9 =	vsub.f32 v22, v46;
	v22 =	vld [tilespmem:s19+$0xFFFFF800];
	v2 =	vmul.f32 v2, v2;
	v0 =	vadd.f32 v0, v10  }
0x167: {  	[tilespmem:$0x1F980] =	vst v7;
	v4 =	vsub.f32 v4, v3;
	v1 =	vsub.f32 v1, v3  }
0x168: {  	[tilespmem:$0x1F960] =	vst v8;
	v8 =	vld [tilespmem:s19+$0xFFFFF7F0];
	v7 =	vmul.f32 v9, v9;
	v9 =	vsub.f32 v23, v46;
	v0 =	vadd.f32 v2, v0  }
0x169: {  	v23 =	vld [tilespmem:s19+$0xFFFFF810];
	v4 =	vmul.f32 v4, v4;
	v2 =	vmul.f32 v1, v1;
	v1 =	vor.u32 $0xF, v6  }
0x16a: {  	v6 =	vmul.f32 v9, v9;
	v9 =	vsub.f32 v21, v46;
	v21 =	vld [tilespmem:s19+$0xFFFFF820];
	[tilespmem:$0x1F990] =	vst v1;
	v1 =	vadd.f32 $9.999999930e-09, v0  }
0x16b: {  	v0 =	vadd.f32 v7, v4;
	v7 =	vsub.f32 v22, v3;
	v22 =	vld [tilespmem:s19+$0xFFFFF7C0];
	_ =	sdelay $0x3  }
0x16c: {  	v8 =	vsub.f32 v8, v3;
	v10 =	vld [tilespmem:s19+$0x0];
	v23 =	vsub.f32 v23, v3;
	v25 =	vshra.s32 v1, $0x1  }
0x16d: {  	v58 =	vmovc v28;
	v28 =	vmul.f32 $5.000000000e-01, v1;
	v21 =	vsub.f32 v21, v3;
	v22 =	vsub.f32 v22, v3;
	v3 =	vld [tilespmem:$0x1FB80]  }
0x16e: {  	v25 =	vsub.s32 $0x5F3759DF, v25  }
0x16f: {  	v53 =	vmul.f32 v25, v28;
	_ =	sdelay $0x1  }
0x170: {  	v14 =	vmov v32;
	v10 =	vsub.f32 v10, v46;
	v32 =	vmul.f32 v25, v53;
	_ =	sdelay $0x1  }
0x171: {  	v7 =	vmul.f32 v7, v7;
	v10 =	vmul.f32 v10, v10;
	v32 =	vsub.f32 $1.500000000e+00, v32;
	_ =	sdelay $0x1  }
0x172: {  	v7 =	vadd.f32 v10, v7;
	v10 =	vmul.f32 v25, v32;
	v25 =	vld.idx.msk [tilespmem:v3+s9+$0x0], $0xffff  }
0x173: {  	v3 =	vld [tilespmem:$0x1FBA0];
	_ =	sdelay $0x7  }
0x174: {  	v5 =	vor.u32 $0xF, v49;
	v49 =	vld.idx.msk [tilespmem:v3+s9+$0x0], $0xffff  }
0x175: {  	v3 =	vld [tilespmem:$0x1FBB0];
	_ =	sdelay $0x6  }
0x176: {  	v4 =	vmul.f32 v8, v8;
	v8 =	vld [tilespmem:s19+$0x20]  }
0x177: {  	v53 =	vld.idx.msk [tilespmem:v3+s9+$0x0], $0xffff  }
0x178: {  	v3 =	vld [tilespmem:$0x1FBC0];
	_ =	sdelay $0x3  }
0x179: {  	v8 =	vsub.f32 v8, v46;
	_ =	sdelay $0x1  }
0x17a: {  	v21 =	vmul.f32 v21, v21;
	v8 =	vmul.f32 v8, v8;
	_ =	sdelay $0x1  }
0x17b: {  	v8 =	vadd.f32 v8, v21;
	v21 =	vld.idx.msk [tilespmem:v3+s9+$0x0], $0xffff  }
0x17c: {  	v3 =	vld [tilespmem:$0x1FBE0];
	_ =	sdelay $0x2  }
0x17d: {  	v54 =	vld [tilespmem:s19+$0x7E0];
	_ =	sdelay $0x4  }
0x17e: {  	v34 =	vsub.f32 v54, v39;
	v54 =	vld.idx.msk [tilespmem:v3+s9+$0x0], $0xffff  }
0x17f: {  	v3 =	vld [tilespmem:$0x1FBD0];
	_ =	sdelay $0x6  }
0x180: {  	v13 =	vmov v31;
	v31 =	vld [tilespmem:s19+$0x7D0]  }
0x181: {  	[tilespmem:v3+s10+$0x0] =	vst.idx.msk $0xffff, v25;
	v3 =	vld [tilespmem:$0x1FC30];
	_ =	sdelay $0x3  }
0x182: {  	v31 =	vsub.f32 v31, v39;
	_ =	sdelay $0x1  }
0x183: {  	v31 =	vmul.f32 v31, v31;
	_ =	sdelay $0x1  }
0x184: {  	v0 =	vadd.f32 v31, v0;
	v31 =	vld.idx.msk [tilespmem:v3+s9+$0x0], $0xffff  }
0x185: {  	v3 =	vld [tilespmem:$0x1FBF0]  }
0x186: {  	[tilespmem:$0x1F940] =	vst v5;
	v5 =	vsub.f32 v24, v46;
	v24 =	vld [tilespmem:s19+$0x10];
	_ =	sdelay $0x4  }
0x187: {  	v24 =	vsub.f32 v24, v46  }
0x188: {  	v45 =	vld [tilespmem:s19+$0x7F0]  }
0x189: {  	v24 =	vmul.f32 v24, v24;
	v23 =	vmul.f32 v23, v23;
	[tilespmem:v3+s10+$0x0] =	vst.idx.msk $0xffff, v49;
	v3 =	vld [tilespmem:$0x1FC40]  }
0x18a: {  	v30 =	vld [tilespmem:s19+$0x7C0]  }
0x18b: {  	v23 =	vadd.f32 v24, v23;
	v24 =	vmul.f32 v10, v28;
	_ =	sdelay $0x1  }
0x18c: {  	v24 =	vmul.f32 v24, v10  }
0x18d: {  	v5 =	vmul.f32 v5, v5;
	v22 =	vmul.f32 v22, v22  }
0x18e: {  	v30 =	vsub.f32 v30, v39;
	v24 =	vsub.f32 $1.500000000e+00, v24  }
0x18f: {  	v5 =	vadd.f32 v5, v22  }
0x190: {  	v22 =	vmul.f32 v30, v30;
	v30 =	vsub.f32 v45, v39;
	v45 =	vmul.f32 v24, v10;
	v24 =	vld.idx.msk [tilespmem:v3+s9+$0x0], $0xffff  }
0x191: {  	v3 =	vld [tilespmem:$0x1FC50];
	_ =	sdelay $0x2  }
0x192: {  	v46 =	vld [tilespmem:s19+$0x810];
	_ =	sdelay $0x4  }
0x193: {  	v16 =	vmov v38;
	v38 =	vsub.f32 v46, v39;
	v46 =	vld.idx.msk [tilespmem:v3+s9+$0x0], $0xffff  }
0x194: {  	v3 =	vld [tilespmem:$0x1FC00];
	_ =	sdelay $0x6  }
0x195: {  	v2 =	vadd.f32 v6, v2;
	v6 =	vld [tilespmem:s19+$0x800]  }
0x196: {  	[tilespmem:v3+s10+$0x0] =	vst.idx.msk $0xffff, v53;
	v3 =	vld [tilespmem:$0x1FC60];
	_ =	sdelay $0x2  }
0x197: {  	v9 =	vmul.f32 v9, v9  }
0x198: {  	v6 =	vsub.f32 v6, v39  }
0x199: {  	v4 =	vadd.f32 v9, v4;
	v5 =	vadd.f32 v22, v5;
	v22 =	vmul.f32 v30, v30  }
0x19a: {  	v6 =	vmul.f32 v6, v6  }
0x19b: {  	v4 =	vadd.f32 v22, v4  }
0x19c: {  	v22 =	vadd.f32 v6, v7;
	v6 =	vadd.f32 $9.999999930e-09, v0;
	v0 =	vmul.f32 v45, v28;
	v28 =	vld.idx.msk [tilespmem:v3+s9+$0x0], $0xffff  }
0x19d: {  	v3 =	vld [tilespmem:$0x1FC20];
	_ =	sdelay $0x6  }
0x19e: {  	v9 =	vld [tilespmem:s19+$0x820]  }
0x19f: {  	[tilespmem:v3+s10+$0x0] =	vst.idx.msk $0xffff, v54;
	v3 =	vld [tilespmem:$0x1FC90];
	_ =	sdelay $0x3  }
0x1a0: {  	v9 =	vsub.f32 v9, v39  }
0x1a1: {  	v38 =	vmul.f32 v38, v38  }
0x1a2: {  	v9 =	vmul.f32 v9, v9  }
0x1a3: {  	v10 =	vadd.f32 v38, v23  }
0x1a4: {  	v23 =	vadd.f32 v9, v8;
	v8 =	vadd.f32 $9.999999930e-09, v4;
	v4 =	vld.idx.msk [tilespmem:v3+s9+$0x0], $0xffff  }
0x1a5: {  	v3 =	vld [tilespmem:$0x1FC80];
	_ =	sdelay $0x6  }
0x1a6: {  	v34 =	vmul.f32 v34, v34  }
0x1a7: {  	[tilespmem:v3+s10+$0x0] =	vst.idx.msk $0xffff, v31;
	v3 =	vld [tilespmem:$0x1FCC0]  }
0x1a8: {  	v2 =	vadd.f32 v34, v2;
	_ =	sdelay $0x1  }
0x1a9: {  	v7 =	vadd.f32 $9.999999930e-09, v2;
	v2 =	vld [tilespmem:$0x1FC70];
	_ =	sdelay $0x4  }
0x1aa: {  	[tilespmem:v3+s10+$0x0] =	vst.idx.msk $0xffff, v28;
	v3 =	vld [tilespmem:$0x1FCD0];
	_ =	sdelay $0x1  }
0x1ab: {  	[tilespmem:v44+s10+$0x0] =	vst.idx.msk $0xffff, v21  }
0x1ac: {  	v2 =	vld.idx.msk [tilespmem:v2+s9+$0x0], $0xffff;
	_ =	sdelay $0x4  }
0x1ad: {  	[tilespmem:v3+s10+$0x0] =	vst.idx.msk $0xffff, v2;
	v3 =	vld [tilespmem:$0x1FD10];
	_ =	sdelay $0x7  }
0x1ae: {  	v44 =	vld.idx.msk [tilespmem:v3+s9+$0x0], $0xffff  }
0x1af: {  	v3 =	vld [tilespmem:$0x1FCE0];
	_ =	sdelay $0x4  }
0x1b0: {  	v30 =	vld.idx.msk [tilespmem:v43+s9+$0x0], $0xffff;
	_ =	sdelay $0x2  }
0x1b1: {  	[tilespmem:v3+s10+$0x0] =	vst.idx.msk $0xffff, v4;
	v3 =	vld [tilespmem:$0x1FD50];
	_ =	sdelay $0x1  }
0x1b2: {  	[tilespmem:v57+s10+$0x0] =	vst.idx.msk $0xffff, v30  }
0x1b3: {  	v12 =	vmov v36;
	v36 =	vld.idx.msk [tilespmem:v56+s9+$0x0], $0xffff;
	_ =	sdelay $0x4  }
0x1b4: {  	[tilespmem:v19+s10+$0x0] =	vst.idx.msk $0xffff, v36;
	v19 =	vld.idx.msk [tilespmem:v3+s9+$0x0], $0xffff  }
0x1b5: {  	v0 =	vmul.f32 v0, v45;
	v3 =	vld [tilespmem:$0x1FD20];
	_ =	sdelay $0x1  }
0x1b6: {  	v30 =	vsub.f32 $1.500000000e+00, v0;
	v0 =	vld [tilespmem:$0x1FCA0]  }
0x1b7: {  	v38 =	vld.idx.msk [tilespmem:v47+s9+$0x0], $0xffff;
	_ =	sdelay $0x4  }
0x1b8: {  	[tilespmem:v3+s10+$0x0] =	vst.idx.msk $0xffff, v38;
	v3 =	vld [tilespmem:$0x1FD30];
	_ =	sdelay $0x1  }
0x1b9: {  	[tilespmem:v0+s10+$0x0] =	vst.idx.msk $0xffff, v24;
	v0 =	vld [tilespmem:$0x1FCB0]  }
0x1ba: {  	v49 =	vld.idx.msk [tilespmem:v50+s9+$0x0], $0xffff;
	_ =	sdelay $0x4  }
0x1bb: {  	[tilespmem:v3+s10+$0x0] =	vst.idx.msk $0xffff, v49;
	v3 =	vld [tilespmem:$0x1FD60];
	_ =	sdelay $0x1  }
0x1bc: {  	[tilespmem:v0+s10+$0x0] =	vst.idx.msk $0xffff, v46  }
0x1bd: {  	v54 =	vld.idx.msk [tilespmem:v55+s9+$0x0], $0xffff;
	_ =	sdelay $0x4  }
0x1be: {  	[tilespmem:v3+s10+$0x0] =	vst.idx.msk $0xffff, v54;
	v3 =	vld [tilespmem:$0x1FD90];
	_ =	sdelay $0x6  }
0x1bf: {  	v53 =	vmul.f32 v30, v45  }
0x1c0: {  	[tilespmem:v3+s10+$0x0] =	vst.idx.msk $0xffff, v44;
	v3 =	vld [tilespmem:$0x1FDA0]  }
0x1c1: {  	v1 =	vmul.f32 v53, v1;
	_ =	sdelay $0x1  }
0x1c2: {  	v1 =	vmul.f32 $5.249999760e-01, v1;
	_ =	sdelay $0x1  }
0x1c3: {  	v55 =	vtrunc.f32 v1  }
0x1c4: {  	vm0 =	vgt.f32 v1, v55;
	v1 =	vld [tilespmem:$0x1FD70];
	_ =	sdelay $0x1  }
0x1c5: {  	[tilespmem:v3+s10+$0x0] =	vst.idx.msk $0xffff, v19;
	v3 =	vld [tilespmem:$0x1FDC0]  }
0x1c6: {  	v45 =	vld.idx.msk [tilespmem:v33+s9+$0x0], $0xffff  }
0x1c7: {  	v9 =	vadd.f32 $9.999999930e-09, v22;
	_ =	sdelay $0x1  }
0x1c8: {  	v50 =	vshra.s32 v9, $0x1;
	v46 =	vcvt.f32.s32 v55;
	v54 =	vimm.s32 $0x0  }
0x1c9: {  	v34 =	vsub.s32 $0x5F3759DF, v50;
	v50 =	vsel vm0, $0x1, v54  }
0x1ca: {  	[tilespmem:v1+s10+$0x0] =	vst.idx.msk $0xffff, v45;
	v45 =	vadd.s32 v46, v50  }
0x1cb: {  	vm14 =	vlt.s32 v45, $0x15  }
0x1cc: {  	v19 =	vnsel vm14, $0x15, v45;
	v45 =	vld.idx.msk [tilespmem:v3+s9+$0x0], $0xffff  }
0x1cd: {  	v3 =	vld [tilespmem:$0x1FDD0];
	_ =	sdelay $0x7  }
0x1ce: {  	v46 =	vld.idx.msk [tilespmem:v3+s9+$0x0], $0xffff  }
0x1cf: {  	v5 =	vadd.f32 $9.999999930e-09, v5;
	v3 =	vld [tilespmem:$0x1FE10];
	_ =	sdelay $0x1  }
0x1d0: {  	v39 =	vshra.s32 v7, $0x1;
	v21 =	vshra.s32 v5, $0x1;
	v31 =	vshra.s32 v6, $0x1  }
0x1d1: {  	v4 =	vsub.s32 $0x5F3759DF, v21;
	v21 =	vsub.s32 $0x5F3759DF, v31;
	v31 =	vsub.s32 $0x5F3759DF, v39;
	v39 =	vld.idx.msk [tilespmem:v52+s9+$0x0], $0xffff;
	_ =	sdelay $0x4  }
0x1d2: {  	[tilespmem:v35+s10+$0x0] =	vst.idx.msk $0xffff, v39;
	v35 =	vld.idx.msk [tilespmem:v3+s9+$0x0], $0xffff  }
0x1d3: {  	v3 =	vld [tilespmem:$0x1FDF0];
	_ =	sdelay $0x2  }
0x1d4: {  	v20 =	vld.idx.msk [tilespmem:v20+s9+$0x0], $0xffff;
	_ =	sdelay $0x4  }
0x1d5: {  	[tilespmem:v3+s10+$0x0] =	vst.idx.msk $0xffff, v20;
	v3 =	vld [tilespmem:$0x1FE00];
	_ =	sdelay $0x2  }
0x1d6: {  	v41 =	vld.idx.msk [tilespmem:v41+s9+$0x0], $0xffff;
	_ =	sdelay $0x4  }
0x1d7: {  	[tilespmem:v3+s10+$0x0] =	vst.idx.msk $0xffff, v41;
	v3 =	vld [tilespmem:$0x1FE30];
	_ =	sdelay $0x2  }
0x1d8: {  	v26 =	vld.idx.msk [tilespmem:v26+s9+$0x0], $0xffff;
	_ =	sdelay $0x1  }
0x1d9: {  	v22 =	vadd.f32 $9.999999930e-09, v23;
	_ =	sdelay $0x1  }
0x1da: {  	v24 =	vmul.f32 $5.000000000e-01, v7;
	v33 =	vmul.f32 $5.000000000e-01, v22;
	v2 =	vshra.s32 v22, $0x1  }
0x1db: {  	v32 =	vmul.f32 $5.000000000e-01, v9;
	v2 =	vsub.s32 $0x5F3759DF, v2;
	[tilespmem:v3+s10+$0x0] =	vst.idx.msk $0xffff, v26;
	v3 =	vld [tilespmem:$0x1FE70]  }
0x1dc: {  	v56 =	vmov v40;
	v53 =	vmul.f32 v2, v33;
	v40 =	vmul.f32 v31, v24  }
0x1dd: {  	v49 =	vmul.f32 v34, v32  }
0x1de: {  	v47 =	vmul.f32 v2, v53;
	v53 =	vld [tilespmem:$0x1FFF0];
	v40 =	vmul.f32 v31, v40  }
0x1df: {  	s17 =	sadd.s32 $0x80, s17;
	v43 =	vmul.f32 v34, v49  }
0x1e0: {  	s22 =	sadd.s32 $0x70, s17;
	v55 =	vsub.f32 $1.500000000e+00, v40  }
0x1e1: {  	v50 =	vmov s22;
	v20 =	vsub.f32 $1.500000000e+00, v43  }
0x1e2: {  	v26 =	vmul.f32 v31, v55;
	v31 =	vshll.u32 v50, $0x4  }
0x1e3: {  	v34 =	vmul.f32 v34, v20;
	v20 =	vor.u32 v53, v31;
	v31 =	vld.idx.msk [tilespmem:v3+s9+$0x0], $0xffff  }
0x1e4: {  	v3 =	vld [tilespmem:$0x1FE40];
	_ =	sdelay $0x7  }
0x1e5: {  	[tilespmem:v3+s10+$0x0] =	vst.idx.msk $0xffff, v45;
	v3 =	vld [tilespmem:$0x1FE90];
	_ =	sdelay $0x7  }
0x1e6: {  	v25 =	vmul.f32 $5.000000000e-01, v5;
	v43 =	vld.idx.msk [tilespmem:v3+s9+$0x0], $0xffff  }
0x1e7: {  	v23 =	vmul.f32 $5.000000000e-01, v6;
	v3 =	vld [tilespmem:$0x1FEA0]  }
0x1e8: {  	v57 =	vmov v42;
	v42 =	vshra.s32 v8, $0x1;
	v38 =	vmul.f32 v4, v25  }
0x1e9: {  	v36 =	vsub.s32 $0x5F3759DF, v42;
	v42 =	vmul.f32 v21, v23  }
0x1ea: {  	v10 =	vadd.f32 $9.999999930e-09, v10;
	v0 =	vmul.f32 $5.000000000e-01, v8;
	v38 =	vmul.f32 v4, v38  }
0x1eb: {  	v42 =	vmul.f32 v21, v42  }
0x1ec: {  	v28 =	vshra.s32 v10, $0x1;
	v1 =	vmul.f32 v36, v0;
	v38 =	vsub.f32 $1.500000000e+00, v38  }
0x1ed: {  	v30 =	vmul.f32 $5.000000000e-01, v10;
	v28 =	vsub.s32 $0x5F3759DF, v28;
	v42 =	vsub.f32 $1.500000000e+00, v42  }
0x1ee: {  	v1 =	vmul.f32 v36, v1;
	v29 =	vld.idx.msk [tilespmem:v29+s9+$0x0], $0xffff;
	v4 =	vmul.f32 v4, v38;
	[tilespmem:v48+s10+$0x0] =	vst.idx.msk $0xffff, v46  }
0x1ef: {  	v52 =	vmul.f32 v28, v30;
	v21 =	vmul.f32 v21, v42;
	v49 =	vsub.f32 $1.500000000e+00, v47;
	v47 =	vld.idx.msk [tilespmem:v3+s9+$0x0], $0xffff  }
0x1f0: {  	v1 =	vsub.f32 $1.500000000e+00, v1;
	v38 =	vmul.f32 v4, v25;
	v3 =	vld [tilespmem:$0x1FE60]  }
0x1f1: {  	v44 =	vmul.f32 v28, v52;
	v52 =	vmul.f32 v21, v23;
	v19 =	vshll.u32 v19, $0x4  }
0x1f2: {  	v1 =	vmul.f32 v36, v1  }
0x1f3: {  	[tilespmem:v51+s10+$0x0] =	vst.idx.msk $0xffff, v29;
	v29 =	vmul.f32 v38, v4;
	v38 =	vmul.f32 v52, v21;
	v52 =	vld [tilespmem:$0x1FF30];
	_ =	sdelay $0x1  }
0x1f4: {  	v55 =	vmul.f32 v1, v0  }
0x1f5: {  	v36 =	vld.idx.msk [tilespmem:v19+s9+$0x0], $0xffff  }
0x1f6: {  	v45 =	vmul.f32 v55, v1;
	v55 =	vld [tilespmem:$0x1FED0]  }
0x1f7: {  	[tilespmem:v3+s10+$0x0] =	vst.idx.msk $0xffff, v35;
	v3 =	vld [tilespmem:$0x1FEB0]  }
0x1f8: {  	v29 =	vsub.f32 $1.500000000e+00, v29  }
0x1f9: {  	v27 =	vld.idx.msk [tilespmem:v27+s9+$0x0], $0xffff  }
0x1fa: {  	v4 =	vmul.f32 v29, v4;
	[tilespmem:v20+s10+$0x0] =	vst.idx.msk $0xffff, v36;
	v36 =	vld.idx.msk [tilespmem:v52+s9+$0x0], $0xffff  }
0x1fb: {  	v52 =	vld [tilespmem:$0x1FEF0]  }
0x1fc: {  	v25 =	vmul.f32 v4, v25;
	_ =	sdelay $0x1  }
0x1fd: {  	v25 =	vmul.f32 v25, v4;
	[tilespmem:v55+s10+$0x0] =	vst.idx.msk $0xffff, v27;
	v55 =	vld [tilespmem:$0x1FEE0]  }
0x1fe: {  	v3 =	vld.idx.msk [tilespmem:v3+s9+$0x0], $0xffff  }
0x1ff: {  	v25 =	vsub.f32 $1.500000000e+00, v25;
	v42 =	vmul.f32 v26, v24  }
0x200: {  	v2 =	vmul.f32 v2, v49;
	v44 =	vsub.f32 $1.500000000e+00, v44;
	v37 =	vld.idx.msk [tilespmem:v37+s9+$0x0], $0xffff  }
0x201: {  	v4 =	vmul.f32 v25, v4;
	v42 =	vmul.f32 v42, v26  }
0x202: {  	v49 =	vmul.f32 v2, v33;
	v28 =	vmul.f32 v28, v44;
	[tilespmem:v52+s10+$0x0] =	vst.idx.msk $0xffff, v31;
	v31 =	vsub.f32 $1.500000000e+00, v38  }
0x203: {  	v4 =	vmul.f32 v4, v5;
	v39 =	vor.u32 $0x1, v19;
	v38 =	vsub.f32 $1.500000000e+00, v42;
	[tilespmem:v12+s10+$0x0] =	vst.idx.msk $0xffff, v3;
	v12 =	vld [tilespmem:$0x1FFB0]  }
0x204: {  	v48 =	vmul.f32 v28, v30;
	v21 =	vmul.f32 v31, v21;
	v29 =	vsub.f32 $1.500000000e+00, v45  }
0x205: {  	v26 =	vmul.f32 v38, v26;
	[tilespmem:v55+s10+$0x0] =	vst.idx.msk $0xffff, v37;
	v37 =	vmul.f32 v49, v2  }
0x206: {  	v23 =	vmul.f32 v21, v23;
	v1 =	vmul.f32 v29, v1  }
0x207: {  	v46 =	vmul.f32 v34, v32;
	v45 =	vld [tilespmem:$0x1FF80];
	v24 =	vmul.f32 v26, v24;
	v37 =	vsub.f32 $1.500000000e+00, v37  }
0x208: {  	v5 =	vld [tilespmem:$0x1F860];
	v23 =	vmul.f32 v23, v21;
	v0 =	vmul.f32 v1, v0  }
0x209: {  	v39 =	vld.idx.msk [tilespmem:v39+s9+$0x0], $0xffff;
	v27 =	vmul.f32 v46, v34;
	v2 =	vmul.f32 v37, v2  }
0x20a: {  	v46 =	vmul.f32 v48, v28;
	v48 =	vor.u32 $0x1, v20;
	v0 =	vmul.f32 v0, v1;
	[tilespmem:v15+s10+$0x0] =	vst.idx.msk $0xffff, v47;
	v15 =	vld [tilespmem:$0x1FF90]  }
0x20b: {  	v24 =	vmul.f32 v24, v26;
	v49 =	vor.u32 $0x2, v19;
	v33 =	vmul.f32 v2, v33;
	v29 =	vld.idx.msk [tilespmem:v12+s9+$0x0], $0xffff  }
0x20c: {  	v23 =	vsub.f32 $1.500000000e+00, v23;
	v0 =	vsub.f32 $1.500000000e+00, v0  }
0x20d: {  	v24 =	vsub.f32 $1.500000000e+00, v24;
	v33 =	vmul.f32 v33, v2  }
0x20e: {  	v21 =	vmul.f32 v23, v21;
	v31 =	vsub.f32 $1.500000000e+00, v46;
	v1 =	vmul.f32 v0, v1;
	v0 =	vld [tilespmem:$0x1F850];
	[tilespmem:v56+s10+$0x0] =	vst.idx.msk $0xffff, v43  }
0x20f: {  	v23 =	vmul.f32 v24, v26;
	v43 =	vld.idx.msk [tilespmem:v45+s9+$0x0], $0xffff;
	[tilespmem:v48+s10+$0x0] =	vst.idx.msk $0xffff, v39;
	v24 =	vsub.f32 $1.500000000e+00, v33  }
0x210: {  	v28 =	vmul.f32 v31, v28;
	v31 =	vld.idx.msk [tilespmem:v49+s9+$0x0], $0xffff;
	[tilespmem:v62+s10+$0x0] =	vst.idx.msk $0xffff, v29  }
0x211: {  	v27 =	vsub.f32 $1.500000000e+00, v27;
	v2 =	vmul.f32 v24, v2;
	v24 =	vld.idx.msk [tilespmem:v5+s9+$0x0], $0xffff  }
0x212: {  	v47 =	vor.u32 $0x2, v20;
	v5 =	vld [tilespmem:$0x1F870]  }
0x213: {  	v27 =	vmul.f32 v27, v34;
	v45 =	vld.idx.msk [tilespmem:v15+s9+$0x0], $0xffff  }
0x214: {  	v30 =	vmul.f32 v28, v30;
	v48 =	vld.idx.msk [tilespmem:v57+s9+$0x0], $0xffff  }
0x215: {  	v32 =	vmul.f32 v27, v32;
	v12 =	vld [tilespmem:$0x1F830]  }
0x216: {  	v30 =	vmul.f32 v30, v28  }
0x217: {  	v52 =	vld [tilespmem:$0x1FF70];
	[tilespmem:v47+s10+$0x0] =	vst.idx.msk $0xffff, v31;
	v31 =	vmul.f32 v32, v27  }
0x218: {  	v55 =	vld [tilespmem:$0x1FF40];
	[tilespmem:v61+s10+$0x0] =	vst.idx.msk $0xffff, v45;
	v29 =	vsub.f32 $1.500000000e+00, v30  }
0x219: {  	v25 =	vsub.f32 $1.500000000e+00, v31;
	v31 =	vld.idx.msk [tilespmem:v0+s9+$0x0], $0xffff;
	v3 =	vmov s17;
	[tilespmem:v59+s10+$0x0] =	vst.idx.msk $0xffff, v48  }
0x21a: {  	v0 =	vshll.u32 v3, $0x4;
	v3 =	vmul.f32 v29, v28;
	v28 =	vld.idx.msk [tilespmem:v5+s9+$0x0], $0xffff  }
0x21b: {  	v5 =	vld [tilespmem:$0x1F880];
	_ =	sdelay $0x1  }
0x21c: {  	[tilespmem:v12+s10+$0x0] =	vst.idx.msk $0xffff, v36  }
0x21d: {  	[tilespmem:v58+s10+$0x0] =	vst.idx.msk $0xffff, v43;
	v58 =	vld.idx.msk [tilespmem:v16+s9+$0x0], $0xffff;
	_ =	sdelay $0x1  }
0x21e: {  	v51 =	vld.idx.msk [tilespmem:v55+s9+$0x0], $0xffff  }
0x21f: {  	v52 =	vld.idx.msk [tilespmem:v52+s9+$0x0], $0xffff;
	_ =	sdelay $0x1  }
0x220: {  	[tilespmem:v5+s10+$0x0] =	vst.idx.msk $0xffff, v58;
	v5 =	vld [tilespmem:$0x1F890];
	_ =	sdelay $0x1  }
0x221: {  	[tilespmem:v13+s10+$0x0] =	vst.idx.msk $0xffff, v51  }
0x222: {  	[tilespmem:v14+s10+$0x0] =	vst.idx.msk $0xffff, v52;
	v52 =	vld.idx.msk [tilespmem:v60+s9+$0x0], $0xffff;
	_ =	sdelay $0x4  }
0x223: {  	[tilespmem:v5+s10+$0x0] =	vst.idx.msk $0xffff, v52;
	v5 =	vld [tilespmem:$0x1F8A0];
	_ =	sdelay $0x2  }
0x224: {  	v30 =	vld.idx.msk [tilespmem:v63+s9+$0x0], $0xffff;
	_ =	sdelay $0x4  }
0x225: {  	[tilespmem:v5+s10+$0x0] =	vst.idx.msk $0xffff, v30;
	v5 =	vld [tilespmem:$0x1F8B0];
	_ =	sdelay $0x3  }
0x226: {  	v12 =	vld [tilespmem:$0x1F840];
	_ =	sdelay $0x3  }
0x227: {  	v16 =	vld.idx.msk [tilespmem:v5+s9+$0x0], $0xffff  }
0x228: {  	v5 =	vld [tilespmem:$0x1F8C0];
	_ =	sdelay $0x2  }
0x229: {  	v26 =	vld.idx.msk [tilespmem:v12+s9+$0x0], $0xffff;
	_ =	sdelay $0x4  }
0x22a: {  	[tilespmem:v5+s10+$0x0] =	vst.idx.msk $0xffff, v26;
	v5 =	vld [tilespmem:$0x1F8D0];
	_ =	sdelay $0x7  }
0x22b: {  	v15 =	vld.idx.msk [tilespmem:v5+s9+$0x0], $0xffff  }
0x22c: {  	v5 =	vld [tilespmem:$0x1F8E0];
	_ =	sdelay $0x7  }
0x22d: {  	[tilespmem:v5+s10+$0x0] =	vst.idx.msk $0xffff, v31;
	v5 =	vld [tilespmem:$0x1F8F0];
	_ =	sdelay $0x7  }
0x22e: {  	v14 =	vld.idx.msk [tilespmem:v5+s9+$0x0], $0xffff  }
0x22f: {  	v5 =	vld [tilespmem:$0x1F900];
	_ =	sdelay $0x7  }
0x230: {  	[tilespmem:v5+s10+$0x0] =	vst.idx.msk $0xffff, v24;
	v5 =	vld [tilespmem:$0x1F910];
	_ =	sdelay $0x7  }
0x231: {  	v13 =	vld.idx.msk [tilespmem:v5+s9+$0x0], $0xffff  }
0x232: {  	v5 =	vld [tilespmem:$0x1F920];
	_ =	sdelay $0x5  }
0x233: {  	v18 =	vor.u32 $0xF, v18;
	_ =	sdelay $0x1  }
0x234: {  	[tilespmem:v5+s10+$0x0] =	vst.idx.msk $0xffff, v28;
	v5 =	vld [tilespmem:$0x1F930];
	_ =	sdelay $0x1  }
0x235: {  	v49 =	vor.u32 $0x3, v19  }
0x236: {  	v11 =	vor.u32 $0xF, v11;
	v18 =	vld.idx.msk [tilespmem:v18+s9+$0x0], $0xffff;
	_ =	sdelay $0x3  }
0x237: {  	v56 =	vld.idx.msk [tilespmem:v49+s9+$0x0], $0xffff;
	v57 =	vor.u32 $0x3, v20  }
0x238: {  	v61 =	vor.u32 $0x4, v19;
	[tilespmem:v11+s10+$0x0] =	vst.idx.msk $0xffff, v18;
	v11 =	vld.idx.msk [tilespmem:v5+s9+$0x0], $0xffff  }
0x239: {  	v5 =	vld [tilespmem:$0x1F950];
	_ =	sdelay $0x2  }
0x23a: {  	v6 =	vmul.f32 v21, v6;
	v25 =	vmul.f32 v25, v27;
	[tilespmem:v57+s10+$0x0] =	vst.idx.msk $0xffff, v56  }
0x23b: {  	v7 =	vmul.f32 v23, v7;
	v23 =	vor.u32 $0x4, v20;
	v1 =	vmul.f32 v1, v8;
	v21 =	vld.idx.msk [tilespmem:v61+s9+$0x0], $0xffff  }
0x23c: {  	s31 =	sadd.s32 $0x60, s17;
	v9 =	vmul.f32 v25, v9;
	v25 =	vor.u32 $0x5, v19  }
0x23d: {  	v42 =	vmov s31;
	v1 =	vmul.f32 $5.249999760e-01, v1  }
0x23e: {  	v17 =	vor.u32 $0xF, v17;
	v27 =	vshll.u32 v42, $0x4;
	v2 =	vmul.f32 v2, v22  }
0x23f: {  	s21 =	sadd.s32 $0x20, s17;
	v22 =	vmul.f32 $5.249999760e-01, v6;
	v6 =	vor.u32 v53, v27;
	v27 =	vtrunc.f32 v1;
	[tilespmem:v5+s10+$0x0] =	vst.idx.msk $0xffff, v16;
	v5 =	vld [tilespmem:$0x1F960]  }
0x240: {  	v4 =	vmul.f32 $5.249999760e-01, v4;
	v44 =	vmov s21;
	vm3 =	vgt.f32 v1, v27;
	v1 =	vld [tilespmem:$0x1F940];
	[tilespmem:v23+s10+$0x0] =	vst.idx.msk $0xffff, v21  }
0x241: {  	v55 =	vshll.u32 v44, $0x4;
	v25 =	vld.idx.msk [tilespmem:v25+s9+$0x0], $0xffff;
	v3 =	vmul.f32 v3, v10;
	v30 =	vor.u32 $0x5, v20  }
0x242: {  	v8 =	vor.u32 v53, v55;
	v2 =	vmul.f32 $5.249999760e-01, v2;
	v55 =	vmul.f32 $5.249999760e-01, v9  }
0x243: {  	v57 =	vor.u32 $0x6, v19;
	v21 =	vtrunc.f32 v4;
	v3 =	vmul.f32 $5.249999760e-01, v3  }
0x244: {  	v23 =	vtrunc.f32 v22;
	vm15 =	vgt.f32 v4, v21;
	v4 =	vtrunc.f32 v2;
	v17 =	vld.idx.msk [tilespmem:v17+s9+$0x0], $0xffff  }
0x245: {  	vm1 =	vgt.f32 v22, v23;
	vm6 =	vgt.f32 v2, v4;
	v56 =	vtrunc.f32 v3  }
0x246: {  	v29 =	vmul.f32 $5.249999760e-01, v7;
	vm5 =	vgt.f32 v3, v56;
	v12 =	vcvt.f32.s32 v27;
	[tilespmem:v30+s10+$0x0] =	vst.idx.msk $0xffff, v25  }
0x247: {  	v3 =	vcvt.f32.s32 v4;
	v4 =	vsel vm15, $0x1, v54;
	v25 =	vsel vm3, $0x1, v54;
	[tilespmem:v5+s10+$0x0] =	vst.idx.msk $0xffff, v15;
	v5 =	vld [tilespmem:$0x1F970]  }
0x248: {  	v27 =	vsel vm5, $0x1, v54;
	v18 =	vsel vm1, $0x1, v54;
	v12 =	vadd.s32 v12, v25  }
0x249: {  	[tilespmem:v1+s10+$0x0] =	vst.idx.msk $0xffff, v17;
	v17 =	vcvt.f32.s32 v56;
	vm12 =	vlt.s32 v12, $0x15;
	v26 =	vtrunc.f32 v29  }
0x24a: {  	v22 =	vcvt.f32.s32 v26;
	vm2 =	vgt.f32 v29, v26;
	v31 =	vtrunc.f32 v55  }
0x24b: {  	v2 =	vld.idx.msk [tilespmem:v57+s9+$0x0], $0xffff;
	v24 =	vcvt.f32.s32 v21;
	v21 =	vcvt.f32.s32 v23;
	v23 =	vor.u32 $0x6, v20  }
0x24c: {  	v26 =	vor.u32 $0x7, v19;
	v1 =	vcvt.f32.s32 v31;
	vm4 =	vgt.f32 v55, v31  }
0x24d: {  	v12 =	vnsel vm12, $0x15, v12;
	v4 =	vadd.s32 v24, v4;
	v15 =	vsel vm4, $0x1, v54  }
0x24e: {  	vm9 =	vlt.s32 v4, $0x15;
	v1 =	vadd.s32 v1, v15;
	v15 =	vadd.s32 v17, v27  }
0x24f: {  	v4 =	vnsel vm9, $0x15, v4;
	vm14 =	vlt.s32 v15, $0x15;
	[tilespmem:v5+s10+$0x0] =	vst.idx.msk $0xffff, v14;
	v14 =	vadd.s32 v21, v18;
	v5 =	vld [tilespmem:$0x1F980]  }
0x250: {  	[tilespmem:v23+s10+$0x0] =	vst.idx.msk $0xffff, v2;
	v18 =	vshll.u32 v4, $0x4;
	v4 =	vnsel vm14, $0x15, v15;
	v15 =	vshll.u32 v12, $0x4  }
0x251: {  	v2 =	vld.idx.msk [tilespmem:v26+s9+$0x0], $0xffff;
	v21 =	vor.u32 $0x7, v20  }
0x252: {  	s23 =	sadd.s32 $0x30, s17;
	v16 =	vsel vm2, $0x1, v54  }
0x253: {  	v35 =	vmov s23;
	v16 =	vadd.s32 v22, v16;
	v22 =	vor.u32 $0x8, v19  }
0x254: {  	v35 =	vshll.u32 v35, $0x4  }
0x255: {  	v10 =	vor.u32 v53, v35;
	v58 =	vld.idx.msk [tilespmem:v15+s9+$0x0], $0xffff  }
0x256: {  	s24 =	sadd.s32 $0x40, s17;
	vm11 =	vlt.s32 v16, $0x15;
	[tilespmem:v21+s10+$0x0] =	vst.idx.msk $0xffff, v2;
	v21 =	vor.u32 $0x1, v15  }
0x257: {  	v40 =	vmov s24;
	[tilespmem:v5+s10+$0x0] =	vst.idx.msk $0xffff, v13;
	v5 =	vld [tilespmem:$0x1F990];
	v13 =	vnsel vm11, $0x15, v16  }
0x258: {  	s20 =	sadd.s32 $0x10, s17;
	v2 =	vld.idx.msk [tilespmem:v22+s9+$0x0], $0xffff;
	v16 =	vshll.u32 v13, $0x4;
	v13 =	vshll.u32 v4, $0x4;
	v4 =	vor.u32 $0x8, v20  }
0x259: {  	s25 =	sadd.s32 $0x50, s17;
	v40 =	vshll.u32 v40, $0x4;
	v41 =	vmov s20  }
0x25a: {  	v50 =	vmov s25;
	v38 =	vshll.u32 v41, $0x4;
	v28 =	vsel vm6, $0x1, v54;
	[tilespmem:v10+s10+$0x0] =	vst.idx.msk $0xffff, v58  }
0x25b: {  	v9 =	vor.u32 v53, v40;
	v3 =	vadd.s32 v3, v28;
	v56 =	vld.idx.msk [tilespmem:v21+s9+$0x0], $0xffff;
	v21 =	vor.u32 $0x3, v6  }
0x25c: {  	v25 =	vor.u32 $0x9, v19;
	v31 =	vor.u32 $0x1, v10;
	vm15 =	vlt.s32 v3, $0x15;
	[tilespmem:$0x1F9F0] =	vst v21  }
0x25d: {  	v3 =	vnsel vm15, $0x15, v3;
	vm13 =	vlt.s32 v1, $0x15;
	[tilespmem:v4+s10+$0x0] =	vst.idx.msk $0xffff, v2;
	v4 =	vor.u32 $0x2, v9  }
0x25e: {  	v41 =	vshll.u32 v50, $0x4;
	v1 =	vnsel vm13, $0x15, v1;
	v12 =	vshll.u32 v3, $0x4;
	v30 =	vld.idx.msk [tilespmem:v16+s9+$0x0], $0xffff;
	[tilespmem:$0x1F9A0] =	vst v4  }
0x25f: {  	vm10 =	vlt.s32 v14, $0x15;
	v3 =	vor.u32 $0x1, v16;
	v4 =	vor.u32 $0x2, v6;
	[tilespmem:v5+s10+$0x0] =	vst.idx.msk $0xffff, v11  }
0x260: {  	v7 =	vor.u32 v53, v41;
	v43 =	vld.idx.msk [tilespmem:v13+s9+$0x0], $0xffff;
	v11 =	vnsel vm10, $0x15, v14;
	v14 =	vshll.u32 v1, $0x4;
	[tilespmem:$0x1F9B0] =	vst v4  }
0x261: {  	v44 =	vor.u32 $0x9, v20;
	v25 =	vld.idx.msk [tilespmem:v25+s9+$0x0], $0xffff;
	[tilespmem:v31+s10+$0x0] =	vst.idx.msk $0xffff, v56;
	v31 =	vor.u32 $0x4, v7;
	v17 =	vshll.u32 v11, $0x4  }
0x262: {  	[tilespmem:$0x1FA00] =	vst v31  }
0x263: {  	v22 =	vld.idx.msk [tilespmem:v18+s9+$0x0], $0xffff;
	v11 =	vor.u32 v53, v0;
	v31 =	vor.u32 $0x4, v6;
	[tilespmem:v8+s10+$0x0] =	vst.idx.msk $0xffff, v30  }
0x264: {  	v0 =	vor.u32 $0x1, v18;
	[tilespmem:$0x1FA10] =	vst v31;
	v36 =	vld.idx.msk [tilespmem:v3+s9+$0x0], $0xffff  }
0x265: {  	v49 =	vor.u32 v53, v38;
	v62 =	vor.u32 $0xA, v19;
	[tilespmem:v7+s10+$0x0] =	vst.idx.msk $0xffff, v43;
	v59 =	vld.idx.msk [tilespmem:v14+s9+$0x0], $0xffff  }
0x266: {  	v3 =	vor.u32 $0x3, v49;
	[tilespmem:v44+s10+$0x0] =	vst.idx.msk $0xffff, v25;
	v26 =	vld.idx.msk [tilespmem:v17+s9+$0x0], $0xffff  }
0x267: {  	v23 =	vor.u32 $0x1, v14;
	[tilespmem:$0x1F9C0] =	vst v3  }
0x268: {  	v28 =	vor.u32 $0x1, v8;
	v1 =	vor.u32 $0x1, v17;
	v3 =	vor.u32 $0x3, v8;
	[tilespmem:v11+s10+$0x0] =	vst.idx.msk $0xffff, v22  }
0x269: {  	v24 =	vor.u32 $0x1, v13;
	v33 =	vor.u32 $0x1, v11;
	[tilespmem:$0x1F9D0] =	vst v3;
	v0 =	vld.idx.msk [tilespmem:v0+s9+$0x0], $0xffff  }
0x26a: {  	v57 =	vor.u32 $0xA, v20;
	v39 =	vor.u32 $0x2, v16;
	v45 =	vld.idx.msk [tilespmem:v62+s9+$0x0], $0xffff;
	[tilespmem:v9+s10+$0x0] =	vst.idx.msk $0xffff, v59  }
0x26b: {  	v35 =	vor.u32 $0x2, v18;
	v3 =	vor.u32 $0x3, v9;
	[tilespmem:v49+s10+$0x0] =	vst.idx.msk $0xffff, v26;
	v26 =	vld.idx.msk [tilespmem:v12+s9+$0x0], $0xffff  }
0x26c: {  	v32 =	vor.u32 $0x1, v9;
	v41 =	vor.u32 $0x2, v15;
	[tilespmem:$0x1F9E0] =	vst v3;
	v5 =	vld.idx.msk [tilespmem:v23+s9+$0x0], $0xffff  }
0x26d: {  	v27 =	vor.u32 $0x1, v49;
	v29 =	vor.u32 $0x1, v12;
	[tilespmem:v28+s10+$0x0] =	vst.idx.msk $0xffff, v36;
	v63 =	vld.idx.msk [tilespmem:v1+s9+$0x0], $0xffff  }
0x26e: {  	v52 =	vor.u32 $0x1, v7;
	v55 =	vor.u32 $0xB, v19;
	[tilespmem:v33+s10+$0x0] =	vst.idx.msk $0xffff, v0;
	v0 =	vld.idx.msk [tilespmem:v24+s9+$0x0], $0xffff  }
0x26f: {  	v50 =	vor.u32 $0x2, v8;
	v62 =	vld.idx.msk [tilespmem:v39+s9+$0x0], $0xffff;
	[tilespmem:v57+s10+$0x0] =	vst.idx.msk $0xffff, v45  }
0x270: {  	v42 =	vor.u32 $0x2, v13;
	v51 =	vor.u32 $0x2, v11;
	v59 =	vld.idx.msk [tilespmem:v35+s9+$0x0], $0xffff;
	[tilespmem:v6+s10+$0x0] =	vst.idx.msk $0xffff, v26  }
0x271: {  	v60 =	vor.u32 $0x2, v10;
	[tilespmem:v32+s10+$0x0] =	vst.idx.msk $0xffff, v5;
	v32 =	vld.idx.msk [tilespmem:v41+s9+$0x0], $0xffff  }
0x272: {  	v37 =	vor.u32 $0x1, v6;
	[tilespmem:v27+s10+$0x0] =	vst.idx.msk $0xffff, v63;
	v63 =	vld.idx.msk [tilespmem:v29+s9+$0x0], $0xffff  }
0x273: {  	v34 =	vor.u32 $0x3, v18;
	v58 =	vld.idx.msk [tilespmem:v55+s9+$0x0], $0xffff;
	[tilespmem:v52+s10+$0x0] =	vst.idx.msk $0xffff, v0;
	v0 =	vor.u32 $0xB, v20  }
0x274: {  	[tilespmem:v50+s10+$0x0] =	vst.idx.msk $0xffff, v62  }
0x275: {  	v46 =	vor.u32 $0x2, v7;
	[tilespmem:v51+s10+$0x0] =	vst.idx.msk $0xffff, v59;
	v55 =	vld.idx.msk [tilespmem:v42+s9+$0x0], $0xffff  }
0x276: {  	v38 =	vor.u32 $0x2, v17;
	[tilespmem:v60+s10+$0x0] =	vst.idx.msk $0xffff, v32  }
0x277: {  	v30 =	vor.u32 $0x3, v15;
	[tilespmem:v37+s10+$0x0] =	vst.idx.msk $0xffff, v63  }
0x278: {  	v48 =	vor.u32 $0x2, v12;
	v3 =	vor.u32 $0x3, v11;
	v34 =	vld.idx.msk [tilespmem:v34+s9+$0x0], $0xffff;
	[tilespmem:v0+s10+$0x0] =	vst.idx.msk $0xffff, v58;
	v0 =	vor.u32 $0x6, v49  }
0x279: {  	v53 =	vor.u32 $0x3, v13;
	[tilespmem:$0x1FA60] =	vst v0  }
0x27a: {  	v62 =	vld [tilespmem:$0x1F9B0];
	v0 =	vor.u32 $0x6, v12;
	[tilespmem:v46+s10+$0x0] =	vst.idx.msk $0xffff, v55  }
0x27b: {  	v38 =	vld.idx.msk [tilespmem:v38+s9+$0x0], $0xffff;
	v55 =	vor.u32 $0x6, v6;
	[tilespmem:$0x1FA50] =	vst v0  }
0x27c: {  	v22 =	vor.u32 $0x2, v49;
	v37 =	vor.u32 $0xC, v19;
	v30 =	vld.idx.msk [tilespmem:v30+s9+$0x0], $0xffff;
	[tilespmem:$0x1FAE0] =	vst v55  }
0x27d: {  	v1 =	vor.u32 $0x3, v17;
	v61 =	vld.idx.msk [tilespmem:v48+s9+$0x0], $0xffff;
	v0 =	vor.u32 $0x6, v8;
	[tilespmem:v3+s10+$0x0] =	vst.idx.msk $0xffff, v34  }
0x27e: {  	v44 =	vor.u32 $0x3, v10;
	v3 =	vor.u32 $0x7, v15;
	v55 =	vld.idx.msk [tilespmem:v53+s9+$0x0], $0xffff;
	[tilespmem:$0x1FA70] =	vst v0  }
0x27f: {  	v2 =	vor.u32 $0x2, v14;
	v0 =	vor.u32 $0x6, v10;
	[tilespmem:$0x1FA90] =	vst v3;
	v3 =	vld [tilespmem:$0x1F9C0]  }
0x280: {  	v43 =	vor.u32 $0x3, v7;
	[tilespmem:$0x1FA80] =	vst v0;
	v0 =	vld [tilespmem:$0x1F9A0]  }
0x281: {  	v51 =	vor.u32 $0x5, v6;
	v60 =	vor.u32 $0xC, v20;
	[tilespmem:v22+s10+$0x0] =	vst.idx.msk $0xffff, v38;
	v58 =	vld.idx.msk [tilespmem:v37+s9+$0x0], $0xffff  }
0x282: {  	[tilespmem:$0x1FA40] =	vst v51;
	v50 =	vld.idx.msk [tilespmem:v1+s9+$0x0], $0xffff  }
0x283: {  	[tilespmem:v44+s10+$0x0] =	vst.idx.msk $0xffff, v30  }
0x284: {  	v2 =	vld.idx.msk [tilespmem:v2+s9+$0x0], $0xffff;
	[tilespmem:v62+s10+$0x0] =	vst.idx.msk $0xffff, v61  }
0x285: {  	[tilespmem:v43+s10+$0x0] =	vst.idx.msk $0xffff, v55  }
0x286: {  	[tilespmem:v60+s10+$0x0] =	vst.idx.msk $0xffff, v58  }
0x287: {  	v58 =	vor.u32 $0x8, v17;
	[tilespmem:v3+s10+$0x0] =	vst.idx.msk $0xffff, v50  }
0x288: {  	v23 =	vor.u32 $0x4, v17;
	[tilespmem:$0x1FB10] =	vst v58  }
0x289: {  	v3 =	vor.u32 $0x7, v14;
	[tilespmem:v0+s10+$0x0] =	vst.idx.msk $0xffff, v2  }
0x28a: {  	v58 =	vor.u32 $0x8, v16;
	[tilespmem:$0x1FAB0] =	vst v3  }
0x28b: {  	v40 =	vor.u32 $0x3, v14;
	v0 =	vor.u32 $0x6, v9;
	[tilespmem:$0x1FB80] =	vst v58  }
0x28c: {  	v21 =	vor.u32 $0x4, v18;
	v3 =	vor.u32 $0x7, v13;
	[tilespmem:$0x1FAA0] =	vst v0  }
0x28d: {  	v29 =	vor.u32 $0x4, v49;
	v23 =	vld.idx.msk [tilespmem:v23+s9+$0x0], $0xffff;
	v0 =	vor.u32 $0x6, v7;
	[tilespmem:$0x1FAD0] =	vst v3  }
0x28e: {  	v3 =	vor.u32 $0x7, v12;
	[tilespmem:$0x1FAC0] =	vst v0  }
0x28f: {  	[tilespmem:$0x1FAF0] =	vst v3;
	v3 =	vor.u32 $0x7, v49  }
0x290: {  	v4 =	vor.u32 $0x3, v16;
	v0 =	vld.idx.msk [tilespmem:v40+s9+$0x0], $0xffff;
	[tilespmem:$0x1FB00] =	vst v3;
	v3 =	vor.u32 $0x7, v8  }
0x291: {  	v40 =	vld.idx.msk [tilespmem:v21+s9+$0x0], $0xffff;
	[tilespmem:$0x1FB20] =	vst v3  }
0x292: {  	v25 =	vor.u32 $0x4, v11;
	v3 =	vld [tilespmem:$0x1F9D0];
	[tilespmem:v29+s10+$0x0] =	vst.idx.msk $0xffff, v23;
	v23 =	vor.u32 $0x9, v14  }
0x293: {  	v58 =	vld [tilespmem:$0x1F9E0];
	v29 =	vor.u32 $0x9, v49;
	[tilespmem:$0x1FC60] =	vst v23  }
0x294: {  	v36 =	vor.u32 $0x4, v13;
	[tilespmem:$0x1FC80] =	vst v29;
	v29 =	vor.u32 $0x9, v8  }
0x295: {  	v4 =	vld.idx.msk [tilespmem:v4+s9+$0x0], $0xffff;
	v46 =	vor.u32 $0xD, v19;
	[tilespmem:$0x1FCA0] =	vst v29;
	v29 =	vor.u32 $0x9, v10  }
0x296: {  	[tilespmem:$0x1FCB0] =	vst v29;
	v29 =	vld [tilespmem:$0x1FA00]  }
0x297: {  	[tilespmem:v25+s10+$0x0] =	vst.idx.msk $0xffff, v40;
	v25 =	vor.u32 $0x8, v10  }
0x298: {  	[tilespmem:$0x1FBF0] =	vst v25;
	v25 =	vor.u32 $0x8, v9  }
0x299: {  	[tilespmem:$0x1FC00] =	vst v25;
	v25 =	vld.idx.msk [tilespmem:v36+s9+$0x0], $0xffff  }
0x29a: {  	v30 =	vor.u32 $0xD, v20;
	[tilespmem:v3+s10+$0x0] =	vst.idx.msk $0xffff, v4;
	v4 =	vld.idx.msk [tilespmem:v46+s9+$0x0], $0xffff  }
0x29b: {  	v23 =	vor.u32 $0x9, v13;
	[tilespmem:v58+s10+$0x0] =	vst.idx.msk $0xffff, v0;
	v0 =	vor.u32 $0xE, v19  }
0x29c: {  	[tilespmem:$0x1FC70] =	vst v23;
	v46 =	vor.u32 $0x8, v13  }
0x29d: {  	[tilespmem:$0x1FBC0] =	vst v46  }
0x29e: {  	[tilespmem:v29+s10+$0x0] =	vst.idx.msk $0xffff, v25  }
0x29f: {  	v54 =	vor.u32 $0x3, v12;
	v25 =	vor.u32 $0x9, v7;
	[tilespmem:v30+s10+$0x0] =	vst.idx.msk $0xffff, v4  }
0x2a0: {  	v24 =	vor.u32 $0x4, v16;
	v23 =	vor.u32 $0xE, v20;
	v4 =	vor.u32 $0x9, v17;
	[tilespmem:$0x1FCD0] =	vst v25;
	v0 =	vld.idx.msk [tilespmem:v0+s9+$0x0], $0xffff  }
0x2a1: {  	v46 =	vld [tilespmem:$0x1F9F0];
	v25 =	vor.u32 $0x9, v6;
	[tilespmem:$0x1FC30] =	vst v4  }
0x2a2: {  	v57 =	vor.u32 $0x5, v18;
	v4 =	vor.u32 $0x9, v16;
	[tilespmem:$0x1FCE0] =	vst v25  }
0x2a3: {  	v19 =	vor.u32 $0xF, v19;
	[tilespmem:$0x1FC40] =	vst v4;
	v4 =	vor.u32 $0x9, v15  }
0x2a4: {  	v50 =	vld.idx.msk [tilespmem:v54+s9+$0x0], $0xffff;
	[tilespmem:$0x1FC50] =	vst v4  }
0x2a5: {  	v28 =	vor.u32 $0x4, v12;
	v24 =	vld.idx.msk [tilespmem:v24+s9+$0x0], $0xffff;
	[tilespmem:v23+s10+$0x0] =	vst.idx.msk $0xffff, v0;
	v0 =	vor.u32 $0xA, v49  }
0x2a6: {  	v33 =	vor.u32 $0x4, v8;
	v25 =	vld [tilespmem:$0x1FA10];
	[tilespmem:$0x1FD20] =	vst v0;
	v0 =	vor.u32 $0xA, v8  }
0x2a7: {  	v51 =	vor.u32 $0x5, v11;
	v4 =	vld.idx.msk [tilespmem:v57+s9+$0x0], $0xffff;
	[tilespmem:$0x1FD30] =	vst v0;
	v0 =	vor.u32 $0xA, v12  }
0x2a8: {  	v23 =	vor.u32 $0xF, v20;
	[tilespmem:$0x1FD50] =	vst v0;
	v0 =	vld.idx.msk [tilespmem:v19+s9+$0x0], $0xffff  }
0x2a9: {  	v27 =	vor.u32 $0x4, v14;
	[tilespmem:v46+s10+$0x0] =	vst.idx.msk $0xffff, v50  }
0x2aa: {  	v39 =	vor.u32 $0x5, v17;
	v28 =	vld.idx.msk [tilespmem:v28+s9+$0x0], $0xffff  }
0x2ab: {  	v52 =	vor.u32 $0x5, v12;
	[tilespmem:v33+s10+$0x0] =	vst.idx.msk $0xffff, v24  }
0x2ac: {  	[tilespmem:v51+s10+$0x0] =	vst.idx.msk $0xffff, v4  }
0x2ad: {  	v4 =	vor.u32 $0xA, v10;
	[tilespmem:v23+s10+$0x0] =	vst.idx.msk $0xffff, v0;
	v0 =	vld [tilespmem:$0x1FA40]  }
0x2ae: {  	v35 =	vor.u32 $0x4, v9;
	v27 =	vld.idx.msk [tilespmem:v27+s9+$0x0], $0xffff;
	[tilespmem:$0x1FD60] =	vst v4  }
0x2af: {  	v59 =	vor.u32 $0x5, v49;
	v24 =	vld.idx.msk [tilespmem:v39+s9+$0x0], $0xffff;
	v4 =	vor.u32 $0xA, v9;
	[tilespmem:v25+s10+$0x0] =	vst.idx.msk $0xffff, v28  }
0x2b0: {  	[tilespmem:$0x1FD70] =	vst v4;
	v4 =	vld.idx.msk [tilespmem:v52+s9+$0x0], $0xffff  }
0x2b1: {  	v48 =	vor.u32 $0x6, v18;
	_ =	sdelay $0x1  }
0x2b2: {  	v5 =	vor.u32 $0x5, v14;
	[tilespmem:v35+s10+$0x0] =	vst.idx.msk $0xffff, v27  }
0x2b3: {  	[tilespmem:v59+s10+$0x0] =	vst.idx.msk $0xffff, v24  }
0x2b4: {  	[tilespmem:v0+s10+$0x0] =	vst.idx.msk $0xffff, v4;
	v0 =	vor.u32 $0xB, v6  }
0x2b5: {  	v26 =	vor.u32 $0x4, v15;
	v37 =	vor.u32 $0x6, v11;
	v24 =	vld.idx.msk [tilespmem:v48+s9+$0x0], $0xffff;
	[tilespmem:$0x1FE60] =	vst v0;
	v0 =	vor.u32 $0xC, v15  }
0x2b6: {  	v2 =	vor.u32 $0x7, v18;
	[tilespmem:$0x1FE70] =	vst v0;
	v0 =	vld [tilespmem:$0x1FA50]  }
0x2b7: {  	v22 =	vor.u32 $0x5, v9;
	v5 =	vld.idx.msk [tilespmem:v5+s9+$0x0], $0xffff  }
0x2b8: {  	v1 =	vor.u32 $0x6, v14;
	_ =	sdelay $0x1  }
0x2b9: {  	v26 =	vld.idx.msk [tilespmem:v26+s9+$0x0], $0xffff;
	[tilespmem:v37+s10+$0x0] =	vst.idx.msk $0xffff, v24  }
0x2ba: {  	v23 =	vld.idx.msk [tilespmem:v2+s9+$0x0], $0xffff  }
0x2bb: {  	v47 =	vor.u32 $0x4, v10;
	v42 =	vor.u32 $0x5, v7;
	[tilespmem:v22+s10+$0x0] =	vst.idx.msk $0xffff, v5;
	v2 =	vld [tilespmem:$0x1FAA0]  }
0x2bc: {  	[tilespmem:$0x1FA30] =	vst v42;
	v42 =	vor.u32 $0x6, v17;
	v1 =	vld.idx.msk [tilespmem:v1+s9+$0x0], $0xffff  }
0x2bd: {  	v4 =	vld.idx.msk [tilespmem:v0+s9+$0x0], $0xffff  }
0x2be: {  	v0 =	vld [tilespmem:$0x1FA60];
	_ =	sdelay $0x1  }
0x2bf: {  	[tilespmem:v47+s10+$0x0] =	vst.idx.msk $0xffff, v26;
	v28 =	vor.u32 $0xA, v13  }
0x2c0: {  	v26 =	vor.u32 $0x9, v12;
	[tilespmem:$0x1FD10] =	vst v28;
	v28 =	vld.idx.msk [tilespmem:v42+s9+$0x0], $0xffff  }
0x2c1: {  	v31 =	vor.u32 $0x5, v16;
	[tilespmem:$0x1FC90] =	vst v26  }
0x2c2: {  	[tilespmem:v2+s10+$0x0] =	vst.idx.msk $0xffff, v1;
	v1 =	vor.u32 $0xD, v16  }
0x2c3: {  	[tilespmem:$0x1FF70] =	vst v1;
	v1 =	vor.u32 $0xD, v15  }
0x2c4: {  	[tilespmem:$0x1FF80] =	vst v1  }
0x2c5: {  	[tilespmem:v0+s10+$0x0] =	vst.idx.msk $0xffff, v28;
	v0 =	vor.u32 $0xC, v14  }
0x2c6: {  	v45 =	vor.u32 $0x5, v13;
	v41 =	vor.u32 $0x5, v8;
	v26 =	vld.idx.msk [tilespmem:v31+s9+$0x0], $0xffff;
	[tilespmem:$0x1FE90] =	vst v0;
	v0 =	vor.u32 $0xC, v13  }
0x2c7: {  	v38 =	vor.u32 $0x6, v16;
	v22 =	vld [tilespmem:$0x1FA30];
	[tilespmem:$0x1FEA0] =	vst v0;
	v0 =	vor.u32 $0xC, v12  }
0x2c8: {  	v1 =	vld [tilespmem:$0x1FAB0];
	[tilespmem:$0x1FEB0] =	vst v0;
	v0 =	vor.u32 $0xC, v49  }
0x2c9: {  	[tilespmem:$0x1FED0] =	vst v0;
	v0 =	vld [tilespmem:$0x1FA70];
	_ =	sdelay $0x1  }
0x2ca: {  	[tilespmem:v41+s10+$0x0] =	vst.idx.msk $0xffff, v26;
	v25 =	vld.idx.msk [tilespmem:v45+s9+$0x0], $0xffff  }
0x2cb: {  	v30 =	vld.idx.msk [tilespmem:v38+s9+$0x0], $0xffff;
	_ =	sdelay $0x3  }
0x2cc: {  	v32 =	vor.u32 $0x6, v13;
	[tilespmem:v22+s10+$0x0] =	vst.idx.msk $0xffff, v25  }
0x2cd: {  	[tilespmem:v0+s10+$0x0] =	vst.idx.msk $0xffff, v30;
	v30 =	vld.idx.msk [tilespmem:v1+s9+$0x0], $0xffff;
	v1 =	vor.u32 $0xD, v14  }
0x2ce: {  	v22 =	vor.u32 $0xB, v12;
	[tilespmem:$0x1FF90] =	vst v1;
	v1 =	vld [tilespmem:$0x1FAC0]  }
0x2cf: {  	[tilespmem:$0x1FE10] =	vst v22;
	v22 =	vor.u32 $0xB, v10  }
0x2d0: {  	[tilespmem:$0x1FE30] =	vst v22;
	v22 =	vor.u32 $0xB, v9  }
0x2d1: {  	[tilespmem:$0x1FE40] =	vst v22;
	v22 =	vld.idx.msk [tilespmem:v32+s9+$0x0], $0xffff;
	_ =	sdelay $0x4  }
0x2d2: {  	[tilespmem:v1+s10+$0x0] =	vst.idx.msk $0xffff, v22;
	v1 =	vld [tilespmem:$0x1FAD0];
	_ =	sdelay $0x7  }
0x2d3: {  	v2 =	vld.idx.msk [tilespmem:v1+s9+$0x0], $0xffff;
	v1 =	vor.u32 $0xD, v13  }
0x2d4: {  	[tilespmem:$0x1FFB0] =	vst v1;
	v1 =	vld [tilespmem:$0x1FAE0];
	_ =	sdelay $0x3  }
0x2d5: {  	v56 =	vor.u32 $0x5, v15;
	v63 =	vor.u32 $0x5, v10  }
0x2d6: {  	[tilespmem:$0x1FA20] =	vst v63  }
0x2d7: {  	v27 =	vor.u32 $0x9, v9;
	v26 =	vld [tilespmem:$0x1FA20]  }
0x2d8: {  	[tilespmem:$0x1FCC0] =	vst v27  }
0x2d9: {  	v5 =	vor.u32 $0xB, v14;
	[tilespmem:v1+s10+$0x0] =	vst.idx.msk $0xffff, v4;
	v1 =	vld [tilespmem:$0x1FAF0]  }
0x2da: {  	v27 =	vld.idx.msk [tilespmem:v56+s9+$0x0], $0xffff;
	[tilespmem:$0x1FDC0] =	vst v5;
	v5 =	vor.u32 $0xB, v13  }
0x2db: {  	v63 =	vor.u32 $0x6, v15;
	[tilespmem:$0x1FDD0] =	vst v5;
	v5 =	vor.u32 $0xB, v49  }
0x2dc: {  	[tilespmem:$0x1FDF0] =	vst v5;
	v0 =	vor.u32 $0xC, v8  }
0x2dd: {  	[tilespmem:$0x1FEE0] =	vst v0;
	v0 =	vor.u32 $0xC, v10  }
0x2de: {  	[tilespmem:$0x1FEF0] =	vst v0;
	v0 =	vld [tilespmem:$0x1FA80]  }
0x2df: {  	v5 =	vor.u32 $0xB, v8;
	[tilespmem:v26+s10+$0x0] =	vst.idx.msk $0xffff, v27  }
0x2e0: {  	v62 =	vor.u32 $0x7, v17;
	[tilespmem:$0x1FE00] =	vst v5;
	v5 =	vld.idx.msk [tilespmem:v63+s9+$0x0], $0xffff  }
0x2e1: {  	v55 =	vor.u32 $0x8, v8;
	v22 =	vld.idx.msk [tilespmem:v1+s9+$0x0], $0xffff  }
0x2e2: {  	v34 =	vor.u32 $0x7, v7;
	[tilespmem:$0x1FBD0] =	vst v55;
	v55 =	vor.u32 $0x8, v6;
	v1 =	vld [tilespmem:$0x1FB00]  }
0x2e3: {  	v53 =	vor.u32 $0x7, v11;
	v44 =	vor.u32 $0x8, v7;
	[tilespmem:$0x1FC20] =	vst v55;
	v58 =	vor.u32 $0x8, v15  }
0x2e4: {  	v61 =	vor.u32 $0x7, v16;
	v43 =	vor.u32 $0x9, v18;
	[tilespmem:$0x1FBA0] =	vst v58;
	v58 =	vor.u32 $0x8, v14  }
0x2e5: {  	v55 =	vor.u32 $0xA, v15;
	v60 =	vor.u32 $0x7, v9;
	v54 =	vor.u32 $0x7, v10;
	[tilespmem:$0x1FBB0] =	vst v58;
	v24 =	vld.idx.msk [tilespmem:v62+s9+$0x0], $0xffff  }
0x2e6: {  	v47 =	vor.u32 $0xA, v17;
	v21 =	vor.u32 $0x8, v18;
	[tilespmem:v0+s10+$0x0] =	vst.idx.msk $0xffff, v5;
	v0 =	vor.u32 $0xD, v18  }
0x2e7: {  	v40 =	vor.u32 $0xC, v9;
	v36 =	vor.u32 $0xC, v6;
	[tilespmem:$0x1FF30] =	vst v0;
	v0 =	vor.u32 $0xD, v17  }
0x2e8: {  	v58 =	vor.u32 $0x8, v49;
	v3 =	vor.u32 $0x7, v6;
	v35 =	vor.u32 $0xB, v11;
	[tilespmem:$0x1FF40] =	vst v0;
	v0 =	vld [tilespmem:$0x1FA90]  }
0x2e9: {  	v56 =	vor.u32 $0xA, v18;
	v29 =	vor.u32 $0xC, v18;
	v33 =	vor.u32 $0xA, v14;
	v4 =	vld [tilespmem:$0x1FB20]  }
0x2ea: {  	v39 =	vor.u32 $0xC, v7;
	v31 =	vor.u32 $0xD, v49;
	v50 =	vor.u32 $0x8, v12;
	[tilespmem:v1+s10+$0x0] =	vst.idx.msk $0xffff, v24;
	v1 =	vld [tilespmem:$0x1FB10]  }
0x2eb: {  	v57 =	vor.u32 $0x9, v11;
	v46 =	vor.u32 $0x8, v11;
	[tilespmem:$0x1FBE0] =	vst v50;
	v20 =	vor.u32 $0xA, v7  }
0x2ec: {  	s18 =	sadd.s32 $0x8, s18;
	v50 =	vor.u32 $0xA, v16;
	v59 =	vor.u32 $0xD, v6;
	[tilespmem:$0x1FD90] =	vst v20;
	v20 =	vor.u32 $0xA, v6  }
0x2ed: {  	p0 =	slt.u32 s18, $0x78;
	v41 =	vor.u32 $0xB, v16;
	[tilespmem:$0x1FDA0] =	vst v20;
	v20 =	vor.u32 $0xB, v17;
	v51 =	vor.u32 $0xC, v11;
	v25 =	vld.idx.msk [tilespmem:v61+s9+$0x0], $0xffff  }
.Ltmp0:
0x2ee: {  	v38 =	vor.u32 $0xE, v18;
	v19 =	vor.u32 $0xA, v11;
	v48 =	vor.u32 $0xB, v7;
	(pc) =	sbr.rel @p0 .LBB2_3-.Ltmp0, $4  }
0x2ef: {  	v52 =	vor.u32 $0xB, v18;
	v42 =	vor.u32 $0xD, v12;
	v37 =	vor.u32 $0xC, v16;
	[tilespmem:v53+s10+$0x0] =	vst.idx.msk $0xffff, v23  }
0x2f0: {  	v26 =	vor.u32 $0xB, v15;
	v27 =	vor.u32 $0xC, v17;
	v63 =	vor.u32 $0xE, v16;
	v23 =	vld.idx.msk [tilespmem:v21+s9+$0x0], $0xffff  }
0x2f1: {  	v32 =	vor.u32 $0xD, v8;
	v21 =	vor.u32 $0xD, v11;
	v28 =	vor.u32 $0xD, v10;
	v0 =	vld.idx.msk [tilespmem:v0+s9+$0x0], $0xffff  }
0x2f2: {  	s19 =	sadd.s32 $0x80, s19;
	v62 =	vor.u32 $0xD, v7;
	v61 =	vor.u32 $0xD, v9;
	[tilespmem:v4+s10+$0x0] =	vst.idx.msk $0xffff, v25;
	v24 =	vor.u32 $0xE, v17;
	v1 =	vld.idx.msk [tilespmem:v1+s9+$0x0], $0xffff  }
0x2f3: {  	_ =	sdelay $0x3  }
0x2f4: {  	[tilespmem:v60+s10+$0x0] =	vst.idx.msk $0xffff, v30  }
0x2f5: {  	[tilespmem:v54+s10+$0x0] =	vst.idx.msk $0xffff, v0  }
0x2f6: {  	v0 =	vld [tilespmem:$0x1FB80]  }
0x2f7: {  	[tilespmem:v34+s10+$0x0] =	vst.idx.msk $0xffff, v2  }
0x2f8: {  	v2 =	vld [tilespmem:$0x1FBA0];
	[tilespmem:v3+s10+$0x0] =	vst.idx.msk $0xffff, v22  }
0x2f9: {  	v3 =	vld [tilespmem:$0x1FBB0];
	[tilespmem:v46+s10+$0x0] =	vst.idx.msk $0xffff, v23  }
0x2fa: {  	v4 =	vld [tilespmem:$0x1FBC0];
	[tilespmem:v58+s10+$0x0] =	vst.idx.msk $0xffff, v1  }
0x2fb: {  	v5 =	vld [tilespmem:$0x1FBD0];
	_ =	sdelay $0x2  }
0x2fc: {  	v0 =	vld.idx.msk [tilespmem:v0+s9+$0x0], $0xffff;
	_ =	sdelay $0x4  }
0x2fd: {  	v1 =	vld [tilespmem:$0x1FBE0];
	[tilespmem:v5+s10+$0x0] =	vst.idx.msk $0xffff, v0  }
0x2fe: {  	v5 =	vld [tilespmem:$0x1FBF0];
	_ =	sdelay $0x2  }
0x2ff: {  	v2 =	vld.idx.msk [tilespmem:v2+s9+$0x0], $0xffff;
	_ =	sdelay $0x4  }
0x300: {  	[tilespmem:v5+s10+$0x0] =	vst.idx.msk $0xffff, v2  }
0x301: {  	v5 =	vld [tilespmem:$0x1FC00];
	_ =	sdelay $0x2  }
0x302: {  	v3 =	vld.idx.msk [tilespmem:v3+s9+$0x0], $0xffff  }
0x303: {  	v4 =	vld.idx.msk [tilespmem:v4+s9+$0x0], $0xffff;
	_ =	sdelay $0x3  }
0x304: {  	v2 =	vld [tilespmem:$0x1FC30];
	[tilespmem:v5+s10+$0x0] =	vst.idx.msk $0xffff, v3  }
0x305: {  	v3 =	vld [tilespmem:$0x1FC40];
	[tilespmem:v44+s10+$0x0] =	vst.idx.msk $0xffff, v4  }
0x306: {  	v5 =	vld [tilespmem:$0x1FC20];
	_ =	sdelay $0x2  }
0x307: {  	v1 =	vld.idx.msk [tilespmem:v1+s9+$0x0], $0xffff  }
0x308: {  	v0 =	vld.idx.msk [tilespmem:v43+s9+$0x0], $0xffff;
	_ =	sdelay $0x3  }
0x309: {  	v4 =	vld [tilespmem:$0x1FC50];
	[tilespmem:v5+s10+$0x0] =	vst.idx.msk $0xffff, v1  }
0x30a: {  	v1 =	vld [tilespmem:$0x1FC60];
	[tilespmem:v57+s10+$0x0] =	vst.idx.msk $0xffff, v0  }
0x30b: {  	v5 =	vld [tilespmem:$0x1FC80];
	_ =	sdelay $0x2  }
0x30c: {  	v2 =	vld.idx.msk [tilespmem:v2+s9+$0x0], $0xffff;
	_ =	sdelay $0x4  }
0x30d: {  	v0 =	vld [tilespmem:$0x1FC70];
	[tilespmem:v5+s10+$0x0] =	vst.idx.msk $0xffff, v2  }
0x30e: {  	v5 =	vld [tilespmem:$0x1FCA0];
	_ =	sdelay $0x2  }
0x30f: {  	v3 =	vld.idx.msk [tilespmem:v3+s9+$0x0], $0xffff;
	_ =	sdelay $0x4  }
0x310: {  	v2 =	vld [tilespmem:$0x1FC90];
	[tilespmem:v5+s10+$0x0] =	vst.idx.msk $0xffff, v3  }
0x311: {  	v5 =	vld [tilespmem:$0x1FCB0];
	_ =	sdelay $0x2  }
0x312: {  	v4 =	vld.idx.msk [tilespmem:v4+s9+$0x0], $0xffff;
	_ =	sdelay $0x4  }
0x313: {  	[tilespmem:v5+s10+$0x0] =	vst.idx.msk $0xffff, v4  }
0x314: {  	v5 =	vld [tilespmem:$0x1FCC0];
	_ =	sdelay $0x2  }
0x315: {  	v1 =	vld.idx.msk [tilespmem:v1+s9+$0x0], $0xffff;
	_ =	sdelay $0x4  }
0x316: {  	[tilespmem:v5+s10+$0x0] =	vst.idx.msk $0xffff, v1  }
0x317: {  	v5 =	vld [tilespmem:$0x1FCD0];
	_ =	sdelay $0x2  }
0x318: {  	v0 =	vld.idx.msk [tilespmem:v0+s9+$0x0], $0xffff;
	_ =	sdelay $0x4  }
0x319: {  	[tilespmem:v5+s10+$0x0] =	vst.idx.msk $0xffff, v0  }
0x31a: {  	v5 =	vld [tilespmem:$0x1FCE0];
	_ =	sdelay $0x1  }
0x31b: {  	v3 =	vld.idx.msk [tilespmem:v56+s9+$0x0], $0xffff  }
0x31c: {  	v2 =	vld.idx.msk [tilespmem:v2+s9+$0x0], $0xffff;
	_ =	sdelay $0x3  }
0x31d: {  	[tilespmem:v19+s10+$0x0] =	vst.idx.msk $0xffff, v3  }
0x31e: {  	[tilespmem:v5+s10+$0x0] =	vst.idx.msk $0xffff, v2  }
0x31f: {  	v5 =	vld [tilespmem:$0x1FD20];
	_ =	sdelay $0x2  }
0x320: {  	v4 =	vld.idx.msk [tilespmem:v47+s9+$0x0], $0xffff;
	_ =	sdelay $0x4  }
0x321: {  	v3 =	vld [tilespmem:$0x1FD10];
	[tilespmem:v5+s10+$0x0] =	vst.idx.msk $0xffff, v4  }
0x322: {  	v5 =	vld [tilespmem:$0x1FD30];
	_ =	sdelay $0x2  }
0x323: {  	v1 =	vld.idx.msk [tilespmem:v50+s9+$0x0], $0xffff;
	_ =	sdelay $0x4  }
0x324: {  	v4 =	vld [tilespmem:$0x1FD50];
	[tilespmem:v5+s10+$0x0] =	vst.idx.msk $0xffff, v1  }
0x325: {  	v5 =	vld [tilespmem:$0x1FD60];
	_ =	sdelay $0x2  }
0x326: {  	v0 =	vld.idx.msk [tilespmem:v55+s9+$0x0], $0xffff;
	_ =	sdelay $0x4  }
0x327: {  	[tilespmem:v5+s10+$0x0] =	vst.idx.msk $0xffff, v0  }
0x328: {  	v5 =	vld [tilespmem:$0x1FD70];
	_ =	sdelay $0x2  }
0x329: {  	v2 =	vld.idx.msk [tilespmem:v33+s9+$0x0], $0xffff;
	_ =	sdelay $0x4  }
0x32a: {  	[tilespmem:v5+s10+$0x0] =	vst.idx.msk $0xffff, v2  }
0x32b: {  	v5 =	vld [tilespmem:$0x1FD90];
	_ =	sdelay $0x2  }
0x32c: {  	v3 =	vld.idx.msk [tilespmem:v3+s9+$0x0], $0xffff;
	_ =	sdelay $0x4  }
0x32d: {  	[tilespmem:v5+s10+$0x0] =	vst.idx.msk $0xffff, v3  }
0x32e: {  	v5 =	vld [tilespmem:$0x1FDA0];
	_ =	sdelay $0x2  }
0x32f: {  	v4 =	vld.idx.msk [tilespmem:v4+s9+$0x0], $0xffff;
	_ =	sdelay $0x1  }
0x330: {  	v1 =	vld.idx.msk [tilespmem:v52+s9+$0x0], $0xffff;
	_ =	sdelay $0x2  }
0x331: {  	[tilespmem:v5+s10+$0x0] =	vst.idx.msk $0xffff, v4  }
0x332: {  	v4 =	vld [tilespmem:$0x1FDC0]  }
0x333: {  	v5 =	vld [tilespmem:$0x1FDD0];
	[tilespmem:v35+s10+$0x0] =	vst.idx.msk $0xffff, v1  }
0x334: {  	v19 =	vld [tilespmem:$0x1FDF0];
	_ =	sdelay $0x2  }
0x335: {  	v0 =	vld.idx.msk [tilespmem:v20+s9+$0x0], $0xffff;
	_ =	sdelay $0x4  }
0x336: {  	v1 =	vld [tilespmem:$0x1FE10];
	[tilespmem:v19+s10+$0x0] =	vst.idx.msk $0xffff, v0  }
0x337: {  	v19 =	vld [tilespmem:$0x1FE00];
	_ =	sdelay $0x2  }
0x338: {  	v2 =	vld.idx.msk [tilespmem:v41+s9+$0x0], $0xffff;
	_ =	sdelay $0x4  }
0x339: {  	[tilespmem:v19+s10+$0x0] =	vst.idx.msk $0xffff, v2  }
0x33a: {  	v19 =	vld [tilespmem:$0x1FE30];
	_ =	sdelay $0x2  }
0x33b: {  	v3 =	vld.idx.msk [tilespmem:v26+s9+$0x0], $0xffff;
	_ =	sdelay $0x4  }
0x33c: {  	[tilespmem:v19+s10+$0x0] =	vst.idx.msk $0xffff, v3  }
0x33d: {  	v19 =	vld [tilespmem:$0x1FE40];
	_ =	sdelay $0x2  }
0x33e: {  	v4 =	vld.idx.msk [tilespmem:v4+s9+$0x0], $0xffff  }
0x33f: {  	v5 =	vld.idx.msk [tilespmem:v5+s9+$0x0], $0xffff;
	_ =	sdelay $0x3  }
0x340: {  	[tilespmem:v19+s10+$0x0] =	vst.idx.msk $0xffff, v4  }
0x341: {  	v4 =	vld [tilespmem:$0x1FE70];
	[tilespmem:v48+s10+$0x0] =	vst.idx.msk $0xffff, v5  }
0x342: {  	v19 =	vld [tilespmem:$0x1FE60];
	_ =	sdelay $0x2  }
0x343: {  	v1 =	vld.idx.msk [tilespmem:v1+s9+$0x0], $0xffff  }
0x344: {  	v0 =	vld.idx.msk [tilespmem:v29+s9+$0x0], $0xffff;
	_ =	sdelay $0x3  }
0x345: {  	v5 =	vld [tilespmem:$0x1FE90];
	[tilespmem:v19+s10+$0x0] =	vst.idx.msk $0xffff, v1  }
0x346: {  	v1 =	vld [tilespmem:$0x1FEA0];
	[tilespmem:v51+s10+$0x0] =	vst.idx.msk $0xffff, v0  }
0x347: {  	v19 =	vld [tilespmem:$0x1FED0];
	_ =	sdelay $0x2  }
0x348: {  	v2 =	vld.idx.msk [tilespmem:v27+s9+$0x0], $0xffff;
	_ =	sdelay $0x4  }
0x349: {  	v0 =	vld [tilespmem:$0x1FEB0];
	[tilespmem:v19+s10+$0x0] =	vst.idx.msk $0xffff, v2  }
0x34a: {  	v19 =	vld [tilespmem:$0x1FEE0];
	_ =	sdelay $0x2  }
0x34b: {  	v3 =	vld.idx.msk [tilespmem:v37+s9+$0x0], $0xffff;
	_ =	sdelay $0x4  }
0x34c: {  	v2 =	vld [tilespmem:$0x1FF30];
	[tilespmem:v19+s10+$0x0] =	vst.idx.msk $0xffff, v3  }
0x34d: {  	v19 =	vld [tilespmem:$0x1FEF0];
	_ =	sdelay $0x2  }
0x34e: {  	v4 =	vld.idx.msk [tilespmem:v4+s9+$0x0], $0xffff  }
0x34f: {  	v5 =	vld.idx.msk [tilespmem:v5+s9+$0x0], $0xffff  }
0x350: {  	v1 =	vld.idx.msk [tilespmem:v1+s9+$0x0], $0xffff;
	_ =	sdelay $0x1  }
0x351: {  	v0 =	vld.idx.msk [tilespmem:v0+s9+$0x0], $0xffff  }
0x352: {  	v3 =	vld [tilespmem:$0x1FF40];
	[tilespmem:v19+s10+$0x0] =	vst.idx.msk $0xffff, v4  }
0x353: {  	v4 =	vld [tilespmem:$0x1FF70];
	[tilespmem:v40+s10+$0x0] =	vst.idx.msk $0xffff, v5  }
0x354: {  	v5 =	vld [tilespmem:$0x1FF80];
	[tilespmem:v39+s10+$0x0] =	vst.idx.msk $0xffff, v1  }
0x355: {  	v1 =	vld [tilespmem:$0x1FF90]  }
0x356: {  	[tilespmem:v36+s10+$0x0] =	vst.idx.msk $0xffff, v0  }
0x357: {  	v19 =	vld [tilespmem:$0x1FFB0];
	_ =	sdelay $0x1  }
0x358: {  	v2 =	vld.idx.msk [tilespmem:v2+s9+$0x0], $0xffff  }
0x359: {  	v3 =	vld.idx.msk [tilespmem:v3+s9+$0x0], $0xffff  }
0x35a: {  	v4 =	vld.idx.msk [tilespmem:v4+s9+$0x0], $0xffff  }
0x35b: {  	v5 =	vld.idx.msk [tilespmem:v5+s9+$0x0], $0xffff  }
0x35c: {  	v1 =	vld.idx.msk [tilespmem:v1+s9+$0x0], $0xffff  }
0x35d: {  	v0 =	vor.u32 $0xE, v15;
	[tilespmem:v21+s10+$0x0] =	vst.idx.msk $0xffff, v2;
	v20 =	vld.idx.msk [tilespmem:v42+s9+$0x0], $0xffff  }
0x35e: {  	v2 =	vor.u32 $0xE, v14;
	[tilespmem:v31+s10+$0x0] =	vst.idx.msk $0xffff, v3;
	v19 =	vld.idx.msk [tilespmem:v19+s9+$0x0], $0xffff  }
0x35f: {  	v21 =	vor.u32 $0xE, v11;
	v3 =	vor.u32 $0xE, v13;
	[tilespmem:v32+s10+$0x0] =	vst.idx.msk $0xffff, v4;
	v4 =	vld.idx.msk [tilespmem:v38+s9+$0x0], $0xffff  }
0x360: {  	v22 =	vor.u32 $0xE, v49;
	v23 =	vor.u32 $0xE, v12;
	[tilespmem:v28+s10+$0x0] =	vst.idx.msk $0xffff, v5;
	v5 =	vld.idx.msk [tilespmem:v24+s9+$0x0], $0xffff  }
0x361: {  	v18 =	vor.u32 $0xF, v18;
	v24 =	vor.u32 $0xE, v8;
	[tilespmem:v61+s10+$0x0] =	vst.idx.msk $0xffff, v1;
	v1 =	vld.idx.msk [tilespmem:v63+s9+$0x0], $0xffff  }
0x362: {  	v25 =	vor.u32 $0xE, v10;
	v17 =	vor.u32 $0xF, v17;
	[tilespmem:v59+s10+$0x0] =	vst.idx.msk $0xffff, v20;
	v0 =	vld.idx.msk [tilespmem:v0+s9+$0x0], $0xffff  }
0x363: {  	v16 =	vor.u32 $0xF, v16;
	[tilespmem:v62+s10+$0x0] =	vst.idx.msk $0xffff, v19;
	v19 =	vor.u32 $0xE, v9;
	v2 =	vld.idx.msk [tilespmem:v2+s9+$0x0], $0xffff  }
0x364: {  	v15 =	vor.u32 $0xF, v15;
	v20 =	vor.u32 $0xE, v7;
	v3 =	vld.idx.msk [tilespmem:v3+s9+$0x0], $0xffff;
	[tilespmem:v21+s10+$0x0] =	vst.idx.msk $0xffff, v4  }
0x365: {  	v14 =	vor.u32 $0xF, v14;
	v4 =	vor.u32 $0xE, v6;
	v21 =	vld.idx.msk [tilespmem:v23+s9+$0x0], $0xffff;
	[tilespmem:v22+s10+$0x0] =	vst.idx.msk $0xffff, v5  }
0x366: {  	v11 =	vor.u32 $0xF, v11;
	v5 =	vor.u32 $0xF, v13;
	v13 =	vld.idx.msk [tilespmem:v18+s9+$0x0], $0xffff;
	[tilespmem:v24+s10+$0x0] =	vst.idx.msk $0xffff, v1  }
0x367: {  	v1 =	vor.u32 $0xF, v12;
	v12 =	vor.u32 $0xF, v49;
	v17 =	vld.idx.msk [tilespmem:v17+s9+$0x0], $0xffff;
	[tilespmem:v25+s10+$0x0] =	vst.idx.msk $0xffff, v0  }
0x368: {  	v0 =	vor.u32 $0xF, v8;
	v8 =	vld.idx.msk [tilespmem:v16+s9+$0x0], $0xffff;
	[tilespmem:v19+s10+$0x0] =	vst.idx.msk $0xffff, v2  }
0x369: {  	v2 =	vor.u32 $0xF, v10;
	v10 =	vld.idx.msk [tilespmem:v15+s9+$0x0], $0xffff;
	[tilespmem:v20+s10+$0x0] =	vst.idx.msk $0xffff, v3  }
0x36a: {  	v3 =	vor.u32 $0xF, v9;
	v9 =	vld.idx.msk [tilespmem:v14+s9+$0x0], $0xffff;
	[tilespmem:v4+s10+$0x0] =	vst.idx.msk $0xffff, v21  }
0x36b: {  	v4 =	vor.u32 $0xF, v7;
	v5 =	vld.idx.msk [tilespmem:v5+s9+$0x0], $0xffff;
	[tilespmem:v11+s10+$0x0] =	vst.idx.msk $0xffff, v13  }
0x36c: {  	v6 =	vor.u32 $0xF, v6;
	v1 =	vld.idx.msk [tilespmem:v1+s9+$0x0], $0xffff;
	[tilespmem:v12+s10+$0x0] =	vst.idx.msk $0xffff, v17  }
0x36d: {  	s17 =	sor.u32 $0x1, s16;
	[tilespmem:v0+s10+$0x0] =	vst.idx.msk $0xffff, v8  }
0x36e: {  	[tilespmem:v2+s10+$0x0] =	vst.idx.msk $0xffff, v10;
	v0 =	vmov s17  }
0x36f: {  	[tilespmem:v3+s10+$0x0] =	vst.idx.msk $0xffff, v9;
	v2 =	vadd.s32 $0x800, v0  }
0x370: {  	s23 =	sshll.u32 s16, $0xC;
	v3 =	vadd.s32 $0x1000, v0;
	[tilespmem:v4+s10+$0x0] =	vst.idx.msk $0xffff, v5  }
0x371: {  	s16 =	simm.s32 $0x0;
	s18 =	sadd.s32 s1, s23;
	[tilespmem:v6+s10+$0x0] =	vst.idx.msk $0xffff, v1  }
0x372: {  	[hbm4b:s18+s16] =	stream.linear.scatter [tilespmem:s10], [sflag:$0x1], $0x8000, $0x38;
	[tilespmem:$0x11960] =	vst v63  }
0x373: {  	v21 =	vld.idx.msk [tilespmem:v0+s16+$0x0], $0xffff  }
0x374: {  	v22 =	vld.idx.msk [tilespmem:v2+s16+$0x0], $0xffff  }
0x375: {  	s24 =	simm.s32 $0x840;
	v23 =	vld.idx.msk [tilespmem:v3+s16+$0x0], $0xffff  }
0x376: {  	v0 =	vld [tilespmem:s24+$0xFFFFF830]  }
0x377: {  	v1 =	vld [tilespmem:s24+$0x30]  }
0x378: {  	v2 =	vld [tilespmem:s24+$0xFFFFFFC0]  }
0x379: {  	v3 =	vld [tilespmem:s24+$0x830]  }
0x37a: {  	v4 =	vld [tilespmem:s24+$0xFFFFF7D0]  }
0x37b: {  	v6 =	vld [tilespmem:s24+$0xFFFFF7E0]  }
0x37c: {  	v8 =	vld [tilespmem:s24+$0xFFFFF7F0]  }
0x37d: {  	v9 =	vld [tilespmem:s24+$0xFFFFFFF0]  }
0x37e: {  	v10 =	vld [tilespmem:s24+$0xFFFFF800]  }
0x37f: {  	v11 =	vld [tilespmem:s24+$0xFFFFF810]  }
0x380: {  	v12 =	vld [tilespmem:s24+$0xFFFFF820];
	v0 =	vsub.f32 v0, v21  }
0x381: {  	v13 =	vld [tilespmem:s24+$0x20];
	v1 =	vsub.f32 v1, v22;
	v3 =	vsub.f32 v3, v23  }
0x382: {  	v16 =	vld [tilespmem:s24+$0x7C0];
	v2 =	vsub.f32 v2, v22;
	v6 =	vsub.f32 v6, v21  }
0x383: {  	v5 =	vld [tilespmem:s24+$0xFFFFFFD0];
	v8 =	vsub.f32 v8, v21;
	v9 =	vsub.f32 v9, v22  }
0x384: {  	v18 =	vld [tilespmem:s24+$0x7D0];
	v10 =	vsub.f32 v10, v21;
	v0 =	vmul.f32 v0, v0;
	v1 =	vmul.f32 v1, v1  }
0x385: {  	v11 =	vsub.f32 v11, v21;
	v12 =	vsub.f32 v12, v21  }
0x386: {  	v7 =	vld [tilespmem:s24+$0xFFFFFFE0];
	v13 =	vsub.f32 v13, v22;
	v0 =	vadd.f32 v1, v0;
	v1 =	vmul.f32 v3, v3  }
0x387: {  	s31 =	simm.s32 $0x60;
	v57 =	vmov s16;
	v16 =	vsub.f32 v16, v23;
	v3 =	vsub.f32 v4, v21  }
0x388: {  	v56 =	vmov s31;
	v19 =	vld [tilespmem:s24+$0x7E0];
	v4 =	vsub.f32 v5, v22;
	v0 =	vadd.f32 v1, v0  }
0x389: {  	v20 =	vld [tilespmem:s24+$0x7F0];
	v18 =	vsub.f32 v18, v23;
	v6 =	vmul.f32 v6, v6;
	v1 =	vmul.f32 v2, v2  }
0x38a: {  	v5 =	vld [tilespmem:s24+$0x0];
	v2 =	vmul.f32 v3, v3;
	v4 =	vmul.f32 v4, v4;
	v0 =	vadd.f32 $9.999999930e-09, v0  }
0x38b: {  	v8 =	vmul.f32 v8, v8;
	v9 =	vmul.f32 v9, v9;
	v3 =	vsub.f32 v7, v22;
	v7 =	vld [tilespmem:s24+$0x10]  }
0x38c: {  	v2 =	vadd.f32 v4, v2;
	v4 =	vld [tilespmem:s24+$0xFFFFF7C0];
	[tilespmem:$0x1F390] =	vst v22;
	v14 =	vshra.s32 v0, $0x1;
	v15 =	vmul.f32 $5.000000000e-01, v0  }
0x38d: {  	v10 =	vmul.f32 v10, v10;
	v11 =	vmul.f32 v11, v11;
	[tilespmem:$0x1F3A0] =	vst v21;
	v14 =	vsub.s32 $0x5F3759DF, v14  }
0x38e: {  	v8 =	vadd.f32 v9, v8;
	v3 =	vmul.f32 v3, v3;
	v9 =	vld [tilespmem:s24+$0x820];
	v17 =	vmul.f32 v14, v15  }
0x38f: {  	v12 =	vmul.f32 v12, v12;
	v13 =	vmul.f32 v13, v13;
	v5 =	vsub.f32 v5, v22  }
0x390: {  	v3 =	vadd.f32 v3, v6;
	v6 =	vld [tilespmem:s24+$0x800];
	v7 =	vsub.f32 v7, v22;
	v17 =	vmul.f32 v14, v17  }
0x391: {  	v16 =	vmul.f32 v16, v16;
	v5 =	vmul.f32 v5, v5;
	v4 =	vsub.f32 v4, v21  }
0x392: {  	v12 =	vadd.f32 v13, v12;
	v7 =	vmul.f32 v7, v7;
	v21 =	vld [tilespmem:s24+$0x810];
	v17 =	vsub.f32 $1.500000000e+00, v17  }
0x393: {  	v5 =	vadd.f32 v5, v10;
	v9 =	vsub.f32 v9, v23;
	v4 =	vmul.f32 v4, v4  }
0x394: {  	v7 =	vadd.f32 v7, v11;
	v11 =	vmul.f32 v18, v18;
	v14 =	vmul.f32 v14, v17  }
0x395: {  	v6 =	vsub.f32 v6, v23;
	v9 =	vmul.f32 v9, v9;
	v1 =	vadd.f32 v1, v4  }
0x396: {  	v4 =	vsub.f32 v20, v23;
	v2 =	vadd.f32 v11, v2;
	v10 =	vmul.f32 v14, v15  }
0x397: {  	v6 =	vmul.f32 v6, v6;
	v17 =	vsub.f32 v19, v23;
	v18 =	vsub.f32 v21, v23  }
0x398: {  	v9 =	vadd.f32 v9, v12;
	v4 =	vmul.f32 v4, v4;
	v10 =	vmul.f32 v10, v14  }
0x399: {  	v48 =	vimm.s32 $0x0;
	v1 =	vadd.f32 v16, v1;
	v6 =	vadd.f32 v6, v5  }
0x39a: {  	v13 =	vmul.f32 v17, v17;
	v4 =	vadd.f32 v4, v8;
	v10 =	vsub.f32 $1.500000000e+00, v10  }
0x39b: {  	v16 =	vmul.f32 v18, v18;
	v5 =	vadd.f32 $9.999999930e-09, v1;
	v8 =	vadd.f32 $9.999999930e-09, v2  }
0x39c: {  	s28 =	simm.s32 $0x30;
	v6 =	vadd.f32 $9.999999930e-09, v6;
	v2 =	vadd.f32 $9.999999930e-09, v9;
	v10 =	vmul.f32 v10, v14  }
0x39d: {  	v31 =	vmov s28;
	v3 =	vadd.f32 v13, v3;
	v7 =	vadd.f32 v16, v7  }
0x39e: {  	v4 =	vadd.f32 $9.999999930e-09, v4;
	v12 =	vmul.f32 $5.000000000e-01, v5;
	v11 =	vmul.f32 v10, v15  }
0x39f: {  	v9 =	vshra.s32 v8, $0x1;
	v13 =	vmul.f32 $5.000000000e-01, v8;
	v18 =	vmul.f32 $5.000000000e-01, v6  }
0x3a0: {  	v17 =	vshra.s32 v6, $0x1;
	v21 =	vmul.f32 $5.000000000e-01, v2;
	v1 =	vmul.f32 v11, v10  }
0x3a1: {  	v3 =	vadd.f32 $9.999999930e-09, v3;
	v7 =	vadd.f32 $9.999999930e-09, v7;
	v9 =	vsub.s32 $0x5F3759DF, v9  }
0x3a2: {  	v17 =	vsub.s32 $0x5F3759DF, v17;
	v16 =	vshra.s32 v4, $0x1;
	v1 =	vsub.f32 $1.500000000e+00, v1  }
0x3a3: {  	[tilespmem:$0x1F3B0] =	vst v23;
	v23 =	vmul.f32 v9, v13;
	v14 =	vshra.s32 v3, $0x1;
	v19 =	vshra.s32 v7, $0x1  }
0x3a4: {  	v20 =	vmul.f32 $5.000000000e-01, v7;
	v11 =	vshra.s32 v5, $0x1;
	v1 =	vmul.f32 v1, v10  }
0x3a5: {  	v16 =	vsub.s32 $0x5F3759DF, v16;
	v23 =	vmul.f32 v9, v23;
	v11 =	vsub.s32 $0x5F3759DF, v11  }
0x3a6: {  	v19 =	vsub.s32 $0x5F3759DF, v19;
	v22 =	vmul.f32 v11, v12;
	v0 =	vmul.f32 v1, v0  }
0x3a7: {  	v15 =	vmul.f32 $5.000000000e-01, v3;
	v28 =	vmul.f32 v19, v20;
	v23 =	vsub.f32 $1.500000000e+00, v23  }
0x3a8: {  	v14 =	vsub.s32 $0x5F3759DF, v14;
	v22 =	vmul.f32 v11, v22;
	v0 =	vmul.f32 $5.249999760e-01, v0  }
0x3a9: {  	v9 =	vmul.f32 v9, v23;
	v10 =	vmul.f32 $5.000000000e-01, v4;
	v1 =	vshra.s32 v2, $0x1  }
0x3aa: {  	v22 =	vsub.f32 $1.500000000e+00, v22;
	v25 =	vsub.s32 $0x5F3759DF, v1;
	v24 =	vtrunc.f32 v0  }
0x3ab: {  	v1 =	vmul.f32 v14, v15;
	v26 =	vcvt.f32.s32 v24;
	vm0 =	vgt.f32 v0, v24  }
0x3ac: {  	v29 =	vmul.f32 v25, v21;
	v0 =	vmul.f32 v16, v10;
	v27 =	vsel vm0, $0x1, v48  }
0x3ad: {  	v1 =	vmul.f32 v14, v1;
	v24 =	vmul.f32 v17, v18;
	v26 =	vadd.s32 v26, v27  }
0x3ae: {  	v11 =	vmul.f32 v11, v22;
	v27 =	vmul.f32 v16, v0;
	vm14 =	vlt.s32 v26, $0x15  }
0x3af: {  	v1 =	vsub.f32 $1.500000000e+00, v1;
	v24 =	vmul.f32 v17, v24;
	v0 =	vnsel vm14, $0x15, v26  }
0x3b0: {  	v26 =	vmul.f32 v19, v28;
	v28 =	vmul.f32 v25, v29;
	v27 =	vsub.f32 $1.500000000e+00, v27  }
0x3b1: {  	v40 =	vld [tilespmem:$0x1FFF0];
	v14 =	vmul.f32 v14, v1;
	v22 =	vsub.f32 $1.500000000e+00, v24;
	v0 =	vshll.u32 v0, $0x4  }
0x3b2: {  	s25 =	simm.s32 $0x70;
	v24 =	vsub.f32 $1.500000000e+00, v26;
	v23 =	vsub.f32 $1.500000000e+00, v28;
	v16 =	vmul.f32 v16, v27  }
0x3b3: {  	s19 =	simm.s32 $0x20;
	v26 =	vmov s25;
	v17 =	vmul.f32 v17, v22;
	v22 =	vmul.f32 v11, v12  }
0x3b4: {  	v27 =	vmul.f32 v14, v15;
	v28 =	vmov s19;
	v55 =	vor.u32 $0x2, v0  }
0x3b5: {  	v1 =	vshll.u32 v26, $0x4;
	v19 =	vmul.f32 v19, v24;
	v23 =	vmul.f32 v25, v23  }
0x3b6: {  	v1 =	vor.u32 v40, v1;
	v25 =	vmul.f32 v9, v13;
	v29 =	vmul.f32 v16, v10;
	v54 =	vld.idx.msk [tilespmem:v0+s9+$0x0], $0xffff  }
0x3b7: {  	s26 =	simm.s32 $0x10;
	v24 =	vor.u32 $0x1, v0;
	v30 =	vmul.f32 v17, v18;
	v22 =	vmul.f32 v22, v11  }
0x3b8: {  	v26 =	vmov s26;
	v27 =	vmul.f32 v27, v14;
	v49 =	vmul.f32 v19, v20  }
0x3b9: {  	v53 =	vor.u32 $0x1, v1;
	v50 =	vmul.f32 v23, v21;
	v25 =	vmul.f32 v25, v9  }
0x3ba: {  	v29 =	vmul.f32 v29, v16;
	v30 =	vmul.f32 v30, v17;
	v22 =	vsub.f32 $1.500000000e+00, v22  }
0x3bb: {  	v27 =	vsub.f32 $1.500000000e+00, v27;
	v32 =	vmul.f32 v49, v19;
	v33 =	vmul.f32 v50, v23;
	[tilespmem:v1+s11+$0x0] =	vst.idx.msk $0xffff, v54  }
0x3bc: {  	v25 =	vsub.f32 $1.500000000e+00, v25;
	v11 =	vmul.f32 v22, v11;
	v22 =	vsub.f32 $1.500000000e+00, v29;
	v24 =	vld.idx.msk [tilespmem:v24+s9+$0x0], $0xffff  }
0x3bd: {  	v29 =	vsub.f32 $1.500000000e+00, v30;
	v14 =	vmul.f32 v27, v14;
	v27 =	vshll.u32 v28, $0x4  }
0x3be: {  	v9 =	vmul.f32 v25, v9;
	v25 =	vsub.f32 $1.500000000e+00, v32;
	v16 =	vmul.f32 v22, v16  }
0x3bf: {  	v30 =	vsub.f32 $1.500000000e+00, v33;
	v17 =	vmul.f32 v29, v17;
	v12 =	vmul.f32 v11, v12  }
0x3c0: {  	v28 =	vshll.u32 v31, $0x4;
	v15 =	vmul.f32 v14, v15;
	v19 =	vmul.f32 v25, v19  }
0x3c1: {  	v22 =	vshll.u32 v26, $0x4;
	v23 =	vmul.f32 v30, v23;
	v13 =	vmul.f32 v9, v13;
	[tilespmem:v53+s11+$0x0] =	vst.idx.msk $0xffff, v24  }
0x3c2: {  	v25 =	vor.u32 $0x2, v1;
	v10 =	vmul.f32 v16, v10;
	v18 =	vmul.f32 v17, v18;
	v30 =	vld.idx.msk [tilespmem:v55+s9+$0x0], $0xffff  }
0x3c3: {  	v26 =	vor.u32 $0x3, v0;
	v12 =	vmul.f32 v12, v11;
	v15 =	vmul.f32 v15, v14  }
0x3c4: {  	v31 =	vor.u32 $0x3, v1;
	v20 =	vmul.f32 v19, v20;
	v10 =	vmul.f32 v10, v16  }
0x3c5: {  	v21 =	vmul.f32 v23, v21;
	v13 =	vmul.f32 v13, v9;
	v12 =	vsub.f32 $1.500000000e+00, v12  }
0x3c6: {  	v18 =	vmul.f32 v18, v17;
	v15 =	vsub.f32 $1.500000000e+00, v15;
	v10 =	vsub.f32 $1.500000000e+00, v10  }
0x3c7: {  	v20 =	vmul.f32 v20, v19;
	v13 =	vsub.f32 $1.500000000e+00, v13;
	v21 =	vmul.f32 v21, v23;
	[tilespmem:v25+s11+$0x0] =	vst.idx.msk $0xffff, v30  }
0x3c8: {  	v11 =	vmul.f32 v12, v11;
	v12 =	vsub.f32 $1.500000000e+00, v18;
	v10 =	vmul.f32 v10, v16;
	v16 =	vld.idx.msk [tilespmem:v26+s9+$0x0], $0xffff  }
0x3c9: {  	v58 =	vor.u32 $0x4, v0;
	v18 =	vsub.f32 $1.500000000e+00, v20;
	v9 =	vmul.f32 v13, v9  }
0x3ca: {  	s30 =	simm.s32 $0x50;
	v13 =	vmul.f32 v15, v14;
	v14 =	vsub.f32 $1.500000000e+00, v21;
	v12 =	vmul.f32 v12, v17  }
0x3cb: {  	v52 =	vmov s30;
	v11 =	vmul.f32 v11, v5;
	v17 =	vmul.f32 v18, v19  }
0x3cc: {  	v54 =	vor.u32 v40, v22;
	v14 =	vmul.f32 v14, v23;
	v9 =	vmul.f32 v9, v8  }
0x3cd: {  	v24 =	vshll.u32 v52, $0x4;
	v3 =	vmul.f32 v13, v3;
	v4 =	vmul.f32 v10, v4;
	[tilespmem:v31+s11+$0x0] =	vst.idx.msk $0xffff, v16  }
0x3ce: {  	v13 =	vor.u32 $0x4, v1;
	v6 =	vmul.f32 v12, v6;
	v11 =	vmul.f32 $5.249999760e-01, v11;
	v16 =	vld.idx.msk [tilespmem:v58+s9+$0x0], $0xffff  }
0x3cf: {  	v12 =	vor.u32 $0x5, v0;
	v7 =	vmul.f32 v17, v7;
	v2 =	vmul.f32 v14, v2  }
0x3d0: {  	v15 =	vshll.u32 v56, $0x4;
	v14 =	vmul.f32 $5.249999760e-01, v9;
	v3 =	vmul.f32 $5.249999760e-01, v3  }
0x3d1: {  	v23 =	vor.u32 $0x5, v1;
	v4 =	vmul.f32 $5.249999760e-01, v4;
	v17 =	vmul.f32 $5.249999760e-01, v6  }
0x3d2: {  	v19 =	vtrunc.f32 v11;
	v6 =	vor.u32 v40, v15;
	v18 =	vmul.f32 $5.249999760e-01, v7  }
0x3d3: {  	vm15 =	vgt.f32 v11, v19;
	v2 =	vmul.f32 $5.249999760e-01, v2;
	v21 =	vtrunc.f32 v14;
	[tilespmem:v13+s11+$0x0] =	vst.idx.msk $0xffff, v16  }
0x3d4: {  	v7 =	vor.u32 v40, v24;
	v15 =	vtrunc.f32 v3;
	v22 =	vtrunc.f32 v4;
	v12 =	vld.idx.msk [tilespmem:v12+s9+$0x0], $0xffff  }
0x3d5: {  	v24 =	vtrunc.f32 v17;
	v26 =	vor.u32 $0x6, v0;
	vm1 =	vgt.f32 v14, v21  }
0x3d6: {  	v14 =	vcvt.f32.s32 v15;
	vm2 =	vgt.f32 v3, v15;
	v3 =	vcvt.f32.s32 v22  }
0x3d7: {  	vm3 =	vgt.f32 v4, v22;
	v4 =	vcvt.f32.s32 v24;
	v25 =	vtrunc.f32 v18  }
0x3d8: {  	vm4 =	vgt.f32 v17, v24;
	v11 =	vtrunc.f32 v2;
	v15 =	vcvt.f32.s32 v25  }
0x3d9: {  	vm5 =	vgt.f32 v18, v25;
	v17 =	vcvt.f32.s32 v11;
	vm6 =	vgt.f32 v2, v11;
	[tilespmem:v23+s11+$0x0] =	vst.idx.msk $0xffff, v12  }
0x3da: {  	v2 =	vsel vm15, $0x1, v48;
	v11 =	vsel vm1, $0x1, v48;
	v18 =	vor.u32 $0x6, v1;
	v22 =	vld.idx.msk [tilespmem:v26+s9+$0x0], $0xffff  }
0x3db: {  	v13 =	vcvt.f32.s32 v19;
	v16 =	vcvt.f32.s32 v21;
	v21 =	vor.u32 $0x7, v0  }
0x3dc: {  	v24 =	vsel vm5, $0x1, v48;
	v25 =	vsel vm6, $0x1, v48;
	v19 =	vsel vm3, $0x1, v48  }
0x3dd: {  	v3 =	vadd.s32 v3, v19;
	v19 =	vor.u32 $0x7, v1;
	v2 =	vadd.s32 v13, v2  }
0x3de: {  	v11 =	vadd.s32 v16, v11;
	v13 =	vadd.s32 v15, v24;
	vm12 =	vlt.s32 v3, $0x15  }
0x3df: {  	vm9 =	vlt.s32 v2, $0x15;
	vm10 =	vlt.s32 v11, $0x15;
	v3 =	vnsel vm12, $0x15, v3;
	[tilespmem:v18+s11+$0x0] =	vst.idx.msk $0xffff, v22  }
0x3e0: {  	v11 =	vnsel vm10, $0x15, v11;
	v15 =	vshll.u32 v3, $0x4;
	v12 =	vsel vm2, $0x1, v48;
	v21 =	vld.idx.msk [tilespmem:v21+s9+$0x0], $0xffff  }
0x3e1: {  	v23 =	vsel vm4, $0x1, v48;
	v12 =	vadd.s32 v14, v12;
	v22 =	vor.u32 $0x8, v0  }
0x3e2: {  	v4 =	vadd.s32 v4, v23;
	v14 =	vadd.s32 v17, v25;
	vm11 =	vlt.s32 v12, $0x15  }
0x3e3: {  	v17 =	vshll.u32 v11, $0x4;
	vm13 =	vlt.s32 v4, $0x15;
	v12 =	vnsel vm11, $0x15, v12  }
0x3e4: {  	vm15 =	vlt.s32 v14, $0x15;
	v4 =	vnsel vm13, $0x15, v4;
	v16 =	vshll.u32 v12, $0x4  }
0x3e5: {  	s29 =	simm.s32 $0x40;
	v2 =	vnsel vm9, $0x15, v2;
	v23 =	vnsel vm15, $0x15, v14;
	v14 =	vshll.u32 v4, $0x4;
	[tilespmem:v19+s11+$0x0] =	vst.idx.msk $0xffff, v21  }
0x3e6: {  	v51 =	vmov s29;
	v18 =	vshll.u32 v2, $0x4;
	v21 =	vor.u32 $0x8, v1;
	v4 =	vld.idx.msk [tilespmem:v22+s9+$0x0], $0xffff  }
0x3e7: {  	v10 =	vor.u32 v40, v28;
	vm14 =	vlt.s32 v13, $0x15;
	v25 =	vor.u32 $0x9, v0;
	v59 =	vld.idx.msk [tilespmem:v15+s9+$0x0], $0xffff  }
0x3e8: {  	v29 =	vshll.u32 v51, $0x4;
	v12 =	vshll.u32 v23, $0x4;
	v2 =	vnsel vm14, $0x15, v13;
	v26 =	vld.idx.msk [tilespmem:v17+s9+$0x0], $0xffff  }
0x3e9: {  	v20 =	vshll.u32 v57, $0x4;
	v8 =	vor.u32 v40, v27;
	v13 =	vshll.u32 v2, $0x4;
	v30 =	vld.idx.msk [tilespmem:v16+s9+$0x0], $0xffff  }
0x3ea: {  	v9 =	vor.u32 v40, v29;
	v11 =	vor.u32 v40, v20;
	v20 =	vor.u32 $0x1, v15;
	v60 =	vld.idx.msk [tilespmem:v14+s9+$0x0], $0xffff  }
0x3eb: {  	v3 =	vor.u32 $0x1, v17;
	v22 =	vld.idx.msk [tilespmem:v18+s9+$0x0], $0xffff;
	[tilespmem:v21+s11+$0x0] =	vst.idx.msk $0xffff, v4  }
0x3ec: {  	v45 =	vor.u32 $0x9, v1;
	v2 =	vor.u32 $0x1, v18;
	[tilespmem:v10+s11+$0x0] =	vst.idx.msk $0xffff, v59;
	v25 =	vld.idx.msk [tilespmem:v25+s9+$0x0], $0xffff  }
0x3ed: {  	v47 =	vld.idx.msk [tilespmem:v12+s9+$0x0], $0xffff;
	[tilespmem:v54+s11+$0x0] =	vst.idx.msk $0xffff, v26;
	v19 =	vor.u32 $0x1, v16  }
0x3ee: {  	v44 =	vld.idx.msk [tilespmem:v13+s9+$0x0], $0xffff;
	[tilespmem:v8+s11+$0x0] =	vst.idx.msk $0xffff, v30  }
0x3ef: {  	v20 =	vld.idx.msk [tilespmem:v20+s9+$0x0], $0xffff;
	[tilespmem:v9+s11+$0x0] =	vst.idx.msk $0xffff, v60  }
0x3f0: {  	v48 =	vor.u32 $0xA, v0;
	v3 =	vld.idx.msk [tilespmem:v3+s9+$0x0], $0xffff;
	[tilespmem:v11+s11+$0x0] =	vst.idx.msk $0xffff, v22  }
0x3f1: {  	v5 =	vor.u32 $0x3, v9;
	v34 =	vor.u32 $0x1, v11;
	v23 =	vor.u32 $0x1, v14;
	v2 =	vld.idx.msk [tilespmem:v2+s9+$0x0], $0xffff;
	[tilespmem:v45+s11+$0x0] =	vst.idx.msk $0xffff, v25  }
0x3f2: {  	v27 =	vor.u32 $0x1, v54;
	v24 =	vor.u32 $0x1, v13;
	v19 =	vld.idx.msk [tilespmem:v19+s9+$0x0], $0xffff;
	[tilespmem:$0x1F3C0] =	vst v5  }
0x3f3: {  	v28 =	vor.u32 $0x1, v8;
	v29 =	vor.u32 $0x1, v12;
	v5 =	vor.u32 $0x3, v7;
	[tilespmem:v7+s11+$0x0] =	vst.idx.msk $0xffff, v44  }
0x3f4: {  	v35 =	vor.u32 $0x2, v18;
	[tilespmem:$0x1F3D0] =	vst v5  }
0x3f5: {  	v31 =	vor.u32 $0x1, v10;
	v25 =	vld.idx.msk [tilespmem:v48+s9+$0x0], $0xffff;
	[tilespmem:v6+s11+$0x0] =	vst.idx.msk $0xffff, v47  }
0x3f6: {  	v38 =	vor.u32 $0x2, v17;
	v23 =	vld.idx.msk [tilespmem:v23+s9+$0x0], $0xffff;
	[tilespmem:v34+s11+$0x0] =	vst.idx.msk $0xffff, v2  }
0x3f7: {  	v24 =	vld.idx.msk [tilespmem:v24+s9+$0x0], $0xffff;
	[tilespmem:v27+s11+$0x0] =	vst.idx.msk $0xffff, v3  }
0x3f8: {  	v5 =	vor.u32 $0xA, v1;
	[tilespmem:v28+s11+$0x0] =	vst.idx.msk $0xffff, v19;
	v19 =	vor.u32 $0xE, v0;
	v3 =	vld.idx.msk [tilespmem:v29+s9+$0x0], $0xffff  }
0x3f9: {  	v61 =	vor.u32 $0xC, v0;
	v32 =	vor.u32 $0x1, v9;
	v39 =	vor.u32 $0x2, v16;
	v28 =	vld.idx.msk [tilespmem:v35+s9+$0x0], $0xffff;
	[tilespmem:$0x1F470] =	vst v19  }
0x3fa: {  	v58 =	vor.u32 $0xD, v0;
	v2 =	vor.u32 $0xB, v0;
	v0 =	vor.u32 $0xF, v0;
	[tilespmem:v31+s11+$0x0] =	vst.idx.msk $0xffff, v20  }
0x3fb: {  	v33 =	vor.u32 $0x1, v7;
	v31 =	vld.idx.msk [tilespmem:v38+s9+$0x0], $0xffff;
	[tilespmem:$0x1F580] =	vst v0;
	v0 =	vor.u32 $0xE, v1  }
0x3fc: {  	v37 =	vor.u32 $0x1, v6;
	v40 =	vor.u32 $0x2, v15;
	[tilespmem:$0x1F570] =	vst v0  }
0x3fd: {  	v4 =	vor.u32 $0x2, v14;
	v0 =	vor.u32 $0xF, v1;
	[tilespmem:v5+s11+$0x0] =	vst.idx.msk $0xffff, v25  }
0x3fe: {  	v25 =	vld.idx.msk [tilespmem:v39+s9+$0x0], $0xffff;
	[tilespmem:$0x1F6A0] =	vst v0  }
0x3ff: {  	v49 =	vor.u32 $0x2, v11;
	[tilespmem:v32+s11+$0x0] =	vst.idx.msk $0xffff, v23  }
0x400: {  	v21 =	vor.u32 $0x2, v13;
	v22 =	vor.u32 $0x2, v54;
	v23 =	vld.idx.msk [tilespmem:v2+s9+$0x0], $0xffff;
	[tilespmem:v33+s11+$0x0] =	vst.idx.msk $0xffff, v24  }
0x401: {  	v43 =	vor.u32 $0x2, v8;
	v42 =	vor.u32 $0x2, v12;
	v24 =	vld.idx.msk [tilespmem:v40+s9+$0x0], $0xffff;
	[tilespmem:v37+s11+$0x0] =	vst.idx.msk $0xffff, v3;
	v2 =	vor.u32 $0x4, v7  }
0x402: {  	v51 =	vor.u32 $0x3, v18;
	v3 =	vld.idx.msk [tilespmem:v4+s9+$0x0], $0xffff;
	[tilespmem:$0x1F520] =	vst v2;
	v2 =	vor.u32 $0x4, v6  }
0x403: {  	[tilespmem:$0x1F550] =	vst v2  }
0x404: {  	v29 =	vor.u32 $0xB, v1;
	[tilespmem:v49+s11+$0x0] =	vst.idx.msk $0xffff, v28  }
0x405: {  	v55 =	vor.u32 $0x3, v17;
	v21 =	vld.idx.msk [tilespmem:v21+s9+$0x0], $0xffff;
	[tilespmem:v22+s11+$0x0] =	vst.idx.msk $0xffff, v31  }
0x406: {  	v5 =	vor.u32 $0x5, v12;
	v22 =	vld.idx.msk [tilespmem:v42+s9+$0x0], $0xffff;
	[tilespmem:v43+s11+$0x0] =	vst.idx.msk $0xffff, v25  }
0x407: {  	v26 =	vor.u32 $0x2, v10;
	v25 =	vld.idx.msk [tilespmem:v51+s9+$0x0], $0xffff;
	[tilespmem:$0x1F5C0] =	vst v5;
	v5 =	vor.u32 $0x5, v8  }
0x408: {  	[tilespmem:$0x1F600] =	vst v5  }
0x409: {  	v46 =	vor.u32 $0x2, v9;
	v5 =	vor.u32 $0x5, v10;
	[tilespmem:v29+s11+$0x0] =	vst.idx.msk $0xffff, v23  }
0x40a: {  	v52 =	vor.u32 $0x3, v16;
	v30 =	vor.u32 $0x2, v7;
	v23 =	vld.idx.msk [tilespmem:v55+s9+$0x0], $0xffff;
	[tilespmem:$0x1F630] =	vst v5;
	v5 =	vor.u32 $0x5, v9  }
0x40b: {  	v36 =	vor.u32 $0x3, v15;
	[tilespmem:$0x1F640] =	vst v5  }
0x40c: {  	v50 =	vor.u32 $0x2, v6;
	v19 =	vor.u32 $0x5, v6;
	[tilespmem:v26+s11+$0x0] =	vst.idx.msk $0xffff, v24  }
0x40d: {  	v41 =	vor.u32 $0x3, v14;
	v5 =	vld.idx.msk [tilespmem:v61+s9+$0x0], $0xffff;
	[tilespmem:$0x1F6C0] =	vst v19  }
0x40e: {  	[tilespmem:v46+s11+$0x0] =	vst.idx.msk $0xffff, v3  }
0x40f: {  	v59 =	vor.u32 $0x6, v54;
	v48 =	vor.u32 $0x3, v11;
	v46 =	vld.idx.msk [tilespmem:v52+s9+$0x0], $0xffff;
	[tilespmem:v30+s11+$0x0] =	vst.idx.msk $0xffff, v21  }
0x410: {  	v53 =	vor.u32 $0x3, v13;
	v21 =	vld.idx.msk [tilespmem:v36+s9+$0x0], $0xffff;
	[tilespmem:$0x1F6E0] =	vst v59  }
0x411: {  	v62 =	vor.u32 $0x3, v54;
	[tilespmem:v50+s11+$0x0] =	vst.idx.msk $0xffff, v22;
	v22 =	vor.u32 $0x6, v8  }
0x412: {  	v57 =	vor.u32 $0x3, v12;
	v41 =	vld.idx.msk [tilespmem:v41+s9+$0x0], $0xffff;
	[tilespmem:$0x1F720] =	vst v22;
	v22 =	vor.u32 $0x6, v10  }
0x413: {  	v35 =	vor.u32 $0xC, v1;
	[tilespmem:$0x1F750] =	vst v22  }
0x414: {  	v56 =	vor.u32 $0x3, v8;
	v34 =	vor.u32 $0x4, v18;
	v22 =	vor.u32 $0x6, v9;
	[tilespmem:v48+s11+$0x0] =	vst.idx.msk $0xffff, v25  }
0x415: {  	v48 =	vld.idx.msk [tilespmem:v53+s9+$0x0], $0xffff;
	[tilespmem:$0x1F760] =	vst v22  }
0x416: {  	[tilespmem:v62+s11+$0x0] =	vst.idx.msk $0xffff, v23;
	v23 =	vor.u32 $0x6, v6  }
0x417: {  	v53 =	vld.idx.msk [tilespmem:v57+s9+$0x0], $0xffff;
	[tilespmem:$0x1F7C0] =	vst v23  }
0x418: {  	v63 =	vor.u32 $0x3, v10;
	v60 =	vor.u32 $0x4, v17;
	[tilespmem:v35+s11+$0x0] =	vst.idx.msk $0xffff, v5  }
0x419: {  	v61 =	vor.u32 $0x7, v13;
	v57 =	vld.idx.msk [tilespmem:v34+s9+$0x0], $0xffff;
	[tilespmem:v56+s11+$0x0] =	vst.idx.msk $0xffff, v46  }
0x41a: {  	v40 =	vor.u32 $0x7, v12;
	v46 =	vld.idx.msk [tilespmem:v58+s9+$0x0], $0xffff;
	[tilespmem:$0x1F7D0] =	vst v61  }
0x41b: {  	v43 =	vor.u32 $0x7, v54;
	[tilespmem:$0x1F7F0] =	vst v40  }
0x41c: {  	[tilespmem:$0x1F800] =	vst v43  }
0x41d: {  	[tilespmem:v63+s11+$0x0] =	vst.idx.msk $0xffff, v21;
	v50 =	vld.idx.msk [tilespmem:v60+s9+$0x0], $0xffff;
	v21 =	vor.u32 $0x7, v8  }
0x41e: {  	[tilespmem:$0x1F810] =	vst v21;
	v21 =	vld [tilespmem:$0x1F3C0];
	_ =	sdelay $0x7  }
0x41f: {  	[tilespmem:v21+s11+$0x0] =	vst.idx.msk $0xffff, v41  }
0x420: {  	v21 =	vld [tilespmem:$0x1F3D0];
	_ =	sdelay $0x2  }
0x421: {  	v27 =	vor.u32 $0x4, v16  }
0x422: {  	v45 =	vor.u32 $0x4, v15;
	_ =	sdelay $0x1  }
0x423: {  	v47 =	vor.u32 $0x3, v6  }
0x424: {  	v20 =	vor.u32 $0xD, v1;
	v1 =	vor.u32 $0x4, v14  }
0x425: {  	v27 =	vld.idx.msk [tilespmem:v27+s9+$0x0], $0xffff;
	[tilespmem:v21+s11+$0x0] =	vst.idx.msk $0xffff, v48;
	v21 =	vor.u32 $0x8, v17  }
0x426: {  	v41 =	vld.idx.msk [tilespmem:v45+s9+$0x0], $0xffff;
	[tilespmem:$0x1F820] =	vst v21;
	v21 =	vor.u32 $0x8, v16  }
0x427: {  	v4 =	vor.u32 $0x4, v11;
	[tilespmem:$0x1F3E0] =	vst v21  }
0x428: {  	v38 =	vor.u32 $0x4, v13;
	v21 =	vor.u32 $0x8, v15;
	[tilespmem:v47+s11+$0x0] =	vst.idx.msk $0xffff, v53  }
0x429: {  	v1 =	vld.idx.msk [tilespmem:v1+s9+$0x0], $0xffff;
	[tilespmem:$0x1F3F0] =	vst v21;
	v21 =	vor.u32 $0x8, v14  }
0x42a: {  	[tilespmem:$0x1F400] =	vst v21;
	v21 =	vor.u32 $0x8, v13  }
0x42b: {  	v0 =	vor.u32 $0x4, v12;
	[tilespmem:$0x1F410] =	vst v21  }
0x42c: {  	v21 =	vor.u32 $0x8, v8;
	[tilespmem:v4+s11+$0x0] =	vst.idx.msk $0xffff, v57  }
0x42d: {  	v4 =	vld.idx.msk [tilespmem:v38+s9+$0x0], $0xffff;
	[tilespmem:$0x1F420] =	vst v21;
	v21 =	vor.u32 $0x8, v12  }
0x42e: {  	v32 =	vor.u32 $0x4, v54;
	[tilespmem:$0x1F430] =	vst v21  }
0x42f: {  	[tilespmem:v20+s11+$0x0] =	vst.idx.msk $0xffff, v46;
	v20 =	vor.u32 $0x8, v10  }
0x430: {  	v0 =	vld.idx.msk [tilespmem:v0+s9+$0x0], $0xffff;
	[tilespmem:$0x1F440] =	vst v20;
	v20 =	vor.u32 $0x8, v9  }
0x431: {  	[tilespmem:$0x1F450] =	vst v20;
	v20 =	vor.u32 $0x8, v7  }
0x432: {  	[tilespmem:$0x1F460] =	vst v20  }
0x433: {  	[tilespmem:v32+s11+$0x0] =	vst.idx.msk $0xffff, v50  }
0x434: {  	v20 =	vld [tilespmem:$0x1F470];
	_ =	sdelay $0x3  }
0x435: {  	v33 =	vor.u32 $0x4, v8  }
0x436: {  	v28 =	vor.u32 $0x5, v18;
	_ =	sdelay $0x1  }
0x437: {  	v21 =	vor.u32 $0x8, v6  }
0x438: {  	v39 =	vor.u32 $0x4, v10;
	v20 =	vld.idx.msk [tilespmem:v20+s9+$0x0], $0xffff;
	[tilespmem:$0x1F480] =	vst v21  }
0x439: {  	v49 =	vor.u32 $0x5, v17;
	v21 =	vor.u32 $0x9, v17;
	[tilespmem:v33+s11+$0x0] =	vst.idx.msk $0xffff, v27  }
0x43a: {  	v27 =	vld.idx.msk [tilespmem:v28+s9+$0x0], $0xffff;
	[tilespmem:$0x1F490] =	vst v21;
	v21 =	vor.u32 $0x9, v16  }
0x43b: {  	[tilespmem:$0x1F4A0] =	vst v21;
	v21 =	vor.u32 $0x9, v15  }
0x43c: {  	v44 =	vor.u32 $0x4, v9;
	v2 =	vor.u32 $0x5, v16;
	[tilespmem:$0x1F4B0] =	vst v21  }
0x43d: {  	v21 =	vor.u32 $0x9, v14;
	[tilespmem:v39+s11+$0x0] =	vst.idx.msk $0xffff, v41  }
0x43e: {  	v28 =	vld.idx.msk [tilespmem:v49+s9+$0x0], $0xffff;
	[tilespmem:$0x1F4C0] =	vst v21;
	v21 =	vor.u32 $0x9, v13  }
0x43f: {  	[tilespmem:$0x1F4D0] =	vst v21;
	v21 =	vor.u32 $0x9, v54  }
0x440: {  	[tilespmem:$0x1F4E0] =	vst v21  }
0x441: {  	[tilespmem:v44+s11+$0x0] =	vst.idx.msk $0xffff, v1;
	v1 =	vld.idx.msk [tilespmem:v2+s9+$0x0], $0xffff;
	v2 =	vor.u32 $0x9, v12  }
0x442: {  	[tilespmem:$0x1F4F0] =	vst v2;
	v2 =	vor.u32 $0x9, v8  }
0x443: {  	[tilespmem:$0x1F500] =	vst v2;
	v2 =	vor.u32 $0x9, v10  }
0x444: {  	[tilespmem:$0x1F510] =	vst v2;
	v2 =	vld [tilespmem:$0x1F520];
	_ =	sdelay $0x3  }
0x445: {  	v31 =	vor.u32 $0x5, v15;
	_ =	sdelay $0x3  }
0x446: {  	[tilespmem:v2+s11+$0x0] =	vst.idx.msk $0xffff, v4;
	v4 =	vor.u32 $0x9, v9  }
0x447: {  	v2 =	vld.idx.msk [tilespmem:v31+s9+$0x0], $0xffff;
	[tilespmem:$0x1F530] =	vst v4;
	v4 =	vor.u32 $0x9, v7  }
0x448: {  	[tilespmem:$0x1F540] =	vst v4;
	v4 =	vld [tilespmem:$0x1F550];
	_ =	sdelay $0x2  }
0x449: {  	v37 =	vor.u32 $0x5, v14;
	_ =	sdelay $0x4  }
0x44a: {  	[tilespmem:v4+s11+$0x0] =	vst.idx.msk $0xffff, v0;
	v0 =	vld.idx.msk [tilespmem:v37+s9+$0x0], $0xffff;
	v4 =	vor.u32 $0x9, v6  }
0x44b: {  	[tilespmem:$0x1F560] =	vst v4;
	v4 =	vld [tilespmem:$0x1F570];
	_ =	sdelay $0x1  }
0x44c: {  	v19 =	vor.u32 $0x5, v11;
	_ =	sdelay $0x4  }
0x44d: {  	[tilespmem:v19+s11+$0x0] =	vst.idx.msk $0xffff, v27  }
0x44e: {  	[tilespmem:v4+s11+$0x0] =	vst.idx.msk $0xffff, v20  }
0x44f: {  	v19 =	vld [tilespmem:$0x1F580];
	_ =	sdelay $0x3  }
0x450: {  	v42 =	vor.u32 $0x5, v13;
	_ =	sdelay $0x2  }
0x451: {  	v51 =	vor.u32 $0x5, v54  }
0x452: {  	v31 =	vld.idx.msk [tilespmem:v19+s9+$0x0], $0xffff;
	v19 =	vor.u32 $0xA, v13  }
0x453: {  	v4 =	vld.idx.msk [tilespmem:v42+s9+$0x0], $0xffff;
	[tilespmem:$0x1F590] =	vst v19;
	v19 =	vor.u32 $0xA, v54  }
0x454: {  	[tilespmem:$0x1F5A0] =	vst v19;
	v19 =	vor.u32 $0xA, v8  }
0x455: {  	[tilespmem:$0x1F5B0] =	vst v19  }
0x456: {  	[tilespmem:v51+s11+$0x0] =	vst.idx.msk $0xffff, v28  }
0x457: {  	v19 =	vld [tilespmem:$0x1F5C0];
	_ =	sdelay $0x7  }
0x458: {  	v28 =	vld.idx.msk [tilespmem:v19+s9+$0x0], $0xffff;
	v19 =	vor.u32 $0xA, v12  }
0x459: {  	[tilespmem:$0x1F5D0] =	vst v19;
	v19 =	vor.u32 $0xA, v10  }
0x45a: {  	[tilespmem:$0x1F5E0] =	vst v19;
	v19 =	vor.u32 $0xA, v9  }
0x45b: {  	[tilespmem:$0x1F5F0] =	vst v19;
	v19 =	vld [tilespmem:$0x1F600];
	_ =	sdelay $0x3  }
0x45c: {  	v24 =	vor.u32 $0x6, v18;
	_ =	sdelay $0x3  }
0x45d: {  	v20 =	vor.u32 $0xA, v7;
	[tilespmem:v19+s11+$0x0] =	vst.idx.msk $0xffff, v1  }
0x45e: {  	v1 =	vld.idx.msk [tilespmem:v24+s9+$0x0], $0xffff;
	[tilespmem:$0x1F610] =	vst v20;
	v20 =	vor.u32 $0xA, v6  }
0x45f: {  	[tilespmem:$0x1F620] =	vst v20;
	v20 =	vld [tilespmem:$0x1F630];
	_ =	sdelay $0x2  }
0x460: {  	v3 =	vor.u32 $0x6, v17;
	_ =	sdelay $0x4  }
0x461: {  	[tilespmem:v20+s11+$0x0] =	vst.idx.msk $0xffff, v2;
	v2 =	vld.idx.msk [tilespmem:v3+s9+$0x0], $0xffff  }
0x462: {  	v3 =	vld [tilespmem:$0x1F640];
	_ =	sdelay $0x3  }
0x463: {  	v26 =	vor.u32 $0x6, v16;
	_ =	sdelay $0x1  }
0x464: {  	v55 =	vor.u32 $0x5, v7  }
0x465: {  	v29 =	vor.u32 $0x6, v15  }
0x466: {  	[tilespmem:v3+s11+$0x0] =	vst.idx.msk $0xffff, v0;
	v3 =	vor.u32 $0xB, v14  }
0x467: {  	v0 =	vld.idx.msk [tilespmem:v26+s9+$0x0], $0xffff;
	[tilespmem:$0x1F650] =	vst v3;
	v3 =	vor.u32 $0xB, v13  }
0x468: {  	[tilespmem:$0x1F660] =	vst v3  }
0x469: {  	[tilespmem:v55+s11+$0x0] =	vst.idx.msk $0xffff, v4;
	v4 =	vor.u32 $0xB, v54  }
0x46a: {  	v3 =	vld.idx.msk [tilespmem:v29+s9+$0x0], $0xffff;
	[tilespmem:$0x1F670] =	vst v4;
	v4 =	vor.u32 $0xB, v8  }
0x46b: {  	[tilespmem:$0x1F680] =	vst v4;
	v4 =	vor.u32 $0xB, v12  }
0x46c: {  	[tilespmem:$0x1F690] =	vst v4;
	v4 =	vld [tilespmem:$0x1F6A0];
	_ =	sdelay $0x2  }
0x46d: {  	v30 =	vor.u32 $0x6, v14;
	_ =	sdelay $0x4  }
0x46e: {  	v21 =	vor.u32 $0xB, v10;
	[tilespmem:v4+s11+$0x0] =	vst.idx.msk $0xffff, v31;
	v4 =	vld.idx.msk [tilespmem:v30+s9+$0x0], $0xffff  }
0x46f: {  	[tilespmem:$0x1F6B0] =	vst v21;
	v21 =	vld [tilespmem:$0x1F6C0];
	_ =	sdelay $0x2  }
0x470: {  	v36 =	vor.u32 $0x6, v13  }
0x471: {  	v52 =	vor.u32 $0x6, v12;
	v22 =	vor.u32 $0x6, v11;
	_ =	sdelay $0x3  }
0x472: {  	v24 =	vld.idx.msk [tilespmem:v36+s9+$0x0], $0xffff;
	[tilespmem:v21+s11+$0x0] =	vst.idx.msk $0xffff, v28  }
0x473: {  	[tilespmem:v22+s11+$0x0] =	vst.idx.msk $0xffff, v1;
	v21 =	vor.u32 $0xC, v15;
	v1 =	vld.idx.msk [tilespmem:v52+s9+$0x0], $0xffff  }
0x474: {  	[tilespmem:$0x1F6D0] =	vst v21;
	v21 =	vld [tilespmem:$0x1F6E0];
	_ =	sdelay $0x3  }
0x475: {  	v62 =	vor.u32 $0x7, v18;
	_ =	sdelay $0x3  }
0x476: {  	[tilespmem:v21+s11+$0x0] =	vst.idx.msk $0xffff, v2;
	v2 =	vor.u32 $0xC, v14  }
0x477: {  	v22 =	vld.idx.msk [tilespmem:v62+s9+$0x0], $0xffff;
	[tilespmem:$0x1F6F0] =	vst v2;
	v2 =	vor.u32 $0xC, v13  }
0x478: {  	[tilespmem:$0x1F700] =	vst v2;
	v2 =	vor.u32 $0xC, v12  }
0x479: {  	[tilespmem:$0x1F710] =	vst v2;
	v2 =	vld [tilespmem:$0x1F720];
	_ =	sdelay $0x3  }
0x47a: {  	v23 =	vor.u32 $0x7, v17;
	_ =	sdelay $0x3  }
0x47b: {  	[tilespmem:v2+s11+$0x0] =	vst.idx.msk $0xffff, v0;
	v0 =	vor.u32 $0xC, v54  }
0x47c: {  	v28 =	vld.idx.msk [tilespmem:v23+s9+$0x0], $0xffff;
	[tilespmem:$0x1F730] =	vst v0;
	v0 =	vor.u32 $0xC, v8  }
0x47d: {  	[tilespmem:$0x1F740] =	vst v0;
	v0 =	vld [tilespmem:$0x1F750];
	_ =	sdelay $0x7  }
0x47e: {  	[tilespmem:v0+s11+$0x0] =	vst.idx.msk $0xffff, v3  }
0x47f: {  	v0 =	vld [tilespmem:$0x1F760];
	_ =	sdelay $0x2  }
0x480: {  	v25 =	vor.u32 $0x7, v16  }
0x481: {  	v35 =	vor.u32 $0x7, v15;
	_ =	sdelay $0x1  }
0x482: {  	v59 =	vor.u32 $0x6, v7  }
0x483: {  	v5 =	vor.u32 $0x7, v14  }
0x484: {  	v25 =	vld.idx.msk [tilespmem:v25+s9+$0x0], $0xffff;
	v3 =	vor.u32 $0xD, v18;
	[tilespmem:v0+s11+$0x0] =	vst.idx.msk $0xffff, v4  }
0x485: {  	v0 =	vld.idx.msk [tilespmem:v35+s9+$0x0], $0xffff;
	[tilespmem:$0x1F770] =	vst v3;
	v3 =	vor.u32 $0xD, v17  }
0x486: {  	[tilespmem:$0x1F780] =	vst v3  }
0x487: {  	v3 =	vor.u32 $0xD, v16;
	[tilespmem:v59+s11+$0x0] =	vst.idx.msk $0xffff, v24  }
0x488: {  	v24 =	vld.idx.msk [tilespmem:v5+s9+$0x0], $0xffff;
	[tilespmem:$0x1F790] =	vst v3;
	v3 =	vor.u32 $0xD, v15  }
0x489: {  	[tilespmem:$0x1F7A0] =	vst v3;
	v3 =	vor.u32 $0xD, v14  }
0x48a: {  	[tilespmem:$0x1F7B0] =	vst v3;
	v3 =	vld [tilespmem:$0x1F7C0];
	_ =	sdelay $0x7  }
0x48b: {  	[tilespmem:v3+s11+$0x0] =	vst.idx.msk $0xffff, v1  }
0x48c: {  	v1 =	vld [tilespmem:$0x1F7D0];
	_ =	sdelay $0x4  }
0x48d: {  	v58 =	vor.u32 $0x7, v11;
	_ =	sdelay $0x2  }
0x48e: {  	v3 =	vld.idx.msk [tilespmem:v1+s9+$0x0], $0xffff;
	v1 =	vor.u32 $0xD, v13  }
0x48f: {  	[tilespmem:$0x1F7E0] =	vst v1  }
0x490: {  	[tilespmem:v58+s11+$0x0] =	vst.idx.msk $0xffff, v22  }
0x491: {  	v1 =	vld [tilespmem:$0x1F7F0];
	_ =	sdelay $0x7  }
0x492: {  	v23 =	vld.idx.msk [tilespmem:v1+s9+$0x0], $0xffff  }
0x493: {  	v1 =	vld [tilespmem:$0x1F800];
	_ =	sdelay $0x7  }
0x494: {  	[tilespmem:v1+s11+$0x0] =	vst.idx.msk $0xffff, v28  }
0x495: {  	v1 =	vld [tilespmem:$0x1F810];
	_ =	sdelay $0x3  }
0x496: {  	v34 =	vor.u32 $0x8, v18;
	v56 =	vor.u32 $0xA, v18;
	v61 =	vor.u32 $0x7, v10  }
0x497: {  	v40 =	vor.u32 $0x7, v6;
	v43 =	vor.u32 $0x9, v11;
	v60 =	vor.u32 $0x7, v9  }
0x498: {  	v63 =	vor.u32 $0x7, v7;
	v45 =	vor.u32 $0xC, v10;
	v48 =	vor.u32 $0xA, v17  }
0x499: {  	v53 =	vor.u32 $0x8, v54;
	v47 =	vor.u32 $0x8, v11;
	v57 =	vor.u32 $0xA, v15  }
0x49a: {  	v38 =	vor.u32 $0xC, v7;
	v46 =	vor.u32 $0xB, v17;
	v50 =	vor.u32 $0x9, v18;
	[tilespmem:v1+s11+$0x0] =	vst.idx.msk $0xffff, v25  }
0x49b: {  	v32 =	vor.u32 $0xD, v54;
	v33 =	vor.u32 $0xA, v14;
	v41 =	vor.u32 $0xB, v16;
	v1 =	vld [tilespmem:$0x1F820]  }
0x49c: {  	v49 =	vor.u32 $0xB, v7;
	v39 =	vor.u32 $0xB, v11;
	v44 =	vor.u32 $0xA, v16  }
0x49d: {  	v37 =	vor.u32 $0xC, v6;
	v27 =	vor.u32 $0xB, v15;
	v42 =	vor.u32 $0xC, v9  }
0x49e: {  	v51 =	vor.u32 $0xB, v6;
	v19 =	vor.u32 $0xA, v11;
	v20 =	vor.u32 $0xB, v18  }
0x49f: {  	v26 =	vor.u32 $0xC, v17;
	v55 =	vor.u32 $0xB, v9;
	v29 =	vor.u32 $0xC, v18  }
0x4a0: {  	v31 =	vor.u32 $0xD, v10;
	v30 =	vor.u32 $0xE, v17;
	v36 =	vor.u32 $0xC, v16  }
0x4a1: {  	v52 =	vor.u32 $0xD, v11;
	v62 =	vor.u32 $0xD, v7;
	v21 =	vor.u32 $0xD, v8  }
0x4a2: {  	v2 =	vor.u32 $0xC, v11;
	v35 =	vor.u32 $0xD, v12;
	v59 =	vor.u32 $0xD, v9;
	v22 =	vld.idx.msk [tilespmem:v34+s9+$0x0], $0xffff  }
0x4a3: {  	s18 =	simm.s32 $0x0;
	s19 =	simm.s32 $0x8C0;
	v58 =	vor.u32 $0xD, v6;
	v34 =	vor.u32 $0xE, v18;
	v25 =	vor.u32 $0xE, v16;
	v1 =	vld.idx.msk [tilespmem:v1+s9+$0x0], $0xffff  }
.LBB2_5:
0x4a4: {  	[tilespmem:v61+s11+$0x0] =	vst.idx.msk $0xffff, v0  }
0x4a5: {  	[tilespmem:v60+s11+$0x0] =	vst.idx.msk $0xffff, v24  }
0x4a6: {  	v0 =	vor.u32 $0xE, v15;
	[tilespmem:v63+s11+$0x0] =	vst.idx.msk $0xffff, v3  }
0x4a7: {  	v5 =	vor.u32 $0xE, v54;
	[tilespmem:$0x1F0A0] =	vst v0  }
0x4a8: {  	v0 =	vor.u32 $0xE, v14;
	[tilespmem:$0x1F100] =	vst v5  }
0x4a9: {  	v5 =	vor.u32 $0xE, v8;
	[tilespmem:$0x1F0B0] =	vst v0  }
0x4aa: {  	v0 =	vor.u32 $0xE, v13;
	[tilespmem:$0x1F110] =	vst v5  }
0x4ab: {  	v5 =	vor.u32 $0xE, v12;
	[tilespmem:$0x1F0C0] =	vst v0  }
0x4ac: {  	[tilespmem:$0x1F0D0] =	vst v5;
	v5 =	vor.u32 $0xE, v10  }
0x4ad: {  	v4 =	vld [tilespmem:s19+$0xFFFFF830];
	[tilespmem:$0x1F120] =	vst v5  }
0x4ae: {  	v24 =	vld [tilespmem:s19+$0xFFFFFFC0];
	v5 =	vor.u32 $0xE, v9;
	[tilespmem:v47+s11+$0x0] =	vst.idx.msk $0xffff, v22  }
0x4af: {  	v0 =	vld [tilespmem:s19+$0x30];
	[tilespmem:$0x1F140] =	vst v5;
	v5 =	vor.u32 $0xE, v11  }
0x4b0: {  	v22 =	vld [tilespmem:s19+$0xFFFFFFD0];
	[tilespmem:$0x1F0E0] =	vst v5  }
0x4b1: {  	v5 =	vor.u32 $0xF, v18;
	v18 =	vmov v21;
	v21 =	vld [tilespmem:s19+$0xFFFFF7D0];
	[tilespmem:v53+s11+$0x0] =	vst.idx.msk $0xffff, v1  }
0x4b2: {  	v1 =	vor.u32 $0xF, v14;
	v14 =	vmov v38;
	v38 =	vld [tilespmem:$0x1F390];
	[tilespmem:$0x1F0F0] =	vst v5;
	v5 =	vor.u32 $0xE, v6  }
0x4b3: {  	[tilespmem:$0x1F180] =	vst v5;
	v5 =	vor.u32 $0xF, v15;
	v15 =	vmov v37;
	v37 =	vld [tilespmem:$0x1F3A0]  }
0x4b4: {  	v3 =	vor.u32 $0xE, v7;
	[tilespmem:v40+s11+$0x0] =	vst.idx.msk $0xffff, v23;
	v40 =	vld [tilespmem:$0x1F3B0]  }
0x4b5: {  	[tilespmem:$0x1F160] =	vst v3;
	v3 =	vld [tilespmem:s19+$0x830];
	_ =	sdelay $0x2  }
0x4b6: {  	v0 =	vsub.f32 v0, v38;
	v4 =	vsub.f32 v4, v37;
	_ =	sdelay $0x1  }
0x4b7: {  	v3 =	vsub.f32 v3, v40;
	v0 =	vmul.f32 v0, v0;
	v4 =	vmul.f32 v4, v4;
	_ =	sdelay $0x1  }
0x4b8: {  	v7 =	vor.u32 $0xF, v7;
	v3 =	vmul.f32 v3, v3;
	v0 =	vadd.f32 v0, v4  }
0x4b9: {  	v8 =	vor.u32 $0xF, v8;
	[tilespmem:$0x1F1E0] =	vst v7  }
0x4ba: {  	[tilespmem:$0x1F1B0] =	vst v8;
	v9 =	vor.u32 $0xF, v9;
	v0 =	vadd.f32 v3, v0  }
0x4bb: {  	v61 =	vmov v30;
	v8 =	vor.u32 $0xF, v10;
	[tilespmem:$0x1F1D0] =	vst v9;
	v30 =	vld [tilespmem:s19+$0x7C0];
	v10 =	vsub.f32 v21, v37  }
0x4bc: {  	[tilespmem:$0x1F150] =	vst v1;
	v9 =	vsub.f32 v22, v38;
	v22 =	vld [tilespmem:s19+$0xFFFFF800];
	v0 =	vadd.f32 $9.999999930e-09, v0  }
0x4bd: {  	v1 =	vor.u32 $0xF, v13;
	[tilespmem:$0x1F130] =	vst v5;
	v5 =	vor.u32 $0xF, v54;
	v4 =	vmul.f32 v10, v10;
	v10 =	vld [tilespmem:s19+$0x0]  }
0x4be: {  	v54 =	vmovc v25;
	[tilespmem:$0x1F1A0] =	vst v5;
	v5 =	vsub.f32 v24, v38;
	v24 =	vld [tilespmem:s19+$0xFFFFF7C0];
	v25 =	vshra.s32 v0, $0x1;
	v28 =	vmul.f32 $5.000000000e-01, v0  }
0x4bf: {  	v23 =	vld [tilespmem:s19+$0xFFFFFFE0];
	[tilespmem:$0x1F170] =	vst v1;
	v1 =	vor.u32 $0xF, v12;
	v7 =	vmul.f32 v9, v9;
	v25 =	vsub.s32 $0x5F3759DF, v25  }
0x4c0: {  	[tilespmem:$0x1F190] =	vst v1;
	v1 =	vld [tilespmem:s19+$0xFFFFF7E0];
	v47 =	vmul.f32 v25, v28  }
0x4c1: {  	v4 =	vadd.f32 v7, v4  }
0x4c2: {  	v63 =	vmovc v32;
	v7 =	vsub.f32 v22, v37;
	v10 =	vsub.f32 v10, v38;
	v32 =	vmul.f32 v25, v47  }
0x4c3: {  	v53 =	vld [tilespmem:s19+$0x7F0];
	v6 =	vor.u32 $0xF, v6;
	v30 =	vsub.f32 v30, v40;
	v24 =	vsub.f32 v24, v37  }
0x4c4: {  	v7 =	vmul.f32 v7, v7;
	v10 =	vmul.f32 v10, v10;
	v32 =	vsub.f32 $1.500000000e+00, v32  }
0x4c5: {  	[tilespmem:$0x1F1C0] =	vst v8;
	v8 =	vld [tilespmem:s19+$0xFFFFF7F0];
	v5 =	vmul.f32 v5, v5;
	v9 =	vsub.f32 v23, v38;
	v1 =	vsub.f32 v1, v37  }
0x4c6: {  	v24 =	vmul.f32 v24, v24;
	v7 =	vadd.f32 v10, v7;
	v10 =	vmul.f32 v25, v32;
	v25 =	vld [tilespmem:$0x1F3E0]  }
0x4c7: {  	[tilespmem:$0x1F1F0] =	vst v6;
	v21 =	vld [tilespmem:s19+$0xFFFFFFF0];
	v6 =	vmul.f32 v9, v9;
	v1 =	vmul.f32 v1, v1  }
0x4c8: {  	v60 =	vmovc v31;
	v31 =	vld [tilespmem:s19+$0x7D0];
	v5 =	vadd.f32 v5, v24;
	v24 =	vmul.f32 v30, v30;
	v30 =	vsub.f32 v53, v40  }
0x4c9: {  	v1 =	vadd.f32 v6, v1;
	v6 =	vld [tilespmem:s19+$0x800]  }
0x4ca: {  	v5 =	vadd.f32 v24, v5;
	v24 =	vmul.f32 v30, v30;
	v30 =	vld.idx.msk [tilespmem:v50+s9+$0x0], $0xffff  }
0x4cb: {  	v50 =	vld [tilespmem:$0x1F420]  }
0x4cc: {  	v13 =	vmov v34;
	v34 =	vld [tilespmem:s19+$0x7E0];
	v9 =	vsub.f32 v21, v38;
	v3 =	vsub.f32 v8, v37  }
0x4cd: {  	v23 =	vld [tilespmem:s19+$0xFFFFF810]  }
0x4ce: {  	v9 =	vmul.f32 v9, v9;
	v3 =	vmul.f32 v3, v3;
	v6 =	vsub.f32 v6, v40;
	v25 =	vld.idx.msk [tilespmem:v25+s9+$0x0], $0xffff  }
0x4cf: {  	v21 =	vld [tilespmem:s19+$0xFFFFF820]  }
0x4d0: {  	v8 =	vld [tilespmem:s19+$0x10];
	v3 =	vadd.f32 v9, v3;
	v6 =	vmul.f32 v6, v6  }
0x4d1: {  	v22 =	vld [tilespmem:s19+$0x20]  }
0x4d2: {  	v3 =	vadd.f32 v24, v3;
	v24 =	vadd.f32 v6, v7;
	v6 =	vld [tilespmem:$0x1F4A0]  }
0x4d3: {  	[tilespmem:v50+s11+$0x0] =	vst.idx.msk $0xffff, v25;
	v25 =	vld [tilespmem:$0x1F490]  }
0x4d4: {  	v47 =	vld [tilespmem:s19+$0x810]  }
0x4d5: {  	v9 =	vld [tilespmem:s19+$0x820];
	_ =	sdelay $0x1  }
0x4d6: {  	v31 =	vsub.f32 v31, v40;
	v23 =	vsub.f32 v23, v37;
	v53 =	vld [tilespmem:$0x1F3F0]  }
0x4d7: {  	v8 =	vsub.f32 v8, v38;
	v22 =	vsub.f32 v22, v38;
	v38 =	vld [tilespmem:$0x1F400]  }
0x4d8: {  	v31 =	vmul.f32 v31, v31;
	v21 =	vsub.f32 v21, v37;
	v37 =	vsub.f32 v47, v40;
	v47 =	vld [tilespmem:$0x1F430]  }
0x4d9: {  	v34 =	vsub.f32 v34, v40;
	v9 =	vsub.f32 v9, v40;
	v40 =	vld.idx.msk [tilespmem:v6+s9+$0x0], $0xffff  }
0x4da: {  	v4 =	vadd.f32 v31, v4;
	v31 =	vld.idx.msk [tilespmem:v25+s9+$0x0], $0xffff  }
0x4db: {  	v25 =	vld [tilespmem:$0x1F440]  }
0x4dc: {  	v6 =	vld [tilespmem:$0x1F4B0];
	_ =	sdelay $0x1  }
0x4dd: {  	v32 =	vld.idx.msk [tilespmem:v53+s9+$0x0], $0xffff;
	_ =	sdelay $0x3  }
0x4de: {  	v12 =	vmov v35;
	v35 =	vld.idx.msk [tilespmem:v38+s9+$0x0], $0xffff  }
0x4df: {  	v38 =	vld.idx.msk [tilespmem:v47+s9+$0x0], $0xffff;
	[tilespmem:v25+s11+$0x0] =	vst.idx.msk $0xffff, v32  }
0x4e0: {  	v23 =	vmul.f32 v23, v23;
	v8 =	vmul.f32 v8, v8;
	v47 =	vld.idx.msk [tilespmem:v6+s9+$0x0], $0xffff  }
0x4e1: {  	v6 =	vld [tilespmem:$0x1F450]  }
0x4e2: {  	v8 =	vadd.f32 v8, v23;
	v7 =	vld [tilespmem:$0x1F4C0];
	v23 =	vmul.f32 v10, v28  }
0x4e3: {  	v21 =	vmul.f32 v21, v21  }
0x4e4: {  	v22 =	vmul.f32 v22, v22;
	v23 =	vmul.f32 v23, v10;
	_ =	sdelay $0x1  }
0x4e5: {  	v21 =	vadd.f32 v22, v21;
	v22 =	vld [tilespmem:$0x1F410];
	v23 =	vsub.f32 $1.500000000e+00, v23;
	_ =	sdelay $0x1  }
0x4e6: {  	v53 =	vmul.f32 v23, v10  }
0x4e7: {  	[tilespmem:v6+s11+$0x0] =	vst.idx.msk $0xffff, v35  }
0x4e8: {  	v6 =	vadd.f32 $9.999999930e-09, v4;
	v4 =	vmul.f32 v53, v28;
	v28 =	vld.idx.msk [tilespmem:v7+s9+$0x0], $0xffff  }
0x4e9: {  	v7 =	vld [tilespmem:$0x1F460];
	_ =	sdelay $0x2  }
0x4ea: {  	v22 =	vld.idx.msk [tilespmem:v22+s9+$0x0], $0xffff  }
0x4eb: {  	v34 =	vmul.f32 v34, v34;
	_ =	sdelay $0x1  }
0x4ec: {  	v1 =	vadd.f32 v34, v1;
	_ =	sdelay $0x1  }
0x4ed: {  	[tilespmem:v7+s11+$0x0] =	vst.idx.msk $0xffff, v22;
	v7 =	vadd.f32 $9.999999930e-09, v1;
	v1 =	vld [tilespmem:$0x1F4D0];
	_ =	sdelay $0x5  }
0x4ee: {  	v37 =	vmul.f32 v37, v37  }
0x4ef: {  	v23 =	vld [tilespmem:$0x1F4E0]  }
0x4f0: {  	v10 =	vadd.f32 v37, v8;
	v8 =	vadd.f32 $9.999999930e-09, v3;
	v3 =	vld.idx.msk [tilespmem:v1+s9+$0x0], $0xffff  }
0x4f1: {  	v1 =	vld [tilespmem:$0x1F480];
	_ =	sdelay $0x6  }
0x4f2: {  	[tilespmem:v23+s11+$0x0] =	vst.idx.msk $0xffff, v31  }
0x4f3: {  	[tilespmem:v1+s11+$0x0] =	vst.idx.msk $0xffff, v38;
	v38 =	vld.idx.msk [tilespmem:v48+s9+$0x0], $0xffff  }
0x4f4: {  	v1 =	vmul.f32 v4, v53;
	v48 =	vld [tilespmem:$0x1F540];
	_ =	sdelay $0x1  }
0x4f5: {  	[tilespmem:v43+s11+$0x0] =	vst.idx.msk $0xffff, v30;
	v30 =	vsub.f32 $1.500000000e+00, v1  }
0x4f6: {  	v9 =	vmul.f32 v9, v9;
	v1 =	vld [tilespmem:$0x1F500]  }
0x4f7: {  	v4 =	vld [tilespmem:$0x1F4F0];
	v50 =	vmul.f32 v30, v53  }
0x4f8: {  	v21 =	vadd.f32 v9, v21  }
0x4f9: {  	v0 =	vmul.f32 v50, v0;
	v50 =	vld [tilespmem:$0x1F590]  }
0x4fa: {  	v22 =	vadd.f32 $9.999999930e-09, v21;
	v21 =	vld.idx.msk [tilespmem:v56+s9+$0x0], $0xffff  }
0x4fb: {  	[tilespmem:v48+s11+$0x0] =	vst.idx.msk $0xffff, v3;
	v48 =	vld [tilespmem:$0x1F5A0]  }
0x4fc: {  	v53 =	vld [tilespmem:$0x1F560]  }
0x4fd: {  	v30 =	vld [tilespmem:$0x1F530]  }
0x4fe: {  	[tilespmem:v1+s11+$0x0] =	vst.idx.msk $0xffff, v40;
	v1 =	vld [tilespmem:$0x1F510]  }
0x4ff: {  	v4 =	vld.idx.msk [tilespmem:v4+s9+$0x0], $0xffff  }
0x500: {  	v43 =	vld.idx.msk [tilespmem:v44+s9+$0x0], $0xffff  }
0x501: {  	v44 =	vld.idx.msk [tilespmem:v50+s9+$0x0], $0xffff  }
0x502: {  	v0 =	vmul.f32 $5.249999760e-01, v0;
	v50 =	vld [tilespmem:$0x1F5B0]  }
0x503: {  	[tilespmem:v48+s11+$0x0] =	vst.idx.msk $0xffff, v38;
	v48 =	vld [tilespmem:$0x1F5E0]  }
0x504: {  	[tilespmem:v53+s11+$0x0] =	vst.idx.msk $0xffff, v4;
	v53 =	vtrunc.f32 v0;
	v38 =	vld.idx.msk [tilespmem:v46+s9+$0x0], $0xffff  }
0x505: {  	vm0 =	vgt.f32 v0, v53;
	v46 =	vcvt.f32.s32 v53;
	v53 =	vld [tilespmem:$0x1F610]  }
0x506: {  	v0 =	vld [tilespmem:$0x1F5F0];
	[tilespmem:v1+s11+$0x0] =	vst.idx.msk $0xffff, v47  }
0x507: {  	[tilespmem:v19+s11+$0x0] =	vst.idx.msk $0xffff, v21;
	v40 =	vld.idx.msk [tilespmem:v57+s9+$0x0], $0xffff  }
0x508: {  	v19 =	vld [tilespmem:$0x1F5D0];
	[tilespmem:v30+s11+$0x0] =	vst.idx.msk $0xffff, v28  }
0x509: {  	v57 =	vmov v52;
	v52 =	vmov v45;
	v45 =	vld.idx.msk [tilespmem:v33+s9+$0x0], $0xffff;
	_ =	sdelay $0x1  }
0x50a: {  	[tilespmem:v50+s11+$0x0] =	vst.idx.msk $0xffff, v43  }
0x50b: {  	[tilespmem:v48+s11+$0x0] =	vst.idx.msk $0xffff, v40;
	v48 =	vmov v55;
	v55 =	vimm.s32 $0x0  }
0x50c: {  	v50 =	vsel vm0, $0x1, v55;
	[tilespmem:v53+s11+$0x0] =	vst.idx.msk $0xffff, v44;
	v53 =	vld [tilespmem:$0x1F650]  }
0x50d: {  	[tilespmem:v0+s11+$0x0] =	vst.idx.msk $0xffff, v45;
	v45 =	vadd.s32 v46, v50;
	v50 =	vld [tilespmem:$0x1F620];
	_ =	sdelay $0x2  }
0x50e: {  	v19 =	vld.idx.msk [tilespmem:v19+s9+$0x0], $0xffff;
	_ =	sdelay $0x3  }
0x50f: {  	v20 =	vld.idx.msk [tilespmem:v20+s9+$0x0], $0xffff;
	vm14 =	vlt.s32 v45, $0x15  }
0x510: {  	[tilespmem:v50+s11+$0x0] =	vst.idx.msk $0xffff, v19;
	v19 =	vnsel vm14, $0x15, v45;
	v45 =	vld.idx.msk [tilespmem:v53+s9+$0x0], $0xffff  }
0x511: {  	v53 =	vld [tilespmem:$0x1F670];
	_ =	sdelay $0x4  }
0x512: {  	[tilespmem:v39+s11+$0x0] =	vst.idx.msk $0xffff, v20;
	v20 =	vld [tilespmem:$0x1F690];
	_ =	sdelay $0x1  }
0x513: {  	v5 =	vadd.f32 $9.999999930e-09, v5;
	v9 =	vadd.f32 $9.999999930e-09, v24;
	v34 =	vshra.s32 v7, $0x1;
	v50 =	vld [tilespmem:$0x1F660]  }
0x514: {  	v24 =	vmul.f32 $5.000000000e-01, v7;
	v3 =	vshra.s32 v22, $0x1;
	v33 =	vmul.f32 $5.000000000e-01, v22;
	[tilespmem:v53+s11+$0x0] =	vst.idx.msk $0xffff, v38;
	v53 =	vld [tilespmem:$0x1F6B0]  }
0x515: {  	v25 =	vmul.f32 $5.000000000e-01, v5;
	v34 =	vsub.s32 $0x5F3759DF, v34;
	v3 =	vsub.s32 $0x5F3759DF, v3  }
0x516: {  	v37 =	vshra.s32 v9, $0x1;
	v47 =	vmul.f32 v3, v33;
	v40 =	vmul.f32 v34, v24  }
0x517: {  	v32 =	vmul.f32 $5.000000000e-01, v9;
	v35 =	vshra.s32 v5, $0x1;
	v56 =	vmovc v42;
	v42 =	vshra.s32 v8, $0x1;
	v27 =	vld.idx.msk [tilespmem:v27+s9+$0x0], $0xffff  }
0x518: {  	v4 =	vsub.s32 $0x5F3759DF, v35;
	v47 =	vmul.f32 v3, v47;
	v40 =	vmul.f32 v34, v40  }
0x519: {  	s16 =	sadd.s32 $0x80, s16;
	v35 =	vsub.s32 $0x5F3759DF, v37;
	v37 =	vmul.f32 v4, v25;
	v1 =	vmul.f32 $5.000000000e-01, v8;
	v39 =	vld.idx.msk [tilespmem:v20+s9+$0x0], $0xffff  }
0x51a: {  	s22 =	sadd.s32 $0x70, s16;
	v21 =	vsub.s32 $0x5F3759DF, v42;
	v20 =	vsub.f32 $1.500000000e+00, v40;
	v40 =	vsub.f32 $1.500000000e+00, v47;
	v47 =	vld [tilespmem:$0x1F6D0]  }
0x51b: {  	v37 =	vmul.f32 v4, v37;
	v0 =	vmul.f32 v21, v1;
	v46 =	vld.idx.msk [tilespmem:v50+s9+$0x0], $0xffff;
	v50 =	vmov s22  }
0x51c: {  	v43 =	vmul.f32 v35, v32;
	[tilespmem:v53+s11+$0x0] =	vst.idx.msk $0xffff, v27;
	v27 =	vmul.f32 v34, v20;
	v20 =	vshll.u32 v50, $0x4;
	v50 =	vld [tilespmem:$0x1F700]  }
0x51d: {  	v10 =	vadd.f32 $9.999999930e-09, v10;
	v0 =	vmul.f32 v21, v0  }
0x51e: {  	v37 =	vsub.f32 $1.500000000e+00, v37;
	v43 =	vmul.f32 v35, v43  }
0x51f: {  	v29 =	vld.idx.msk [tilespmem:v29+s9+$0x0], $0xffff;
	v28 =	vshra.s32 v10, $0x1;
	v30 =	vmul.f32 $5.000000000e-01, v10;
	v0 =	vsub.f32 $1.500000000e+00, v0  }
0x520: {  	v28 =	vsub.s32 $0x5F3759DF, v28;
	v4 =	vmul.f32 v4, v37;
	v37 =	vsub.f32 $1.500000000e+00, v43  }
0x521: {  	v44 =	vmul.f32 v28, v30;
	v0 =	vmul.f32 v21, v0;
	[tilespmem:v48+s11+$0x0] =	vst.idx.msk $0xffff, v45;
	v48 =	vld [tilespmem:$0x1F6F0]  }
0x522: {  	[tilespmem:v51+s11+$0x0] =	vst.idx.msk $0xffff, v39;
	v51 =	vld [tilespmem:$0x1F730];
	v34 =	vmul.f32 v35, v37;
	v37 =	vmul.f32 v4, v25  }
0x523: {  	v44 =	vmul.f32 v28, v44;
	[tilespmem:v49+s11+$0x0] =	vst.idx.msk $0xffff, v46;
	v35 =	vld.idx.msk [tilespmem:v47+s9+$0x0], $0xffff  }
0x524: {  	[tilespmem:v2+s11+$0x0] =	vst.idx.msk $0xffff, v29;
	v45 =	vmul.f32 v0, v1;
	v29 =	vmul.f32 v37, v4;
	v47 =	vld.idx.msk [tilespmem:v50+s9+$0x0], $0xffff  }
0x525: {  	v31 =	vshra.s32 v6, $0x1;
	v23 =	vmul.f32 $5.000000000e-01, v6;
	v38 =	vsub.f32 $1.500000000e+00, v44;
	v44 =	vld [tilespmem:$0x1F680]  }
0x526: {  	v31 =	vsub.s32 $0x5F3759DF, v31;
	v45 =	vmul.f32 v45, v0;
	v26 =	vld.idx.msk [tilespmem:v26+s9+$0x0], $0xffff;
	v29 =	vsub.f32 $1.500000000e+00, v29  }
0x527: {  	v42 =	vmul.f32 v31, v23;
	v41 =	vld.idx.msk [tilespmem:v41+s9+$0x0], $0xffff  }
0x528: {  	v4 =	vmul.f32 v29, v4;
	v29 =	vsub.f32 $1.500000000e+00, v45;
	v45 =	vld [tilespmem:$0x1F7A0]  }
0x529: {  	v42 =	vmul.f32 v31, v42;
	[tilespmem:v14+s11+$0x0] =	vst.idx.msk $0xffff, v47;
	v14 =	vld [tilespmem:$0x1F7B0]  }
0x52a: {  	v43 =	vld.idx.msk [tilespmem:v48+s9+$0x0], $0xffff  }
0x52b: {  	v42 =	vsub.f32 $1.500000000e+00, v42;
	[tilespmem:v51+s11+$0x0] =	vst.idx.msk $0xffff, v26;
	v51 =	vld [tilespmem:$0x1F740];
	_ =	sdelay $0x1  }
0x52c: {  	v31 =	vmul.f32 v31, v42;
	v2 =	vld [tilespmem:$0x1F710];
	[tilespmem:v44+s11+$0x0] =	vst.idx.msk $0xffff, v41  }
0x52d: {  	v36 =	vld.idx.msk [tilespmem:v36+s9+$0x0], $0xffff  }
0x52e: {  	v3 =	vmul.f32 v3, v40;
	v40 =	vmul.f32 v31, v23;
	v53 =	vld [tilespmem:$0x1FFF0];
	[tilespmem:v52+s11+$0x0] =	vst.idx.msk $0xffff, v35  }
0x52f: {  	v42 =	vmul.f32 v27, v24;
	[tilespmem:v56+s11+$0x0] =	vst.idx.msk $0xffff, v43;
	v25 =	vmul.f32 v4, v25;
	v43 =	vld.idx.msk [tilespmem:v45+s9+$0x0], $0xffff  }
0x530: {  	v49 =	vmul.f32 v3, v33;
	v37 =	vmul.f32 v40, v31;
	v45 =	vld.idx.msk [tilespmem:v14+s9+$0x0], $0xffff  }
0x531: {  	v19 =	vshll.u32 v19, $0x4;
	v42 =	vmul.f32 v42, v27;
	v25 =	vmul.f32 v25, v4;
	v14 =	vld [tilespmem:$0x1F7E0]  }
0x532: {  	[tilespmem:v51+s11+$0x0] =	vst.idx.msk $0xffff, v36;
	v36 =	vmul.f32 v49, v3;
	v35 =	vsub.f32 $1.500000000e+00, v37  }
0x533: {  	v37 =	vsub.f32 $1.500000000e+00, v42;
	v25 =	vsub.f32 $1.500000000e+00, v25  }
0x534: {  	v28 =	vmul.f32 v28, v38;
	v36 =	vsub.f32 $1.500000000e+00, v36  }
0x535: {  	v2 =	vld.idx.msk [tilespmem:v2+s9+$0x0], $0xffff;
	v27 =	vmul.f32 v37, v27;
	v4 =	vmul.f32 v25, v4  }
0x536: {  	v21 =	vld.idx.msk [tilespmem:v19+s9+$0x0], $0xffff;
	v20 =	vor.u32 v53, v20;
	v0 =	vmul.f32 v29, v0;
	v3 =	vmul.f32 v36, v3  }
0x537: {  	v24 =	vmul.f32 v27, v24;
	v4 =	vmul.f32 v4, v5;
	v5 =	vld [tilespmem:$0x1F0C0]  }
0x538: {  	v38 =	vor.u32 $0x1, v19;
	v48 =	vmul.f32 v28, v30;
	v1 =	vmul.f32 v0, v1  }
0x539: {  	v33 =	vmul.f32 v3, v33;
	v24 =	vmul.f32 v24, v27;
	v29 =	vld.idx.msk [tilespmem:v14+s9+$0x0], $0xffff  }
0x53a: {  	[tilespmem:v15+s11+$0x0] =	vst.idx.msk $0xffff, v2;
	v46 =	vmul.f32 v34, v32;
	v51 =	vld [tilespmem:$0x1F780];
	v1 =	vmul.f32 v1, v0  }
0x53b: {  	[tilespmem:v20+s11+$0x0] =	vst.idx.msk $0xffff, v21;
	v21 =	vld [tilespmem:$0x1F770];
	v33 =	vmul.f32 v33, v3;
	v24 =	vsub.f32 $1.500000000e+00, v24  }
0x53c: {  	v26 =	vmul.f32 v46, v34;
	v46 =	vmul.f32 v48, v28;
	v36 =	vld.idx.msk [tilespmem:v12+s9+$0x0], $0xffff;
	v1 =	vsub.f32 $1.500000000e+00, v1  }
0x53d: {  	v38 =	vld.idx.msk [tilespmem:v38+s9+$0x0], $0xffff;
	v24 =	vmul.f32 v24, v27;
	v27 =	vsub.f32 $1.500000000e+00, v33  }
0x53e: {  	v56 =	vsub.f32 $1.500000000e+00, v46;
	v1 =	vmul.f32 v1, v0;
	v0 =	vld [tilespmem:$0x1F0B0];
	[tilespmem:v62+s11+$0x0] =	vst.idx.msk $0xffff, v29  }
0x53f: {  	v48 =	vor.u32 $0x1, v20;
	v3 =	vmul.f32 v27, v3;
	v27 =	vld.idx.msk [tilespmem:v5+s9+$0x0], $0xffff  }
0x540: {  	v49 =	vor.u32 $0x2, v19;
	v28 =	vmul.f32 v56, v28;
	v5 =	vld [tilespmem:$0x1F0D0];
	_ =	sdelay $0x1  }
0x541: {  	v30 =	vmul.f32 v28, v30;
	v51 =	vld.idx.msk [tilespmem:v51+s9+$0x0], $0xffff;
	_ =	sdelay $0x1  }
0x542: {  	v30 =	vmul.f32 v30, v28;
	[tilespmem:v48+s11+$0x0] =	vst.idx.msk $0xffff, v38  }
0x543: {  	[tilespmem:v58+s11+$0x0] =	vst.idx.msk $0xffff, v36;
	v48 =	vld.idx.msk [tilespmem:v49+s9+$0x0], $0xffff  }
0x544: {  	v21 =	vld.idx.msk [tilespmem:v21+s9+$0x0], $0xffff;
	[tilespmem:v59+s11+$0x0] =	vst.idx.msk $0xffff, v45;
	v29 =	vsub.f32 $1.500000000e+00, v30  }
0x545: {  	v2 =	vmov s16;
	v49 =	vor.u32 $0x2, v20;
	[tilespmem:v63+s11+$0x0] =	vst.idx.msk $0xffff, v51;
	v51 =	vld.idx.msk [tilespmem:v0+s9+$0x0], $0xffff  }
0x546: {  	v0 =	vshll.u32 v2, $0x4;
	v2 =	vmul.f32 v29, v28;
	v28 =	vld.idx.msk [tilespmem:v5+s9+$0x0], $0xffff  }
0x547: {  	v5 =	vld [tilespmem:$0x1F0E0];
	_ =	sdelay $0x1  }
0x548: {  	v52 =	vld [tilespmem:$0x1F790];
	[tilespmem:v57+s11+$0x0] =	vst.idx.msk $0xffff, v21  }
0x549: {  	[tilespmem:v49+s11+$0x0] =	vst.idx.msk $0xffff, v48;
	v48 =	vld.idx.msk [tilespmem:v13+s9+$0x0], $0xffff;
	_ =	sdelay $0x4  }
0x54a: {  	[tilespmem:v5+s11+$0x0] =	vst.idx.msk $0xffff, v48;
	v5 =	vld [tilespmem:$0x1F0F0];
	_ =	sdelay $0x2  }
0x54b: {  	v52 =	vld.idx.msk [tilespmem:v52+s9+$0x0], $0xffff;
	_ =	sdelay $0x4  }
0x54c: {  	[tilespmem:v18+s11+$0x0] =	vst.idx.msk $0xffff, v52;
	v18 =	vld.idx.msk [tilespmem:v5+s9+$0x0], $0xffff  }
0x54d: {  	v5 =	vld [tilespmem:$0x1F100]  }
0x54e: {  	s25 =	sadd.s32 $0x50, s16  }
0x54f: {  	v50 =	vmov s25  }
0x550: {  	[tilespmem:v60+s11+$0x0] =	vst.idx.msk $0xffff, v43;
	v60 =	vshll.u32 v50, $0x4;
	v50 =	vld.idx.msk [tilespmem:v61+s9+$0x0], $0xffff;
	_ =	sdelay $0x4  }
0x551: {  	[tilespmem:v5+s11+$0x0] =	vst.idx.msk $0xffff, v50;
	v5 =	vld [tilespmem:$0x1F110];
	_ =	sdelay $0x1  }
0x552: {  	v12 =	vld [tilespmem:$0x1F0A0]  }
0x553: {  	v31 =	vmul.f32 v35, v31;
	v30 =	vld.idx.msk [tilespmem:v54+s9+$0x0], $0xffff;
	_ =	sdelay $0x1  }
0x554: {  	v23 =	vmul.f32 v31, v23;
	_ =	sdelay $0x1  }
0x555: {  	v23 =	vmul.f32 v23, v31  }
0x556: {  	[tilespmem:v5+s11+$0x0] =	vst.idx.msk $0xffff, v30;
	v5 =	vld [tilespmem:$0x1F120]  }
0x557: {  	v23 =	vsub.f32 $1.500000000e+00, v23;
	_ =	sdelay $0x1  }
0x558: {  	v23 =	vmul.f32 v23, v31;
	v31 =	vld.idx.msk [tilespmem:v12+s9+$0x0], $0xffff;
	_ =	sdelay $0x4  }
0x559: {  	[tilespmem:v5+s11+$0x0] =	vst.idx.msk $0xffff, v31;
	v5 =	vld [tilespmem:$0x1F130];
	_ =	sdelay $0x7  }
0x55a: {  	v15 =	vld.idx.msk [tilespmem:v5+s9+$0x0], $0xffff  }
0x55b: {  	v5 =	vld [tilespmem:$0x1F140];
	_ =	sdelay $0x7  }
0x55c: {  	[tilespmem:v5+s11+$0x0] =	vst.idx.msk $0xffff, v51;
	v5 =	vld [tilespmem:$0x1F150];
	_ =	sdelay $0x7  }
0x55d: {  	v14 =	vld.idx.msk [tilespmem:v5+s9+$0x0], $0xffff  }
0x55e: {  	v5 =	vld [tilespmem:$0x1F160];
	_ =	sdelay $0x7  }
0x55f: {  	[tilespmem:v5+s11+$0x0] =	vst.idx.msk $0xffff, v27;
	v5 =	vld [tilespmem:$0x1F170];
	_ =	sdelay $0x7  }
0x560: {  	v13 =	vld.idx.msk [tilespmem:v5+s9+$0x0], $0xffff  }
0x561: {  	v5 =	vld [tilespmem:$0x1F180];
	_ =	sdelay $0x3  }
0x562: {  	v56 =	vor.u32 $0x3, v19;
	_ =	sdelay $0x1  }
0x563: {  	v26 =	vsub.f32 $1.500000000e+00, v26;
	_ =	sdelay $0x1  }
0x564: {  	v26 =	vmul.f32 v26, v34;
	[tilespmem:v5+s11+$0x0] =	vst.idx.msk $0xffff, v28;
	v5 =	vld [tilespmem:$0x1F190]  }
0x565: {  	v63 =	vor.u32 $0x3, v20;
	v34 =	vld.idx.msk [tilespmem:v56+s9+$0x0], $0xffff  }
0x566: {  	v32 =	vmul.f32 v26, v32;
	v49 =	vor.u32 $0x4, v19  }
0x567: {  	v11 =	vor.u32 $0xF, v11  }
0x568: {  	v32 =	vmul.f32 v32, v26;
	_ =	sdelay $0x1  }
0x569: {  	v25 =	vsub.f32 $1.500000000e+00, v32;
	[tilespmem:v63+s11+$0x0] =	vst.idx.msk $0xffff, v34  }
0x56a: {  	v16 =	vor.u32 $0xF, v16;
	v6 =	vmul.f32 v23, v6;
	v23 =	vld.idx.msk [tilespmem:v49+s9+$0x0], $0xffff  }
0x56b: {  	v25 =	vmul.f32 v25, v26;
	[tilespmem:v11+s11+$0x0] =	vst.idx.msk $0xffff, v18;
	v11 =	vld.idx.msk [tilespmem:v5+s9+$0x0], $0xffff  }
0x56c: {  	v7 =	vmul.f32 v24, v7;
	v24 =	vor.u32 $0x4, v20;
	v5 =	vld [tilespmem:$0x1F1B0]  }
0x56d: {  	v9 =	vmul.f32 v25, v9;
	v25 =	vor.u32 $0x5, v19  }
0x56e: {  	s21 =	sadd.s32 $0x20, s16;
	v1 =	vmul.f32 v1, v8  }
0x56f: {  	v17 =	vor.u32 $0xF, v17;
	s31 =	sadd.s32 $0x60, s16;
	v44 =	vmov s21;
	v3 =	vmul.f32 v3, v22;
	v16 =	vld.idx.msk [tilespmem:v16+s9+$0x0], $0xffff  }
0x570: {  	v42 =	vmov s31;
	v4 =	vmul.f32 $5.249999760e-01, v4;
	v1 =	vmul.f32 $5.249999760e-01, v1  }
0x571: {  	v26 =	vshll.u32 v42, $0x4;
	v22 =	vmul.f32 $5.249999760e-01, v7;
	v3 =	vmul.f32 $5.249999760e-01, v3;
	[tilespmem:v24+s11+$0x0] =	vst.idx.msk $0xffff, v23  }
0x572: {  	v21 =	vshll.u32 v44, $0x4;
	v25 =	vld.idx.msk [tilespmem:v25+s9+$0x0], $0xffff;
	v30 =	vtrunc.f32 v1;
	v31 =	vor.u32 $0x5, v20  }
0x573: {  	v57 =	vor.u32 $0x6, v19;
	v8 =	vor.u32 v53, v21;
	vm3 =	vgt.f32 v1, v30;
	v1 =	vld [tilespmem:$0x1F1A0]  }
0x574: {  	v21 =	vmul.f32 $5.249999760e-01, v6;
	v6 =	vor.u32 v53, v26;
	v26 =	vtrunc.f32 v22;
	[tilespmem:v5+s11+$0x0] =	vst.idx.msk $0xffff, v16;
	v5 =	vld [tilespmem:$0x1F1C0]  }
0x575: {  	vm2 =	vgt.f32 v22, v26;
	v23 =	vtrunc.f32 v4;
	v2 =	vmul.f32 v2, v10  }
0x576: {  	v24 =	vtrunc.f32 v21;
	vm15 =	vgt.f32 v4, v23;
	v4 =	vtrunc.f32 v3;
	v17 =	vld.idx.msk [tilespmem:v17+s9+$0x0], $0xffff  }
0x577: {  	v22 =	vor.u32 $0x6, v20;
	v29 =	vmul.f32 $5.249999760e-01, v9;
	v2 =	vmul.f32 $5.249999760e-01, v2;
	[tilespmem:v31+s11+$0x0] =	vst.idx.msk $0xffff, v25  }
0x578: {  	vm1 =	vgt.f32 v21, v24;
	v21 =	vcvt.f32.s32 v26;
	vm6 =	vgt.f32 v3, v4;
	v3 =	vld.idx.msk [tilespmem:v57+s9+$0x0], $0xffff  }
0x579: {  	v52 =	vtrunc.f32 v29;
	v56 =	vtrunc.f32 v2;
	v25 =	vor.u32 $0x7, v19  }
0x57a: {  	vm4 =	vgt.f32 v29, v52;
	vm5 =	vgt.f32 v2, v56;
	v2 =	vcvt.f32.s32 v4  }
0x57b: {  	v4 =	vsel vm15, $0x1, v55;
	v26 =	vsel vm5, $0x1, v55;
	v12 =	vcvt.f32.s32 v30;
	[tilespmem:v1+s11+$0x0] =	vst.idx.msk $0xffff, v17  }
0x57c: {  	v18 =	vsel vm1, $0x1, v55;
	v1 =	vcvt.f32.s32 v52;
	v17 =	vcvt.f32.s32 v56;
	[tilespmem:v5+s11+$0x0] =	vst.idx.msk $0xffff, v15;
	v5 =	vld [tilespmem:$0x1F1D0]  }
0x57d: {  	[tilespmem:v22+s11+$0x0] =	vst.idx.msk $0xffff, v3;
	v27 =	vcvt.f32.s32 v23;
	v23 =	vcvt.f32.s32 v24;
	v16 =	vsel vm2, $0x1, v55  }
0x57e: {  	v3 =	vld.idx.msk [tilespmem:v25+s9+$0x0], $0xffff;
	v24 =	vsel vm3, $0x1, v55;
	v16 =	vadd.s32 v21, v16;
	v21 =	vor.u32 $0x7, v20  }
0x57f: {  	v22 =	vor.u32 $0x8, v19;
	v12 =	vadd.s32 v12, v24;
	v28 =	vsel vm6, $0x1, v55  }
0x580: {  	v4 =	vadd.s32 v27, v4;
	vm12 =	vlt.s32 v12, $0x15;
	v2 =	vadd.s32 v2, v28  }
0x581: {  	vm9 =	vlt.s32 v4, $0x15;
	v12 =	vnsel vm12, $0x15, v12;
	vm15 =	vlt.s32 v2, $0x15  }
0x582: {  	v4 =	vnsel vm9, $0x15, v4;
	v2 =	vnsel vm15, $0x15, v2;
	v15 =	vsel vm4, $0x1, v55  }
0x583: {  	[tilespmem:v21+s11+$0x0] =	vst.idx.msk $0xffff, v3;
	v21 =	vor.u32 $0x8, v20;
	v1 =	vadd.s32 v1, v15;
	v15 =	vadd.s32 v17, v26  }
0x584: {  	vm14 =	vlt.s32 v15, $0x15;
	[tilespmem:v5+s11+$0x0] =	vst.idx.msk $0xffff, v14;
	v14 =	vadd.s32 v23, v18;
	v5 =	vld [tilespmem:$0x1F1E0];
	v18 =	vshll.u32 v4, $0x4  }
0x585: {  	v4 =	vnsel vm14, $0x15, v15;
	v15 =	vshll.u32 v12, $0x4;
	v12 =	vshll.u32 v2, $0x4;
	v2 =	vld.idx.msk [tilespmem:v22+s9+$0x0], $0xffff  }
0x586: {  	v25 =	vor.u32 $0x9, v19;
	_ =	sdelay $0x2  }
0x587: {  	s23 =	sadd.s32 $0x30, s16  }
0x588: {  	v39 =	vmov s23;
	v58 =	vld.idx.msk [tilespmem:v15+s9+$0x0], $0xffff;
	[tilespmem:v21+s11+$0x0] =	vst.idx.msk $0xffff, v2  }
0x589: {  	v39 =	vshll.u32 v39, $0x4;
	v44 =	vor.u32 $0x9, v20;
	vm11 =	vlt.s32 v16, $0x15;
	v25 =	vld.idx.msk [tilespmem:v25+s9+$0x0], $0xffff  }
0x58a: {  	v62 =	vor.u32 $0xA, v19;
	v10 =	vor.u32 v53, v39;
	[tilespmem:v5+s11+$0x0] =	vst.idx.msk $0xffff, v13;
	v5 =	vld [tilespmem:$0x1F1F0];
	v13 =	vnsel vm11, $0x15, v16  }
0x58b: {  	s24 =	sadd.s32 $0x40, s16;
	v16 =	vshll.u32 v13, $0x4;
	v13 =	vshll.u32 v4, $0x4;
	v4 =	vor.u32 $0x1, v15  }
0x58c: {  	v40 =	vmov s24  }
0x58d: {  	v40 =	vshll.u32 v40, $0x4  }
0x58e: {  	v9 =	vor.u32 v53, v40;
	[tilespmem:v44+s11+$0x0] =	vst.idx.msk $0xffff, v25  }
0x58f: {  	v52 =	vor.u32 $0xA, v20;
	[tilespmem:v10+s11+$0x0] =	vst.idx.msk $0xffff, v58;
	v25 =	vor.u32 $0x4, v9;
	v45 =	vld.idx.msk [tilespmem:v62+s9+$0x0], $0xffff  }
0x590: {  	[tilespmem:$0x1F280] =	vst v25;
	v56 =	vld.idx.msk [tilespmem:v4+s9+$0x0], $0xffff;
	v4 =	vor.u32 $0x3, v6  }
0x591: {  	v30 =	vld.idx.msk [tilespmem:v16+s9+$0x0], $0xffff;
	[tilespmem:$0x1F270] =	vst v4  }
0x592: {  	v7 =	vor.u32 v53, v60;
	v43 =	vld.idx.msk [tilespmem:v13+s9+$0x0], $0xffff;
	[tilespmem:v5+s11+$0x0] =	vst.idx.msk $0xffff, v11;
	v5 =	vor.u32 $0x2, v9  }
0x593: {  	v31 =	vor.u32 $0x1, v10;
	vm10 =	vlt.s32 v14, $0x15;
	v3 =	vor.u32 $0x1, v16;
	[tilespmem:$0x1F200] =	vst v5  }
0x594: {  	v11 =	vnsel vm10, $0x15, v14;
	v5 =	vor.u32 $0x2, v6;
	[tilespmem:v52+s11+$0x0] =	vst.idx.msk $0xffff, v45  }
0x595: {  	s20 =	sadd.s32 $0x10, s16;
	v22 =	vld.idx.msk [tilespmem:v18+s9+$0x0], $0xffff;
	v17 =	vshll.u32 v11, $0x4;
	v11 =	vor.u32 v53, v0;
	[tilespmem:$0x1F210] =	vst v5  }
0x596: {  	v41 =	vmov s20;
	[tilespmem:v8+s11+$0x0] =	vst.idx.msk $0xffff, v30  }
0x597: {  	v37 =	vshll.u32 v41, $0x4;
	vm13 =	vlt.s32 v1, $0x15;
	v41 =	vor.u32 $0x2, v15;
	[tilespmem:v7+s11+$0x0] =	vst.idx.msk $0xffff, v43  }
0x598: {  	v1 =	vnsel vm13, $0x15, v1;
	v0 =	vor.u32 $0x1, v18;
	[tilespmem:v31+s11+$0x0] =	vst.idx.msk $0xffff, v56;
	v36 =	vld.idx.msk [tilespmem:v3+s9+$0x0], $0xffff;
	v3 =	vor.u32 $0x3, v13  }
0x599: {  	v54 =	vor.u32 v53, v37;
	v14 =	vshll.u32 v1, $0x4;
	[tilespmem:$0x1F220] =	vst v3  }
0x59a: {  	v28 =	vor.u32 $0x1, v8;
	v3 =	vor.u32 $0x3, v54;
	[tilespmem:v11+s11+$0x0] =	vst.idx.msk $0xffff, v22  }
0x59b: {  	v26 =	vld.idx.msk [tilespmem:v17+s9+$0x0], $0xffff;
	[tilespmem:$0x1F230] =	vst v3;
	v3 =	vor.u32 $0x3, v8  }
0x59c: {  	v60 =	vor.u32 $0x2, v10;
	v1 =	vor.u32 $0x1, v17;
	v55 =	vld.idx.msk [tilespmem:v41+s9+$0x0], $0xffff;
	[tilespmem:$0x1F250] =	vst v3;
	v3 =	vor.u32 $0x3, v12  }
0x59d: {  	v24 =	vor.u32 $0x1, v13;
	v33 =	vor.u32 $0x1, v11;
	v0 =	vld.idx.msk [tilespmem:v0+s9+$0x0], $0xffff;
	[tilespmem:$0x1F240] =	vst v3;
	v3 =	vor.u32 $0x3, v9  }
0x59e: {  	v39 =	vor.u32 $0x2, v16;
	v59 =	vld.idx.msk [tilespmem:v14+s9+$0x0], $0xffff;
	[tilespmem:$0x1F260] =	vst v3  }
0x59f: {  	v23 =	vor.u32 $0x1, v14;
	[tilespmem:v28+s11+$0x0] =	vst.idx.msk $0xffff, v36  }
0x5a0: {  	v35 =	vor.u32 $0x2, v18;
	[tilespmem:v54+s11+$0x0] =	vst.idx.msk $0xffff, v26;
	v26 =	vld.idx.msk [tilespmem:v12+s9+$0x0], $0xffff  }
0x5a1: {  	v27 =	vor.u32 $0x1, v54;
	v29 =	vor.u32 $0x1, v12;
	[tilespmem:v60+s11+$0x0] =	vst.idx.msk $0xffff, v55;
	v63 =	vld.idx.msk [tilespmem:v1+s9+$0x0], $0xffff  }
0x5a2: {  	v46 =	vor.u32 $0x1, v7;
	v53 =	vor.u32 $0xB, v19;
	[tilespmem:v33+s11+$0x0] =	vst.idx.msk $0xffff, v0;
	v0 =	vld.idx.msk [tilespmem:v24+s9+$0x0], $0xffff  }
0x5a3: {  	v50 =	vor.u32 $0x2, v8;
	v38 =	vor.u32 $0x2, v17;
	v28 =	vor.u32 $0x4, v6;
	[tilespmem:v9+s11+$0x0] =	vst.idx.msk $0xffff, v59;
	v62 =	vld.idx.msk [tilespmem:v39+s9+$0x0], $0xffff  }
0x5a4: {  	v32 =	vor.u32 $0x1, v9;
	[tilespmem:$0x1F290] =	vst v28;
	v5 =	vld.idx.msk [tilespmem:v23+s9+$0x0], $0xffff  }
0x5a5: {  	v51 =	vor.u32 $0x2, v11;
	v59 =	vld.idx.msk [tilespmem:v35+s9+$0x0], $0xffff;
	[tilespmem:v6+s11+$0x0] =	vst.idx.msk $0xffff, v26  }
0x5a6: {  	v37 =	vor.u32 $0x1, v6;
	[tilespmem:v27+s11+$0x0] =	vst.idx.msk $0xffff, v63;
	v63 =	vld.idx.msk [tilespmem:v29+s9+$0x0], $0xffff  }
0x5a7: {  	v58 =	vld.idx.msk [tilespmem:v53+s9+$0x0], $0xffff;
	[tilespmem:v46+s11+$0x0] =	vst.idx.msk $0xffff, v0;
	v0 =	vor.u32 $0xB, v20  }
0x5a8: {  	v42 =	vor.u32 $0x2, v13;
	v22 =	vor.u32 $0x2, v54;
	[tilespmem:v50+s11+$0x0] =	vst.idx.msk $0xffff, v62;
	v38 =	vld.idx.msk [tilespmem:v38+s9+$0x0], $0xffff  }
0x5a9: {  	v34 =	vor.u32 $0x3, v18;
	[tilespmem:v32+s11+$0x0] =	vst.idx.msk $0xffff, v5  }
0x5aa: {  	v49 =	vor.u32 $0x2, v12;
	[tilespmem:v51+s11+$0x0] =	vst.idx.msk $0xffff, v59  }
0x5ab: {  	[tilespmem:v37+s11+$0x0] =	vst.idx.msk $0xffff, v63  }
0x5ac: {  	v55 =	vld [tilespmem:$0x1F210];
	[tilespmem:v0+s11+$0x0] =	vst.idx.msk $0xffff, v58  }
0x5ad: {  	v47 =	vor.u32 $0x2, v7;
	v2 =	vor.u32 $0x2, v14;
	v59 =	vld.idx.msk [tilespmem:v42+s9+$0x0], $0xffff;
	v0 =	vor.u32 $0x6, v54;
	[tilespmem:v22+s11+$0x0] =	vst.idx.msk $0xffff, v38  }
0x5ae: {  	v3 =	vor.u32 $0x3, v11;
	v53 =	vld.idx.msk [tilespmem:v34+s9+$0x0], $0xffff;
	v63 =	vor.u32 $0xC, v19;
	[tilespmem:$0x1F2E0] =	vst v0;
	v0 =	vor.u32 $0x6, v12  }
0x5af: {  	v52 =	vld.idx.msk [tilespmem:v49+s9+$0x0], $0xffff;
	[tilespmem:$0x1F2D0] =	vst v0;
	v0 =	vor.u32 $0x6, v8  }
0x5b0: {  	v4 =	vor.u32 $0x4, v18;
	[tilespmem:$0x1F2F0] =	vst v0;
	v0 =	vor.u32 $0x6, v10  }
0x5b1: {  	[tilespmem:$0x1F300] =	vst v0;
	v0 =	vld [tilespmem:$0x1F200]  }
0x5b2: {  	v1 =	vor.u32 $0x3, v17;
	v61 =	vld.idx.msk [tilespmem:v2+s9+$0x0], $0xffff;
	[tilespmem:v47+s11+$0x0] =	vst.idx.msk $0xffff, v59  }
0x5b3: {  	[tilespmem:v3+s11+$0x0] =	vst.idx.msk $0xffff, v53;
	v60 =	vld.idx.msk [tilespmem:v63+s9+$0x0], $0xffff;
	v63 =	vor.u32 $0xC, v20  }
0x5b4: {  	v30 =	vor.u32 $0x3, v15;
	[tilespmem:v55+s11+$0x0] =	vst.idx.msk $0xffff, v52;
	v52 =	vld [tilespmem:$0x1F230];
	v55 =	vor.u32 $0x7, v14  }
0x5b5: {  	v25 =	vor.u32 $0x4, v11;
	[tilespmem:$0x1F320] =	vst v55;
	v55 =	vld.idx.msk [tilespmem:v4+s9+$0x0], $0xffff;
	v4 =	vor.u32 $0x7, v54  }
0x5b6: {  	[tilespmem:$0x1F370] =	vst v4;
	v4 =	vor.u32 $0x7, v8  }
0x5b7: {  	v21 =	vor.u32 $0x3, v16;
	v50 =	vld.idx.msk [tilespmem:v1+s9+$0x0], $0xffff;
	[tilespmem:$0x1F380] =	vst v4  }
0x5b8: {  	v4 =	vld [tilespmem:$0x1F250];
	[tilespmem:v63+s11+$0x0] =	vst.idx.msk $0xffff, v60  }
0x5b9: {  	v23 =	vor.u32 $0x4, v17;
	[tilespmem:v0+s11+$0x0] =	vst.idx.msk $0xffff, v61;
	v0 =	vld.idx.msk [tilespmem:v30+s9+$0x0], $0xffff  }
0x5ba: {  	v44 =	vor.u32 $0x3, v10;
	v30 =	vor.u32 $0x6, v9;
	v61 =	vld [tilespmem:$0x1F220];
	[tilespmem:v25+s11+$0x0] =	vst.idx.msk $0xffff, v55  }
0x5bb: {  	[tilespmem:$0x1F310] =	vst v30;
	v30 =	vor.u32 $0x6, v7  }
0x5bc: {  	v21 =	vld.idx.msk [tilespmem:v21+s9+$0x0], $0xffff;
	[tilespmem:$0x1F330] =	vst v30;
	v30 =	vor.u32 $0xD, v19  }
0x5bd: {  	v25 =	vor.u32 $0x8, v10;
	[tilespmem:v52+s11+$0x0] =	vst.idx.msk $0xffff, v50  }
0x5be: {  	v40 =	vor.u32 $0x3, v14;
	v29 =	vor.u32 $0x4, v54;
	[tilespmem:$0x1F440] =	vst v25;
	v23 =	vld.idx.msk [tilespmem:v23+s9+$0x0], $0xffff  }
0x5bf: {  	[tilespmem:v44+s11+$0x0] =	vst.idx.msk $0xffff, v0;
	v44 =	vor.u32 $0x8, v16  }
0x5c0: {  	[tilespmem:$0x1F3E0] =	vst v44;
	v44 =	vld [tilespmem:$0x1F260]  }
0x5c1: {  	v25 =	vor.u32 $0x8, v9;
	[tilespmem:v4+s11+$0x0] =	vst.idx.msk $0xffff, v21;
	v0 =	vor.u32 $0xD, v20;
	v21 =	vld.idx.msk [tilespmem:v30+s9+$0x0], $0xffff  }
0x5c2: {  	v43 =	vor.u32 $0x3, v7;
	[tilespmem:$0x1F450] =	vst v25;
	v53 =	vld.idx.msk [tilespmem:v61+s9+$0x0], $0xffff  }
0x5c3: {  	v47 =	vld.idx.msk [tilespmem:v40+s9+$0x0], $0xffff;
	[tilespmem:v29+s11+$0x0] =	vst.idx.msk $0xffff, v23;
	v23 =	vor.u32 $0x9, v14  }
0x5c4: {  	[tilespmem:$0x1F4C0] =	vst v23;
	v23 =	vor.u32 $0x9, v13  }
0x5c5: {  	v35 =	vor.u32 $0x4, v13;
	[tilespmem:$0x1F4D0] =	vst v23  }
0x5c6: {  	[tilespmem:v0+s11+$0x0] =	vst.idx.msk $0xffff, v21  }
0x5c7: {  	[tilespmem:v43+s11+$0x0] =	vst.idx.msk $0xffff, v53  }
0x5c8: {  	v0 =	vor.u32 $0x9, v17;
	[tilespmem:v44+s11+$0x0] =	vst.idx.msk $0xffff, v47;
	v44 =	vor.u32 $0xE, v19  }
0x5c9: {  	v50 =	vld [tilespmem:$0x1F240];
	[tilespmem:$0x1F490] =	vst v0;
	v0 =	vor.u32 $0x9, v16  }
0x5ca: {  	v39 =	vor.u32 $0x4, v7;
	v47 =	vor.u32 $0x8, v15;
	v25 =	vld.idx.msk [tilespmem:v35+s9+$0x0], $0xffff;
	[tilespmem:$0x1F4A0] =	vst v0  }
0x5cb: {  	v0 =	vor.u32 $0x9, v15;
	[tilespmem:$0x1F3F0] =	vst v47  }
0x5cc: {  	v47 =	vor.u32 $0x8, v14;
	[tilespmem:$0x1F4B0] =	vst v0  }
0x5cd: {  	v23 =	vor.u32 $0xE, v20;
	[tilespmem:$0x1F400] =	vst v47;
	v47 =	vor.u32 $0x8, v8;
	v0 =	vld.idx.msk [tilespmem:v44+s9+$0x0], $0xffff  }
0x5ce: {  	[tilespmem:$0x1F420] =	vst v47;
	v47 =	vld [tilespmem:$0x1F270]  }
0x5cf: {  	[tilespmem:v39+s11+$0x0] =	vst.idx.msk $0xffff, v25;
	v25 =	vor.u32 $0x9, v7  }
0x5d0: {  	v19 =	vor.u32 $0xF, v19;
	[tilespmem:$0x1F540] =	vst v25;
	v25 =	vor.u32 $0x9, v6  }
0x5d1: {  	v50 =	vld.idx.msk [tilespmem:v50+s9+$0x0], $0xffff;
	[tilespmem:$0x1F560] =	vst v25  }
0x5d2: {  	v36 =	vor.u32 $0x4, v12;
	[tilespmem:v23+s11+$0x0] =	vst.idx.msk $0xffff, v0;
	v0 =	vor.u32 $0xA, v54  }
0x5d3: {  	v57 =	vor.u32 $0x5, v18;
	[tilespmem:$0x1F5A0] =	vst v0;
	v0 =	vor.u32 $0xA, v8  }
0x5d4: {  	v25 =	vld [tilespmem:$0x1F290];
	[tilespmem:$0x1F5B0] =	vst v0;
	v0 =	vor.u32 $0xA, v12  }
0x5d5: {  	v23 =	vor.u32 $0xF, v20;
	[tilespmem:$0x1F5D0] =	vst v0;
	v0 =	vld.idx.msk [tilespmem:v19+s9+$0x0], $0xffff  }
0x5d6: {  	v2 =	vor.u32 $0x5, v10;
	[tilespmem:v47+s11+$0x0] =	vst.idx.msk $0xffff, v50  }
0x5d7: {  	v24 =	vor.u32 $0x4, v16;
	[tilespmem:$0x1F2A0] =	vst v2;
	v2 =	vor.u32 $0x5, v7;
	v35 =	vld.idx.msk [tilespmem:v36+s9+$0x0], $0xffff  }
0x5d8: {  	v46 =	vor.u32 $0x5, v12;
	v51 =	vor.u32 $0x5, v11;
	[tilespmem:$0x1F2B0] =	vst v2;
	v2 =	vor.u32 $0x5, v6;
	v21 =	vld.idx.msk [tilespmem:v57+s9+$0x0], $0xffff  }
0x5d9: {  	[tilespmem:$0x1F2C0] =	vst v2  }
0x5da: {  	[tilespmem:v23+s11+$0x0] =	vst.idx.msk $0xffff, v0;
	v0 =	vld [tilespmem:$0x1F2C0];
	_ =	sdelay $0x1  }
0x5db: {  	v33 =	vor.u32 $0x4, v8;
	v24 =	vld.idx.msk [tilespmem:v24+s9+$0x0], $0xffff;
	[tilespmem:v25+s11+$0x0] =	vst.idx.msk $0xffff, v35  }
0x5dc: {  	v28 =	vor.u32 $0x5, v17;
	[tilespmem:v51+s11+$0x0] =	vst.idx.msk $0xffff, v21;
	v21 =	vld.idx.msk [tilespmem:v46+s9+$0x0], $0xffff;
	_ =	sdelay $0x2  }
0x5dd: {  	v26 =	vor.u32 $0x4, v15  }
0x5de: {  	[tilespmem:v33+s11+$0x0] =	vst.idx.msk $0xffff, v24  }
0x5df: {  	v24 =	vld.idx.msk [tilespmem:v28+s9+$0x0], $0xffff;
	[tilespmem:v0+s11+$0x0] =	vst.idx.msk $0xffff, v21;
	v0 =	vor.u32 $0xC, v15  }
0x5e0: {  	v28 =	vor.u32 $0x9, v54;
	[tilespmem:$0x1F6D0] =	vst v0;
	v0 =	vld [tilespmem:$0x1F2D0]  }
0x5e1: {  	v27 =	vor.u32 $0x4, v14;
	[tilespmem:$0x1F4E0] =	vst v28;
	v28 =	vor.u32 $0x9, v8  }
0x5e2: {  	v26 =	vld.idx.msk [tilespmem:v26+s9+$0x0], $0xffff;
	[tilespmem:$0x1F500] =	vst v28;
	v28 =	vor.u32 $0x9, v10  }
0x5e3: {  	v48 =	vor.u32 $0x4, v10;
	[tilespmem:$0x1F510] =	vst v28;
	v28 =	vld [tilespmem:$0x1F280];
	_ =	sdelay $0x1  }
0x5e4: {  	v31 =	vor.u32 $0x5, v16;
	v37 =	vor.u32 $0x5, v54  }
0x5e5: {  	v27 =	vld.idx.msk [tilespmem:v27+s9+$0x0], $0xffff  }
0x5e6: {  	v42 =	vor.u32 $0x6, v17  }
0x5e7: {  	[tilespmem:v48+s11+$0x0] =	vst.idx.msk $0xffff, v26;
	v26 =	vor.u32 $0x9, v12;
	v21 =	vld.idx.msk [tilespmem:v0+s9+$0x0], $0xffff  }
0x5e8: {  	[tilespmem:$0x1F4F0] =	vst v26;
	v0 =	vld [tilespmem:$0x1F2E0]  }
0x5e9: {  	v41 =	vor.u32 $0x5, v8;
	v26 =	vld.idx.msk [tilespmem:v31+s9+$0x0], $0xffff;
	[tilespmem:v37+s11+$0x0] =	vst.idx.msk $0xffff, v24  }
0x5ea: {  	[tilespmem:v28+s11+$0x0] =	vst.idx.msk $0xffff, v27;
	v28 =	vor.u32 $0xA, v13  }
0x5eb: {  	[tilespmem:$0x1F590] =	vst v28;
	v28 =	vld.idx.msk [tilespmem:v42+s9+$0x0], $0xffff;
	_ =	sdelay $0x2  }
0x5ec: {  	v56 =	vor.u32 $0x5, v15;
	[tilespmem:v41+s11+$0x0] =	vst.idx.msk $0xffff, v26;
	v27 =	vor.u32 $0x9, v9  }
0x5ed: {  	[tilespmem:$0x1F530] =	vst v27  }
0x5ee: {  	v5 =	vor.u32 $0x5, v14;
	[tilespmem:v0+s11+$0x0] =	vst.idx.msk $0xffff, v28;
	v0 =	vor.u32 $0xC, v14  }
0x5ef: {  	v26 =	vld [tilespmem:$0x1F2A0];
	[tilespmem:$0x1F6F0] =	vst v0;
	v0 =	vor.u32 $0xC, v13  }
0x5f0: {  	v38 =	vor.u32 $0x6, v16;
	[tilespmem:$0x1F700] =	vst v0;
	v0 =	vor.u32 $0xC, v12  }
0x5f1: {  	v27 =	vld.idx.msk [tilespmem:v56+s9+$0x0], $0xffff;
	[tilespmem:$0x1F710] =	vst v0;
	v0 =	vor.u32 $0xC, v54  }
0x5f2: {  	[tilespmem:$0x1F730] =	vst v0;
	v0 =	vld [tilespmem:$0x1F2F0]  }
0x5f3: {  	v22 =	vor.u32 $0x5, v9;
	v5 =	vld.idx.msk [tilespmem:v5+s9+$0x0], $0xffff;
	_ =	sdelay $0x1  }
0x5f4: {  	v31 =	vld.idx.msk [tilespmem:v38+s9+$0x0], $0xffff;
	_ =	sdelay $0x1  }
0x5f5: {  	[tilespmem:v26+s11+$0x0] =	vst.idx.msk $0xffff, v27  }
0x5f6: {  	[tilespmem:v22+s11+$0x0] =	vst.idx.msk $0xffff, v5;
	v5 =	vor.u32 $0xB, v14  }
0x5f7: {  	v32 =	vor.u32 $0x6, v15;
	[tilespmem:$0x1F650] =	vst v5  }
0x5f8: {  	[tilespmem:v0+s11+$0x0] =	vst.idx.msk $0xffff, v31;
	v0 =	vor.u32 $0xC, v8  }
0x5f9: {  	v5 =	vor.u32 $0xB, v13;
	[tilespmem:$0x1F740] =	vst v0;
	v0 =	vld [tilespmem:$0x1F300]  }
0x5fa: {  	[tilespmem:$0x1F660] =	vst v5;
	v5 =	vor.u32 $0xB, v54  }
0x5fb: {  	[tilespmem:$0x1F670] =	vst v5;
	v5 =	vor.u32 $0xB, v8  }
0x5fc: {  	[tilespmem:$0x1F680] =	vst v5;
	v5 =	vld.idx.msk [tilespmem:v32+s9+$0x0], $0xffff;
	_ =	sdelay $0x1  }
0x5fd: {  	v3 =	vor.u32 $0x7, v15;
	_ =	sdelay $0x2  }
0x5fe: {  	[tilespmem:v0+s11+$0x0] =	vst.idx.msk $0xffff, v5;
	v0 =	vor.u32 $0xD, v18  }
0x5ff: {  	v1 =	vor.u32 $0x6, v14;
	[tilespmem:$0x1F770] =	vst v0;
	v0 =	vor.u32 $0xD, v17  }
0x600: {  	[tilespmem:$0x1F780] =	vst v0;
	v0 =	vld.idx.msk [tilespmem:v3+s9+$0x0], $0xffff  }
0x601: {  	v3 =	vld [tilespmem:$0x1F310];
	_ =	sdelay $0x2  }
0x602: {  	v1 =	vld.idx.msk [tilespmem:v1+s9+$0x0], $0xffff;
	_ =	sdelay $0x4  }
0x603: {  	v49 =	vor.u32 $0x6, v18;
	[tilespmem:v3+s11+$0x0] =	vst.idx.msk $0xffff, v1;
	v1 =	vor.u32 $0xD, v16  }
0x604: {  	[tilespmem:$0x1F790] =	vst v1;
	v1 =	vor.u32 $0xD, v15  }
0x605: {  	v45 =	vor.u32 $0x5, v13;
	[tilespmem:$0x1F7A0] =	vst v1;
	v1 =	vld [tilespmem:$0x1F320];
	_ =	sdelay $0x1  }
0x606: {  	v22 =	vld [tilespmem:$0x1F2B0]  }
0x607: {  	v58 =	vor.u32 $0x6, v11;
	v24 =	vld.idx.msk [tilespmem:v49+s9+$0x0], $0xffff;
	_ =	sdelay $0x1  }
0x608: {  	v25 =	vld.idx.msk [tilespmem:v45+s9+$0x0], $0xffff;
	_ =	sdelay $0x1  }
0x609: {  	v2 =	vor.u32 $0x6, v13  }
0x60a: {  	[tilespmem:v58+s11+$0x0] =	vst.idx.msk $0xffff, v24;
	v24 =	vld.idx.msk [tilespmem:v1+s9+$0x0], $0xffff;
	v1 =	vor.u32 $0xD, v14  }
0x60b: {  	[tilespmem:$0x1F7B0] =	vst v1;
	v1 =	vld [tilespmem:$0x1F330]  }
0x60c: {  	[tilespmem:v22+s11+$0x0] =	vst.idx.msk $0xffff, v25;
	v22 =	vor.u32 $0xB, v12  }
0x60d: {  	[tilespmem:$0x1F690] =	vst v22;
	v22 =	vor.u32 $0xB, v10  }
0x60e: {  	[tilespmem:$0x1F6B0] =	vst v22;
	v22 =	vld.idx.msk [tilespmem:v2+s9+$0x0], $0xffff;
	_ =	sdelay $0x2  }
0x60f: {  	v61 =	vor.u32 $0x7, v13  }
0x610: {  	[tilespmem:$0x1F340] =	vst v61  }
0x611: {  	[tilespmem:v1+s11+$0x0] =	vst.idx.msk $0xffff, v22;
	v1 =	vld [tilespmem:$0x1F340];
	_ =	sdelay $0x6  }
0x612: {  	v59 =	vor.u32 $0x6, v6  }
0x613: {  	[tilespmem:$0x1F350] =	vst v59;
	v3 =	vld.idx.msk [tilespmem:v1+s9+$0x0], $0xffff;
	v1 =	vor.u32 $0xD, v13  }
0x614: {  	[tilespmem:$0x1F7E0] =	vst v1;
	v1 =	vld [tilespmem:$0x1F350];
	_ =	sdelay $0x5  }
0x615: {  	v34 =	vor.u32 $0x7, v18;
	v52 =	vor.u32 $0x7, v12  }
0x616: {  	[tilespmem:$0x1F360] =	vst v52  }
0x617: {  	[tilespmem:v1+s11+$0x0] =	vst.idx.msk $0xffff, v21;
	v1 =	vld [tilespmem:$0x1F360];
	_ =	sdelay $0x2  }
0x618: {  	v52 =	vor.u32 $0x7, v11;
	v23 =	vld.idx.msk [tilespmem:v34+s9+$0x0], $0xffff;
	_ =	sdelay $0x3  }
0x619: {  	v62 =	vor.u32 $0x7, v17  }
0x61a: {  	[tilespmem:v52+s11+$0x0] =	vst.idx.msk $0xffff, v23;
	v23 =	vld.idx.msk [tilespmem:v1+s9+$0x0], $0xffff  }
0x61b: {  	v1 =	vld [tilespmem:$0x1F370]  }
0x61c: {  	v59 =	vor.u32 $0x7, v16  }
0x61d: {  	v60 =	vor.u32 $0x7, v9;
	v63 =	vor.u32 $0x7, v7;
	v55 =	vor.u32 $0x8, v6  }
0x61e: {  	v40 =	vor.u32 $0x7, v6;
	[tilespmem:$0x1F480] =	vst v55;
	v55 =	vor.u32 $0xB, v9;
	v4 =	vor.u32 $0x8, v17;
	v25 =	vld.idx.msk [tilespmem:v62+s9+$0x0], $0xffff  }
0x61f: {  	v30 =	vor.u32 $0x8, v18;
	v29 =	vor.u32 $0xC, v18;
	v61 =	vor.u32 $0x7, v10  }
0x620: {  	v48 =	vor.u32 $0xA, v17;
	v33 =	vor.u32 $0xA, v14;
	v53 =	vor.u32 $0x8, v13  }
0x621: {  	v57 =	vor.u32 $0xA, v15;
	v43 =	vor.u32 $0x9, v11;
	[tilespmem:$0x1F410] =	vst v53;
	v53 =	vor.u32 $0x8, v54  }
0x622: {  	v37 =	vor.u32 $0xC, v6;
	v41 =	vor.u32 $0xB, v16;
	v51 =	vor.u32 $0xB, v6  }
0x623: {  	v49 =	vor.u32 $0xB, v7;
	v38 =	vor.u32 $0xC, v7;
	v20 =	vor.u32 $0xA, v7;
	[tilespmem:v1+s11+$0x0] =	vst.idx.msk $0xffff, v25  }
0x624: {  	v44 =	vor.u32 $0xA, v16;
	v39 =	vor.u32 $0xB, v11;
	v47 =	vor.u32 $0x8, v12;
	[tilespmem:$0x1F610] =	vst v20;
	v1 =	vld.idx.msk [tilespmem:v4+s9+$0x0], $0xffff  }
0x625: {  	v56 =	vor.u32 $0xA, v18;
	v42 =	vor.u32 $0xC, v9;
	v50 =	vor.u32 $0x8, v7;
	[tilespmem:$0x1F430] =	vst v47;
	v4 =	vld [tilespmem:$0x1F380]  }
0x626: {  	v58 =	vor.u32 $0xD, v6;
	v20 =	vor.u32 $0xA, v6;
	[tilespmem:$0x1F460] =	vst v50;
	v47 =	vor.u32 $0x8, v11  }
0x627: {  	s18 =	sadd.s32 $0x8, s18;
	v50 =	vor.u32 $0x9, v18;
	[tilespmem:$0x1F620] =	vst v20;
	v20 =	vor.u32 $0xB, v18;
	v19 =	vor.u32 $0xA, v10  }
0x628: {  	p0 =	slt.u32 s18, $0x78;
	v36 =	vor.u32 $0xC, v16;
	[tilespmem:$0x1F5E0] =	vst v19;
	v19 =	vor.u32 $0xA, v9;
	v27 =	vor.u32 $0xB, v15;
	v28 =	vld.idx.msk [tilespmem:v59+s9+$0x0], $0xffff  }
.Ltmp1:
0x629: {  	v26 =	vor.u32 $0xC, v17;
	[tilespmem:$0x1F5F0] =	vst v19;
	v19 =	vor.u32 $0xA, v11;
	v45 =	vor.u32 $0xC, v10;
	(pc) =	sbr.rel @p0 .LBB2_5-.Ltmp1, $4  }
0x62a: {  	v35 =	vor.u32 $0xD, v12;
	v46 =	vor.u32 $0xB, v17;
	v32 =	vor.u32 $0xD, v54  }
0x62b: {  	v34 =	vor.u32 $0xE, v18;
	v52 =	vor.u32 $0xD, v11;
	v2 =	vor.u32 $0xC, v11  }
0x62c: {  	v62 =	vor.u32 $0xD, v7;
	v31 =	vor.u32 $0xD, v10;
	v59 =	vor.u32 $0xD, v9  }
0x62d: {  	s19 =	sadd.s32 $0x80, s19;
	v22 =	vld.idx.msk [tilespmem:v30+s9+$0x0], $0xffff;
	v30 =	vor.u32 $0xE, v17;
	v21 =	vor.u32 $0xD, v8;
	v25 =	vor.u32 $0xE, v16;
	[tilespmem:v4+s11+$0x0] =	vst.idx.msk $0xffff, v28  }
0x62e: {  	_ =	sdelay $0x3  }
0x62f: {  	[tilespmem:v61+s11+$0x0] =	vst.idx.msk $0xffff, v0  }
0x630: {  	[tilespmem:v60+s11+$0x0] =	vst.idx.msk $0xffff, v24  }
0x631: {  	v0 =	vld [tilespmem:$0x1F3E0]  }
0x632: {  	[tilespmem:v63+s11+$0x0] =	vst.idx.msk $0xffff, v3  }
0x633: {  	v3 =	vld [tilespmem:$0x1F3F0];
	[tilespmem:v40+s11+$0x0] =	vst.idx.msk $0xffff, v23  }
0x634: {  	v4 =	vld [tilespmem:$0x1F400];
	[tilespmem:v47+s11+$0x0] =	vst.idx.msk $0xffff, v22  }
0x635: {  	v5 =	vld [tilespmem:$0x1F410];
	[tilespmem:v53+s11+$0x0] =	vst.idx.msk $0xffff, v1  }
0x636: {  	v22 =	vld [tilespmem:$0x1F420];
	_ =	sdelay $0x2  }
0x637: {  	v0 =	vld.idx.msk [tilespmem:v0+s9+$0x0], $0xffff;
	_ =	sdelay $0x4  }
0x638: {  	v1 =	vld [tilespmem:$0x1F430];
	[tilespmem:v22+s11+$0x0] =	vst.idx.msk $0xffff, v0  }
0x639: {  	v22 =	vld [tilespmem:$0x1F440];
	_ =	sdelay $0x2  }
0x63a: {  	v3 =	vld.idx.msk [tilespmem:v3+s9+$0x0], $0xffff;
	_ =	sdelay $0x4  }
0x63b: {  	[tilespmem:v22+s11+$0x0] =	vst.idx.msk $0xffff, v3  }
0x63c: {  	v22 =	vld [tilespmem:$0x1F450];
	_ =	sdelay $0x2  }
0x63d: {  	v4 =	vld.idx.msk [tilespmem:v4+s9+$0x0], $0xffff;
	_ =	sdelay $0x4  }
0x63e: {  	v3 =	vld [tilespmem:$0x1F490];
	[tilespmem:v22+s11+$0x0] =	vst.idx.msk $0xffff, v4  }
0x63f: {  	v22 =	vld [tilespmem:$0x1F460];
	_ =	sdelay $0x2  }
0x640: {  	v5 =	vld.idx.msk [tilespmem:v5+s9+$0x0], $0xffff;
	_ =	sdelay $0x4  }
0x641: {  	v4 =	vld [tilespmem:$0x1F4A0];
	[tilespmem:v22+s11+$0x0] =	vst.idx.msk $0xffff, v5  }
0x642: {  	v22 =	vld [tilespmem:$0x1F480];
	_ =	sdelay $0x2  }
0x643: {  	v1 =	vld.idx.msk [tilespmem:v1+s9+$0x0], $0xffff  }
0x644: {  	v47 =	vld.idx.msk [tilespmem:v50+s9+$0x0], $0xffff;
	_ =	sdelay $0x3  }
0x645: {  	v5 =	vld [tilespmem:$0x1F4B0];
	[tilespmem:v22+s11+$0x0] =	vst.idx.msk $0xffff, v1  }
0x646: {  	v1 =	vld [tilespmem:$0x1F4C0];
	[tilespmem:v43+s11+$0x0] =	vst.idx.msk $0xffff, v47  }
0x647: {  	v22 =	vld [tilespmem:$0x1F4E0];
	_ =	sdelay $0x2  }
0x648: {  	v3 =	vld.idx.msk [tilespmem:v3+s9+$0x0], $0xffff;
	_ =	sdelay $0x4  }
0x649: {  	v0 =	vld [tilespmem:$0x1F4D0];
	[tilespmem:v22+s11+$0x0] =	vst.idx.msk $0xffff, v3  }
0x64a: {  	v22 =	vld [tilespmem:$0x1F500];
	_ =	sdelay $0x2  }
0x64b: {  	v4 =	vld.idx.msk [tilespmem:v4+s9+$0x0], $0xffff;
	_ =	sdelay $0x4  }
0x64c: {  	v3 =	vld [tilespmem:$0x1F4F0];
	[tilespmem:v22+s11+$0x0] =	vst.idx.msk $0xffff, v4  }
0x64d: {  	v22 =	vld [tilespmem:$0x1F510];
	_ =	sdelay $0x2  }
0x64e: {  	v5 =	vld.idx.msk [tilespmem:v5+s9+$0x0], $0xffff;
	_ =	sdelay $0x4  }
0x64f: {  	[tilespmem:v22+s11+$0x0] =	vst.idx.msk $0xffff, v5  }
0x650: {  	v22 =	vld [tilespmem:$0x1F530];
	_ =	sdelay $0x2  }
0x651: {  	v1 =	vld.idx.msk [tilespmem:v1+s9+$0x0], $0xffff;
	_ =	sdelay $0x4  }
0x652: {  	[tilespmem:v22+s11+$0x0] =	vst.idx.msk $0xffff, v1  }
0x653: {  	v22 =	vld [tilespmem:$0x1F540];
	_ =	sdelay $0x2  }
0x654: {  	v0 =	vld.idx.msk [tilespmem:v0+s9+$0x0], $0xffff;
	_ =	sdelay $0x4  }
0x655: {  	[tilespmem:v22+s11+$0x0] =	vst.idx.msk $0xffff, v0  }
0x656: {  	v22 =	vld [tilespmem:$0x1F560];
	_ =	sdelay $0x1  }
0x657: {  	v50 =	vld.idx.msk [tilespmem:v56+s9+$0x0], $0xffff  }
0x658: {  	v3 =	vld.idx.msk [tilespmem:v3+s9+$0x0], $0xffff;
	_ =	sdelay $0x3  }
0x659: {  	[tilespmem:v19+s11+$0x0] =	vst.idx.msk $0xffff, v50  }
0x65a: {  	[tilespmem:v22+s11+$0x0] =	vst.idx.msk $0xffff, v3  }
0x65b: {  	v19 =	vld [tilespmem:$0x1F5A0];
	_ =	sdelay $0x2  }
0x65c: {  	v53 =	vld.idx.msk [tilespmem:v48+s9+$0x0], $0xffff;
	_ =	sdelay $0x4  }
0x65d: {  	v4 =	vld [tilespmem:$0x1F590];
	[tilespmem:v19+s11+$0x0] =	vst.idx.msk $0xffff, v53  }
0x65e: {  	v19 =	vld [tilespmem:$0x1F5B0];
	_ =	sdelay $0x2  }
0x65f: {  	v56 =	vld.idx.msk [tilespmem:v44+s9+$0x0], $0xffff;
	_ =	sdelay $0x4  }
0x660: {  	v5 =	vld [tilespmem:$0x1F5D0];
	[tilespmem:v19+s11+$0x0] =	vst.idx.msk $0xffff, v56  }
0x661: {  	v19 =	vld [tilespmem:$0x1F5E0];
	_ =	sdelay $0x2  }
0x662: {  	v57 =	vld.idx.msk [tilespmem:v57+s9+$0x0], $0xffff;
	_ =	sdelay $0x4  }
0x663: {  	[tilespmem:v19+s11+$0x0] =	vst.idx.msk $0xffff, v57  }
0x664: {  	v19 =	vld [tilespmem:$0x1F5F0];
	_ =	sdelay $0x2  }
0x665: {  	v60 =	vld.idx.msk [tilespmem:v33+s9+$0x0], $0xffff;
	_ =	sdelay $0x4  }
0x666: {  	[tilespmem:v19+s11+$0x0] =	vst.idx.msk $0xffff, v60  }
0x667: {  	v19 =	vld [tilespmem:$0x1F610];
	_ =	sdelay $0x2  }
0x668: {  	v4 =	vld.idx.msk [tilespmem:v4+s9+$0x0], $0xffff;
	_ =	sdelay $0x4  }
0x669: {  	[tilespmem:v19+s11+$0x0] =	vst.idx.msk $0xffff, v4  }
0x66a: {  	v19 =	vld [tilespmem:$0x1F620];
	_ =	sdelay $0x2  }
0x66b: {  	v5 =	vld.idx.msk [tilespmem:v5+s9+$0x0], $0xffff  }
0x66c: {  	v61 =	vld.idx.msk [tilespmem:v20+s9+$0x0], $0xffff;
	_ =	sdelay $0x3  }
0x66d: {  	[tilespmem:v19+s11+$0x0] =	vst.idx.msk $0xffff, v5  }
0x66e: {  	v5 =	vld [tilespmem:$0x1F650];
	[tilespmem:v39+s11+$0x0] =	vst.idx.msk $0xffff, v61  }
0x66f: {  	v19 =	vld [tilespmem:$0x1F670];
	_ =	sdelay $0x2  }
0x670: {  	v63 =	vld.idx.msk [tilespmem:v46+s9+$0x0], $0xffff;
	_ =	sdelay $0x4  }
0x671: {  	v1 =	vld [tilespmem:$0x1F660];
	[tilespmem:v19+s11+$0x0] =	vst.idx.msk $0xffff, v63  }
0x672: {  	v19 =	vld [tilespmem:$0x1F680];
	_ =	sdelay $0x2  }
0x673: {  	v22 =	vld.idx.msk [tilespmem:v41+s9+$0x0], $0xffff;
	_ =	sdelay $0x1  }
0x674: {  	v0 =	vld [tilespmem:$0x1F690];
	_ =	sdelay $0x2  }
0x675: {  	[tilespmem:v19+s11+$0x0] =	vst.idx.msk $0xffff, v22  }
0x676: {  	v19 =	vld [tilespmem:$0x1F6B0]  }
0x677: {  	v5 =	vld.idx.msk [tilespmem:v5+s9+$0x0], $0xffff  }
0x678: {  	v1 =	vld.idx.msk [tilespmem:v1+s9+$0x0], $0xffff  }
0x679: {  	v23 =	vld.idx.msk [tilespmem:v27+s9+$0x0], $0xffff  }
0x67a: {  	v0 =	vld.idx.msk [tilespmem:v0+s9+$0x0], $0xffff  }
0x67b: {  	v24 =	vld.idx.msk [tilespmem:v29+s9+$0x0], $0xffff  }
0x67c: {  	[tilespmem:v55+s11+$0x0] =	vst.idx.msk $0xffff, v5  }
0x67d: {  	[tilespmem:v49+s11+$0x0] =	vst.idx.msk $0xffff, v1  }
0x67e: {  	[tilespmem:v19+s11+$0x0] =	vst.idx.msk $0xffff, v23  }
0x67f: {  	v1 =	vld [tilespmem:$0x1F6D0];
	[tilespmem:v51+s11+$0x0] =	vst.idx.msk $0xffff, v0  }
0x680: {  	v0 =	vld [tilespmem:$0x1F6F0];
	[tilespmem:v2+s11+$0x0] =	vst.idx.msk $0xffff, v24  }
0x681: {  	v3 =	vld [tilespmem:$0x1F730];
	_ =	sdelay $0x2  }
0x682: {  	v27 =	vld.idx.msk [tilespmem:v26+s9+$0x0], $0xffff;
	_ =	sdelay $0x4  }
0x683: {  	v2 =	vld [tilespmem:$0x1F700];
	[tilespmem:v3+s11+$0x0] =	vst.idx.msk $0xffff, v27  }
0x684: {  	v4 =	vld [tilespmem:$0x1F740];
	_ =	sdelay $0x2  }
0x685: {  	v28 =	vld.idx.msk [tilespmem:v36+s9+$0x0], $0xffff;
	_ =	sdelay $0x2  }
0x686: {  	v3 =	vld [tilespmem:$0x1F710];
	_ =	sdelay $0x1  }
0x687: {  	[tilespmem:v4+s11+$0x0] =	vst.idx.msk $0xffff, v28  }
0x688: {  	v4 =	vld [tilespmem:$0x1F770]  }
0x689: {  	v1 =	vld.idx.msk [tilespmem:v1+s9+$0x0], $0xffff;
	_ =	sdelay $0x1  }
0x68a: {  	v0 =	vld.idx.msk [tilespmem:v0+s9+$0x0], $0xffff  }
0x68b: {  	v2 =	vld.idx.msk [tilespmem:v2+s9+$0x0], $0xffff  }
0x68c: {  	v3 =	vld.idx.msk [tilespmem:v3+s9+$0x0], $0xffff  }
0x68d: {  	[tilespmem:v45+s11+$0x0] =	vst.idx.msk $0xffff, v1  }
0x68e: {  	v1 =	vld [tilespmem:$0x1F780]  }
0x68f: {  	[tilespmem:v42+s11+$0x0] =	vst.idx.msk $0xffff, v0;
	v4 =	vld.idx.msk [tilespmem:v4+s9+$0x0], $0xffff  }
0x690: {  	v0 =	vld [tilespmem:$0x1F790];
	[tilespmem:v38+s11+$0x0] =	vst.idx.msk $0xffff, v2  }
0x691: {  	v2 =	vld [tilespmem:$0x1F7A0];
	[tilespmem:v37+s11+$0x0] =	vst.idx.msk $0xffff, v3  }
0x692: {  	v3 =	vld [tilespmem:$0x1F7B0];
	_ =	sdelay $0x1  }
0x693: {  	[tilespmem:v52+s11+$0x0] =	vst.idx.msk $0xffff, v4  }
0x694: {  	v5 =	vld [tilespmem:$0x1F7E0]  }
0x695: {  	v1 =	vld.idx.msk [tilespmem:v1+s9+$0x0], $0xffff  }
0x696: {  	v33 =	vld.idx.msk [tilespmem:v35+s9+$0x0], $0xffff  }
0x697: {  	v0 =	vld.idx.msk [tilespmem:v0+s9+$0x0], $0xffff  }
0x698: {  	v39 =	vor.u32 $0xE, v12;
	v2 =	vld.idx.msk [tilespmem:v2+s9+$0x0], $0xffff  }
0x699: {  	v3 =	vld.idx.msk [tilespmem:v3+s9+$0x0], $0xffff  }
0x69a: {  	v29 =	vor.u32 $0xE, v15;
	v36 =	vor.u32 $0xE, v11;
	[tilespmem:v32+s11+$0x0] =	vst.idx.msk $0xffff, v1;
	v37 =	vld.idx.msk [tilespmem:v34+s9+$0x0], $0xffff  }
0x69b: {  	v38 =	vor.u32 $0xE, v54;
	v32 =	vor.u32 $0xE, v14;
	[tilespmem:v58+s11+$0x0] =	vst.idx.msk $0xffff, v33;
	v40 =	vld.idx.msk [tilespmem:v30+s9+$0x0], $0xffff  }
0x69c: {  	v18 =	vor.u32 $0xF, v18;
	[tilespmem:v21+s11+$0x0] =	vst.idx.msk $0xffff, v0;
	v5 =	vld.idx.msk [tilespmem:v5+s9+$0x0], $0xffff  }
0x69d: {  	v47 =	vor.u32 $0xE, v6;
	v35 =	vor.u32 $0xE, v13;
	v49 =	vld.idx.msk [tilespmem:v39+s9+$0x0], $0xffff;
	[tilespmem:v31+s11+$0x0] =	vst.idx.msk $0xffff, v2  }
0x69e: {  	v17 =	vor.u32 $0xF, v17;
	v41 =	vor.u32 $0xE, v8;
	v42 =	vld.idx.msk [tilespmem:v25+s9+$0x0], $0xffff;
	[tilespmem:v59+s11+$0x0] =	vst.idx.msk $0xffff, v3  }
0x69f: {  	v16 =	vor.u32 $0xF, v16;
	v43 =	vor.u32 $0xE, v10;
	v4 =	vld.idx.msk [tilespmem:v29+s9+$0x0], $0xffff;
	[tilespmem:v36+s11+$0x0] =	vst.idx.msk $0xffff, v37  }
0x6a0: {  	v44 =	vor.u32 $0xE, v9;
	v53 =	vor.u32 $0xF, v12;
	v1 =	vld.idx.msk [tilespmem:v32+s9+$0x0], $0xffff;
	[tilespmem:v38+s11+$0x0] =	vst.idx.msk $0xffff, v40  }
0x6a1: {  	v46 =	vor.u32 $0xF, v15;
	v51 =	vor.u32 $0xF, v11;
	v52 =	vld.idx.msk [tilespmem:v18+s9+$0x0], $0xffff;
	[tilespmem:v62+s11+$0x0] =	vst.idx.msk $0xffff, v5  }
0x6a2: {  	v48 =	vor.u32 $0xF, v14;
	v45 =	vor.u32 $0xE, v7;
	[tilespmem:v47+s11+$0x0] =	vst.idx.msk $0xffff, v49;
	v0 =	vld.idx.msk [tilespmem:v35+s9+$0x0], $0xffff  }
0x6a3: {  	v50 =	vor.u32 $0xF, v13;
	v54 =	vor.u32 $0xF, v54;
	[tilespmem:v41+s11+$0x0] =	vst.idx.msk $0xffff, v42;
	v55 =	vld.idx.msk [tilespmem:v17+s9+$0x0], $0xffff  }
0x6a4: {  	v56 =	vor.u32 $0xF, v8;
	[tilespmem:v43+s11+$0x0] =	vst.idx.msk $0xffff, v4;
	v57 =	vld.idx.msk [tilespmem:v16+s9+$0x0], $0xffff  }
0x6a5: {  	v63 =	vor.u32 $0xF, v6;
	v4 =	vld.idx.msk [tilespmem:v53+s9+$0x0], $0xffff;
	[tilespmem:v44+s11+$0x0] =	vst.idx.msk $0xffff, v1  }
0x6a6: {  	v58 =	vor.u32 $0xF, v10;
	v59 =	vld.idx.msk [tilespmem:v46+s9+$0x0], $0xffff;
	[tilespmem:v51+s11+$0x0] =	vst.idx.msk $0xffff, v52  }
0x6a7: {  	v60 =	vor.u32 $0xF, v9;
	v61 =	vld.idx.msk [tilespmem:v48+s9+$0x0], $0xffff;
	[tilespmem:v45+s11+$0x0] =	vst.idx.msk $0xffff, v0  }
0x6a8: {  	s15 =	sadd.s32 $0x1, s15;
	[tilespmem:v54+s11+$0x0] =	vst.idx.msk $0xffff, v55;
	v62 =	vor.u32 $0xF, v7;
	v3 =	vld.idx.msk [tilespmem:v50+s9+$0x0], $0xffff  }
0x6a9: {  	p0 =	sne.s32 s15, $0x20;
	[tilespmem:v56+s11+$0x0] =	vst.idx.msk $0xffff, v57  }
.Ltmp2:
0x6aa: {  	[tilespmem:v63+s11+$0x0] =	vst.idx.msk $0xffff, v4;
	(pc) =	sbr.rel @p0 .LBB2_2-.Ltmp2, $4  }
0x6ab: {  	s16 =	sshll.u32 s17, $0xC;
	[tilespmem:v58+s11+$0x0] =	vst.idx.msk $0xffff, v59  }
0x6ac: {  	s16 =	sand.u32 $0x1FFFF000, s16;
	[tilespmem:v60+s11+$0x0] =	vst.idx.msk $0xffff, v61  }
0x6ad: {  	s16 =	sadd.s32 s1, s16;
	[tilespmem:v62+s11+$0x0] =	vst.idx.msk $0xffff, v3  }
0x6ae: {  	v40 =	vimm.s32 $0x0;
	[hbm4b:s16+s2] =	stream.linear.scatter [tilespmem:s11], [sflag:$0x2], $0x8000, $0x38;
	v41 =	vld [tilespmem:$0x1FFF0]  }
0x6af: {  	s14 =	sadd.s32 $0x1, s14  }
0x6b0: {  	_ =	swait.ge [sflag:s12], $0x8000;
	p0 =	sne.s32 s14, s7  }
.Ltmp3:
0x6b1: {  	[sflag:s12] =	ssyncset.done $0x0;
	(pc) =	sbr.rel @p0 .LBB2_1-.Ltmp3, $4  }
0x6b2: {  	[sflag:s12] =	ssyncadd.s32 $0xFFFF8000  }
0x6b3: {  	_ =	swait.ge [sflag:s13], $0x8000  }
0x6b4: {  	[sflag:s13] =	ssyncset.done $0x0  }
0x6b5: {  	[sflag:s13] =	ssyncadd.s32 $0xFFFF8000  }
0x6b6: {  	_ =	sfence.sel $0x180000  }
0x6b7: {  	[bflag:$0x0] =	sbarrier.arrive $0xFFFF  }
0x6b8: {  	p0 =	sne.s32 s3, $0x0;
	_ =	strace $0x9000004A  }
0x6b9: {  	s0 =	sadd.s32 @!p0 $0x100000, s0;
	[bflag:$0x2] =	sbarrier.arrive $0xFFFF  }
0x6ba: {  	[sflag:s0] =	ssyncadd.tile.s32 @!p0 $0x1;
	_ =	shalt  }
.Lfunc_end2:
_tile_overlayer_lowered:
.L_overlay_start_2:
0x6bb: {  	(tag) =	ssettag $0x2  }
0x6bc: {  	s0 =	rddreg [dreg:$0x0];
	s2 =	stileid.u32  }
0x6bd: {  	s1 =	rddreg [dreg:$0x1];
	p0 =	sne.s32 s2, $0x0  }
0x6be: {  	s3 =	rddreg [dreg:$0x2];
	[bflag:$0x3] =	sbarrier.arrive $0xFFFF;
	s2 =	simm.s32 @!p0 $0x1C03  }
0x6bf: {  	[timem:s3], [sflag:s2] =	dma.local @!p0 [hbm:s0], s1  }
0x6c0: {  	s0 =	simm.s32 @!p0 $0x3  }
0x6c1: {  	_ =	swait.ge @!p0 [sflag:s0], s1  }
0x6c2: {  	s1 =	ssub.s32 @!p0 $0x0, s1;
	[sflag:s0] =	ssyncset.done @!p0 $0x0  }
0x6c3: {  	[sflag:s0] =	ssyncadd.s32 @!p0 s1  }
0x6c4: {  	[bflag:$0x3] =	sbarrier.arrive $0xFFFF  }
0x6c5: {  	_ =	shalt  }

// kernel: sparse-core-data-format-call.cloned.1.call-start
scs
called_computation_lowered:
.L_overlay_start_0:
0x0: {  	s2 =	sld [smem:$0x3FD9]  }
0x1: {  	s3 =	sld [smem:$0x3FFE];
	_ =	sdelay $0x1  }
0x2: {  	s1 =	srdreg.scid  }
0x3: {  	s0 =	sand.u32 $0x1, s1  }
0x4: {  	s18 =	sshll.u32 s0, $0xA;
	s2 =	sadd.s32 s3, s2  }
0x5: {  	s2 =	sadd.s32 s2, s18  }
0x6: {  	[smem:$0x3FC5] =	sst s2  }
0x7: {  	_ = 	snop  }
0x8: {  	s2 =	sld [smem:$0x3FD0];
	(tm) =	ssettm $0x1  }
0x9: {  	s19 =	sld [smem:$0x3FFB];
	_ =	sdelay $0x3  }
0xa: {  	_ =	strace s19  }
0xb: {  	s3 =	sld [smem:$0x3FFC];
	_ =	sdelay $0x3  }
0xc: {  	_ =	strace s3  }
0xd: {  	s3 =	sld [smem:$0x3FFD];
	_ =	sdelay $0x3  }
0xe: {  	_ =	strace s3  }
0xf: {  	_ =	strace $0x8FFFFFFF  }
0x10: {  	s20 =	sld [smem:$0x3FDB];
	_ =	sdelay $0x1  }
0x11: {  	s4 =	simm.s32 $_scs_section_size  }
0x12: {  	s5 =	simm.s32 $_size__tile_overlayer_lowered;
	s6 =	simm.s32 $_tile_overlayer_lowered  }
0x13: {  	s23 =	simm.s32 $0x1BFF;
	s22 =	sshll.u32 s6, $0x1;
	s3 =	sadd.s32 s4, s20  }
0x14: {  	s7 =	simm.s32 $0x0;
	s21 =	sshll.u32 s5, $0x1;
	s5 =	sadd.s32 s22, s3  }
0x15: {  	[timem:s7], [sflag:s23] =	dma.local [hbm:s5], s21  }
0x16: {  	_ =	swait.ge [sflag:s23], s21  }
0x17: {  	s4 =	ssub.s32 $0x0, s21;
	[sflag:s23] =	ssyncset.done $0x0  }
0x18: {  	[sflag:s23] =	ssyncadd.s32 s4;
	_ =	sdelay $0x1  }
0x19: {  	s24 =	simm.s32 $0x1B8B  }
0x1a: {  	_ =	swait.ge [sflag:s24], $0x1  }
0x1b: {  	[sflag:s24] =	ssyncset.done $0x0  }
0x1c: {  	s26 =	simm.s32 $0x1B8E;
	s25 =	sld [smem:$0x3FFE];
	[sflag:s24] =	ssyncadd.s32 $0xFFFFFFFF  }
0x1d: {  	s27 =	simm.s32 $execute0_lowered;
	[smem:$0x3FD2] =	sst s26  }
0x1e: {  	s5 =	sshll.u32 s27, $0x1;
	_ =	strace $0x8000004C;
	[dreg:$0x1] =	wrdreg $0xFFFFFFFF  }
0x1f: {  	s28 =	simm.s32 $_size_execute0_lowered;
	s3 =	sadd.s32 s3, s5;
	[dreg:$0x0] =	wrdreg $0x0  }
0x20: {  	s5 =	sshll.u32 s28, $0x1;
	[dreg:$0x2] =	wrdreg s3  }
0x21: {  	[dreg:$0x3] =	wrdreg s5  }
0x22: {  	[dreg:$0x4] =	wrdreg $0xC0  }
0x23: {  	_ =	task [dreg:s7], $0x5FFFF  }
0x24: {  	[dreg:$0x1] =	wrdreg $0xFFFFFFFF  }
0x25: {  	[dreg:$0x0] =	wrdreg $0x60  }
0x26: {  	[dreg:$0x2] =	wrdreg s25  }
0x27: {  	[dreg:$0x3] =	wrdreg s2  }
0x28: {  	[dreg:$0x4] =	wrdreg $0x9  }
0x29: {  	_ =	task.clear_ibuf [dreg:s7], $0x5FFFF;
	_ =	strace $0x9000004C  }
0x2a: {  	s29 =	simm.s32 $0x9;
	_ =	strace $0x8000004E  }
0x2b: {  	_ =	swait.ge [sflag:s29], $0x1  }
0x2c: {  	[sflag:s29] =	ssyncadd.s32 $0xFFFFFFFF  }
0x2d: {  	_ =	strace $0x9000004E  }
0x2e: {  	_ =	sfence  }
0x2f: {  	s30 =	sld [smem:$0x0];
	_ =	sdelay $0x2  }
0x30: {  	s31 =	sshll.u32 s1, $0xD;
	s1 =	sshrl.u32 s1, $0x2  }
0x31: {  	s3 =	sand.u32 $0x4000, s31;
	s1 =	sadd.s32 s1, s30  }
0x32: {  	s0 =	sor.u32 s3, s0;
	s1 =	sshll.u32 s1, $0x11  }
0x33: {  	s0 =	sor.u32 s1, s0  }
0x34: {  	s0 =	sadd.s32 $0x8F2B, s0  }
0x35: {  	[sflag:s0] =	ssyncadd.remote.s32 $0x1  }
0x36: {  	_ =	sfence.sel $0xFFFF  }
0x37: {  	[dreg:$0x0] =	wrdreg $0xFFFFFFFF;
	(pc) =	sbr.abs _section_cstart, $3  }
0x38: {  	[dreg:$0x1] =	wrdreg $0xFFFFFFFF  }
0x39: {  	_ =	task.clear_ibuf [dreg:s7], $0x2FFFF;
	_ =	strace $0x9FFFFFFF  }
0x3a: {  	(tm) =	ssettm $0x7FFFFFFF  }
0x3b: {  	_ =	shalt  }
tec
execute0_lowered:
.L_overlay_start_1:
0x0: {  	(tag) =	ssettag $0x1  }
0x1: {  	s13 =	rddreg [dreg:$0x0]  }
0x2: {  	s0 =	srdreg.scid;
	s2 =	rddreg [dreg:$0x1]  }
0x3: {  	s4 =	simm.s32 $0x1;
	s7 =	simm.s32 $0x2;
	s19 =	simm.s32 $0x0  }
0x4: {  	s15 =	simm.s32 $0x4000;
	s20 =	simm.s32 $0x0;
	s1 =	sshll.u32 s0, $0x4  }
0x5: {  	s16 =	simm.s32 $0x0;
	s0 =	stileid.u32;
	s1 =	sand.u32 $0x10, s1  }
0x6: {  	s18 =	simm.s32 $0x0;
	s9 =	sadd.s32 $0x18C00, s13;
	s1 =	sor.u32 s0, s1  }
0x7: {  	s10 =	sadd.s32 $0x20C00, s13;
	s11 =	sadd.s32 $0x28C00, s13;
	s3 =	sshll.u32 s1, $0x3  }
0x8: {  	s1 =	rddreg [dreg:$0x2];
	_ =	strace $0x8000004D;
	s5 =	ssub.s32 $0x800, s3  }
0x9: {  	s12 =	sadd.s32 $0x30C00, s13;
	[sflag:s4] =	ssyncpa.u1 $0x0;
	s6 =	sand.u32 $0xF8, s5  }
.Ltmp0:
0xa: {  	p0 =	sne.s32 s6, $0x0;
	s6 =	simm.s32 $0x1;
	(pc) =	sbr.rel .LBB1_1-.Ltmp0, $4  }
0xb: {  	s17 =	smov.u32 s3;
	s8 =	sshrl.u32 s5, $0x8;
	s6 =	simm.s32 @!p0 $0x0  }
0xc: {  	s5 =	sadd.s32 $0xC00, s13;
	[sflag:s7] =	ssyncpa.u1 $0x0;
	s6 =	sadd.s32 s6, s8  }
0xd: {  	s7 =	sadd.s32 $0x8C00, s13;
	p0 =	por $0x0, $0x0;
	s6 =	sshll.u32 s6, $0x4  }
0xe: {  	s8 =	sadd.s32 $0x10C00, s13;
	s13 =	sadd.s32 $0x38C00, s13;
	s14 =	sor.u32 $0x1, s6  }
.LBB1_7:
0xf: {  	s21 =	sadd.s32 $0x80, s16  }
0x10: {  	s19 =	sadd.s32 $0x100, s17;
	s23 =	smov.u32 s17;
	p2 =	sgt.s32 s21, $0x7FF  }
0x11: {  	s23 =	smov.u32 @p2 s19  }
0x12: {  	s21 =	simm.s32 @p2 $0x0;
	p2 =	sgt.s32 s23, $0x7FF  }
0x13: {  	s23 =	smov.u32 @p2 s3;
	p2 =	sne.s32 s18, s14  }
.Ltmp1:
0x14: {  	p1 =	slt.u32 s18, $0x2;
	(pc) =	sbr.rel @!p2 .LBB1_8-.Ltmp1, $4  }
0x15: {  	s22 =	simm.s32 @!p1 $0x2  }
0x16: {  	s20 =	smov.u32 s17;
	p0 =	por !p0, !p0;
	_ =	swait.ge @!p1 [sflag:s22], $0x4000  }
0x17: {  	s19 =	smov.u32 s16;
	[sflag:s22] =	ssyncset.done @!p1 $0x0;
	s16 =	smov.u32 s21  }
0x18: {  	s18 =	sadd.s32 $0x1, s18;
	[sflag:s22] =	ssyncadd.s32 @!p1 $0xFFFFC000;
	s17 =	smov.u32 s23  }
.LBB1_1:
0x19: {  	p1 =	sge.u32 s18, s6  }
0x1a: {  	s21 =	sxor.u32 @!p1 $0xFFFFFFFF, s18  }
0x1b: {  	s22 =	sshll.u32 @!p1 s17, $0xF;
	s23 =	sshll.u32 @!p1 s16, $0x4;
	s25 =	simm.s32 @!p1 $0x10  }
0x1c: {  	s21 =	sshll.u32 @!p1 s21, $0xE;
	s23 =	sand.u32 @!p1 $0x7FF0, s23;
	s24 =	sadd.s32 @!p1 s5, s22  }
0x1d: {  	s26 =	simm.s32 @!p1 $0x80;
	s21 =	sand.u32 @!p1 $0x4000, s21;
	s24 =	sadd.s32 @!p1 s23, s24  }
0x1e: {  	[tilespmem:s21], [sflag:$0x1] =	stream.strided.gather @!p1 [hbm4b:s24+s25], $0x800, s26, s25, $0x38;
	[tilespmem:$0x10100] =	vst v63  }
0x1f: {  	s24 =	sadd.s32 @!p1 s22, s7  }
0x20: {  	s27 =	sor.u32 @!p1 $0x800, s21;
	s24 =	sadd.s32 @!p1 s23, s24  }
0x21: {  	[tilespmem:s27], [sflag:$0x1] =	stream.strided.gather @!p1 [hbm4b:s24+s25], $0x800, s26, s25, $0x38;
	[tilespmem:$0x10100] =	vst v63  }
0x22: {  	s24 =	sadd.s32 @!p1 s22, s8  }
0x23: {  	s27 =	sor.u32 @!p1 $0x1000, s21;
	s24 =	sadd.s32 @!p1 s23, s24  }
0x24: {  	[tilespmem:s27], [sflag:$0x1] =	stream.strided.gather @!p1 [hbm4b:s24+s25], $0x800, s26, s25, $0x38;
	[tilespmem:$0x10100] =	vst v63  }
0x25: {  	s24 =	sadd.s32 @!p1 s22, s9  }
0x26: {  	s27 =	sor.u32 @!p1 $0x1800, s21;
	s24 =	sadd.s32 @!p1 s23, s24  }
0x27: {  	[tilespmem:s27], [sflag:$0x1] =	stream.strided.gather @!p1 [hbm4b:s24+s25], $0x800, s26, s25, $0x38;
	[tilespmem:$0x10100] =	vst v63  }
0x28: {  	s24 =	sadd.s32 @!p1 s22, s10  }
0x29: {  	s27 =	sor.u32 @!p1 $0x2000, s21;
	s24 =	sadd.s32 @!p1 s23, s24  }
0x2a: {  	[tilespmem:s27], [sflag:$0x1] =	stream.strided.gather @!p1 [hbm4b:s24+s25], $0x800, s26, s25, $0x38;
	[tilespmem:$0x10100] =	vst v63  }
0x2b: {  	s24 =	sadd.s32 @!p1 s22, s11  }
0x2c: {  	s27 =	sor.u32 @!p1 $0x2800, s21;
	s24 =	sadd.s32 @!p1 s23, s24  }
0x2d: {  	[tilespmem:s27], [sflag:$0x1] =	stream.strided.gather @!p1 [hbm4b:s24+s25], $0x800, s26, s25, $0x38;
	[tilespmem:$0x10100] =	vst v63  }
0x2e: {  	s24 =	sadd.s32 @!p1 s22, s12  }
0x2f: {  	s27 =	sor.u32 @!p1 $0x3000, s21;
	s22 =	sadd.s32 @!p1 s22, s13;
	s24 =	sadd.s32 @!p1 s23, s24  }
0x30: {  	[tilespmem:s27], [sflag:$0x1] =	stream.strided.gather @!p1 [hbm4b:s24+s25], $0x800, s26, s25, $0x38;
	[tilespmem:$0x10100] =	vst v63  }
0x31: {  	s31 =	sadd.s32 $0xFFFFFFFF, s18;
	s21 =	sor.u32 @!p1 $0x3800, s21;
	s22 =	sadd.s32 @!p1 s23, s22  }
0x32: {  	[tilespmem:s21], [sflag:$0x1] =	stream.strided.gather @!p1 [hbm4b:s22+s25], $0x800, s26, s25, $0x38;
	[tilespmem:$0x10100] =	vst v63  }
0x33: {  	p1 =	sge.u32 s31, s6  }
.Ltmp2:
0x34: {  	_ = 	snop;
	(pc) =	sbr.rel @p1 .LBB1_7-.Ltmp2, $1  }
0x35: {  	_ =	sdelay $0x3  }
0x36: {  	s21 =	simm.s32 $0x1;
	s23 =	sand.u32 $0x1, s18  }
0x37: {  	_ =	swait.ge [sflag:s4], $0x4000;
	s21 =	simm.s32 @!p0 $0x0;
	s24 =	smul.u32 $0x10200, s23  }
0x38: {  	[sflag:s4] =	ssyncset.done $0x0;
	s22 =	smul.u32 $0x10200, s21  }
0x39: {  	s21 =	sshll.u32 s21, $0xE;
	[sflag:s4] =	ssyncadd.s32 $0xFFFFC000  }
0x3a: {  	s23 =	sor.u32 $0x40, s21;
	s31 =	sshrl.u32 s24, $0x2;
	s22 =	sshrl.u32 s22, $0x2  }
0x3b: {  	s24 =	simm.s32 $0x0;
	s21 =	sor.u32 $0x8000, s31;
	s22 =	sor.u32 $0x8007, s22  }
.LBB1_3:
0x3c: {  	v3 =	vld [tilespmem:s23+$0x30]  }
0x3d: {  	v4 =	vld [tilespmem:s23+$0xFFFFFFD0]  }
0x3e: {  	v5 =	vld [tilespmem:s23+$0xFFFFFFE0]  }
0x3f: {  	v1 =	vld [tilespmem:s23+$0xFFFFFFF0]  }
0x40: {  	v0 =	vld [tilespmem:s23+$0x0]  }
0x41: {  	v2 =	vld [tilespmem:s23+$0x10];
	[tilespmem:s22+$0x0 ss:$0x81] =	vst.msk $0xffff, v3  }
0x42: {  	[tilespmem:s22+$0xFFFFFFFA ss:$0x81] =	vst.msk $0xffff, v4;
	v4 =	vld [tilespmem:s23+$0x20]  }
0x43: {  	s26 =	simm.s32 $0x0;
	s27 =	sadd.s32 $0x80, s23;
	s25 =	smov.u32 s22;
	v3 =	vld [tilespmem:s23+$0xFFFFFFC0];
	[tilespmem:s22+$0xFFFFFFFB ss:$0x81] =	vst.msk $0xffff, v5  }
.LBB1_4:
0x44: {  	v5 =	vld [tilespmem:s27+$0x30];
	s26 =	sadd.s32 $0x8, s26;
	[tilespmem:s25+$0xFFFFFFFC ss:$0x81] =	vst.msk $0xffff, v1  }
0x45: {  	v6 =	vld [tilespmem:s27+$0xFFFFFFD0];
	p1 =	slt.u32 s26, $0x78;
	[tilespmem:s25+$0xFFFFFFFD ss:$0x81] =	vst.msk $0xffff, v0  }
0x46: {  	v7 =	vld [tilespmem:s27+$0xFFFFFFE0];
	[tilespmem:s25+$0xFFFFFFFE ss:$0x81] =	vst.msk $0xffff, v2  }
.Ltmp3:
0x47: {  	v1 =	vld [tilespmem:s27+$0xFFFFFFF0];
	[tilespmem:s25+$0xFFFFFFFF ss:$0x81] =	vst.msk $0xffff, v4;
	(pc) =	sbr.rel @p1 .LBB1_4-.Ltmp3, $4  }
0x48: {  	v0 =	vld [tilespmem:s27+$0x0];
	[tilespmem:s25+$0xFFFFFFF9 ss:$0x81] =	vst.msk $0xffff, v3;
	s25 =	sadd.s32 $0x8, s25  }
0x49: {  	v2 =	vld [tilespmem:s27+$0x10];
	[tilespmem:s25+$0x0 ss:$0x81] =	vst.msk $0xffff, v5  }
0x4a: {  	[tilespmem:s25+$0xFFFFFFFA ss:$0x81] =	vst.msk $0xffff, v6;
	v4 =	vld [tilespmem:s27+$0x20]  }
0x4b: {  	v3 =	vld [tilespmem:s27+$0xFFFFFFC0];
	[tilespmem:s25+$0xFFFFFFFB ss:$0x81] =	vst.msk $0xffff, v7;
	s27 =	sadd.s32 $0x80, s27  }
0x4c: {  	s24 =	sadd.s32 $0x1, s24  }
0x4d: {  	p1 =	sne.s32 s24, $0x8  }
.Ltmp4:
0x4e: {  	[tilespmem:s25+$0xFFFFFFFC ss:$0x81] =	vst.msk $0xffff, v1;
	(pc) =	sbr.rel @p1 .LBB1_3-.Ltmp4, $4  }
0x4f: {  	[tilespmem:s25+$0xFFFFFFFD ss:$0x81] =	vst.msk $0xffff, v0  }
0x50: {  	[tilespmem:s25+$0xFFFFFFFE ss:$0x81] =	vst.msk $0xffff, v2  }
0x51: {  	[tilespmem:s25+$0xFFFFFFFF ss:$0x81] =	vst.msk $0xffff, v4  }
0x52: {  	s22 =	sadd.s32 $0x810, s22;
	s23 =	sadd.s32 $0x800, s23;
	[tilespmem:s25+$0xFFFFFFF9 ss:$0x81] =	vst.msk $0xffff, v3  }
0x53: {  	s22 =	sshll.u32 s19, $0x3;
	s23 =	sand.u32 $0x78, s19;
	s20 =	sshll.u32 s20, $0xC  }
.Ltmp5:
0x54: {  	s30 =	sand.u32 $0xF00, s19;
	s22 =	sand.u32 $0x400, s22;
	(pc) =	sbr.rel .LBB1_7-.Ltmp5, $4  }
0x55: {  	s31 =	sand.u32 $0x7, s19;
	s20 =	sadd.s32 s2, s20;
	s22 =	sor.u32 s23, s22  }
0x56: {  	s19 =	sshll.u32 s31, $0x12;
	s20 =	sadd.s32 s30, s20;
	s22 =	sshrl.u32 s22, $0x3  }
0x57: {  	s19 =	sor.u32 $0x400, s19;
	s20 =	sadd.s32 s22, s20  }
0x58: {  	[hbm4b:s20+s19] =	stream.strided.scatter [tilespmem:s21], [sflag:$0x2], $0x4000, s15, s19, $0x20;
	[tilespmem:$0x10100] =	vst v63  }
.LBB1_8:
0x59: {  	_ =	sfence.sel $0x180000  }
0x5a: {  	s2 =	simm.s32 $0x1;
	[bflag:$0x0] =	sbarrier.arrive $0xFFFF  }
0x5b: {  	s31 =	simm.s32 $0x2;
	[sflag:s2] =	ssyncpa.u1 $0x1  }
0x5c: {  	[sflag:s31] =	ssyncpa.u1 $0x1  }
0x5d: {  	p0 =	sne.s32 s0, $0x0;
	_ =	strace $0x9000004D  }
0x5e: {  	s0 =	sadd.s32 @!p0 $0x100000, s1;
	[bflag:$0x2] =	sbarrier.arrive $0xFFFF  }
0x5f: {  	[sflag:s0] =	ssyncadd.tile.s32 @!p0 $0x1;
	_ =	shalt  }
.Lfunc_end1:
_tile_overlayer_lowered:
.L_overlay_start_2:
0x60: {  	(tag) =	ssettag $0x2  }
0x61: {  	s0 =	rddreg [dreg:$0x0];
	s2 =	stileid.u32  }
0x62: {  	s1 =	rddreg [dreg:$0x1];
	p0 =	sne.s32 s2, $0x0  }
0x63: {  	s3 =	rddreg [dreg:$0x2];
	[bflag:$0x3] =	sbarrier.arrive $0xFFFF;
	s2 =	simm.s32 @!p0 $0x1C01  }
0x64: {  	[timem:s3], [sflag:s2] =	dma.local @!p0 [hbm:s0], s1  }
0x65: {  	s0 =	simm.s32 @!p0 $0x1  }
0x66: {  	_ =	swait.ge @!p0 [sflag:s0], s1  }
0x67: {  	s1 =	ssub.s32 @!p0 $0x0, s1;
	[sflag:s0] =	ssyncset.done @!p0 $0x0  }
0x68: {  	[sflag:s0] =	ssyncadd.s32 @!p0 s1  }
0x69: {  	[bflag:$0x3] =	sbarrier.arrive $0xFFFF  }
0x6a: {  	_ =	shalt  }

</sc_bundles>
